<compile_context>
chip_gen: v7x
topology: tpu7x:2x2x1
jax: 0.10.2.dev20260603
libtpu: 0.0.44.dev20260713+nightly
codegen_flags: <defaults>
</compile_context>

<pallas_src>
import functools

import jax
import jax.numpy as jnp
from jax import lax
from jax.experimental import pallas as pl
from jax.experimental.pallas import tpu as pltpu
from jax.experimental.pallas import tpu_sc as plsc

NUM_INPUTS = 4096
ADDRESS_SIZE = 4
NUM_LUTS = NUM_INPUTS // ADDRESS_SIZE
ENTRY_PER_LUT = 2 ** ADDRESS_SIZE
BATCH = 4096

_INFO = plsc.get_sparse_core_info()
_NC = _INFO.num_cores
_NS = _INFO.num_subcores
_L = _INFO.num_lanes
_NW = _NC * _NS
_ROWS_PER_W = BATCH // _NW
_G = 16
_NCHUNKS = _ROWS_PER_W // _G
_NH = 2
_W = NUM_INPUTS // _NH
_LH = NUM_LUTS // _NH
_J = _LH // _L


def _make_kernel():
    mesh = plsc.VectorSubcoreMesh(core_axis_name="c", subcore_axis_name="s")

    @functools.partial(
        pl.kernel,
        mesh=mesh,
        compiler_params=pltpu.CompilerParams(needs_layout_passes=False),
        out_type=jax.ShapeDtypeStruct((BATCH,), jnp.float32),
        scratch_types=[
            pltpu.VMEM((ENTRY_PER_LUT * NUM_LUTS,), jnp.float32),
            pltpu.VMEM((_G, _W), jnp.int32),
            pltpu.VMEM((_G, _W), jnp.int32),
            pltpu.VMEM((_G,), jnp.float32),
            pltpu.SemaphoreType.DMA,
            pltpu.SemaphoreType.DMA,
            pltpu.SemaphoreType.DMA,
        ],
    )
    def k(x_hbm, lutst_hbm, out_hbm, luts_v, xa_v, xb_v, out_v, sa, sb, sl):
        wid = lax.axis_index("s") * _NC + lax.axis_index("c")
        row_base = wid * _ROWS_PER_W
        luts_cpy = pltpu.async_copy(lutst_hbm, luts_v, sl)
        lane = lax.broadcasted_iota(jnp.int32, (_L,), 0)
        shiftv = [((lane >> 2) + i) & 3 for i in range(ADDRESS_SIZE)]
        patv = [lane * ADDRESS_SIZE + shiftv[i] for i in range(ADDRESS_SIZE)]

        bufs = (xa_v, xb_v)
        sems = (sa, sb)
        tasks = [(g, h) for g in range(_NCHUNKS) for h in range(_NH)]

        def start(t):
            g, h = tasks[t]
            return pltpu.async_copy(
                x_hbm.at[pl.ds(row_base + g * _G, _G), pl.ds(h * _W, _W)],
                bufs[t % 2], sems[t % 2])

        pending = start(0)
        luts_cpy.wait()
        for t, (g, h) in enumerate(tasks):
            xg_v = bufs[t % 2]
            pending.wait()
            if t + 1 < len(tasks):
                pending = start(t + 1)
            lbase = h * _LH

            if h == 0:
                out_v[...] = jnp.zeros((_L,), jnp.float32)

            @plsc.parallel_loop(0, _G, step=1, unroll=1)
            def _rows(r):
                rvec = jnp.broadcast_to(r, (_L,))

                @plsc.parallel_loop(0, _J, step=1, unroll=4,
                                    carry=jnp.zeros((_L,), jnp.float32))
                def acc(j, a):
                    cb = jnp.broadcast_to(j * (_L * ADDRESS_SIZE), (_L,))
                    addr = jnp.zeros((_L,), jnp.int32)
                    for i in range(ADDRESS_SIZE):
                        g_i = plsc.load_gather(xg_v, [rvec, cb + patv[i]])
                        addr = addr + (g_i << shiftv[i])
                    lidx = (addr << 10) + jnp.broadcast_to(
                        lbase + j * _L, (_L,)) + lane
                    return a + plsc.load_gather(luts_v, [lidx])

                s = jnp.sum(acc)
                cur = plsc.load_gather(out_v, [rvec])
                plsc.store_scatter(out_v, [rvec], cur + s,
                                   mask=(lane == 0))
            if h == _NH - 1:
                pltpu.sync_copy(
                    out_v, out_hbm.at[pl.ds(row_base + g * _G, _G)])

    return k


_kernel_call = _make_kernel()


@jax.jit
def kernel(x, luts):
    luts_t = luts.reshape(NUM_LUTS, ENTRY_PER_LUT).T.reshape(-1)
    out = _kernel_call(x, luts_t)
    return out.reshape(BATCH, 1)

# --- scband reference (transcript-rebuilt; emitter-appended) ---
"""Pipeline reference for scband-weightless-layer-46179488367454 (READ-ONLY COPY).

The authoritative reference and input builder live on the scoring server;
editing this copy changes nothing except your own understanding.
"""

import jax, jax.numpy as jnp
import numpy as np

NUM_INPUTS = 4096
ADDRESS_SIZE = 4
NUM_LUTS = NUM_INPUTS // ADDRESS_SIZE
ENTRY_PER_LUT = 2 ** ADDRESS_SIZE
BATCH = 4096


def setup_inputs(seed: int = 0) -> dict:
    key = jax.random.key(seed)
    k1, k2 = jax.random.split(key)
    # binary inputs in {0, 1}
    x = jax.random.randint(k1, (BATCH, NUM_INPUTS), 0, 2).astype(jnp.int64)
    # learned LUT table: nn.Embedding(num_luts * entry_per_lut, 1), uniform(-0.1, 0.1)
    luts = jax.random.uniform(k2, (NUM_LUTS * ENTRY_PER_LUT, 1), minval=-0.1, maxval=0.1, dtype=jnp.float32)
    return {"x": x, "luts": luts}


def reference(x, luts):
    powers = (2 ** jnp.arange(ADDRESS_SIZE)).astype(x.dtype)
    offsets = (jnp.arange(NUM_LUTS) * ENTRY_PER_LUT).astype(x.dtype)
    batch_size = x.shape[0]
    limit = NUM_LUTS * ADDRESS_SIZE
    x_lim = x[:, :limit]
    x_reshaped = x_lim.reshape(batch_size, NUM_LUTS, ADDRESS_SIZE)
    addresses = (x_reshaped * powers).sum(axis=-1)
    final_indices = addresses + offsets  # [B, NUM_LUTS]
    gathered = jnp.take(luts, final_indices, axis=0)  # [B, NUM_LUTS, 1]
    return gathered.sum(axis=1)  # [B, 1]

if __name__ == "__main__":
    import jax
    _d = setup_inputs()
    print(jax.jit(kernel)(*tuple(_d.values())))

</pallas_src>

<mosaic_0001>
#map = affine_map<(d0, d1) -> (0, 0)>
#map1 = affine_map<(d0, d1) -> (0)>
module attributes {stable_mosaic.version = 14 : i64} {
  func.func @k(%arg0: i32, %arg1: i32, %arg2: memref<4096x4096xi32, #tpu.memory_space<hbm>>, %arg3: memref<16384xf32, #tpu.memory_space<hbm>>, %arg4: memref<4096xf32, #tpu.memory_space<hbm>>, %arg5: memref<16384xf32, #tpu.memory_space<vmem>>, %arg6: memref<16x2048xi32, #tpu.memory_space<vmem>>, %arg7: memref<16x2048xi32, #tpu.memory_space<vmem>>, %arg8: memref<16xf32, #tpu.memory_space<vmem>>, %arg9: memref<!tpu.dma_semaphore, #tpu.memory_space<semaphore_mem>>, %arg10: memref<!tpu.dma_semaphore, #tpu.memory_space<semaphore_mem>>, %arg11: memref<!tpu.dma_semaphore, #tpu.memory_space<semaphore_mem>>) attributes {dimension_semantics = [#tpu.dimension_semantics<core_parallel>, #tpu.dimension_semantics<subcore_parallel>], iteration_bounds = array<i64: 2, 16>, scalar_prefetch = 0 : i64, scratch_operands = 7 : i64, tpu.core_type = #tpu.core_type<sc_vector_subcore>, window_params = [{transform_indices = #map}, {transform_indices = #map1}, {transform_indices = #map1}]} {
    %mul3A = arith.constant 2 : i32
    %mul3A_0 = arith.muli %arg1, %mul3A : i32
    %add3A = arith.addi %mul3A_0, %arg0 : i32
    %mul3A_1 = arith.constant 128 : i32
    %mul3A_2 = arith.muli %add3A, %mul3A_1 : i32
    tpu.enqueue_dma source(%arg3 : memref<16384xf32, #tpu.memory_space<hbm>>) target(%arg5 : memref<16384xf32, #tpu.memory_space<vmem>>) target_semaphore(%arg11 : memref<!tpu.dma_semaphore, #tpu.memory_space<semaphore_mem>>)
    %iota3A = tpu.iota {dimensions = array<i32: 0>} : vector<16xi32>
    %shift_right_arithmetic3A = arith.constant 2 : i32
    %shift_right_arithmetic3A_3 = vector.broadcast %shift_right_arithmetic3A : i32 to vector<16xi32>
    %shift_right_arithmetic3A_4 = arith.shrsi %iota3A, %shift_right_arithmetic3A_3 : vector<16xi32>
    %add3A_5 = arith.constant 0 : i32
    %add3A_6 = vector.broadcast %add3A_5 : i32 to vector<16xi32>
    %add3A_7 = arith.addi %shift_right_arithmetic3A_4, %add3A_6 : vector<16xi32>
    %and3A = arith.constant 3 : i32
    %and3A_8 = vector.broadcast %and3A : i32 to vector<16xi32>
    %and3A_9 = arith.andi %add3A_7, %and3A_8 : vector<16xi32>
    %shift_right_arithmetic3A_10 = arith.constant 2 : i32
    %shift_right_arithmetic3A_11 = vector.broadcast %shift_right_arithmetic3A_10 : i32 to vector<16xi32>
    %shift_right_arithmetic3A_12 = arith.shrsi %iota3A, %shift_right_arithmetic3A_11 : vector<16xi32>
    %add3A_13 = arith.constant 1 : i32
    %add3A_14 = vector.broadcast %add3A_13 : i32 to vector<16xi32>
    %add3A_15 = arith.addi %shift_right_arithmetic3A_12, %add3A_14 : vector<16xi32>
    %and3A_16 = arith.constant 3 : i32
    %and3A_17 = vector.broadcast %and3A_16 : i32 to vector<16xi32>
    %and3A_18 = arith.andi %add3A_15, %and3A_17 : vector<16xi32>
    %shift_right_arithmetic3A_19 = arith.constant 2 : i32
    %shift_right_arithmetic3A_20 = vector.broadcast %shift_right_arithmetic3A_19 : i32 to vector<16xi32>
    %shift_right_arithmetic3A_21 = arith.shrsi %iota3A, %shift_right_arithmetic3A_20 : vector<16xi32>
    %add3A_22 = arith.constant 2 : i32
    %add3A_23 = vector.broadcast %add3A_22 : i32 to vector<16xi32>
    %add3A_24 = arith.addi %shift_right_arithmetic3A_21, %add3A_23 : vector<16xi32>
    %and3A_25 = arith.constant 3 : i32
    %and3A_26 = vector.broadcast %and3A_25 : i32 to vector<16xi32>
    %and3A_27 = arith.andi %add3A_24, %and3A_26 : vector<16xi32>
    %shift_right_arithmetic3A_28 = arith.constant 2 : i32
    %shift_right_arithmetic3A_29 = vector.broadcast %shift_right_arithmetic3A_28 : i32 to vector<16xi32>
    %shift_right_arithmetic3A_30 = arith.shrsi %iota3A, %shift_right_arithmetic3A_29 : vector<16xi32>
    %add3A_31 = arith.constant 3 : i32
    %add3A_32 = vector.broadcast %add3A_31 : i32 to vector<16xi32>
    %add3A_33 = arith.addi %shift_right_arithmetic3A_30, %add3A_32 : vector<16xi32>
    %and3A_34 = arith.constant 3 : i32
    %and3A_35 = vector.broadcast %and3A_34 : i32 to vector<16xi32>
    %and3A_36 = arith.andi %add3A_33, %and3A_35 : vector<16xi32>
    %mul3A_37 = arith.constant 4 : i32
    %mul3A_38 = vector.broadcast %mul3A_37 : i32 to vector<16xi32>
    %mul3A_39 = arith.muli %iota3A, %mul3A_38 : vector<16xi32>
    %add3A_40 = arith.addi %mul3A_39, %and3A_9 : vector<16xi32>
    %mul3A_41 = arith.constant 4 : i32
    %mul3A_42 = vector.broadcast %mul3A_41 : i32 to vector<16xi32>
    %mul3A_43 = arith.muli %iota3A, %mul3A_42 : vector<16xi32>
    %add3A_44 = arith.addi %mul3A_43, %and3A_18 : vector<16xi32>
    %mul3A_45 = arith.constant 4 : i32
    %mul3A_46 = vector.broadcast %mul3A_45 : i32 to vector<16xi32>
    %mul3A_47 = arith.muli %iota3A, %mul3A_46 : vector<16xi32>
    %add3A_48 = arith.addi %mul3A_47, %and3A_27 : vector<16xi32>
    %mul3A_49 = arith.constant 4 : i32
    %mul3A_50 = vector.broadcast %mul3A_49 : i32 to vector<16xi32>
    %mul3A_51 = arith.muli %iota3A, %mul3A_50 : vector<16xi32>
    %add3A_52 = arith.addi %mul3A_51, %and3A_36 : vector<16xi32>
    %add3A_53 = arith.constant 0 : i32
    %add3A_54 = arith.addi %mul3A_2, %add3A_53 : i32
    %dma_start3A = arith.constant 0 : i32
    %dma_start3A_55 = tpu.memref_slice %arg2[%add3A_54, %dma_start3A] : memref<4096x4096xi32, #tpu.memory_space<hbm>> -> memref<16x2048xi32, #tpu.memory_space<hbm>>
    %dma_start3A_56 = arith.constant 0 : i32
    %dma_start3A_57 = tpu.memref_slice %arg2[%add3A_54, %dma_start3A_56] : memref<4096x4096xi32, #tpu.memory_space<hbm>> -> memref<16x2048xi32, #tpu.memory_space<hbm>>
    tpu.enqueue_dma source(%dma_start3A_57 : memref<16x2048xi32, #tpu.memory_space<hbm>>) target(%arg6 : memref<16x2048xi32, #tpu.memory_space<vmem>>) target_semaphore(%arg9 : memref<!tpu.dma_semaphore, #tpu.memory_space<semaphore_mem>>)
    tpu.wait_dma2 semaphore(%arg11 : memref<!tpu.dma_semaphore, #tpu.memory_space<semaphore_mem>>) src(%arg3 : memref<16384xf32, #tpu.memory_space<hbm>>) dst(%arg5 : memref<16384xf32, #tpu.memory_space<vmem>>)
    %dma_wait3A = arith.constant 0 : i32
    %dma_wait3A_58 = tpu.memref_slice %arg2[%add3A_54, %dma_wait3A] : memref<4096x4096xi32, #tpu.memory_space<hbm>> -> memref<16x2048xi32, #tpu.memory_space<hbm>>
    %dma_wait3A_59 = arith.constant 0 : i32
    %dma_wait3A_60 = tpu.memref_slice %arg2[%add3A_54, %dma_wait3A_59] : memref<4096x4096xi32, #tpu.memory_space<hbm>> -> memref<16x2048xi32, #tpu.memory_space<hbm>>
    tpu.wait_dma2 semaphore(%arg9 : memref<!tpu.dma_semaphore, #tpu.memory_space<semaphore_mem>>) src(%dma_wait3A_60 : memref<16x2048xi32, #tpu.memory_space<hbm>>) dst(%arg6 : memref<16x2048xi32, #tpu.memory_space<vmem>>)
    %add3A_61 = arith.constant 0 : i32
    %add3A_62 = arith.addi %mul3A_2, %add3A_61 : i32
    %dma_start3A_63 = arith.constant 2048 : i32
    %dma_start3A_64 = tpu.memref_slice %arg2[%add3A_62, %dma_start3A_63] : memref<4096x4096xi32, #tpu.memory_space<hbm>> -> memref<16x2048xi32, #tpu.memory_space<hbm>>
    %dma_start3A_65 = arith.constant 2048 : i32
    %dma_start3A_66 = tpu.memref_slice %arg2[%add3A_62, %dma_start3A_65] : memref<4096x4096xi32, #tpu.memory_space<hbm>> -> memref<16x2048xi32, #tpu.memory_space<hbm>>
    tpu.enqueue_dma source(%dma_start3A_66 : memref<16x2048xi32, #tpu.memory_space<hbm>>) target(%arg7 : memref<16x2048xi32, #tpu.memory_space<vmem>>) target_semaphore(%arg10 : memref<!tpu.dma_semaphore, #tpu.memory_space<semaphore_mem>>)
    %broadcast_in_dim3A = arith.constant 0.000000e+00 : f32
    %broadcast_in_dim3A_67 = vector.broadcast %broadcast_in_dim3A : f32 to vector<16xf32>
    %swap3A = arith.constant 0 : index
    %swap3A_68 = tpu.vector_load %arg8[%swap3A] {strides = array<i32>} : memref<16xf32, #tpu.memory_space<vmem>>, vector<16xf32>,
    tpu.vector_store %arg8[%swap3A], %broadcast_in_dim3A_67 {strides = array<i32>} : memref<16xf32, #tpu.memory_space<vmem>>, vector<16xf32>,
    %parallel_loop3A = arith.constant 0 : i32
    %parallel_loop3A_69 = arith.constant 16 : i32
    %parallel_loop3A_70 = arith.constant 1 : i32
    scf.for %parallel_loop3A_304 = %parallel_loop3A to %parallel_loop3A_69 step %parallel_loop3A_70  : i32 {
      %parallel_loop3A_305 = vector.broadcast %parallel_loop3A_304 : i32 to vector<16xi32>
      %parallel_loop3A_306 = arith.constant 0.000000e+00 : f32
      %parallel_loop3A_307 = vector.broadcast %parallel_loop3A_306 : f32 to vector<16xf32>
      %parallel_loop3A_308 = arith.constant 0 : i32
      %parallel_loop3A_309 = arith.constant 32 : i32
      %parallel_loop3A_310 = arith.constant 1 : i32
      %parallel_loop3A_311 = scf.for %parallel_loop3A_322 = %parallel_loop3A_308 to %parallel_loop3A_309 step %parallel_loop3A_310 iter_args(%parallel_loop3A_323 = %parallel_loop3A_307) -> (vector<16xf32>)  : i32 {
        %parallel_loop3A_324 = arith.constant 64 : i32
        %parallel_loop3A_325 = arith.muli %parallel_loop3A_322, %parallel_loop3A_324 : i32
        %parallel_loop3A_326 = vector.broadcast %parallel_loop3A_325 : i32 to vector<16xi32>
        %parallel_loop3A_327 = arith.constant 0 : i32
        %parallel_loop3A_328 = vector.broadcast %parallel_loop3A_327 : i32 to vector<16xi32>
        %parallel_loop3A_329 = arith.addi %parallel_loop3A_326, %add3A_40 : vector<16xi32>
        %parallel_loop3A_330 = tpu.vector_load_idx %arg6[%parallel_loop3A_305, %parallel_loop3A_329] : memref<16x2048xi32, #tpu.memory_space<vmem>>[vector<16xi32>, vector<16xi32>], vector<16xi32>,
        %parallel_loop3A_331 = arith.shli %parallel_loop3A_330, %and3A_9 : vector<16xi32>
        %parallel_loop3A_332 = arith.addi %parallel_loop3A_328, %parallel_loop3A_331 : vector<16xi32>
        %parallel_loop3A_333 = arith.addi %parallel_loop3A_326, %add3A_44 : vector<16xi32>
        %parallel_loop3A_334 = tpu.vector_load_idx %arg6[%parallel_loop3A_305, %parallel_loop3A_333] : memref<16x2048xi32, #tpu.memory_space<vmem>>[vector<16xi32>, vector<16xi32>], vector<16xi32>,
        %parallel_loop3A_335 = arith.shli %parallel_loop3A_334, %and3A_18 : vector<16xi32>
        %parallel_loop3A_336 = arith.addi %parallel_loop3A_332, %parallel_loop3A_335 : vector<16xi32>
        %parallel_loop3A_337 = arith.addi %parallel_loop3A_326, %add3A_48 : vector<16xi32>
        %parallel_loop3A_338 = tpu.vector_load_idx %arg6[%parallel_loop3A_305, %parallel_loop3A_337] : memref<16x2048xi32, #tpu.memory_space<vmem>>[vector<16xi32>, vector<16xi32>], vector<16xi32>,
        %parallel_loop3A_339 = arith.shli %parallel_loop3A_338, %and3A_27 : vector<16xi32>
        %parallel_loop3A_340 = arith.addi %parallel_loop3A_336, %parallel_loop3A_339 : vector<16xi32>
        %parallel_loop3A_341 = arith.addi %parallel_loop3A_326, %add3A_52 : vector<16xi32>
        %parallel_loop3A_342 = tpu.vector_load_idx %arg6[%parallel_loop3A_305, %parallel_loop3A_341] : memref<16x2048xi32, #tpu.memory_space<vmem>>[vector<16xi32>, vector<16xi32>], vector<16xi32>,
        %parallel_loop3A_343 = arith.shli %parallel_loop3A_342, %and3A_36 : vector<16xi32>
        %parallel_loop3A_344 = arith.addi %parallel_loop3A_340, %parallel_loop3A_343 : vector<16xi32>
        %parallel_loop3A_345 = arith.constant 10 : i32
        %parallel_loop3A_346 = vector.broadcast %parallel_loop3A_345 : i32 to vector<16xi32>
        %parallel_loop3A_347 = arith.shli %parallel_loop3A_344, %parallel_loop3A_346 : vector<16xi32>
        %parallel_loop3A_348 = arith.constant 16 : i32
        %parallel_loop3A_349 = arith.muli %parallel_loop3A_322, %parallel_loop3A_348 : i32
        %parallel_loop3A_350 = arith.constant 0 : i32
        %parallel_loop3A_351 = arith.addi %parallel_loop3A_350, %parallel_loop3A_349 : i32
        %parallel_loop3A_352 = vector.broadcast %parallel_loop3A_351 : i32 to vector<16xi32>
        %parallel_loop3A_353 = arith.addi %parallel_loop3A_347, %parallel_loop3A_352 : vector<16xi32>
        %parallel_loop3A_354 = arith.addi %parallel_loop3A_353, %iota3A : vector<16xi32>
        %parallel_loop3A_355 = tpu.vector_load_idx %arg5[%parallel_loop3A_354] : memref<16384xf32, #tpu.memory_space<vmem>>[vector<16xi32>], vector<16xf32>,
        %parallel_loop3A_356 = arith.addf %parallel_loop3A_323, %parallel_loop3A_355 : vector<16xf32>
        scf.yield %parallel_loop3A_356 : vector<16xf32>
      } {sc.loop_unroll_factor = 4 : i64, sc.parallel_access}
      %parallel_loop3A_312 = arith.constant true
      %parallel_loop3A_313 = vector.broadcast %parallel_loop3A_312 : i1 to vector<16xi1>
      %parallel_loop3A_314 = tpu.scan <sum>, %parallel_loop3A_311 masked %parallel_loop3A_313 : vector<16xf32>, vector<16xi1> -> vector<16xf32>
      %parallel_loop3A_315 = vector.extract %parallel_loop3A_314[15] : f32 from vector<16xf32>
      %parallel_loop3A_316 = tpu.vector_load_idx %arg8[%parallel_loop3A_305] : memref<16xf32, #tpu.memory_space<vmem>>[vector<16xi32>], vector<16xf32>,
      %parallel_loop3A_317 = vector.broadcast %parallel_loop3A_315 : f32 to vector<16xf32>
      %parallel_loop3A_318 = arith.addf %parallel_loop3A_316, %parallel_loop3A_317 : vector<16xf32>
      %parallel_loop3A_319 = arith.constant 0 : i32
      %parallel_loop3A_320 = vector.broadcast %parallel_loop3A_319 : i32 to vector<16xi32>
      %parallel_loop3A_321 = arith.cmpi eq, %iota3A, %parallel_loop3A_320 : vector<16xi32>
      tpu.vector_store_idx %arg8[%parallel_loop3A_305], %parallel_loop3A_318 masked %parallel_loop3A_321 : memref<16xf32, #tpu.memory_space<vmem>>[vector<16xi32>], vector<16xf32>, vector<16xi1>
    } {sc.loop_unroll_factor = 1 : i64, sc.parallel_access}
    %dma_wait3A_71 = arith.constant 2048 : i32
    %dma_wait3A_72 = tpu.memref_slice %arg2[%add3A_62, %dma_wait3A_71] : memref<4096x4096xi32, #tpu.memory_space<hbm>> -> memref<16x2048xi32, #tpu.memory_space<hbm>>
    %dma_wait3A_73 = arith.constant 2048 : i32
    %dma_wait3A_74 = tpu.memref_slice %arg2[%add3A_62, %dma_wait3A_73] : memref<4096x4096xi32, #tpu.memory_space<hbm>> -> memref<16x2048xi32, #tpu.memory_space<hbm>>
    tpu.wait_dma2 semaphore(%arg10 : memref<!tpu.dma_semaphore, #tpu.memory_space<semaphore_mem>>) src(%dma_wait3A_74 : memref<16x2048xi32, #tpu.memory_space<hbm>>) dst(%arg7 : memref<16x2048xi32, #tpu.memory_space<vmem>>)
    %add3A_75 = arith.constant 16 : i32
    %add3A_76 = arith.addi %mul3A_2, %add3A_75 : i32
    %dma_start3A_77 = arith.constant 0 : i32
    %dma_start3A_78 = tpu.memref_slice %arg2[%add3A_76, %dma_start3A_77] : memref<4096x4096xi32, #tpu.memory_space<hbm>> -> memref<16x2048xi32, #tpu.memory_space<hbm>>
    %dma_start3A_79 = arith.constant 0 : i32
    %dma_start3A_80 = tpu.memref_slice %arg2[%add3A_76, %dma_start3A_79] : memref<4096x4096xi32, #tpu.memory_space<hbm>> -> memref<16x2048xi32, #tpu.memory_space<hbm>>
    tpu.enqueue_dma source(%dma_start3A_80 : memref<16x2048xi32, #tpu.memory_space<hbm>>) target(%arg6 : memref<16x2048xi32, #tpu.memory_space<vmem>>) target_semaphore(%arg9 : memref<!tpu.dma_semaphore, #tpu.memory_space<semaphore_mem>>)
    %parallel_loop3A_81 = arith.constant 0 : i32
    %parallel_loop3A_82 = arith.constant 16 : i32
    %parallel_loop3A_83 = arith.constant 1 : i32
    scf.for %parallel_loop3A_304 = %parallel_loop3A_81 to %parallel_loop3A_82 step %parallel_loop3A_83  : i32 {
      %parallel_loop3A_305 = vector.broadcast %parallel_loop3A_304 : i32 to vector<16xi32>
      %parallel_loop3A_306 = arith.constant 0.000000e+00 : f32
      %parallel_loop3A_307 = vector.broadcast %parallel_loop3A_306 : f32 to vector<16xf32>
      %parallel_loop3A_308 = arith.constant 0 : i32
      %parallel_loop3A_309 = arith.constant 32 : i32
      %parallel_loop3A_310 = arith.constant 1 : i32
      %parallel_loop3A_311 = scf.for %parallel_loop3A_322 = %parallel_loop3A_308 to %parallel_loop3A_309 step %parallel_loop3A_310 iter_args(%parallel_loop3A_323 = %parallel_loop3A_307) -> (vector<16xf32>)  : i32 {
        %parallel_loop3A_324 = arith.constant 64 : i32
        %parallel_loop3A_325 = arith.muli %parallel_loop3A_322, %parallel_loop3A_324 : i32
        %parallel_loop3A_326 = vector.broadcast %parallel_loop3A_325 : i32 to vector<16xi32>
        %parallel_loop3A_327 = arith.constant 0 : i32
        %parallel_loop3A_328 = vector.broadcast %parallel_loop3A_327 : i32 to vector<16xi32>
        %parallel_loop3A_329 = arith.addi %parallel_loop3A_326, %add3A_40 : vector<16xi32>
        %parallel_loop3A_330 = tpu.vector_load_idx %arg7[%parallel_loop3A_305, %parallel_loop3A_329] : memref<16x2048xi32, #tpu.memory_space<vmem>>[vector<16xi32>, vector<16xi32>], vector<16xi32>,
        %parallel_loop3A_331 = arith.shli %parallel_loop3A_330, %and3A_9 : vector<16xi32>
        %parallel_loop3A_332 = arith.addi %parallel_loop3A_328, %parallel_loop3A_331 : vector<16xi32>
        %parallel_loop3A_333 = arith.addi %parallel_loop3A_326, %add3A_44 : vector<16xi32>
        %parallel_loop3A_334 = tpu.vector_load_idx %arg7[%parallel_loop3A_305, %parallel_loop3A_333] : memref<16x2048xi32, #tpu.memory_space<vmem>>[vector<16xi32>, vector<16xi32>], vector<16xi32>,
        %parallel_loop3A_335 = arith.shli %parallel_loop3A_334, %and3A_18 : vector<16xi32>
        %parallel_loop3A_336 = arith.addi %parallel_loop3A_332, %parallel_loop3A_335 : vector<16xi32>
        %parallel_loop3A_337 = arith.addi %parallel_loop3A_326, %add3A_48 : vector<16xi32>
        %parallel_loop3A_338 = tpu.vector_load_idx %arg7[%parallel_loop3A_305, %parallel_loop3A_337] : memref<16x2048xi32, #tpu.memory_space<vmem>>[vector<16xi32>, vector<16xi32>], vector<16xi32>,
        %parallel_loop3A_339 = arith.shli %parallel_loop3A_338, %and3A_27 : vector<16xi32>
        %parallel_loop3A_340 = arith.addi %parallel_loop3A_336, %parallel_loop3A_339 : vector<16xi32>
        %parallel_loop3A_341 = arith.addi %parallel_loop3A_326, %add3A_52 : vector<16xi32>
        %parallel_loop3A_342 = tpu.vector_load_idx %arg7[%parallel_loop3A_305, %parallel_loop3A_341] : memref<16x2048xi32, #tpu.memory_space<vmem>>[vector<16xi32>, vector<16xi32>], vector<16xi32>,
        %parallel_loop3A_343 = arith.shli %parallel_loop3A_342, %and3A_36 : vector<16xi32>
        %parallel_loop3A_344 = arith.addi %parallel_loop3A_340, %parallel_loop3A_343 : vector<16xi32>
        %parallel_loop3A_345 = arith.constant 10 : i32
        %parallel_loop3A_346 = vector.broadcast %parallel_loop3A_345 : i32 to vector<16xi32>
        %parallel_loop3A_347 = arith.shli %parallel_loop3A_344, %parallel_loop3A_346 : vector<16xi32>
        %parallel_loop3A_348 = arith.constant 16 : i32
        %parallel_loop3A_349 = arith.muli %parallel_loop3A_322, %parallel_loop3A_348 : i32
        %parallel_loop3A_350 = arith.constant 512 : i32
        %parallel_loop3A_351 = arith.addi %parallel_loop3A_350, %parallel_loop3A_349 : i32
        %parallel_loop3A_352 = vector.broadcast %parallel_loop3A_351 : i32 to vector<16xi32>
        %parallel_loop3A_353 = arith.addi %parallel_loop3A_347, %parallel_loop3A_352 : vector<16xi32>
        %parallel_loop3A_354 = arith.addi %parallel_loop3A_353, %iota3A : vector<16xi32>
        %parallel_loop3A_355 = tpu.vector_load_idx %arg5[%parallel_loop3A_354] : memref<16384xf32, #tpu.memory_space<vmem>>[vector<16xi32>], vector<16xf32>,
        %parallel_loop3A_356 = arith.addf %parallel_loop3A_323, %parallel_loop3A_355 : vector<16xf32>
        scf.yield %parallel_loop3A_356 : vector<16xf32>
      } {sc.loop_unroll_factor = 4 : i64, sc.parallel_access}
      %parallel_loop3A_312 = arith.constant true
      %parallel_loop3A_313 = vector.broadcast %parallel_loop3A_312 : i1 to vector<16xi1>
      %parallel_loop3A_314 = tpu.scan <sum>, %parallel_loop3A_311 masked %parallel_loop3A_313 : vector<16xf32>, vector<16xi1> -> vector<16xf32>
      %parallel_loop3A_315 = vector.extract %parallel_loop3A_314[15] : f32 from vector<16xf32>
      %parallel_loop3A_316 = tpu.vector_load_idx %arg8[%parallel_loop3A_305] : memref<16xf32, #tpu.memory_space<vmem>>[vector<16xi32>], vector<16xf32>,
      %parallel_loop3A_317 = vector.broadcast %parallel_loop3A_315 : f32 to vector<16xf32>
      %parallel_loop3A_318 = arith.addf %parallel_loop3A_316, %parallel_loop3A_317 : vector<16xf32>
      %parallel_loop3A_319 = arith.constant 0 : i32
      %parallel_loop3A_320 = vector.broadcast %parallel_loop3A_319 : i32 to vector<16xi32>
      %parallel_loop3A_321 = arith.cmpi eq, %iota3A, %parallel_loop3A_320 : vector<16xi32>
      tpu.vector_store_idx %arg8[%parallel_loop3A_305], %parallel_loop3A_318 masked %parallel_loop3A_321 : memref<16xf32, #tpu.memory_space<vmem>>[vector<16xi32>], vector<16xf32>, vector<16xi1>
    } {sc.loop_unroll_factor = 1 : i64, sc.parallel_access}
    %add3A_84 = arith.constant 0 : i32
    %add3A_85 = arith.addi %mul3A_2, %add3A_84 : i32
    "tpu.region"() ({
      %run_scoped3A = tpu.sem_alloc : memref<!tpu.dma_semaphore, #tpu.memory_space<semaphore_mem>>
      %dma_start3A_304 = tpu.memref_slice %arg4[%add3A_85] : memref<4096xf32, #tpu.memory_space<hbm>> -> memref<16xf32, #tpu.memory_space<hbm>>
      %dma_start3A_305 = tpu.memref_slice %arg4[%add3A_85] : memref<4096xf32, #tpu.memory_space<hbm>> -> memref<16xf32, #tpu.memory_space<hbm>>
      tpu.enqueue_dma source(%arg8 : memref<16xf32, #tpu.memory_space<vmem>>) target(%dma_start3A_305 : memref<16xf32, #tpu.memory_space<hbm>>) target_semaphore(%run_scoped3A : memref<!tpu.dma_semaphore, #tpu.memory_space<semaphore_mem>>)
      %dma_wait3A_306 = tpu.memref_slice %arg4[%add3A_85] : memref<4096xf32, #tpu.memory_space<hbm>> -> memref<16xf32, #tpu.memory_space<hbm>>
      %dma_wait3A_307 = tpu.memref_slice %arg4[%add3A_85] : memref<4096xf32, #tpu.memory_space<hbm>> -> memref<16xf32, #tpu.memory_space<hbm>>
      tpu.wait_dma2 semaphore(%run_scoped3A : memref<!tpu.dma_semaphore, #tpu.memory_space<semaphore_mem>>) src(%arg8 : memref<16xf32, #tpu.memory_space<vmem>>) dst(%dma_wait3A_307 : memref<16xf32, #tpu.memory_space<hbm>>)
      tpu.yield
    }) : () -> ()
    %dma_wait3A_86 = arith.constant 0 : i32
    %dma_wait3A_87 = tpu.memref_slice %arg2[%add3A_76, %dma_wait3A_86] : memref<4096x4096xi32, #tpu.memory_space<hbm>> -> memref<16x2048xi32, #tpu.memory_space<hbm>>
    %dma_wait3A_88 = arith.constant 0 : i32
    %dma_wait3A_89 = tpu.memref_slice %arg2[%add3A_76, %dma_wait3A_88] : memref<4096x4096xi32, #tpu.memory_space<hbm>> -> memref<16x2048xi32, #tpu.memory_space<hbm>>
    tpu.wait_dma2 semaphore(%arg9 : memref<!tpu.dma_semaphore, #tpu.memory_space<semaphore_mem>>) src(%dma_wait3A_89 : memref<16x2048xi32, #tpu.memory_space<hbm>>) dst(%arg6 : memref<16x2048xi32, #tpu.memory_space<vmem>>)
    %add3A_90 = arith.constant 16 : i32
    %add3A_91 = arith.addi %mul3A_2, %add3A_90 : i32
    %dma_start3A_92 = arith.constant 2048 : i32
    %dma_start3A_93 = tpu.memref_slice %arg2[%add3A_91, %dma_start3A_92] : memref<4096x4096xi32, #tpu.memory_space<hbm>> -> memref<16x2048xi32, #tpu.memory_space<hbm>>
    %dma_start3A_94 = arith.constant 2048 : i32
    %dma_start3A_95 = tpu.memref_slice %arg2[%add3A_91, %dma_start3A_94] : memref<4096x4096xi32, #tpu.memory_space<hbm>> -> memref<16x2048xi32, #tpu.memory_space<hbm>>
    tpu.enqueue_dma source(%dma_start3A_95 : memref<16x2048xi32, #tpu.memory_space<hbm>>) target(%arg7 : memref<16x2048xi32, #tpu.memory_space<vmem>>) target_semaphore(%arg10 : memref<!tpu.dma_semaphore, #tpu.memory_space<semaphore_mem>>)
    %broadcast_in_dim3A_96 = arith.constant 0.000000e+00 : f32
    %broadcast_in_dim3A_97 = vector.broadcast %broadcast_in_dim3A_96 : f32 to vector<16xf32>
    %swap3A_98 = arith.constant 0 : index
    %swap3A_99 = tpu.vector_load %arg8[%swap3A_98] {strides = array<i32>} : memref<16xf32, #tpu.memory_space<vmem>>, vector<16xf32>,
    tpu.vector_store %arg8[%swap3A_98], %broadcast_in_dim3A_97 {strides = array<i32>} : memref<16xf32, #tpu.memory_space<vmem>>, vector<16xf32>,
    %parallel_loop3A_100 = arith.constant 0 : i32
    %parallel_loop3A_101 = arith.constant 16 : i32
    %parallel_loop3A_102 = arith.constant 1 : i32
    scf.for %parallel_loop3A_304 = %parallel_loop3A_100 to %parallel_loop3A_101 step %parallel_loop3A_102  : i32 {
      %parallel_loop3A_305 = vector.broadcast %parallel_loop3A_304 : i32 to vector<16xi32>
      %parallel_loop3A_306 = arith.constant 0.000000e+00 : f32
      %parallel_loop3A_307 = vector.broadcast %parallel_loop3A_306 : f32 to vector<16xf32>
      %parallel_loop3A_308 = arith.constant 0 : i32
      %parallel_loop3A_309 = arith.constant 32 : i32
      %parallel_loop3A_310 = arith.constant 1 : i32
      %parallel_loop3A_311 = scf.for %parallel_loop3A_322 = %parallel_loop3A_308 to %parallel_loop3A_309 step %parallel_loop3A_310 iter_args(%parallel_loop3A_323 = %parallel_loop3A_307) -> (vector<16xf32>)  : i32 {
        %parallel_loop3A_324 = arith.constant 64 : i32
        %parallel_loop3A_325 = arith.muli %parallel_loop3A_322, %parallel_loop3A_324 : i32
        %parallel_loop3A_326 = vector.broadcast %parallel_loop3A_325 : i32 to vector<16xi32>
        %parallel_loop3A_327 = arith.constant 0 : i32
        %parallel_loop3A_328 = vector.broadcast %parallel_loop3A_327 : i32 to vector<16xi32>
        %parallel_loop3A_329 = arith.addi %parallel_loop3A_326, %add3A_40 : vector<16xi32>
        %parallel_loop3A_330 = tpu.vector_load_idx %arg6[%parallel_loop3A_305, %parallel_loop3A_329] : memref<16x2048xi32, #tpu.memory_space<vmem>>[vector<16xi32>, vector<16xi32>], vector<16xi32>,
        %parallel_loop3A_331 = arith.shli %parallel_loop3A_330, %and3A_9 : vector<16xi32>
        %parallel_loop3A_332 = arith.addi %parallel_loop3A_328, %parallel_loop3A_331 : vector<16xi32>
        %parallel_loop3A_333 = arith.addi %parallel_loop3A_326, %add3A_44 : vector<16xi32>
        %parallel_loop3A_334 = tpu.vector_load_idx %arg6[%parallel_loop3A_305, %parallel_loop3A_333] : memref<16x2048xi32, #tpu.memory_space<vmem>>[vector<16xi32>, vector<16xi32>], vector<16xi32>,
        %parallel_loop3A_335 = arith.shli %parallel_loop3A_334, %and3A_18 : vector<16xi32>
        %parallel_loop3A_336 = arith.addi %parallel_loop3A_332, %parallel_loop3A_335 : vector<16xi32>
        %parallel_loop3A_337 = arith.addi %parallel_loop3A_326, %add3A_48 : vector<16xi32>
        %parallel_loop3A_338 = tpu.vector_load_idx %arg6[%parallel_loop3A_305, %parallel_loop3A_337] : memref<16x2048xi32, #tpu.memory_space<vmem>>[vector<16xi32>, vector<16xi32>], vector<16xi32>,
        %parallel_loop3A_339 = arith.shli %parallel_loop3A_338, %and3A_27 : vector<16xi32>
        %parallel_loop3A_340 = arith.addi %parallel_loop3A_336, %parallel_loop3A_339 : vector<16xi32>
        %parallel_loop3A_341 = arith.addi %parallel_loop3A_326, %add3A_52 : vector<16xi32>
        %parallel_loop3A_342 = tpu.vector_load_idx %arg6[%parallel_loop3A_305, %parallel_loop3A_341] : memref<16x2048xi32, #tpu.memory_space<vmem>>[vector<16xi32>, vector<16xi32>], vector<16xi32>,
        %parallel_loop3A_343 = arith.shli %parallel_loop3A_342, %and3A_36 : vector<16xi32>
        %parallel_loop3A_344 = arith.addi %parallel_loop3A_340, %parallel_loop3A_343 : vector<16xi32>
        %parallel_loop3A_345 = arith.constant 10 : i32
        %parallel_loop3A_346 = vector.broadcast %parallel_loop3A_345 : i32 to vector<16xi32>
        %parallel_loop3A_347 = arith.shli %parallel_loop3A_344, %parallel_loop3A_346 : vector<16xi32>
        %parallel_loop3A_348 = arith.constant 16 : i32
        %parallel_loop3A_349 = arith.muli %parallel_loop3A_322, %parallel_loop3A_348 : i32
        %parallel_loop3A_350 = arith.constant 0 : i32
        %parallel_loop3A_351 = arith.addi %parallel_loop3A_350, %parallel_loop3A_349 : i32
        %parallel_loop3A_352 = vector.broadcast %parallel_loop3A_351 : i32 to vector<16xi32>
        %parallel_loop3A_353 = arith.addi %parallel_loop3A_347, %parallel_loop3A_352 : vector<16xi32>
        %parallel_loop3A_354 = arith.addi %parallel_loop3A_353, %iota3A : vector<16xi32>
        %parallel_loop3A_355 = tpu.vector_load_idx %arg5[%parallel_loop3A_354] : memref<16384xf32, #tpu.memory_space<vmem>>[vector<16xi32>], vector<16xf32>,
        %parallel_loop3A_356 = arith.addf %parallel_loop3A_323, %parallel_loop3A_355 : vector<16xf32>
        scf.yield %parallel_loop3A_356 : vector<16xf32>
      } {sc.loop_unroll_factor = 4 : i64, sc.parallel_access}
      %parallel_loop3A_312 = arith.constant true
      %parallel_loop3A_313 = vector.broadcast %parallel_loop3A_312 : i1 to vector<16xi1>
      %parallel_loop3A_314 = tpu.scan <sum>, %parallel_loop3A_311 masked %parallel_loop3A_313 : vector<16xf32>, vector<16xi1> -> vector<16xf32>
      %parallel_loop3A_315 = vector.extract %parallel_loop3A_314[15] : f32 from vector<16xf32>
      %parallel_loop3A_316 = tpu.vector_load_idx %arg8[%parallel_loop3A_305] : memref<16xf32, #tpu.memory_space<vmem>>[vector<16xi32>], vector<16xf32>,
      %parallel_loop3A_317 = vector.broadcast %parallel_loop3A_315 : f32 to vector<16xf32>
      %parallel_loop3A_318 = arith.addf %parallel_loop3A_316, %parallel_loop3A_317 : vector<16xf32>
      %parallel_loop3A_319 = arith.constant 0 : i32
      %parallel_loop3A_320 = vector.broadcast %parallel_loop3A_319 : i32 to vector<16xi32>
      %parallel_loop3A_321 = arith.cmpi eq, %iota3A, %parallel_loop3A_320 : vector<16xi32>
      tpu.vector_store_idx %arg8[%parallel_loop3A_305], %parallel_loop3A_318 masked %parallel_loop3A_321 : memref<16xf32, #tpu.memory_space<vmem>>[vector<16xi32>], vector<16xf32>, vector<16xi1>
    } {sc.loop_unroll_factor = 1 : i64, sc.parallel_access}
    %dma_wait3A_103 = arith.constant 2048 : i32
    %dma_wait3A_104 = tpu.memref_slice %arg2[%add3A_91, %dma_wait3A_103] : memref<4096x4096xi32, #tpu.memory_space<hbm>> -> memref<16x2048xi32, #tpu.memory_space<hbm>>
    %dma_wait3A_105 = arith.constant 2048 : i32
    %dma_wait3A_106 = tpu.memref_slice %arg2[%add3A_91, %dma_wait3A_105] : memref<4096x4096xi32, #tpu.memory_space<hbm>> -> memref<16x2048xi32, #tpu.memory_space<hbm>>
    tpu.wait_dma2 semaphore(%arg10 : memref<!tpu.dma_semaphore, #tpu.memory_space<semaphore_mem>>) src(%dma_wait3A_106 : memref<16x2048xi32, #tpu.memory_space<hbm>>) dst(%arg7 : memref<16x2048xi32, #tpu.memory_space<vmem>>)
    %add3A_107 = arith.constant 32 : i32
    %add3A_108 = arith.addi %mul3A_2, %add3A_107 : i32
    %dma_start3A_109 = arith.constant 0 : i32
    %dma_start3A_110 = tpu.memref_slice %arg2[%add3A_108, %dma_start3A_109] : memref<4096x4096xi32, #tpu.memory_space<hbm>> -> memref<16x2048xi32, #tpu.memory_space<hbm>>
    %dma_start3A_111 = arith.constant 0 : i32
    %dma_start3A_112 = tpu.memref_slice %arg2[%add3A_108, %dma_start3A_111] : memref<4096x4096xi32, #tpu.memory_space<hbm>> -> memref<16x2048xi32, #tpu.memory_space<hbm>>
    tpu.enqueue_dma source(%dma_start3A_112 : memref<16x2048xi32, #tpu.memory_space<hbm>>) target(%arg6 : memref<16x2048xi32, #tpu.memory_space<vmem>>) target_semaphore(%arg9 : memref<!tpu.dma_semaphore, #tpu.memory_space<semaphore_mem>>)
    %parallel_loop3A_113 = arith.constant 0 : i32
    %parallel_loop3A_114 = arith.constant 16 : i32
    %parallel_loop3A_115 = arith.constant 1 : i32
    scf.for %parallel_loop3A_304 = %parallel_loop3A_113 to %parallel_loop3A_114 step %parallel_loop3A_115  : i32 {
      %parallel_loop3A_305 = vector.broadcast %parallel_loop3A_304 : i32 to vector<16xi32>
      %parallel_loop3A_306 = arith.constant 0.000000e+00 : f32
      %parallel_loop3A_307 = vector.broadcast %parallel_loop3A_306 : f32 to vector<16xf32>
      %parallel_loop3A_308 = arith.constant 0 : i32
      %parallel_loop3A_309 = arith.constant 32 : i32
      %parallel_loop3A_310 = arith.constant 1 : i32
      %parallel_loop3A_311 = scf.for %parallel_loop3A_322 = %parallel_loop3A_308 to %parallel_loop3A_309 step %parallel_loop3A_310 iter_args(%parallel_loop3A_323 = %parallel_loop3A_307) -> (vector<16xf32>)  : i32 {
        %parallel_loop3A_324 = arith.constant 64 : i32
        %parallel_loop3A_325 = arith.muli %parallel_loop3A_322, %parallel_loop3A_324 : i32
        %parallel_loop3A_326 = vector.broadcast %parallel_loop3A_325 : i32 to vector<16xi32>
        %parallel_loop3A_327 = arith.constant 0 : i32
        %parallel_loop3A_328 = vector.broadcast %parallel_loop3A_327 : i32 to vector<16xi32>
        %parallel_loop3A_329 = arith.addi %parallel_loop3A_326, %add3A_40 : vector<16xi32>
        %parallel_loop3A_330 = tpu.vector_load_idx %arg7[%parallel_loop3A_305, %parallel_loop3A_329] : memref<16x2048xi32, #tpu.memory_space<vmem>>[vector<16xi32>, vector<16xi32>], vector<16xi32>,
        %parallel_loop3A_331 = arith.shli %parallel_loop3A_330, %and3A_9 : vector<16xi32>
        %parallel_loop3A_332 = arith.addi %parallel_loop3A_328, %parallel_loop3A_331 : vector<16xi32>
        %parallel_loop3A_333 = arith.addi %parallel_loop3A_326, %add3A_44 : vector<16xi32>
        %parallel_loop3A_334 = tpu.vector_load_idx %arg7[%parallel_loop3A_305, %parallel_loop3A_333] : memref<16x2048xi32, #tpu.memory_space<vmem>>[vector<16xi32>, vector<16xi32>], vector<16xi32>,
        %parallel_loop3A_335 = arith.shli %parallel_loop3A_334, %and3A_18 : vector<16xi32>
        %parallel_loop3A_336 = arith.addi %parallel_loop3A_332, %parallel_loop3A_335 : vector<16xi32>
        %parallel_loop3A_337 = arith.addi %parallel_loop3A_326, %add3A_48 : vector<16xi32>
        %parallel_loop3A_338 = tpu.vector_load_idx %arg7[%parallel_loop3A_305, %parallel_loop3A_337] : memref<16x2048xi32, #tpu.memory_space<vmem>>[vector<16xi32>, vector<16xi32>], vector<16xi32>,
        %parallel_loop3A_339 = arith.shli %parallel_loop3A_338, %and3A_27 : vector<16xi32>
        %parallel_loop3A_340 = arith.addi %parallel_loop3A_336, %parallel_loop3A_339 : vector<16xi32>
        %parallel_loop3A_341 = arith.addi %parallel_loop3A_326, %add3A_52 : vector<16xi32>
        %parallel_loop3A_342 = tpu.vector_load_idx %arg7[%parallel_loop3A_305, %parallel_loop3A_341] : memref<16x2048xi32, #tpu.memory_space<vmem>>[vector<16xi32>, vector<16xi32>], vector<16xi32>,
        %parallel_loop3A_343 = arith.shli %parallel_loop3A_342, %and3A_36 : vector<16xi32>
        %parallel_loop3A_344 = arith.addi %parallel_loop3A_340, %parallel_loop3A_343 : vector<16xi32>
        %parallel_loop3A_345 = arith.constant 10 : i32
        %parallel_loop3A_346 = vector.broadcast %parallel_loop3A_345 : i32 to vector<16xi32>
        %parallel_loop3A_347 = arith.shli %parallel_loop3A_344, %parallel_loop3A_346 : vector<16xi32>
        %parallel_loop3A_348 = arith.constant 16 : i32
        %parallel_loop3A_349 = arith.muli %parallel_loop3A_322, %parallel_loop3A_348 : i32
        %parallel_loop3A_350 = arith.constant 512 : i32
        %parallel_loop3A_351 = arith.addi %parallel_loop3A_350, %parallel_loop3A_349 : i32
        %parallel_loop3A_352 = vector.broadcast %parallel_loop3A_351 : i32 to vector<16xi32>
        %parallel_loop3A_353 = arith.addi %parallel_loop3A_347, %parallel_loop3A_352 : vector<16xi32>
        %parallel_loop3A_354 = arith.addi %parallel_loop3A_353, %iota3A : vector<16xi32>
        %parallel_loop3A_355 = tpu.vector_load_idx %arg5[%parallel_loop3A_354] : memref<16384xf32, #tpu.memory_space<vmem>>[vector<16xi32>], vector<16xf32>,
        %parallel_loop3A_356 = arith.addf %parallel_loop3A_323, %parallel_loop3A_355 : vector<16xf32>
        scf.yield %parallel_loop3A_356 : vector<16xf32>
      } {sc.loop_unroll_factor = 4 : i64, sc.parallel_access}
      %parallel_loop3A_312 = arith.constant true
      %parallel_loop3A_313 = vector.broadcast %parallel_loop3A_312 : i1 to vector<16xi1>
      %parallel_loop3A_314 = tpu.scan <sum>, %parallel_loop3A_311 masked %parallel_loop3A_313 : vector<16xf32>, vector<16xi1> -> vector<16xf32>
      %parallel_loop3A_315 = vector.extract %parallel_loop3A_314[15] : f32 from vector<16xf32>
      %parallel_loop3A_316 = tpu.vector_load_idx %arg8[%parallel_loop3A_305] : memref<16xf32, #tpu.memory_space<vmem>>[vector<16xi32>], vector<16xf32>,
      %parallel_loop3A_317 = vector.broadcast %parallel_loop3A_315 : f32 to vector<16xf32>
      %parallel_loop3A_318 = arith.addf %parallel_loop3A_316, %parallel_loop3A_317 : vector<16xf32>
      %parallel_loop3A_319 = arith.constant 0 : i32
      %parallel_loop3A_320 = vector.broadcast %parallel_loop3A_319 : i32 to vector<16xi32>
      %parallel_loop3A_321 = arith.cmpi eq, %iota3A, %parallel_loop3A_320 : vector<16xi32>
      tpu.vector_store_idx %arg8[%parallel_loop3A_305], %parallel_loop3A_318 masked %parallel_loop3A_321 : memref<16xf32, #tpu.memory_space<vmem>>[vector<16xi32>], vector<16xf32>, vector<16xi1>
    } {sc.loop_unroll_factor = 1 : i64, sc.parallel_access}
    %add3A_116 = arith.constant 16 : i32
    %add3A_117 = arith.addi %mul3A_2, %add3A_116 : i32
    "tpu.region"() ({
      %run_scoped3A = tpu.sem_alloc : memref<!tpu.dma_semaphore, #tpu.memory_space<semaphore_mem>>
      %dma_start3A_304 = tpu.memref_slice %arg4[%add3A_117] : memref<4096xf32, #tpu.memory_space<hbm>> -> memref<16xf32, #tpu.memory_space<hbm>>
      %dma_start3A_305 = tpu.memref_slice %arg4[%add3A_117] : memref<4096xf32, #tpu.memory_space<hbm>> -> memref<16xf32, #tpu.memory_space<hbm>>
      tpu.enqueue_dma source(%arg8 : memref<16xf32, #tpu.memory_space<vmem>>) target(%dma_start3A_305 : memref<16xf32, #tpu.memory_space<hbm>>) target_semaphore(%run_scoped3A : memref<!tpu.dma_semaphore, #tpu.memory_space<semaphore_mem>>)
      %dma_wait3A_306 = tpu.memref_slice %arg4[%add3A_117] : memref<4096xf32, #tpu.memory_space<hbm>> -> memref<16xf32, #tpu.memory_space<hbm>>
      %dma_wait3A_307 = tpu.memref_slice %arg4[%add3A_117] : memref<4096xf32, #tpu.memory_space<hbm>> -> memref<16xf32, #tpu.memory_space<hbm>>
      tpu.wait_dma2 semaphore(%run_scoped3A : memref<!tpu.dma_semaphore, #tpu.memory_space<semaphore_mem>>) src(%arg8 : memref<16xf32, #tpu.memory_space<vmem>>) dst(%dma_wait3A_307 : memref<16xf32, #tpu.memory_space<hbm>>)
      tpu.yield
    }) : () -> ()
    %dma_wait3A_118 = arith.constant 0 : i32
    %dma_wait3A_119 = tpu.memref_slice %arg2[%add3A_108, %dma_wait3A_118] : memref<4096x4096xi32, #tpu.memory_space<hbm>> -> memref<16x2048xi32, #tpu.memory_space<hbm>>
    %dma_wait3A_120 = arith.constant 0 : i32
    %dma_wait3A_121 = tpu.memref_slice %arg2[%add3A_108, %dma_wait3A_120] : memref<4096x4096xi32, #tpu.memory_space<hbm>> -> memref<16x2048xi32, #tpu.memory_space<hbm>>
    tpu.wait_dma2 semaphore(%arg9 : memref<!tpu.dma_semaphore, #tpu.memory_space<semaphore_mem>>) src(%dma_wait3A_121 : memref<16x2048xi32, #tpu.memory_space<hbm>>) dst(%arg6 : memref<16x2048xi32, #tpu.memory_space<vmem>>)
    %add3A_122 = arith.constant 32 : i32
    %add3A_123 = arith.addi %mul3A_2, %add3A_122 : i32
    %dma_start3A_124 = arith.constant 2048 : i32
    %dma_start3A_125 = tpu.memref_slice %arg2[%add3A_123, %dma_start3A_124] : memref<4096x4096xi32, #tpu.memory_space<hbm>> -> memref<16x2048xi32, #tpu.memory_space<hbm>>
    %dma_start3A_126 = arith.constant 2048 : i32
    %dma_start3A_127 = tpu.memref_slice %arg2[%add3A_123, %dma_start3A_126] : memref<4096x4096xi32, #tpu.memory_space<hbm>> -> memref<16x2048xi32, #tpu.memory_space<hbm>>
    tpu.enqueue_dma source(%dma_start3A_127 : memref<16x2048xi32, #tpu.memory_space<hbm>>) target(%arg7 : memref<16x2048xi32, #tpu.memory_space<vmem>>) target_semaphore(%arg10 : memref<!tpu.dma_semaphore, #tpu.memory_space<semaphore_mem>>)
    %broadcast_in_dim3A_128 = arith.constant 0.000000e+00 : f32
    %broadcast_in_dim3A_129 = vector.broadcast %broadcast_in_dim3A_128 : f32 to vector<16xf32>
    %swap3A_130 = arith.constant 0 : index
    %swap3A_131 = tpu.vector_load %arg8[%swap3A_130] {strides = array<i32>} : memref<16xf32, #tpu.memory_space<vmem>>, vector<16xf32>,
    tpu.vector_store %arg8[%swap3A_130], %broadcast_in_dim3A_129 {strides = array<i32>} : memref<16xf32, #tpu.memory_space<vmem>>, vector<16xf32>,
    %parallel_loop3A_132 = arith.constant 0 : i32
    %parallel_loop3A_133 = arith.constant 16 : i32
    %parallel_loop3A_134 = arith.constant 1 : i32
    scf.for %parallel_loop3A_304 = %parallel_loop3A_132 to %parallel_loop3A_133 step %parallel_loop3A_134  : i32 {
      %parallel_loop3A_305 = vector.broadcast %parallel_loop3A_304 : i32 to vector<16xi32>
      %parallel_loop3A_306 = arith.constant 0.000000e+00 : f32
      %parallel_loop3A_307 = vector.broadcast %parallel_loop3A_306 : f32 to vector<16xf32>
      %parallel_loop3A_308 = arith.constant 0 : i32
      %parallel_loop3A_309 = arith.constant 32 : i32
      %parallel_loop3A_310 = arith.constant 1 : i32
      %parallel_loop3A_311 = scf.for %parallel_loop3A_322 = %parallel_loop3A_308 to %parallel_loop3A_309 step %parallel_loop3A_310 iter_args(%parallel_loop3A_323 = %parallel_loop3A_307) -> (vector<16xf32>)  : i32 {
        %parallel_loop3A_324 = arith.constant 64 : i32
        %parallel_loop3A_325 = arith.muli %parallel_loop3A_322, %parallel_loop3A_324 : i32
        %parallel_loop3A_326 = vector.broadcast %parallel_loop3A_325 : i32 to vector<16xi32>
        %parallel_loop3A_327 = arith.constant 0 : i32
        %parallel_loop3A_328 = vector.broadcast %parallel_loop3A_327 : i32 to vector<16xi32>
        %parallel_loop3A_329 = arith.addi %parallel_loop3A_326, %add3A_40 : vector<16xi32>
        %parallel_loop3A_330 = tpu.vector_load_idx %arg6[%parallel_loop3A_305, %parallel_loop3A_329] : memref<16x2048xi32, #tpu.memory_space<vmem>>[vector<16xi32>, vector<16xi32>], vector<16xi32>,
        %parallel_loop3A_331 = arith.shli %parallel_loop3A_330, %and3A_9 : vector<16xi32>
        %parallel_loop3A_332 = arith.addi %parallel_loop3A_328, %parallel_loop3A_331 : vector<16xi32>
        %parallel_loop3A_333 = arith.addi %parallel_loop3A_326, %add3A_44 : vector<16xi32>
        %parallel_loop3A_334 = tpu.vector_load_idx %arg6[%parallel_loop3A_305, %parallel_loop3A_333] : memref<16x2048xi32, #tpu.memory_space<vmem>>[vector<16xi32>, vector<16xi32>], vector<16xi32>,
        %parallel_loop3A_335 = arith.shli %parallel_loop3A_334, %and3A_18 : vector<16xi32>
        %parallel_loop3A_336 = arith.addi %parallel_loop3A_332, %parallel_loop3A_335 : vector<16xi32>
        %parallel_loop3A_337 = arith.addi %parallel_loop3A_326, %add3A_48 : vector<16xi32>
        %parallel_loop3A_338 = tpu.vector_load_idx %arg6[%parallel_loop3A_305, %parallel_loop3A_337] : memref<16x2048xi32, #tpu.memory_space<vmem>>[vector<16xi32>, vector<16xi32>], vector<16xi32>,
        %parallel_loop3A_339 = arith.shli %parallel_loop3A_338, %and3A_27 : vector<16xi32>
        %parallel_loop3A_340 = arith.addi %parallel_loop3A_336, %parallel_loop3A_339 : vector<16xi32>
        %parallel_loop3A_341 = arith.addi %parallel_loop3A_326, %add3A_52 : vector<16xi32>
        %parallel_loop3A_342 = tpu.vector_load_idx %arg6[%parallel_loop3A_305, %parallel_loop3A_341] : memref<16x2048xi32, #tpu.memory_space<vmem>>[vector<16xi32>, vector<16xi32>], vector<16xi32>,
        %parallel_loop3A_343 = arith.shli %parallel_loop3A_342, %and3A_36 : vector<16xi32>
        %parallel_loop3A_344 = arith.addi %parallel_loop3A_340, %parallel_loop3A_343 : vector<16xi32>
        %parallel_loop3A_345 = arith.constant 10 : i32
        %parallel_loop3A_346 = vector.broadcast %parallel_loop3A_345 : i32 to vector<16xi32>
        %parallel_loop3A_347 = arith.shli %parallel_loop3A_344, %parallel_loop3A_346 : vector<16xi32>
        %parallel_loop3A_348 = arith.constant 16 : i32
        %parallel_loop3A_349 = arith.muli %parallel_loop3A_322, %parallel_loop3A_348 : i32
        %parallel_loop3A_350 = arith.constant 0 : i32
        %parallel_loop3A_351 = arith.addi %parallel_loop3A_350, %parallel_loop3A_349 : i32
        %parallel_loop3A_352 = vector.broadcast %parallel_loop3A_351 : i32 to vector<16xi32>
        %parallel_loop3A_353 = arith.addi %parallel_loop3A_347, %parallel_loop3A_352 : vector<16xi32>
        %parallel_loop3A_354 = arith.addi %parallel_loop3A_353, %iota3A : vector<16xi32>
        %parallel_loop3A_355 = tpu.vector_load_idx %arg5[%parallel_loop3A_354] : memref<16384xf32, #tpu.memory_space<vmem>>[vector<16xi32>], vector<16xf32>,
        %parallel_loop3A_356 = arith.addf %parallel_loop3A_323, %parallel_loop3A_355 : vector<16xf32>
        scf.yield %parallel_loop3A_356 : vector<16xf32>
      } {sc.loop_unroll_factor = 4 : i64, sc.parallel_access}
      %parallel_loop3A_312 = arith.constant true
      %parallel_loop3A_313 = vector.broadcast %parallel_loop3A_312 : i1 to vector<16xi1>
      %parallel_loop3A_314 = tpu.scan <sum>, %parallel_loop3A_311 masked %parallel_loop3A_313 : vector<16xf32>, vector<16xi1> -> vector<16xf32>
      %parallel_loop3A_315 = vector.extract %parallel_loop3A_314[15] : f32 from vector<16xf32>
      %parallel_loop3A_316 = tpu.vector_load_idx %arg8[%parallel_loop3A_305] : memref<16xf32, #tpu.memory_space<vmem>>[vector<16xi32>], vector<16xf32>,
      %parallel_loop3A_317 = vector.broadcast %parallel_loop3A_315 : f32 to vector<16xf32>
      %parallel_loop3A_318 = arith.addf %parallel_loop3A_316, %parallel_loop3A_317 : vector<16xf32>
      %parallel_loop3A_319 = arith.constant 0 : i32
      %parallel_loop3A_320 = vector.broadcast %parallel_loop3A_319 : i32 to vector<16xi32>
      %parallel_loop3A_321 = arith.cmpi eq, %iota3A, %parallel_loop3A_320 : vector<16xi32>
      tpu.vector_store_idx %arg8[%parallel_loop3A_305], %parallel_loop3A_318 masked %parallel_loop3A_321 : memref<16xf32, #tpu.memory_space<vmem>>[vector<16xi32>], vector<16xf32>, vector<16xi1>
    } {sc.loop_unroll_factor = 1 : i64, sc.parallel_access}
    %dma_wait3A_135 = arith.constant 2048 : i32
    %dma_wait3A_136 = tpu.memref_slice %arg2[%add3A_123, %dma_wait3A_135] : memref<4096x4096xi32, #tpu.memory_space<hbm>> -> memref<16x2048xi32, #tpu.memory_space<hbm>>
    %dma_wait3A_137 = arith.constant 2048 : i32
    %dma_wait3A_138 = tpu.memref_slice %arg2[%add3A_123, %dma_wait3A_137] : memref<4096x4096xi32, #tpu.memory_space<hbm>> -> memref<16x2048xi32, #tpu.memory_space<hbm>>
    tpu.wait_dma2 semaphore(%arg10 : memref<!tpu.dma_semaphore, #tpu.memory_space<semaphore_mem>>) src(%dma_wait3A_138 : memref<16x2048xi32, #tpu.memory_space<hbm>>) dst(%arg7 : memref<16x2048xi32, #tpu.memory_space<vmem>>)
    %add3A_139 = arith.constant 48 : i32
    %add3A_140 = arith.addi %mul3A_2, %add3A_139 : i32
    %dma_start3A_141 = arith.constant 0 : i32
    %dma_start3A_142 = tpu.memref_slice %arg2[%add3A_140, %dma_start3A_141] : memref<4096x4096xi32, #tpu.memory_space<hbm>> -> memref<16x2048xi32, #tpu.memory_space<hbm>>
    %dma_start3A_143 = arith.constant 0 : i32
    %dma_start3A_144 = tpu.memref_slice %arg2[%add3A_140, %dma_start3A_143] : memref<4096x4096xi32, #tpu.memory_space<hbm>> -> memref<16x2048xi32, #tpu.memory_space<hbm>>
    tpu.enqueue_dma source(%dma_start3A_144 : memref<16x2048xi32, #tpu.memory_space<hbm>>) target(%arg6 : memref<16x2048xi32, #tpu.memory_space<vmem>>) target_semaphore(%arg9 : memref<!tpu.dma_semaphore, #tpu.memory_space<semaphore_mem>>)
    %parallel_loop3A_145 = arith.constant 0 : i32
    %parallel_loop3A_146 = arith.constant 16 : i32
    %parallel_loop3A_147 = arith.constant 1 : i32
    scf.for %parallel_loop3A_304 = %parallel_loop3A_145 to %parallel_loop3A_146 step %parallel_loop3A_147  : i32 {
      %parallel_loop3A_305 = vector.broadcast %parallel_loop3A_304 : i32 to vector<16xi32>
      %parallel_loop3A_306 = arith.constant 0.000000e+00 : f32
      %parallel_loop3A_307 = vector.broadcast %parallel_loop3A_306 : f32 to vector<16xf32>
      %parallel_loop3A_308 = arith.constant 0 : i32
      %parallel_loop3A_309 = arith.constant 32 : i32
      %parallel_loop3A_310 = arith.constant 1 : i32
      %parallel_loop3A_311 = scf.for %parallel_loop3A_322 = %parallel_loop3A_308 to %parallel_loop3A_309 step %parallel_loop3A_310 iter_args(%parallel_loop3A_323 = %parallel_loop3A_307) -> (vector<16xf32>)  : i32 {
        %parallel_loop3A_324 = arith.constant 64 : i32
        %parallel_loop3A_325 = arith.muli %parallel_loop3A_322, %parallel_loop3A_324 : i32
        %parallel_loop3A_326 = vector.broadcast %parallel_loop3A_325 : i32 to vector<16xi32>
        %parallel_loop3A_327 = arith.constant 0 : i32
        %parallel_loop3A_328 = vector.broadcast %parallel_loop3A_327 : i32 to vector<16xi32>
        %parallel_loop3A_329 = arith.addi %parallel_loop3A_326, %add3A_40 : vector<16xi32>
        %parallel_loop3A_330 = tpu.vector_load_idx %arg7[%parallel_loop3A_305, %parallel_loop3A_329] : memref<16x2048xi32, #tpu.memory_space<vmem>>[vector<16xi32>, vector<16xi32>], vector<16xi32>,
        %parallel_loop3A_331 = arith.shli %parallel_loop3A_330, %and3A_9 : vector<16xi32>
        %parallel_loop3A_332 = arith.addi %parallel_loop3A_328, %parallel_loop3A_331 : vector<16xi32>
        %parallel_loop3A_333 = arith.addi %parallel_loop3A_326, %add3A_44 : vector<16xi32>
        %parallel_loop3A_334 = tpu.vector_load_idx %arg7[%parallel_loop3A_305, %parallel_loop3A_333] : memref<16x2048xi32, #tpu.memory_space<vmem>>[vector<16xi32>, vector<16xi32>], vector<16xi32>,
        %parallel_loop3A_335 = arith.shli %parallel_loop3A_334, %and3A_18 : vector<16xi32>
        %parallel_loop3A_336 = arith.addi %parallel_loop3A_332, %parallel_loop3A_335 : vector<16xi32>
        %parallel_loop3A_337 = arith.addi %parallel_loop3A_326, %add3A_48 : vector<16xi32>
        %parallel_loop3A_338 = tpu.vector_load_idx %arg7[%parallel_loop3A_305, %parallel_loop3A_337] : memref<16x2048xi32, #tpu.memory_space<vmem>>[vector<16xi32>, vector<16xi32>], vector<16xi32>,
        %parallel_loop3A_339 = arith.shli %parallel_loop3A_338, %and3A_27 : vector<16xi32>
        %parallel_loop3A_340 = arith.addi %parallel_loop3A_336, %parallel_loop3A_339 : vector<16xi32>
        %parallel_loop3A_341 = arith.addi %parallel_loop3A_326, %add3A_52 : vector<16xi32>
        %parallel_loop3A_342 = tpu.vector_load_idx %arg7[%parallel_loop3A_305, %parallel_loop3A_341] : memref<16x2048xi32, #tpu.memory_space<vmem>>[vector<16xi32>, vector<16xi32>], vector<16xi32>,
        %parallel_loop3A_343 = arith.shli %parallel_loop3A_342, %and3A_36 : vector<16xi32>
        %parallel_loop3A_344 = arith.addi %parallel_loop3A_340, %parallel_loop3A_343 : vector<16xi32>
        %parallel_loop3A_345 = arith.constant 10 : i32
        %parallel_loop3A_346 = vector.broadcast %parallel_loop3A_345 : i32 to vector<16xi32>
        %parallel_loop3A_347 = arith.shli %parallel_loop3A_344, %parallel_loop3A_346 : vector<16xi32>
        %parallel_loop3A_348 = arith.constant 16 : i32
        %parallel_loop3A_349 = arith.muli %parallel_loop3A_322, %parallel_loop3A_348 : i32
        %parallel_loop3A_350 = arith.constant 512 : i32
        %parallel_loop3A_351 = arith.addi %parallel_loop3A_350, %parallel_loop3A_349 : i32
        %parallel_loop3A_352 = vector.broadcast %parallel_loop3A_351 : i32 to vector<16xi32>
        %parallel_loop3A_353 = arith.addi %parallel_loop3A_347, %parallel_loop3A_352 : vector<16xi32>
        %parallel_loop3A_354 = arith.addi %parallel_loop3A_353, %iota3A : vector<16xi32>
        %parallel_loop3A_355 = tpu.vector_load_idx %arg5[%parallel_loop3A_354] : memref<16384xf32, #tpu.memory_space<vmem>>[vector<16xi32>], vector<16xf32>,
        %parallel_loop3A_356 = arith.addf %parallel_loop3A_323, %parallel_loop3A_355 : vector<16xf32>
        scf.yield %parallel_loop3A_356 : vector<16xf32>
      } {sc.loop_unroll_factor = 4 : i64, sc.parallel_access}
      %parallel_loop3A_312 = arith.constant true
      %parallel_loop3A_313 = vector.broadcast %parallel_loop3A_312 : i1 to vector<16xi1>
      %parallel_loop3A_314 = tpu.scan <sum>, %parallel_loop3A_311 masked %parallel_loop3A_313 : vector<16xf32>, vector<16xi1> -> vector<16xf32>
      %parallel_loop3A_315 = vector.extract %parallel_loop3A_314[15] : f32 from vector<16xf32>
      %parallel_loop3A_316 = tpu.vector_load_idx %arg8[%parallel_loop3A_305] : memref<16xf32, #tpu.memory_space<vmem>>[vector<16xi32>], vector<16xf32>,
      %parallel_loop3A_317 = vector.broadcast %parallel_loop3A_315 : f32 to vector<16xf32>
      %parallel_loop3A_318 = arith.addf %parallel_loop3A_316, %parallel_loop3A_317 : vector<16xf32>
      %parallel_loop3A_319 = arith.constant 0 : i32
      %parallel_loop3A_320 = vector.broadcast %parallel_loop3A_319 : i32 to vector<16xi32>
      %parallel_loop3A_321 = arith.cmpi eq, %iota3A, %parallel_loop3A_320 : vector<16xi32>
      tpu.vector_store_idx %arg8[%parallel_loop3A_305], %parallel_loop3A_318 masked %parallel_loop3A_321 : memref<16xf32, #tpu.memory_space<vmem>>[vector<16xi32>], vector<16xf32>, vector<16xi1>
    } {sc.loop_unroll_factor = 1 : i64, sc.parallel_access}
    %add3A_148 = arith.constant 32 : i32
    %add3A_149 = arith.addi %mul3A_2, %add3A_148 : i32
    "tpu.region"() ({
      %run_scoped3A = tpu.sem_alloc : memref<!tpu.dma_semaphore, #tpu.memory_space<semaphore_mem>>
      %dma_start3A_304 = tpu.memref_slice %arg4[%add3A_149] : memref<4096xf32, #tpu.memory_space<hbm>> -> memref<16xf32, #tpu.memory_space<hbm>>
      %dma_start3A_305 = tpu.memref_slice %arg4[%add3A_149] : memref<4096xf32, #tpu.memory_space<hbm>> -> memref<16xf32, #tpu.memory_space<hbm>>
      tpu.enqueue_dma source(%arg8 : memref<16xf32, #tpu.memory_space<vmem>>) target(%dma_start3A_305 : memref<16xf32, #tpu.memory_space<hbm>>) target_semaphore(%run_scoped3A : memref<!tpu.dma_semaphore, #tpu.memory_space<semaphore_mem>>)
      %dma_wait3A_306 = tpu.memref_slice %arg4[%add3A_149] : memref<4096xf32, #tpu.memory_space<hbm>> -> memref<16xf32, #tpu.memory_space<hbm>>
      %dma_wait3A_307 = tpu.memref_slice %arg4[%add3A_149] : memref<4096xf32, #tpu.memory_space<hbm>> -> memref<16xf32, #tpu.memory_space<hbm>>
      tpu.wait_dma2 semaphore(%run_scoped3A : memref<!tpu.dma_semaphore, #tpu.memory_space<semaphore_mem>>) src(%arg8 : memref<16xf32, #tpu.memory_space<vmem>>) dst(%dma_wait3A_307 : memref<16xf32, #tpu.memory_space<hbm>>)
      tpu.yield
    }) : () -> ()
    %dma_wait3A_150 = arith.constant 0 : i32
    %dma_wait3A_151 = tpu.memref_slice %arg2[%add3A_140, %dma_wait3A_150] : memref<4096x4096xi32, #tpu.memory_space<hbm>> -> memref<16x2048xi32, #tpu.memory_space<hbm>>
    %dma_wait3A_152 = arith.constant 0 : i32
    %dma_wait3A_153 = tpu.memref_slice %arg2[%add3A_140, %dma_wait3A_152] : memref<4096x4096xi32, #tpu.memory_space<hbm>> -> memref<16x2048xi32, #tpu.memory_space<hbm>>
    tpu.wait_dma2 semaphore(%arg9 : memref<!tpu.dma_semaphore, #tpu.memory_space<semaphore_mem>>) src(%dma_wait3A_153 : memref<16x2048xi32, #tpu.memory_space<hbm>>) dst(%arg6 : memref<16x2048xi32, #tpu.memory_space<vmem>>)
    %add3A_154 = arith.constant 48 : i32
    %add3A_155 = arith.addi %mul3A_2, %add3A_154 : i32
    %dma_start3A_156 = arith.constant 2048 : i32
    %dma_start3A_157 = tpu.memref_slice %arg2[%add3A_155, %dma_start3A_156] : memref<4096x4096xi32, #tpu.memory_space<hbm>> -> memref<16x2048xi32, #tpu.memory_space<hbm>>
    %dma_start3A_158 = arith.constant 2048 : i32
    %dma_start3A_159 = tpu.memref_slice %arg2[%add3A_155, %dma_start3A_158] : memref<4096x4096xi32, #tpu.memory_space<hbm>> -> memref<16x2048xi32, #tpu.memory_space<hbm>>
    tpu.enqueue_dma source(%dma_start3A_159 : memref<16x2048xi32, #tpu.memory_space<hbm>>) target(%arg7 : memref<16x2048xi32, #tpu.memory_space<vmem>>) target_semaphore(%arg10 : memref<!tpu.dma_semaphore, #tpu.memory_space<semaphore_mem>>)
    %broadcast_in_dim3A_160 = arith.constant 0.000000e+00 : f32
    %broadcast_in_dim3A_161 = vector.broadcast %broadcast_in_dim3A_160 : f32 to vector<16xf32>
    %swap3A_162 = arith.constant 0 : index
    %swap3A_163 = tpu.vector_load %arg8[%swap3A_162] {strides = array<i32>} : memref<16xf32, #tpu.memory_space<vmem>>, vector<16xf32>,
    tpu.vector_store %arg8[%swap3A_162], %broadcast_in_dim3A_161 {strides = array<i32>} : memref<16xf32, #tpu.memory_space<vmem>>, vector<16xf32>,
    %parallel_loop3A_164 = arith.constant 0 : i32
    %parallel_loop3A_165 = arith.constant 16 : i32
    %parallel_loop3A_166 = arith.constant 1 : i32
    scf.for %parallel_loop3A_304 = %parallel_loop3A_164 to %parallel_loop3A_165 step %parallel_loop3A_166  : i32 {
      %parallel_loop3A_305 = vector.broadcast %parallel_loop3A_304 : i32 to vector<16xi32>
      %parallel_loop3A_306 = arith.constant 0.000000e+00 : f32
      %parallel_loop3A_307 = vector.broadcast %parallel_loop3A_306 : f32 to vector<16xf32>
      %parallel_loop3A_308 = arith.constant 0 : i32
      %parallel_loop3A_309 = arith.constant 32 : i32
      %parallel_loop3A_310 = arith.constant 1 : i32
      %parallel_loop3A_311 = scf.for %parallel_loop3A_322 = %parallel_loop3A_308 to %parallel_loop3A_309 step %parallel_loop3A_310 iter_args(%parallel_loop3A_323 = %parallel_loop3A_307) -> (vector<16xf32>)  : i32 {
        %parallel_loop3A_324 = arith.constant 64 : i32
        %parallel_loop3A_325 = arith.muli %parallel_loop3A_322, %parallel_loop3A_324 : i32
        %parallel_loop3A_326 = vector.broadcast %parallel_loop3A_325 : i32 to vector<16xi32>
        %parallel_loop3A_327 = arith.constant 0 : i32
        %parallel_loop3A_328 = vector.broadcast %parallel_loop3A_327 : i32 to vector<16xi32>
        %parallel_loop3A_329 = arith.addi %parallel_loop3A_326, %add3A_40 : vector<16xi32>
        %parallel_loop3A_330 = tpu.vector_load_idx %arg6[%parallel_loop3A_305, %parallel_loop3A_329] : memref<16x2048xi32, #tpu.memory_space<vmem>>[vector<16xi32>, vector<16xi32>], vector<16xi32>,
        %parallel_loop3A_331 = arith.shli %parallel_loop3A_330, %and3A_9 : vector<16xi32>
        %parallel_loop3A_332 = arith.addi %parallel_loop3A_328, %parallel_loop3A_331 : vector<16xi32>
        %parallel_loop3A_333 = arith.addi %parallel_loop3A_326, %add3A_44 : vector<16xi32>
        %parallel_loop3A_334 = tpu.vector_load_idx %arg6[%parallel_loop3A_305, %parallel_loop3A_333] : memref<16x2048xi32, #tpu.memory_space<vmem>>[vector<16xi32>, vector<16xi32>], vector<16xi32>,
        %parallel_loop3A_335 = arith.shli %parallel_loop3A_334, %and3A_18 : vector<16xi32>
        %parallel_loop3A_336 = arith.addi %parallel_loop3A_332, %parallel_loop3A_335 : vector<16xi32>
        %parallel_loop3A_337 = arith.addi %parallel_loop3A_326, %add3A_48 : vector<16xi32>
        %parallel_loop3A_338 = tpu.vector_load_idx %arg6[%parallel_loop3A_305, %parallel_loop3A_337] : memref<16x2048xi32, #tpu.memory_space<vmem>>[vector<16xi32>, vector<16xi32>], vector<16xi32>,
        %parallel_loop3A_339 = arith.shli %parallel_loop3A_338, %and3A_27 : vector<16xi32>
        %parallel_loop3A_340 = arith.addi %parallel_loop3A_336, %parallel_loop3A_339 : vector<16xi32>
        %parallel_loop3A_341 = arith.addi %parallel_loop3A_326, %add3A_52 : vector<16xi32>
        %parallel_loop3A_342 = tpu.vector_load_idx %arg6[%parallel_loop3A_305, %parallel_loop3A_341] : memref<16x2048xi32, #tpu.memory_space<vmem>>[vector<16xi32>, vector<16xi32>], vector<16xi32>,
        %parallel_loop3A_343 = arith.shli %parallel_loop3A_342, %and3A_36 : vector<16xi32>
        %parallel_loop3A_344 = arith.addi %parallel_loop3A_340, %parallel_loop3A_343 : vector<16xi32>
        %parallel_loop3A_345 = arith.constant 10 : i32
        %parallel_loop3A_346 = vector.broadcast %parallel_loop3A_345 : i32 to vector<16xi32>
        %parallel_loop3A_347 = arith.shli %parallel_loop3A_344, %parallel_loop3A_346 : vector<16xi32>
        %parallel_loop3A_348 = arith.constant 16 : i32
        %parallel_loop3A_349 = arith.muli %parallel_loop3A_322, %parallel_loop3A_348 : i32
        %parallel_loop3A_350 = arith.constant 0 : i32
        %parallel_loop3A_351 = arith.addi %parallel_loop3A_350, %parallel_loop3A_349 : i32
        %parallel_loop3A_352 = vector.broadcast %parallel_loop3A_351 : i32 to vector<16xi32>
        %parallel_loop3A_353 = arith.addi %parallel_loop3A_347, %parallel_loop3A_352 : vector<16xi32>
        %parallel_loop3A_354 = arith.addi %parallel_loop3A_353, %iota3A : vector<16xi32>
        %parallel_loop3A_355 = tpu.vector_load_idx %arg5[%parallel_loop3A_354] : memref<16384xf32, #tpu.memory_space<vmem>>[vector<16xi32>], vector<16xf32>,
        %parallel_loop3A_356 = arith.addf %parallel_loop3A_323, %parallel_loop3A_355 : vector<16xf32>
        scf.yield %parallel_loop3A_356 : vector<16xf32>
      } {sc.loop_unroll_factor = 4 : i64, sc.parallel_access}
      %parallel_loop3A_312 = arith.constant true
      %parallel_loop3A_313 = vector.broadcast %parallel_loop3A_312 : i1 to vector<16xi1>
      %parallel_loop3A_314 = tpu.scan <sum>, %parallel_loop3A_311 masked %parallel_loop3A_313 : vector<16xf32>, vector<16xi1> -> vector<16xf32>
      %parallel_loop3A_315 = vector.extract %parallel_loop3A_314[15] : f32 from vector<16xf32>
      %parallel_loop3A_316 = tpu.vector_load_idx %arg8[%parallel_loop3A_305] : memref<16xf32, #tpu.memory_space<vmem>>[vector<16xi32>], vector<16xf32>,
      %parallel_loop3A_317 = vector.broadcast %parallel_loop3A_315 : f32 to vector<16xf32>
      %parallel_loop3A_318 = arith.addf %parallel_loop3A_316, %parallel_loop3A_317 : vector<16xf32>
      %parallel_loop3A_319 = arith.constant 0 : i32
      %parallel_loop3A_320 = vector.broadcast %parallel_loop3A_319 : i32 to vector<16xi32>
      %parallel_loop3A_321 = arith.cmpi eq, %iota3A, %parallel_loop3A_320 : vector<16xi32>
      tpu.vector_store_idx %arg8[%parallel_loop3A_305], %parallel_loop3A_318 masked %parallel_loop3A_321 : memref<16xf32, #tpu.memory_space<vmem>>[vector<16xi32>], vector<16xf32>, vector<16xi1>
    } {sc.loop_unroll_factor = 1 : i64, sc.parallel_access}
    %dma_wait3A_167 = arith.constant 2048 : i32
    %dma_wait3A_168 = tpu.memref_slice %arg2[%add3A_155, %dma_wait3A_167] : memref<4096x4096xi32, #tpu.memory_space<hbm>> -> memref<16x2048xi32, #tpu.memory_space<hbm>>
    %dma_wait3A_169 = arith.constant 2048 : i32
    %dma_wait3A_170 = tpu.memref_slice %arg2[%add3A_155, %dma_wait3A_169] : memref<4096x4096xi32, #tpu.memory_space<hbm>> -> memref<16x2048xi32, #tpu.memory_space<hbm>>
    tpu.wait_dma2 semaphore(%arg10 : memref<!tpu.dma_semaphore, #tpu.memory_space<semaphore_mem>>) src(%dma_wait3A_170 : memref<16x2048xi32, #tpu.memory_space<hbm>>) dst(%arg7 : memref<16x2048xi32, #tpu.memory_space<vmem>>)
    %add3A_171 = arith.constant 64 : i32
    %add3A_172 = arith.addi %mul3A_2, %add3A_171 : i32
    %dma_start3A_173 = arith.constant 0 : i32
    %dma_start3A_174 = tpu.memref_slice %arg2[%add3A_172, %dma_start3A_173] : memref<4096x4096xi32, #tpu.memory_space<hbm>> -> memref<16x2048xi32, #tpu.memory_space<hbm>>
    %dma_start3A_175 = arith.constant 0 : i32
    %dma_start3A_176 = tpu.memref_slice %arg2[%add3A_172, %dma_start3A_175] : memref<4096x4096xi32, #tpu.memory_space<hbm>> -> memref<16x2048xi32, #tpu.memory_space<hbm>>
    tpu.enqueue_dma source(%dma_start3A_176 : memref<16x2048xi32, #tpu.memory_space<hbm>>) target(%arg6 : memref<16x2048xi32, #tpu.memory_space<vmem>>) target_semaphore(%arg9 : memref<!tpu.dma_semaphore, #tpu.memory_space<semaphore_mem>>)
    %parallel_loop3A_177 = arith.constant 0 : i32
    %parallel_loop3A_178 = arith.constant 16 : i32
    %parallel_loop3A_179 = arith.constant 1 : i32
    scf.for %parallel_loop3A_304 = %parallel_loop3A_177 to %parallel_loop3A_178 step %parallel_loop3A_179  : i32 {
      %parallel_loop3A_305 = vector.broadcast %parallel_loop3A_304 : i32 to vector<16xi32>
      %parallel_loop3A_306 = arith.constant 0.000000e+00 : f32
      %parallel_loop3A_307 = vector.broadcast %parallel_loop3A_306 : f32 to vector<16xf32>
      %parallel_loop3A_308 = arith.constant 0 : i32
      %parallel_loop3A_309 = arith.constant 32 : i32
      %parallel_loop3A_310 = arith.constant 1 : i32
      %parallel_loop3A_311 = scf.for %parallel_loop3A_322 = %parallel_loop3A_308 to %parallel_loop3A_309 step %parallel_loop3A_310 iter_args(%parallel_loop3A_323 = %parallel_loop3A_307) -> (vector<16xf32>)  : i32 {
        %parallel_loop3A_324 = arith.constant 64 : i32
        %parallel_loop3A_325 = arith.muli %parallel_loop3A_322, %parallel_loop3A_324 : i32
        %parallel_loop3A_326 = vector.broadcast %parallel_loop3A_325 : i32 to vector<16xi32>
        %parallel_loop3A_327 = arith.constant 0 : i32
        %parallel_loop3A_328 = vector.broadcast %parallel_loop3A_327 : i32 to vector<16xi32>
        %parallel_loop3A_329 = arith.addi %parallel_loop3A_326, %add3A_40 : vector<16xi32>
        %parallel_loop3A_330 = tpu.vector_load_idx %arg7[%parallel_loop3A_305, %parallel_loop3A_329] : memref<16x2048xi32, #tpu.memory_space<vmem>>[vector<16xi32>, vector<16xi32>], vector<16xi32>,
        %parallel_loop3A_331 = arith.shli %parallel_loop3A_330, %and3A_9 : vector<16xi32>
        %parallel_loop3A_332 = arith.addi %parallel_loop3A_328, %parallel_loop3A_331 : vector<16xi32>
        %parallel_loop3A_333 = arith.addi %parallel_loop3A_326, %add3A_44 : vector<16xi32>
        %parallel_loop3A_334 = tpu.vector_load_idx %arg7[%parallel_loop3A_305, %parallel_loop3A_333] : memref<16x2048xi32, #tpu.memory_space<vmem>>[vector<16xi32>, vector<16xi32>], vector<16xi32>,
        %parallel_loop3A_335 = arith.shli %parallel_loop3A_334, %and3A_18 : vector<16xi32>
        %parallel_loop3A_336 = arith.addi %parallel_loop3A_332, %parallel_loop3A_335 : vector<16xi32>
        %parallel_loop3A_337 = arith.addi %parallel_loop3A_326, %add3A_48 : vector<16xi32>
        %parallel_loop3A_338 = tpu.vector_load_idx %arg7[%parallel_loop3A_305, %parallel_loop3A_337] : memref<16x2048xi32, #tpu.memory_space<vmem>>[vector<16xi32>, vector<16xi32>], vector<16xi32>,
        %parallel_loop3A_339 = arith.shli %parallel_loop3A_338, %and3A_27 : vector<16xi32>
        %parallel_loop3A_340 = arith.addi %parallel_loop3A_336, %parallel_loop3A_339 : vector<16xi32>
        %parallel_loop3A_341 = arith.addi %parallel_loop3A_326, %add3A_52 : vector<16xi32>
        %parallel_loop3A_342 = tpu.vector_load_idx %arg7[%parallel_loop3A_305, %parallel_loop3A_341] : memref<16x2048xi32, #tpu.memory_space<vmem>>[vector<16xi32>, vector<16xi32>], vector<16xi32>,
        %parallel_loop3A_343 = arith.shli %parallel_loop3A_342, %and3A_36 : vector<16xi32>
        %parallel_loop3A_344 = arith.addi %parallel_loop3A_340, %parallel_loop3A_343 : vector<16xi32>
        %parallel_loop3A_345 = arith.constant 10 : i32
        %parallel_loop3A_346 = vector.broadcast %parallel_loop3A_345 : i32 to vector<16xi32>
        %parallel_loop3A_347 = arith.shli %parallel_loop3A_344, %parallel_loop3A_346 : vector<16xi32>
        %parallel_loop3A_348 = arith.constant 16 : i32
        %parallel_loop3A_349 = arith.muli %parallel_loop3A_322, %parallel_loop3A_348 : i32
        %parallel_loop3A_350 = arith.constant 512 : i32
        %parallel_loop3A_351 = arith.addi %parallel_loop3A_350, %parallel_loop3A_349 : i32
        %parallel_loop3A_352 = vector.broadcast %parallel_loop3A_351 : i32 to vector<16xi32>
        %parallel_loop3A_353 = arith.addi %parallel_loop3A_347, %parallel_loop3A_352 : vector<16xi32>
        %parallel_loop3A_354 = arith.addi %parallel_loop3A_353, %iota3A : vector<16xi32>
        %parallel_loop3A_355 = tpu.vector_load_idx %arg5[%parallel_loop3A_354] : memref<16384xf32, #tpu.memory_space<vmem>>[vector<16xi32>], vector<16xf32>,
        %parallel_loop3A_356 = arith.addf %parallel_loop3A_323, %parallel_loop3A_355 : vector<16xf32>
        scf.yield %parallel_loop3A_356 : vector<16xf32>
      } {sc.loop_unroll_factor = 4 : i64, sc.parallel_access}
      %parallel_loop3A_312 = arith.constant true
      %parallel_loop3A_313 = vector.broadcast %parallel_loop3A_312 : i1 to vector<16xi1>
      %parallel_loop3A_314 = tpu.scan <sum>, %parallel_loop3A_311 masked %parallel_loop3A_313 : vector<16xf32>, vector<16xi1> -> vector<16xf32>
      %parallel_loop3A_315 = vector.extract %parallel_loop3A_314[15] : f32 from vector<16xf32>
      %parallel_loop3A_316 = tpu.vector_load_idx %arg8[%parallel_loop3A_305] : memref<16xf32, #tpu.memory_space<vmem>>[vector<16xi32>], vector<16xf32>,
      %parallel_loop3A_317 = vector.broadcast %parallel_loop3A_315 : f32 to vector<16xf32>
      %parallel_loop3A_318 = arith.addf %parallel_loop3A_316, %parallel_loop3A_317 : vector<16xf32>
      %parallel_loop3A_319 = arith.constant 0 : i32
      %parallel_loop3A_320 = vector.broadcast %parallel_loop3A_319 : i32 to vector<16xi32>
      %parallel_loop3A_321 = arith.cmpi eq, %iota3A, %parallel_loop3A_320 : vector<16xi32>
      tpu.vector_store_idx %arg8[%parallel_loop3A_305], %parallel_loop3A_318 masked %parallel_loop3A_321 : memref<16xf32, #tpu.memory_space<vmem>>[vector<16xi32>], vector<16xf32>, vector<16xi1>
    } {sc.loop_unroll_factor = 1 : i64, sc.parallel_access}
    %add3A_180 = arith.constant 48 : i32
    %add3A_181 = arith.addi %mul3A_2, %add3A_180 : i32
    "tpu.region"() ({
      %run_scoped3A = tpu.sem_alloc : memref<!tpu.dma_semaphore, #tpu.memory_space<semaphore_mem>>
      %dma_start3A_304 = tpu.memref_slice %arg4[%add3A_181] : memref<4096xf32, #tpu.memory_space<hbm>> -> memref<16xf32, #tpu.memory_space<hbm>>
      %dma_start3A_305 = tpu.memref_slice %arg4[%add3A_181] : memref<4096xf32, #tpu.memory_space<hbm>> -> memref<16xf32, #tpu.memory_space<hbm>>
      tpu.enqueue_dma source(%arg8 : memref<16xf32, #tpu.memory_space<vmem>>) target(%dma_start3A_305 : memref<16xf32, #tpu.memory_space<hbm>>) target_semaphore(%run_scoped3A : memref<!tpu.dma_semaphore, #tpu.memory_space<semaphore_mem>>)
      %dma_wait3A_306 = tpu.memref_slice %arg4[%add3A_181] : memref<4096xf32, #tpu.memory_space<hbm>> -> memref<16xf32, #tpu.memory_space<hbm>>
      %dma_wait3A_307 = tpu.memref_slice %arg4[%add3A_181] : memref<4096xf32, #tpu.memory_space<hbm>> -> memref<16xf32, #tpu.memory_space<hbm>>
      tpu.wait_dma2 semaphore(%run_scoped3A : memref<!tpu.dma_semaphore, #tpu.memory_space<semaphore_mem>>) src(%arg8 : memref<16xf32, #tpu.memory_space<vmem>>) dst(%dma_wait3A_307 : memref<16xf32, #tpu.memory_space<hbm>>)
      tpu.yield
    }) : () -> ()
    %dma_wait3A_182 = arith.constant 0 : i32
    %dma_wait3A_183 = tpu.memref_slice %arg2[%add3A_172, %dma_wait3A_182] : memref<4096x4096xi32, #tpu.memory_space<hbm>> -> memref<16x2048xi32, #tpu.memory_space<hbm>>
    %dma_wait3A_184 = arith.constant 0 : i32
    %dma_wait3A_185 = tpu.memref_slice %arg2[%add3A_172, %dma_wait3A_184] : memref<4096x4096xi32, #tpu.memory_space<hbm>> -> memref<16x2048xi32, #tpu.memory_space<hbm>>
    tpu.wait_dma2 semaphore(%arg9 : memref<!tpu.dma_semaphore, #tpu.memory_space<semaphore_mem>>) src(%dma_wait3A_185 : memref<16x2048xi32, #tpu.memory_space<hbm>>) dst(%arg6 : memref<16x2048xi32, #tpu.memory_space<vmem>>)
    %add3A_186 = arith.constant 64 : i32
    %add3A_187 = arith.addi %mul3A_2, %add3A_186 : i32
    %dma_start3A_188 = arith.constant 2048 : i32
    %dma_start3A_189 = tpu.memref_slice %arg2[%add3A_187, %dma_start3A_188] : memref<4096x4096xi32, #tpu.memory_space<hbm>> -> memref<16x2048xi32, #tpu.memory_space<hbm>>
    %dma_start3A_190 = arith.constant 2048 : i32
    %dma_start3A_191 = tpu.memref_slice %arg2[%add3A_187, %dma_start3A_190] : memref<4096x4096xi32, #tpu.memory_space<hbm>> -> memref<16x2048xi32, #tpu.memory_space<hbm>>
    tpu.enqueue_dma source(%dma_start3A_191 : memref<16x2048xi32, #tpu.memory_space<hbm>>) target(%arg7 : memref<16x2048xi32, #tpu.memory_space<vmem>>) target_semaphore(%arg10 : memref<!tpu.dma_semaphore, #tpu.memory_space<semaphore_mem>>)
    %broadcast_in_dim3A_192 = arith.constant 0.000000e+00 : f32
    %broadcast_in_dim3A_193 = vector.broadcast %broadcast_in_dim3A_192 : f32 to vector<16xf32>
    %swap3A_194 = arith.constant 0 : index
    %swap3A_195 = tpu.vector_load %arg8[%swap3A_194] {strides = array<i32>} : memref<16xf32, #tpu.memory_space<vmem>>, vector<16xf32>,
    tpu.vector_store %arg8[%swap3A_194], %broadcast_in_dim3A_193 {strides = array<i32>} : memref<16xf32, #tpu.memory_space<vmem>>, vector<16xf32>,
    %parallel_loop3A_196 = arith.constant 0 : i32
    %parallel_loop3A_197 = arith.constant 16 : i32
    %parallel_loop3A_198 = arith.constant 1 : i32
    scf.for %parallel_loop3A_304 = %parallel_loop3A_196 to %parallel_loop3A_197 step %parallel_loop3A_198  : i32 {
      %parallel_loop3A_305 = vector.broadcast %parallel_loop3A_304 : i32 to vector<16xi32>
      %parallel_loop3A_306 = arith.constant 0.000000e+00 : f32
      %parallel_loop3A_307 = vector.broadcast %parallel_loop3A_306 : f32 to vector<16xf32>
      %parallel_loop3A_308 = arith.constant 0 : i32
      %parallel_loop3A_309 = arith.constant 32 : i32
      %parallel_loop3A_310 = arith.constant 1 : i32
      %parallel_loop3A_311 = scf.for %parallel_loop3A_322 = %parallel_loop3A_308 to %parallel_loop3A_309 step %parallel_loop3A_310 iter_args(%parallel_loop3A_323 = %parallel_loop3A_307) -> (vector<16xf32>)  : i32 {
        %parallel_loop3A_324 = arith.constant 64 : i32
        %parallel_loop3A_325 = arith.muli %parallel_loop3A_322, %parallel_loop3A_324 : i32
        %parallel_loop3A_326 = vector.broadcast %parallel_loop3A_325 : i32 to vector<16xi32>
        %parallel_loop3A_327 = arith.constant 0 : i32
        %parallel_loop3A_328 = vector.broadcast %parallel_loop3A_327 : i32 to vector<16xi32>
        %parallel_loop3A_329 = arith.addi %parallel_loop3A_326, %add3A_40 : vector<16xi32>
        %parallel_loop3A_330 = tpu.vector_load_idx %arg6[%parallel_loop3A_305, %parallel_loop3A_329] : memref<16x2048xi32, #tpu.memory_space<vmem>>[vector<16xi32>, vector<16xi32>], vector<16xi32>,
        %parallel_loop3A_331 = arith.shli %parallel_loop3A_330, %and3A_9 : vector<16xi32>
        %parallel_loop3A_332 = arith.addi %parallel_loop3A_328, %parallel_loop3A_331 : vector<16xi32>
        %parallel_loop3A_333 = arith.addi %parallel_loop3A_326, %add3A_44 : vector<16xi32>
        %parallel_loop3A_334 = tpu.vector_load_idx %arg6[%parallel_loop3A_305, %parallel_loop3A_333] : memref<16x2048xi32, #tpu.memory_space<vmem>>[vector<16xi32>, vector<16xi32>], vector<16xi32>,
        %parallel_loop3A_335 = arith.shli %parallel_loop3A_334, %and3A_18 : vector<16xi32>
        %parallel_loop3A_336 = arith.addi %parallel_loop3A_332, %parallel_loop3A_335 : vector<16xi32>
        %parallel_loop3A_337 = arith.addi %parallel_loop3A_326, %add3A_48 : vector<16xi32>
        %parallel_loop3A_338 = tpu.vector_load_idx %arg6[%parallel_loop3A_305, %parallel_loop3A_337] : memref<16x2048xi32, #tpu.memory_space<vmem>>[vector<16xi32>, vector<16xi32>], vector<16xi32>,
        %parallel_loop3A_339 = arith.shli %parallel_loop3A_338, %and3A_27 : vector<16xi32>
        %parallel_loop3A_340 = arith.addi %parallel_loop3A_336, %parallel_loop3A_339 : vector<16xi32>
        %parallel_loop3A_341 = arith.addi %parallel_loop3A_326, %add3A_52 : vector<16xi32>
        %parallel_loop3A_342 = tpu.vector_load_idx %arg6[%parallel_loop3A_305, %parallel_loop3A_341] : memref<16x2048xi32, #tpu.memory_space<vmem>>[vector<16xi32>, vector<16xi32>], vector<16xi32>,
        %parallel_loop3A_343 = arith.shli %parallel_loop3A_342, %and3A_36 : vector<16xi32>
        %parallel_loop3A_344 = arith.addi %parallel_loop3A_340, %parallel_loop3A_343 : vector<16xi32>
        %parallel_loop3A_345 = arith.constant 10 : i32
        %parallel_loop3A_346 = vector.broadcast %parallel_loop3A_345 : i32 to vector<16xi32>
        %parallel_loop3A_347 = arith.shli %parallel_loop3A_344, %parallel_loop3A_346 : vector<16xi32>
        %parallel_loop3A_348 = arith.constant 16 : i32
        %parallel_loop3A_349 = arith.muli %parallel_loop3A_322, %parallel_loop3A_348 : i32
        %parallel_loop3A_350 = arith.constant 0 : i32
        %parallel_loop3A_351 = arith.addi %parallel_loop3A_350, %parallel_loop3A_349 : i32
        %parallel_loop3A_352 = vector.broadcast %parallel_loop3A_351 : i32 to vector<16xi32>
        %parallel_loop3A_353 = arith.addi %parallel_loop3A_347, %parallel_loop3A_352 : vector<16xi32>
        %parallel_loop3A_354 = arith.addi %parallel_loop3A_353, %iota3A : vector<16xi32>
        %parallel_loop3A_355 = tpu.vector_load_idx %arg5[%parallel_loop3A_354] : memref<16384xf32, #tpu.memory_space<vmem>>[vector<16xi32>], vector<16xf32>,
        %parallel_loop3A_356 = arith.addf %parallel_loop3A_323, %parallel_loop3A_355 : vector<16xf32>
        scf.yield %parallel_loop3A_356 : vector<16xf32>
      } {sc.loop_unroll_factor = 4 : i64, sc.parallel_access}
      %parallel_loop3A_312 = arith.constant true
      %parallel_loop3A_313 = vector.broadcast %parallel_loop3A_312 : i1 to vector<16xi1>
      %parallel_loop3A_314 = tpu.scan <sum>, %parallel_loop3A_311 masked %parallel_loop3A_313 : vector<16xf32>, vector<16xi1> -> vector<16xf32>
      %parallel_loop3A_315 = vector.extract %parallel_loop3A_314[15] : f32 from vector<16xf32>
      %parallel_loop3A_316 = tpu.vector_load_idx %arg8[%parallel_loop3A_305] : memref<16xf32, #tpu.memory_space<vmem>>[vector<16xi32>], vector<16xf32>,
      %parallel_loop3A_317 = vector.broadcast %parallel_loop3A_315 : f32 to vector<16xf32>
      %parallel_loop3A_318 = arith.addf %parallel_loop3A_316, %parallel_loop3A_317 : vector<16xf32>
      %parallel_loop3A_319 = arith.constant 0 : i32
      %parallel_loop3A_320 = vector.broadcast %parallel_loop3A_319 : i32 to vector<16xi32>
      %parallel_loop3A_321 = arith.cmpi eq, %iota3A, %parallel_loop3A_320 : vector<16xi32>
      tpu.vector_store_idx %arg8[%parallel_loop3A_305], %parallel_loop3A_318 masked %parallel_loop3A_321 : memref<16xf32, #tpu.memory_space<vmem>>[vector<16xi32>], vector<16xf32>, vector<16xi1>
    } {sc.loop_unroll_factor = 1 : i64, sc.parallel_access}
    %dma_wait3A_199 = arith.constant 2048 : i32
    %dma_wait3A_200 = tpu.memref_slice %arg2[%add3A_187, %dma_wait3A_199] : memref<4096x4096xi32, #tpu.memory_space<hbm>> -> memref<16x2048xi32, #tpu.memory_space<hbm>>
    %dma_wait3A_201 = arith.constant 2048 : i32
    %dma_wait3A_202 = tpu.memref_slice %arg2[%add3A_187, %dma_wait3A_201] : memref<4096x4096xi32, #tpu.memory_space<hbm>> -> memref<16x2048xi32, #tpu.memory_space<hbm>>
    tpu.wait_dma2 semaphore(%arg10 : memref<!tpu.dma_semaphore, #tpu.memory_space<semaphore_mem>>) src(%dma_wait3A_202 : memref<16x2048xi32, #tpu.memory_space<hbm>>) dst(%arg7 : memref<16x2048xi32, #tpu.memory_space<vmem>>)
    %add3A_203 = arith.constant 80 : i32
    %add3A_204 = arith.addi %mul3A_2, %add3A_203 : i32
    %dma_start3A_205 = arith.constant 0 : i32
    %dma_start3A_206 = tpu.memref_slice %arg2[%add3A_204, %dma_start3A_205] : memref<4096x4096xi32, #tpu.memory_space<hbm>> -> memref<16x2048xi32, #tpu.memory_space<hbm>>
    %dma_start3A_207 = arith.constant 0 : i32
    %dma_start3A_208 = tpu.memref_slice %arg2[%add3A_204, %dma_start3A_207] : memref<4096x4096xi32, #tpu.memory_space<hbm>> -> memref<16x2048xi32, #tpu.memory_space<hbm>>
    tpu.enqueue_dma source(%dma_start3A_208 : memref<16x2048xi32, #tpu.memory_space<hbm>>) target(%arg6 : memref<16x2048xi32, #tpu.memory_space<vmem>>) target_semaphore(%arg9 : memref<!tpu.dma_semaphore, #tpu.memory_space<semaphore_mem>>)
    %parallel_loop3A_209 = arith.constant 0 : i32
    %parallel_loop3A_210 = arith.constant 16 : i32
    %parallel_loop3A_211 = arith.constant 1 : i32
    scf.for %parallel_loop3A_304 = %parallel_loop3A_209 to %parallel_loop3A_210 step %parallel_loop3A_211  : i32 {
      %parallel_loop3A_305 = vector.broadcast %parallel_loop3A_304 : i32 to vector<16xi32>
      %parallel_loop3A_306 = arith.constant 0.000000e+00 : f32
      %parallel_loop3A_307 = vector.broadcast %parallel_loop3A_306 : f32 to vector<16xf32>
      %parallel_loop3A_308 = arith.constant 0 : i32
      %parallel_loop3A_309 = arith.constant 32 : i32
      %parallel_loop3A_310 = arith.constant 1 : i32
      %parallel_loop3A_311 = scf.for %parallel_loop3A_322 = %parallel_loop3A_308 to %parallel_loop3A_309 step %parallel_loop3A_310 iter_args(%parallel_loop3A_323 = %parallel_loop3A_307) -> (vector<16xf32>)  : i32 {
        %parallel_loop3A_324 = arith.constant 64 : i32
        %parallel_loop3A_325 = arith.muli %parallel_loop3A_322, %parallel_loop3A_324 : i32
        %parallel_loop3A_326 = vector.broadcast %parallel_loop3A_325 : i32 to vector<16xi32>
        %parallel_loop3A_327 = arith.constant 0 : i32
        %parallel_loop3A_328 = vector.broadcast %parallel_loop3A_327 : i32 to vector<16xi32>
        %parallel_loop3A_329 = arith.addi %parallel_loop3A_326, %add3A_40 : vector<16xi32>
        %parallel_loop3A_330 = tpu.vector_load_idx %arg7[%parallel_loop3A_305, %parallel_loop3A_329] : memref<16x2048xi32, #tpu.memory_space<vmem>>[vector<16xi32>, vector<16xi32>], vector<16xi32>,
        %parallel_loop3A_331 = arith.shli %parallel_loop3A_330, %and3A_9 : vector<16xi32>
        %parallel_loop3A_332 = arith.addi %parallel_loop3A_328, %parallel_loop3A_331 : vector<16xi32>
        %parallel_loop3A_333 = arith.addi %parallel_loop3A_326, %add3A_44 : vector<16xi32>
        %parallel_loop3A_334 = tpu.vector_load_idx %arg7[%parallel_loop3A_305, %parallel_loop3A_333] : memref<16x2048xi32, #tpu.memory_space<vmem>>[vector<16xi32>, vector<16xi32>], vector<16xi32>,
        %parallel_loop3A_335 = arith.shli %parallel_loop3A_334, %and3A_18 : vector<16xi32>
        %parallel_loop3A_336 = arith.addi %parallel_loop3A_332, %parallel_loop3A_335 : vector<16xi32>
        %parallel_loop3A_337 = arith.addi %parallel_loop3A_326, %add3A_48 : vector<16xi32>
        %parallel_loop3A_338 = tpu.vector_load_idx %arg7[%parallel_loop3A_305, %parallel_loop3A_337] : memref<16x2048xi32, #tpu.memory_space<vmem>>[vector<16xi32>, vector<16xi32>], vector<16xi32>,
        %parallel_loop3A_339 = arith.shli %parallel_loop3A_338, %and3A_27 : vector<16xi32>
        %parallel_loop3A_340 = arith.addi %parallel_loop3A_336, %parallel_loop3A_339 : vector<16xi32>
        %parallel_loop3A_341 = arith.addi %parallel_loop3A_326, %add3A_52 : vector<16xi32>
        %parallel_loop3A_342 = tpu.vector_load_idx %arg7[%parallel_loop3A_305, %parallel_loop3A_341] : memref<16x2048xi32, #tpu.memory_space<vmem>>[vector<16xi32>, vector<16xi32>], vector<16xi32>,
        %parallel_loop3A_343 = arith.shli %parallel_loop3A_342, %and3A_36 : vector<16xi32>
        %parallel_loop3A_344 = arith.addi %parallel_loop3A_340, %parallel_loop3A_343 : vector<16xi32>
        %parallel_loop3A_345 = arith.constant 10 : i32
        %parallel_loop3A_346 = vector.broadcast %parallel_loop3A_345 : i32 to vector<16xi32>
        %parallel_loop3A_347 = arith.shli %parallel_loop3A_344, %parallel_loop3A_346 : vector<16xi32>
        %parallel_loop3A_348 = arith.constant 16 : i32
        %parallel_loop3A_349 = arith.muli %parallel_loop3A_322, %parallel_loop3A_348 : i32
        %parallel_loop3A_350 = arith.constant 512 : i32
        %parallel_loop3A_351 = arith.addi %parallel_loop3A_350, %parallel_loop3A_349 : i32
        %parallel_loop3A_352 = vector.broadcast %parallel_loop3A_351 : i32 to vector<16xi32>
        %parallel_loop3A_353 = arith.addi %parallel_loop3A_347, %parallel_loop3A_352 : vector<16xi32>
        %parallel_loop3A_354 = arith.addi %parallel_loop3A_353, %iota3A : vector<16xi32>
        %parallel_loop3A_355 = tpu.vector_load_idx %arg5[%parallel_loop3A_354] : memref<16384xf32, #tpu.memory_space<vmem>>[vector<16xi32>], vector<16xf32>,
        %parallel_loop3A_356 = arith.addf %parallel_loop3A_323, %parallel_loop3A_355 : vector<16xf32>
        scf.yield %parallel_loop3A_356 : vector<16xf32>
      } {sc.loop_unroll_factor = 4 : i64, sc.parallel_access}
      %parallel_loop3A_312 = arith.constant true
      %parallel_loop3A_313 = vector.broadcast %parallel_loop3A_312 : i1 to vector<16xi1>
      %parallel_loop3A_314 = tpu.scan <sum>, %parallel_loop3A_311 masked %parallel_loop3A_313 : vector<16xf32>, vector<16xi1> -> vector<16xf32>
      %parallel_loop3A_315 = vector.extract %parallel_loop3A_314[15] : f32 from vector<16xf32>
      %parallel_loop3A_316 = tpu.vector_load_idx %arg8[%parallel_loop3A_305] : memref<16xf32, #tpu.memory_space<vmem>>[vector<16xi32>], vector<16xf32>,
      %parallel_loop3A_317 = vector.broadcast %parallel_loop3A_315 : f32 to vector<16xf32>
      %parallel_loop3A_318 = arith.addf %parallel_loop3A_316, %parallel_loop3A_317 : vector<16xf32>
      %parallel_loop3A_319 = arith.constant 0 : i32
      %parallel_loop3A_320 = vector.broadcast %parallel_loop3A_319 : i32 to vector<16xi32>
      %parallel_loop3A_321 = arith.cmpi eq, %iota3A, %parallel_loop3A_320 : vector<16xi32>
      tpu.vector_store_idx %arg8[%parallel_loop3A_305], %parallel_loop3A_318 masked %parallel_loop3A_321 : memref<16xf32, #tpu.memory_space<vmem>>[vector<16xi32>], vector<16xf32>, vector<16xi1>
    } {sc.loop_unroll_factor = 1 : i64, sc.parallel_access}
    %add3A_212 = arith.constant 64 : i32
    %add3A_213 = arith.addi %mul3A_2, %add3A_212 : i32
    "tpu.region"() ({
      %run_scoped3A = tpu.sem_alloc : memref<!tpu.dma_semaphore, #tpu.memory_space<semaphore_mem>>
      %dma_start3A_304 = tpu.memref_slice %arg4[%add3A_213] : memref<4096xf32, #tpu.memory_space<hbm>> -> memref<16xf32, #tpu.memory_space<hbm>>
      %dma_start3A_305 = tpu.memref_slice %arg4[%add3A_213] : memref<4096xf32, #tpu.memory_space<hbm>> -> memref<16xf32, #tpu.memory_space<hbm>>
      tpu.enqueue_dma source(%arg8 : memref<16xf32, #tpu.memory_space<vmem>>) target(%dma_start3A_305 : memref<16xf32, #tpu.memory_space<hbm>>) target_semaphore(%run_scoped3A : memref<!tpu.dma_semaphore, #tpu.memory_space<semaphore_mem>>)
      %dma_wait3A_306 = tpu.memref_slice %arg4[%add3A_213] : memref<4096xf32, #tpu.memory_space<hbm>> -> memref<16xf32, #tpu.memory_space<hbm>>
      %dma_wait3A_307 = tpu.memref_slice %arg4[%add3A_213] : memref<4096xf32, #tpu.memory_space<hbm>> -> memref<16xf32, #tpu.memory_space<hbm>>
      tpu.wait_dma2 semaphore(%run_scoped3A : memref<!tpu.dma_semaphore, #tpu.memory_space<semaphore_mem>>) src(%arg8 : memref<16xf32, #tpu.memory_space<vmem>>) dst(%dma_wait3A_307 : memref<16xf32, #tpu.memory_space<hbm>>)
      tpu.yield
    }) : () -> ()
    %dma_wait3A_214 = arith.constant 0 : i32
    %dma_wait3A_215 = tpu.memref_slice %arg2[%add3A_204, %dma_wait3A_214] : memref<4096x4096xi32, #tpu.memory_space<hbm>> -> memref<16x2048xi32, #tpu.memory_space<hbm>>
    %dma_wait3A_216 = arith.constant 0 : i32
    %dma_wait3A_217 = tpu.memref_slice %arg2[%add3A_204, %dma_wait3A_216] : memref<4096x4096xi32, #tpu.memory_space<hbm>> -> memref<16x2048xi32, #tpu.memory_space<hbm>>
    tpu.wait_dma2 semaphore(%arg9 : memref<!tpu.dma_semaphore, #tpu.memory_space<semaphore_mem>>) src(%dma_wait3A_217 : memref<16x2048xi32, #tpu.memory_space<hbm>>) dst(%arg6 : memref<16x2048xi32, #tpu.memory_space<vmem>>)
    %add3A_218 = arith.constant 80 : i32
    %add3A_219 = arith.addi %mul3A_2, %add3A_218 : i32
    %dma_start3A_220 = arith.constant 2048 : i32
    %dma_start3A_221 = tpu.memref_slice %arg2[%add3A_219, %dma_start3A_220] : memref<4096x4096xi32, #tpu.memory_space<hbm>> -> memref<16x2048xi32, #tpu.memory_space<hbm>>
    %dma_start3A_222 = arith.constant 2048 : i32
    %dma_start3A_223 = tpu.memref_slice %arg2[%add3A_219, %dma_start3A_222] : memref<4096x4096xi32, #tpu.memory_space<hbm>> -> memref<16x2048xi32, #tpu.memory_space<hbm>>
    tpu.enqueue_dma source(%dma_start3A_223 : memref<16x2048xi32, #tpu.memory_space<hbm>>) target(%arg7 : memref<16x2048xi32, #tpu.memory_space<vmem>>) target_semaphore(%arg10 : memref<!tpu.dma_semaphore, #tpu.memory_space<semaphore_mem>>)
    %broadcast_in_dim3A_224 = arith.constant 0.000000e+00 : f32
    %broadcast_in_dim3A_225 = vector.broadcast %broadcast_in_dim3A_224 : f32 to vector<16xf32>
    %swap3A_226 = arith.constant 0 : index
    %swap3A_227 = tpu.vector_load %arg8[%swap3A_226] {strides = array<i32>} : memref<16xf32, #tpu.memory_space<vmem>>, vector<16xf32>,
    tpu.vector_store %arg8[%swap3A_226], %broadcast_in_dim3A_225 {strides = array<i32>} : memref<16xf32, #tpu.memory_space<vmem>>, vector<16xf32>,
    %parallel_loop3A_228 = arith.constant 0 : i32
    %parallel_loop3A_229 = arith.constant 16 : i32
    %parallel_loop3A_230 = arith.constant 1 : i32
    scf.for %parallel_loop3A_304 = %parallel_loop3A_228 to %parallel_loop3A_229 step %parallel_loop3A_230  : i32 {
      %parallel_loop3A_305 = vector.broadcast %parallel_loop3A_304 : i32 to vector<16xi32>
      %parallel_loop3A_306 = arith.constant 0.000000e+00 : f32
      %parallel_loop3A_307 = vector.broadcast %parallel_loop3A_306 : f32 to vector<16xf32>
      %parallel_loop3A_308 = arith.constant 0 : i32
      %parallel_loop3A_309 = arith.constant 32 : i32
      %parallel_loop3A_310 = arith.constant 1 : i32
      %parallel_loop3A_311 = scf.for %parallel_loop3A_322 = %parallel_loop3A_308 to %parallel_loop3A_309 step %parallel_loop3A_310 iter_args(%parallel_loop3A_323 = %parallel_loop3A_307) -> (vector<16xf32>)  : i32 {
        %parallel_loop3A_324 = arith.constant 64 : i32
        %parallel_loop3A_325 = arith.muli %parallel_loop3A_322, %parallel_loop3A_324 : i32
        %parallel_loop3A_326 = vector.broadcast %parallel_loop3A_325 : i32 to vector<16xi32>
        %parallel_loop3A_327 = arith.constant 0 : i32
        %parallel_loop3A_328 = vector.broadcast %parallel_loop3A_327 : i32 to vector<16xi32>
        %parallel_loop3A_329 = arith.addi %parallel_loop3A_326, %add3A_40 : vector<16xi32>
        %parallel_loop3A_330 = tpu.vector_load_idx %arg6[%parallel_loop3A_305, %parallel_loop3A_329] : memref<16x2048xi32, #tpu.memory_space<vmem>>[vector<16xi32>, vector<16xi32>], vector<16xi32>,
        %parallel_loop3A_331 = arith.shli %parallel_loop3A_330, %and3A_9 : vector<16xi32>
        %parallel_loop3A_332 = arith.addi %parallel_loop3A_328, %parallel_loop3A_331 : vector<16xi32>
        %parallel_loop3A_333 = arith.addi %parallel_loop3A_326, %add3A_44 : vector<16xi32>
        %parallel_loop3A_334 = tpu.vector_load_idx %arg6[%parallel_loop3A_305, %parallel_loop3A_333] : memref<16x2048xi32, #tpu.memory_space<vmem>>[vector<16xi32>, vector<16xi32>], vector<16xi32>,
        %parallel_loop3A_335 = arith.shli %parallel_loop3A_334, %and3A_18 : vector<16xi32>
        %parallel_loop3A_336 = arith.addi %parallel_loop3A_332, %parallel_loop3A_335 : vector<16xi32>
        %parallel_loop3A_337 = arith.addi %parallel_loop3A_326, %add3A_48 : vector<16xi32>
        %parallel_loop3A_338 = tpu.vector_load_idx %arg6[%parallel_loop3A_305, %parallel_loop3A_337] : memref<16x2048xi32, #tpu.memory_space<vmem>>[vector<16xi32>, vector<16xi32>], vector<16xi32>,
        %parallel_loop3A_339 = arith.shli %parallel_loop3A_338, %and3A_27 : vector<16xi32>
        %parallel_loop3A_340 = arith.addi %parallel_loop3A_336, %parallel_loop3A_339 : vector<16xi32>
        %parallel_loop3A_341 = arith.addi %parallel_loop3A_326, %add3A_52 : vector<16xi32>
        %parallel_loop3A_342 = tpu.vector_load_idx %arg6[%parallel_loop3A_305, %parallel_loop3A_341] : memref<16x2048xi32, #tpu.memory_space<vmem>>[vector<16xi32>, vector<16xi32>], vector<16xi32>,
        %parallel_loop3A_343 = arith.shli %parallel_loop3A_342, %and3A_36 : vector<16xi32>
        %parallel_loop3A_344 = arith.addi %parallel_loop3A_340, %parallel_loop3A_343 : vector<16xi32>
        %parallel_loop3A_345 = arith.constant 10 : i32
        %parallel_loop3A_346 = vector.broadcast %parallel_loop3A_345 : i32 to vector<16xi32>
        %parallel_loop3A_347 = arith.shli %parallel_loop3A_344, %parallel_loop3A_346 : vector<16xi32>
        %parallel_loop3A_348 = arith.constant 16 : i32
        %parallel_loop3A_349 = arith.muli %parallel_loop3A_322, %parallel_loop3A_348 : i32
        %parallel_loop3A_350 = arith.constant 0 : i32
        %parallel_loop3A_351 = arith.addi %parallel_loop3A_350, %parallel_loop3A_349 : i32
        %parallel_loop3A_352 = vector.broadcast %parallel_loop3A_351 : i32 to vector<16xi32>
        %parallel_loop3A_353 = arith.addi %parallel_loop3A_347, %parallel_loop3A_352 : vector<16xi32>
        %parallel_loop3A_354 = arith.addi %parallel_loop3A_353, %iota3A : vector<16xi32>
        %parallel_loop3A_355 = tpu.vector_load_idx %arg5[%parallel_loop3A_354] : memref<16384xf32, #tpu.memory_space<vmem>>[vector<16xi32>], vector<16xf32>,
        %parallel_loop3A_356 = arith.addf %parallel_loop3A_323, %parallel_loop3A_355 : vector<16xf32>
        scf.yield %parallel_loop3A_356 : vector<16xf32>
      } {sc.loop_unroll_factor = 4 : i64, sc.parallel_access}
      %parallel_loop3A_312 = arith.constant true
      %parallel_loop3A_313 = vector.broadcast %parallel_loop3A_312 : i1 to vector<16xi1>
      %parallel_loop3A_314 = tpu.scan <sum>, %parallel_loop3A_311 masked %parallel_loop3A_313 : vector<16xf32>, vector<16xi1> -> vector<16xf32>
      %parallel_loop3A_315 = vector.extract %parallel_loop3A_314[15] : f32 from vector<16xf32>
      %parallel_loop3A_316 = tpu.vector_load_idx %arg8[%parallel_loop3A_305] : memref<16xf32, #tpu.memory_space<vmem>>[vector<16xi32>], vector<16xf32>,
      %parallel_loop3A_317 = vector.broadcast %parallel_loop3A_315 : f32 to vector<16xf32>
      %parallel_loop3A_318 = arith.addf %parallel_loop3A_316, %parallel_loop3A_317 : vector<16xf32>
      %parallel_loop3A_319 = arith.constant 0 : i32
      %parallel_loop3A_320 = vector.broadcast %parallel_loop3A_319 : i32 to vector<16xi32>
      %parallel_loop3A_321 = arith.cmpi eq, %iota3A, %parallel_loop3A_320 : vector<16xi32>
      tpu.vector_store_idx %arg8[%parallel_loop3A_305], %parallel_loop3A_318 masked %parallel_loop3A_321 : memref<16xf32, #tpu.memory_space<vmem>>[vector<16xi32>], vector<16xf32>, vector<16xi1>
    } {sc.loop_unroll_factor = 1 : i64, sc.parallel_access}
    %dma_wait3A_231 = arith.constant 2048 : i32
    %dma_wait3A_232 = tpu.memref_slice %arg2[%add3A_219, %dma_wait3A_231] : memref<4096x4096xi32, #tpu.memory_space<hbm>> -> memref<16x2048xi32, #tpu.memory_space<hbm>>
    %dma_wait3A_233 = arith.constant 2048 : i32
    %dma_wait3A_234 = tpu.memref_slice %arg2[%add3A_219, %dma_wait3A_233] : memref<4096x4096xi32, #tpu.memory_space<hbm>> -> memref<16x2048xi32, #tpu.memory_space<hbm>>
    tpu.wait_dma2 semaphore(%arg10 : memref<!tpu.dma_semaphore, #tpu.memory_space<semaphore_mem>>) src(%dma_wait3A_234 : memref<16x2048xi32, #tpu.memory_space<hbm>>) dst(%arg7 : memref<16x2048xi32, #tpu.memory_space<vmem>>)
    %add3A_235 = arith.constant 96 : i32
    %add3A_236 = arith.addi %mul3A_2, %add3A_235 : i32
    %dma_start3A_237 = arith.constant 0 : i32
    %dma_start3A_238 = tpu.memref_slice %arg2[%add3A_236, %dma_start3A_237] : memref<4096x4096xi32, #tpu.memory_space<hbm>> -> memref<16x2048xi32, #tpu.memory_space<hbm>>
    %dma_start3A_239 = arith.constant 0 : i32
    %dma_start3A_240 = tpu.memref_slice %arg2[%add3A_236, %dma_start3A_239] : memref<4096x4096xi32, #tpu.memory_space<hbm>> -> memref<16x2048xi32, #tpu.memory_space<hbm>>
    tpu.enqueue_dma source(%dma_start3A_240 : memref<16x2048xi32, #tpu.memory_space<hbm>>) target(%arg6 : memref<16x2048xi32, #tpu.memory_space<vmem>>) target_semaphore(%arg9 : memref<!tpu.dma_semaphore, #tpu.memory_space<semaphore_mem>>)
    %parallel_loop3A_241 = arith.constant 0 : i32
    %parallel_loop3A_242 = arith.constant 16 : i32
    %parallel_loop3A_243 = arith.constant 1 : i32
    scf.for %parallel_loop3A_304 = %parallel_loop3A_241 to %parallel_loop3A_242 step %parallel_loop3A_243  : i32 {
      %parallel_loop3A_305 = vector.broadcast %parallel_loop3A_304 : i32 to vector<16xi32>
      %parallel_loop3A_306 = arith.constant 0.000000e+00 : f32
      %parallel_loop3A_307 = vector.broadcast %parallel_loop3A_306 : f32 to vector<16xf32>
      %parallel_loop3A_308 = arith.constant 0 : i32
      %parallel_loop3A_309 = arith.constant 32 : i32
      %parallel_loop3A_310 = arith.constant 1 : i32
      %parallel_loop3A_311 = scf.for %parallel_loop3A_322 = %parallel_loop3A_308 to %parallel_loop3A_309 step %parallel_loop3A_310 iter_args(%parallel_loop3A_323 = %parallel_loop3A_307) -> (vector<16xf32>)  : i32 {
        %parallel_loop3A_324 = arith.constant 64 : i32
        %parallel_loop3A_325 = arith.muli %parallel_loop3A_322, %parallel_loop3A_324 : i32
        %parallel_loop3A_326 = vector.broadcast %parallel_loop3A_325 : i32 to vector<16xi32>
        %parallel_loop3A_327 = arith.constant 0 : i32
        %parallel_loop3A_328 = vector.broadcast %parallel_loop3A_327 : i32 to vector<16xi32>
        %parallel_loop3A_329 = arith.addi %parallel_loop3A_326, %add3A_40 : vector<16xi32>
        %parallel_loop3A_330 = tpu.vector_load_idx %arg7[%parallel_loop3A_305, %parallel_loop3A_329] : memref<16x2048xi32, #tpu.memory_space<vmem>>[vector<16xi32>, vector<16xi32>], vector<16xi32>,
        %parallel_loop3A_331 = arith.shli %parallel_loop3A_330, %and3A_9 : vector<16xi32>
        %parallel_loop3A_332 = arith.addi %parallel_loop3A_328, %parallel_loop3A_331 : vector<16xi32>
        %parallel_loop3A_333 = arith.addi %parallel_loop3A_326, %add3A_44 : vector<16xi32>
        %parallel_loop3A_334 = tpu.vector_load_idx %arg7[%parallel_loop3A_305, %parallel_loop3A_333] : memref<16x2048xi32, #tpu.memory_space<vmem>>[vector<16xi32>, vector<16xi32>], vector<16xi32>,
        %parallel_loop3A_335 = arith.shli %parallel_loop3A_334, %and3A_18 : vector<16xi32>
        %parallel_loop3A_336 = arith.addi %parallel_loop3A_332, %parallel_loop3A_335 : vector<16xi32>
        %parallel_loop3A_337 = arith.addi %parallel_loop3A_326, %add3A_48 : vector<16xi32>
        %parallel_loop3A_338 = tpu.vector_load_idx %arg7[%parallel_loop3A_305, %parallel_loop3A_337] : memref<16x2048xi32, #tpu.memory_space<vmem>>[vector<16xi32>, vector<16xi32>], vector<16xi32>,
        %parallel_loop3A_339 = arith.shli %parallel_loop3A_338, %and3A_27 : vector<16xi32>
        %parallel_loop3A_340 = arith.addi %parallel_loop3A_336, %parallel_loop3A_339 : vector<16xi32>
        %parallel_loop3A_341 = arith.addi %parallel_loop3A_326, %add3A_52 : vector<16xi32>
        %parallel_loop3A_342 = tpu.vector_load_idx %arg7[%parallel_loop3A_305, %parallel_loop3A_341] : memref<16x2048xi32, #tpu.memory_space<vmem>>[vector<16xi32>, vector<16xi32>], vector<16xi32>,
        %parallel_loop3A_343 = arith.shli %parallel_loop3A_342, %and3A_36 : vector<16xi32>
        %parallel_loop3A_344 = arith.addi %parallel_loop3A_340, %parallel_loop3A_343 : vector<16xi32>
        %parallel_loop3A_345 = arith.constant 10 : i32
        %parallel_loop3A_346 = vector.broadcast %parallel_loop3A_345 : i32 to vector<16xi32>
        %parallel_loop3A_347 = arith.shli %parallel_loop3A_344, %parallel_loop3A_346 : vector<16xi32>
        %parallel_loop3A_348 = arith.constant 16 : i32
        %parallel_loop3A_349 = arith.muli %parallel_loop3A_322, %parallel_loop3A_348 : i32
        %parallel_loop3A_350 = arith.constant 512 : i32
        %parallel_loop3A_351 = arith.addi %parallel_loop3A_350, %parallel_loop3A_349 : i32
        %parallel_loop3A_352 = vector.broadcast %parallel_loop3A_351 : i32 to vector<16xi32>
        %parallel_loop3A_353 = arith.addi %parallel_loop3A_347, %parallel_loop3A_352 : vector<16xi32>
        %parallel_loop3A_354 = arith.addi %parallel_loop3A_353, %iota3A : vector<16xi32>
        %parallel_loop3A_355 = tpu.vector_load_idx %arg5[%parallel_loop3A_354] : memref<16384xf32, #tpu.memory_space<vmem>>[vector<16xi32>], vector<16xf32>,
        %parallel_loop3A_356 = arith.addf %parallel_loop3A_323, %parallel_loop3A_355 : vector<16xf32>
        scf.yield %parallel_loop3A_356 : vector<16xf32>
      } {sc.loop_unroll_factor = 4 : i64, sc.parallel_access}
      %parallel_loop3A_312 = arith.constant true
      %parallel_loop3A_313 = vector.broadcast %parallel_loop3A_312 : i1 to vector<16xi1>
      %parallel_loop3A_314 = tpu.scan <sum>, %parallel_loop3A_311 masked %parallel_loop3A_313 : vector<16xf32>, vector<16xi1> -> vector<16xf32>
      %parallel_loop3A_315 = vector.extract %parallel_loop3A_314[15] : f32 from vector<16xf32>
      %parallel_loop3A_316 = tpu.vector_load_idx %arg8[%parallel_loop3A_305] : memref<16xf32, #tpu.memory_space<vmem>>[vector<16xi32>], vector<16xf32>,
      %parallel_loop3A_317 = vector.broadcast %parallel_loop3A_315 : f32 to vector<16xf32>
      %parallel_loop3A_318 = arith.addf %parallel_loop3A_316, %parallel_loop3A_317 : vector<16xf32>
      %parallel_loop3A_319 = arith.constant 0 : i32
      %parallel_loop3A_320 = vector.broadcast %parallel_loop3A_319 : i32 to vector<16xi32>
      %parallel_loop3A_321 = arith.cmpi eq, %iota3A, %parallel_loop3A_320 : vector<16xi32>
      tpu.vector_store_idx %arg8[%parallel_loop3A_305], %parallel_loop3A_318 masked %parallel_loop3A_321 : memref<16xf32, #tpu.memory_space<vmem>>[vector<16xi32>], vector<16xf32>, vector<16xi1>
    } {sc.loop_unroll_factor = 1 : i64, sc.parallel_access}
    %add3A_244 = arith.constant 80 : i32
    %add3A_245 = arith.addi %mul3A_2, %add3A_244 : i32
    "tpu.region"() ({
      %run_scoped3A = tpu.sem_alloc : memref<!tpu.dma_semaphore, #tpu.memory_space<semaphore_mem>>
      %dma_start3A_304 = tpu.memref_slice %arg4[%add3A_245] : memref<4096xf32, #tpu.memory_space<hbm>> -> memref<16xf32, #tpu.memory_space<hbm>>
      %dma_start3A_305 = tpu.memref_slice %arg4[%add3A_245] : memref<4096xf32, #tpu.memory_space<hbm>> -> memref<16xf32, #tpu.memory_space<hbm>>
      tpu.enqueue_dma source(%arg8 : memref<16xf32, #tpu.memory_space<vmem>>) target(%dma_start3A_305 : memref<16xf32, #tpu.memory_space<hbm>>) target_semaphore(%run_scoped3A : memref<!tpu.dma_semaphore, #tpu.memory_space<semaphore_mem>>)
      %dma_wait3A_306 = tpu.memref_slice %arg4[%add3A_245] : memref<4096xf32, #tpu.memory_space<hbm>> -> memref<16xf32, #tpu.memory_space<hbm>>
      %dma_wait3A_307 = tpu.memref_slice %arg4[%add3A_245] : memref<4096xf32, #tpu.memory_space<hbm>> -> memref<16xf32, #tpu.memory_space<hbm>>
      tpu.wait_dma2 semaphore(%run_scoped3A : memref<!tpu.dma_semaphore, #tpu.memory_space<semaphore_mem>>) src(%arg8 : memref<16xf32, #tpu.memory_space<vmem>>) dst(%dma_wait3A_307 : memref<16xf32, #tpu.memory_space<hbm>>)
      tpu.yield
    }) : () -> ()
    %dma_wait3A_246 = arith.constant 0 : i32
    %dma_wait3A_247 = tpu.memref_slice %arg2[%add3A_236, %dma_wait3A_246] : memref<4096x4096xi32, #tpu.memory_space<hbm>> -> memref<16x2048xi32, #tpu.memory_space<hbm>>
    %dma_wait3A_248 = arith.constant 0 : i32
    %dma_wait3A_249 = tpu.memref_slice %arg2[%add3A_236, %dma_wait3A_248] : memref<4096x4096xi32, #tpu.memory_space<hbm>> -> memref<16x2048xi32, #tpu.memory_space<hbm>>
    tpu.wait_dma2 semaphore(%arg9 : memref<!tpu.dma_semaphore, #tpu.memory_space<semaphore_mem>>) src(%dma_wait3A_249 : memref<16x2048xi32, #tpu.memory_space<hbm>>) dst(%arg6 : memref<16x2048xi32, #tpu.memory_space<vmem>>)
    %add3A_250 = arith.constant 96 : i32
    %add3A_251 = arith.addi %mul3A_2, %add3A_250 : i32
    %dma_start3A_252 = arith.constant 2048 : i32
    %dma_start3A_253 = tpu.memref_slice %arg2[%add3A_251, %dma_start3A_252] : memref<4096x4096xi32, #tpu.memory_space<hbm>> -> memref<16x2048xi32, #tpu.memory_space<hbm>>
    %dma_start3A_254 = arith.constant 2048 : i32
    %dma_start3A_255 = tpu.memref_slice %arg2[%add3A_251, %dma_start3A_254] : memref<4096x4096xi32, #tpu.memory_space<hbm>> -> memref<16x2048xi32, #tpu.memory_space<hbm>>
    tpu.enqueue_dma source(%dma_start3A_255 : memref<16x2048xi32, #tpu.memory_space<hbm>>) target(%arg7 : memref<16x2048xi32, #tpu.memory_space<vmem>>) target_semaphore(%arg10 : memref<!tpu.dma_semaphore, #tpu.memory_space<semaphore_mem>>)
    %broadcast_in_dim3A_256 = arith.constant 0.000000e+00 : f32
    %broadcast_in_dim3A_257 = vector.broadcast %broadcast_in_dim3A_256 : f32 to vector<16xf32>
    %swap3A_258 = arith.constant 0 : index
    %swap3A_259 = tpu.vector_load %arg8[%swap3A_258] {strides = array<i32>} : memref<16xf32, #tpu.memory_space<vmem>>, vector<16xf32>,
    tpu.vector_store %arg8[%swap3A_258], %broadcast_in_dim3A_257 {strides = array<i32>} : memref<16xf32, #tpu.memory_space<vmem>>, vector<16xf32>,
    %parallel_loop3A_260 = arith.constant 0 : i32
    %parallel_loop3A_261 = arith.constant 16 : i32
    %parallel_loop3A_262 = arith.constant 1 : i32
    scf.for %parallel_loop3A_304 = %parallel_loop3A_260 to %parallel_loop3A_261 step %parallel_loop3A_262  : i32 {
      %parallel_loop3A_305 = vector.broadcast %parallel_loop3A_304 : i32 to vector<16xi32>
      %parallel_loop3A_306 = arith.constant 0.000000e+00 : f32
      %parallel_loop3A_307 = vector.broadcast %parallel_loop3A_306 : f32 to vector<16xf32>
      %parallel_loop3A_308 = arith.constant 0 : i32
      %parallel_loop3A_309 = arith.constant 32 : i32
      %parallel_loop3A_310 = arith.constant 1 : i32
      %parallel_loop3A_311 = scf.for %parallel_loop3A_322 = %parallel_loop3A_308 to %parallel_loop3A_309 step %parallel_loop3A_310 iter_args(%parallel_loop3A_323 = %parallel_loop3A_307) -> (vector<16xf32>)  : i32 {
        %parallel_loop3A_324 = arith.constant 64 : i32
        %parallel_loop3A_325 = arith.muli %parallel_loop3A_322, %parallel_loop3A_324 : i32
        %parallel_loop3A_326 = vector.broadcast %parallel_loop3A_325 : i32 to vector<16xi32>
        %parallel_loop3A_327 = arith.constant 0 : i32
        %parallel_loop3A_328 = vector.broadcast %parallel_loop3A_327 : i32 to vector<16xi32>
        %parallel_loop3A_329 = arith.addi %parallel_loop3A_326, %add3A_40 : vector<16xi32>
        %parallel_loop3A_330 = tpu.vector_load_idx %arg6[%parallel_loop3A_305, %parallel_loop3A_329] : memref<16x2048xi32, #tpu.memory_space<vmem>>[vector<16xi32>, vector<16xi32>], vector<16xi32>,
        %parallel_loop3A_331 = arith.shli %parallel_loop3A_330, %and3A_9 : vector<16xi32>
        %parallel_loop3A_332 = arith.addi %parallel_loop3A_328, %parallel_loop3A_331 : vector<16xi32>
        %parallel_loop3A_333 = arith.addi %parallel_loop3A_326, %add3A_44 : vector<16xi32>
        %parallel_loop3A_334 = tpu.vector_load_idx %arg6[%parallel_loop3A_305, %parallel_loop3A_333] : memref<16x2048xi32, #tpu.memory_space<vmem>>[vector<16xi32>, vector<16xi32>], vector<16xi32>,
        %parallel_loop3A_335 = arith.shli %parallel_loop3A_334, %and3A_18 : vector<16xi32>
        %parallel_loop3A_336 = arith.addi %parallel_loop3A_332, %parallel_loop3A_335 : vector<16xi32>
        %parallel_loop3A_337 = arith.addi %parallel_loop3A_326, %add3A_48 : vector<16xi32>
        %parallel_loop3A_338 = tpu.vector_load_idx %arg6[%parallel_loop3A_305, %parallel_loop3A_337] : memref<16x2048xi32, #tpu.memory_space<vmem>>[vector<16xi32>, vector<16xi32>], vector<16xi32>,
        %parallel_loop3A_339 = arith.shli %parallel_loop3A_338, %and3A_27 : vector<16xi32>
        %parallel_loop3A_340 = arith.addi %parallel_loop3A_336, %parallel_loop3A_339 : vector<16xi32>
        %parallel_loop3A_341 = arith.addi %parallel_loop3A_326, %add3A_52 : vector<16xi32>
        %parallel_loop3A_342 = tpu.vector_load_idx %arg6[%parallel_loop3A_305, %parallel_loop3A_341] : memref<16x2048xi32, #tpu.memory_space<vmem>>[vector<16xi32>, vector<16xi32>], vector<16xi32>,
        %parallel_loop3A_343 = arith.shli %parallel_loop3A_342, %and3A_36 : vector<16xi32>
        %parallel_loop3A_344 = arith.addi %parallel_loop3A_340, %parallel_loop3A_343 : vector<16xi32>
        %parallel_loop3A_345 = arith.constant 10 : i32
        %parallel_loop3A_346 = vector.broadcast %parallel_loop3A_345 : i32 to vector<16xi32>
        %parallel_loop3A_347 = arith.shli %parallel_loop3A_344, %parallel_loop3A_346 : vector<16xi32>
        %parallel_loop3A_348 = arith.constant 16 : i32
        %parallel_loop3A_349 = arith.muli %parallel_loop3A_322, %parallel_loop3A_348 : i32
        %parallel_loop3A_350 = arith.constant 0 : i32
        %parallel_loop3A_351 = arith.addi %parallel_loop3A_350, %parallel_loop3A_349 : i32
        %parallel_loop3A_352 = vector.broadcast %parallel_loop3A_351 : i32 to vector<16xi32>
        %parallel_loop3A_353 = arith.addi %parallel_loop3A_347, %parallel_loop3A_352 : vector<16xi32>
        %parallel_loop3A_354 = arith.addi %parallel_loop3A_353, %iota3A : vector<16xi32>
        %parallel_loop3A_355 = tpu.vector_load_idx %arg5[%parallel_loop3A_354] : memref<16384xf32, #tpu.memory_space<vmem>>[vector<16xi32>], vector<16xf32>,
        %parallel_loop3A_356 = arith.addf %parallel_loop3A_323, %parallel_loop3A_355 : vector<16xf32>
        scf.yield %parallel_loop3A_356 : vector<16xf32>
      } {sc.loop_unroll_factor = 4 : i64, sc.parallel_access}
      %parallel_loop3A_312 = arith.constant true
      %parallel_loop3A_313 = vector.broadcast %parallel_loop3A_312 : i1 to vector<16xi1>
      %parallel_loop3A_314 = tpu.scan <sum>, %parallel_loop3A_311 masked %parallel_loop3A_313 : vector<16xf32>, vector<16xi1> -> vector<16xf32>
      %parallel_loop3A_315 = vector.extract %parallel_loop3A_314[15] : f32 from vector<16xf32>
      %parallel_loop3A_316 = tpu.vector_load_idx %arg8[%parallel_loop3A_305] : memref<16xf32, #tpu.memory_space<vmem>>[vector<16xi32>], vector<16xf32>,
      %parallel_loop3A_317 = vector.broadcast %parallel_loop3A_315 : f32 to vector<16xf32>
      %parallel_loop3A_318 = arith.addf %parallel_loop3A_316, %parallel_loop3A_317 : vector<16xf32>
      %parallel_loop3A_319 = arith.constant 0 : i32
      %parallel_loop3A_320 = vector.broadcast %parallel_loop3A_319 : i32 to vector<16xi32>
      %parallel_loop3A_321 = arith.cmpi eq, %iota3A, %parallel_loop3A_320 : vector<16xi32>
      tpu.vector_store_idx %arg8[%parallel_loop3A_305], %parallel_loop3A_318 masked %parallel_loop3A_321 : memref<16xf32, #tpu.memory_space<vmem>>[vector<16xi32>], vector<16xf32>, vector<16xi1>
    } {sc.loop_unroll_factor = 1 : i64, sc.parallel_access}
    %dma_wait3A_263 = arith.constant 2048 : i32
    %dma_wait3A_264 = tpu.memref_slice %arg2[%add3A_251, %dma_wait3A_263] : memref<4096x4096xi32, #tpu.memory_space<hbm>> -> memref<16x2048xi32, #tpu.memory_space<hbm>>
    %dma_wait3A_265 = arith.constant 2048 : i32
    %dma_wait3A_266 = tpu.memref_slice %arg2[%add3A_251, %dma_wait3A_265] : memref<4096x4096xi32, #tpu.memory_space<hbm>> -> memref<16x2048xi32, #tpu.memory_space<hbm>>
    tpu.wait_dma2 semaphore(%arg10 : memref<!tpu.dma_semaphore, #tpu.memory_space<semaphore_mem>>) src(%dma_wait3A_266 : memref<16x2048xi32, #tpu.memory_space<hbm>>) dst(%arg7 : memref<16x2048xi32, #tpu.memory_space<vmem>>)
    %add3A_267 = arith.constant 112 : i32
    %add3A_268 = arith.addi %mul3A_2, %add3A_267 : i32
    %dma_start3A_269 = arith.constant 0 : i32
    %dma_start3A_270 = tpu.memref_slice %arg2[%add3A_268, %dma_start3A_269] : memref<4096x4096xi32, #tpu.memory_space<hbm>> -> memref<16x2048xi32, #tpu.memory_space<hbm>>
    %dma_start3A_271 = arith.constant 0 : i32
    %dma_start3A_272 = tpu.memref_slice %arg2[%add3A_268, %dma_start3A_271] : memref<4096x4096xi32, #tpu.memory_space<hbm>> -> memref<16x2048xi32, #tpu.memory_space<hbm>>
    tpu.enqueue_dma source(%dma_start3A_272 : memref<16x2048xi32, #tpu.memory_space<hbm>>) target(%arg6 : memref<16x2048xi32, #tpu.memory_space<vmem>>) target_semaphore(%arg9 : memref<!tpu.dma_semaphore, #tpu.memory_space<semaphore_mem>>)
    %parallel_loop3A_273 = arith.constant 0 : i32
    %parallel_loop3A_274 = arith.constant 16 : i32
    %parallel_loop3A_275 = arith.constant 1 : i32
    scf.for %parallel_loop3A_304 = %parallel_loop3A_273 to %parallel_loop3A_274 step %parallel_loop3A_275  : i32 {
      %parallel_loop3A_305 = vector.broadcast %parallel_loop3A_304 : i32 to vector<16xi32>
      %parallel_loop3A_306 = arith.constant 0.000000e+00 : f32
      %parallel_loop3A_307 = vector.broadcast %parallel_loop3A_306 : f32 to vector<16xf32>
      %parallel_loop3A_308 = arith.constant 0 : i32
      %parallel_loop3A_309 = arith.constant 32 : i32
      %parallel_loop3A_310 = arith.constant 1 : i32
      %parallel_loop3A_311 = scf.for %parallel_loop3A_322 = %parallel_loop3A_308 to %parallel_loop3A_309 step %parallel_loop3A_310 iter_args(%parallel_loop3A_323 = %parallel_loop3A_307) -> (vector<16xf32>)  : i32 {
        %parallel_loop3A_324 = arith.constant 64 : i32
        %parallel_loop3A_325 = arith.muli %parallel_loop3A_322, %parallel_loop3A_324 : i32
        %parallel_loop3A_326 = vector.broadcast %parallel_loop3A_325 : i32 to vector<16xi32>
        %parallel_loop3A_327 = arith.constant 0 : i32
        %parallel_loop3A_328 = vector.broadcast %parallel_loop3A_327 : i32 to vector<16xi32>
        %parallel_loop3A_329 = arith.addi %parallel_loop3A_326, %add3A_40 : vector<16xi32>
        %parallel_loop3A_330 = tpu.vector_load_idx %arg7[%parallel_loop3A_305, %parallel_loop3A_329] : memref<16x2048xi32, #tpu.memory_space<vmem>>[vector<16xi32>, vector<16xi32>], vector<16xi32>,
        %parallel_loop3A_331 = arith.shli %parallel_loop3A_330, %and3A_9 : vector<16xi32>
        %parallel_loop3A_332 = arith.addi %parallel_loop3A_328, %parallel_loop3A_331 : vector<16xi32>
        %parallel_loop3A_333 = arith.addi %parallel_loop3A_326, %add3A_44 : vector<16xi32>
        %parallel_loop3A_334 = tpu.vector_load_idx %arg7[%parallel_loop3A_305, %parallel_loop3A_333] : memref<16x2048xi32, #tpu.memory_space<vmem>>[vector<16xi32>, vector<16xi32>], vector<16xi32>,
        %parallel_loop3A_335 = arith.shli %parallel_loop3A_334, %and3A_18 : vector<16xi32>
        %parallel_loop3A_336 = arith.addi %parallel_loop3A_332, %parallel_loop3A_335 : vector<16xi32>
        %parallel_loop3A_337 = arith.addi %parallel_loop3A_326, %add3A_48 : vector<16xi32>
        %parallel_loop3A_338 = tpu.vector_load_idx %arg7[%parallel_loop3A_305, %parallel_loop3A_337] : memref<16x2048xi32, #tpu.memory_space<vmem>>[vector<16xi32>, vector<16xi32>], vector<16xi32>,
        %parallel_loop3A_339 = arith.shli %parallel_loop3A_338, %and3A_27 : vector<16xi32>
        %parallel_loop3A_340 = arith.addi %parallel_loop3A_336, %parallel_loop3A_339 : vector<16xi32>
        %parallel_loop3A_341 = arith.addi %parallel_loop3A_326, %add3A_52 : vector<16xi32>
        %parallel_loop3A_342 = tpu.vector_load_idx %arg7[%parallel_loop3A_305, %parallel_loop3A_341] : memref<16x2048xi32, #tpu.memory_space<vmem>>[vector<16xi32>, vector<16xi32>], vector<16xi32>,
        %parallel_loop3A_343 = arith.shli %parallel_loop3A_342, %and3A_36 : vector<16xi32>
        %parallel_loop3A_344 = arith.addi %parallel_loop3A_340, %parallel_loop3A_343 : vector<16xi32>
        %parallel_loop3A_345 = arith.constant 10 : i32
        %parallel_loop3A_346 = vector.broadcast %parallel_loop3A_345 : i32 to vector<16xi32>
        %parallel_loop3A_347 = arith.shli %parallel_loop3A_344, %parallel_loop3A_346 : vector<16xi32>
        %parallel_loop3A_348 = arith.constant 16 : i32
        %parallel_loop3A_349 = arith.muli %parallel_loop3A_322, %parallel_loop3A_348 : i32
        %parallel_loop3A_350 = arith.constant 512 : i32
        %parallel_loop3A_351 = arith.addi %parallel_loop3A_350, %parallel_loop3A_349 : i32
        %parallel_loop3A_352 = vector.broadcast %parallel_loop3A_351 : i32 to vector<16xi32>
        %parallel_loop3A_353 = arith.addi %parallel_loop3A_347, %parallel_loop3A_352 : vector<16xi32>
        %parallel_loop3A_354 = arith.addi %parallel_loop3A_353, %iota3A : vector<16xi32>
        %parallel_loop3A_355 = tpu.vector_load_idx %arg5[%parallel_loop3A_354] : memref<16384xf32, #tpu.memory_space<vmem>>[vector<16xi32>], vector<16xf32>,
        %parallel_loop3A_356 = arith.addf %parallel_loop3A_323, %parallel_loop3A_355 : vector<16xf32>
        scf.yield %parallel_loop3A_356 : vector<16xf32>
      } {sc.loop_unroll_factor = 4 : i64, sc.parallel_access}
      %parallel_loop3A_312 = arith.constant true
      %parallel_loop3A_313 = vector.broadcast %parallel_loop3A_312 : i1 to vector<16xi1>
      %parallel_loop3A_314 = tpu.scan <sum>, %parallel_loop3A_311 masked %parallel_loop3A_313 : vector<16xf32>, vector<16xi1> -> vector<16xf32>
      %parallel_loop3A_315 = vector.extract %parallel_loop3A_314[15] : f32 from vector<16xf32>
      %parallel_loop3A_316 = tpu.vector_load_idx %arg8[%parallel_loop3A_305] : memref<16xf32, #tpu.memory_space<vmem>>[vector<16xi32>], vector<16xf32>,
      %parallel_loop3A_317 = vector.broadcast %parallel_loop3A_315 : f32 to vector<16xf32>
      %parallel_loop3A_318 = arith.addf %parallel_loop3A_316, %parallel_loop3A_317 : vector<16xf32>
      %parallel_loop3A_319 = arith.constant 0 : i32
      %parallel_loop3A_320 = vector.broadcast %parallel_loop3A_319 : i32 to vector<16xi32>
      %parallel_loop3A_321 = arith.cmpi eq, %iota3A, %parallel_loop3A_320 : vector<16xi32>
      tpu.vector_store_idx %arg8[%parallel_loop3A_305], %parallel_loop3A_318 masked %parallel_loop3A_321 : memref<16xf32, #tpu.memory_space<vmem>>[vector<16xi32>], vector<16xf32>, vector<16xi1>
    } {sc.loop_unroll_factor = 1 : i64, sc.parallel_access}
    %add3A_276 = arith.constant 96 : i32
    %add3A_277 = arith.addi %mul3A_2, %add3A_276 : i32
    "tpu.region"() ({
      %run_scoped3A = tpu.sem_alloc : memref<!tpu.dma_semaphore, #tpu.memory_space<semaphore_mem>>
      %dma_start3A_304 = tpu.memref_slice %arg4[%add3A_277] : memref<4096xf32, #tpu.memory_space<hbm>> -> memref<16xf32, #tpu.memory_space<hbm>>
      %dma_start3A_305 = tpu.memref_slice %arg4[%add3A_277] : memref<4096xf32, #tpu.memory_space<hbm>> -> memref<16xf32, #tpu.memory_space<hbm>>
      tpu.enqueue_dma source(%arg8 : memref<16xf32, #tpu.memory_space<vmem>>) target(%dma_start3A_305 : memref<16xf32, #tpu.memory_space<hbm>>) target_semaphore(%run_scoped3A : memref<!tpu.dma_semaphore, #tpu.memory_space<semaphore_mem>>)
      %dma_wait3A_306 = tpu.memref_slice %arg4[%add3A_277] : memref<4096xf32, #tpu.memory_space<hbm>> -> memref<16xf32, #tpu.memory_space<hbm>>
      %dma_wait3A_307 = tpu.memref_slice %arg4[%add3A_277] : memref<4096xf32, #tpu.memory_space<hbm>> -> memref<16xf32, #tpu.memory_space<hbm>>
      tpu.wait_dma2 semaphore(%run_scoped3A : memref<!tpu.dma_semaphore, #tpu.memory_space<semaphore_mem>>) src(%arg8 : memref<16xf32, #tpu.memory_space<vmem>>) dst(%dma_wait3A_307 : memref<16xf32, #tpu.memory_space<hbm>>)
      tpu.yield
    }) : () -> ()
    %dma_wait3A_278 = arith.constant 0 : i32
    %dma_wait3A_279 = tpu.memref_slice %arg2[%add3A_268, %dma_wait3A_278] : memref<4096x4096xi32, #tpu.memory_space<hbm>> -> memref<16x2048xi32, #tpu.memory_space<hbm>>
    %dma_wait3A_280 = arith.constant 0 : i32
    %dma_wait3A_281 = tpu.memref_slice %arg2[%add3A_268, %dma_wait3A_280] : memref<4096x4096xi32, #tpu.memory_space<hbm>> -> memref<16x2048xi32, #tpu.memory_space<hbm>>
    tpu.wait_dma2 semaphore(%arg9 : memref<!tpu.dma_semaphore, #tpu.memory_space<semaphore_mem>>) src(%dma_wait3A_281 : memref<16x2048xi32, #tpu.memory_space<hbm>>) dst(%arg6 : memref<16x2048xi32, #tpu.memory_space<vmem>>)
    %add3A_282 = arith.constant 112 : i32
    %add3A_283 = arith.addi %mul3A_2, %add3A_282 : i32
    %dma_start3A_284 = arith.constant 2048 : i32
    %dma_start3A_285 = tpu.memref_slice %arg2[%add3A_283, %dma_start3A_284] : memref<4096x4096xi32, #tpu.memory_space<hbm>> -> memref<16x2048xi32, #tpu.memory_space<hbm>>
    %dma_start3A_286 = arith.constant 2048 : i32
    %dma_start3A_287 = tpu.memref_slice %arg2[%add3A_283, %dma_start3A_286] : memref<4096x4096xi32, #tpu.memory_space<hbm>> -> memref<16x2048xi32, #tpu.memory_space<hbm>>
    tpu.enqueue_dma source(%dma_start3A_287 : memref<16x2048xi32, #tpu.memory_space<hbm>>) target(%arg7 : memref<16x2048xi32, #tpu.memory_space<vmem>>) target_semaphore(%arg10 : memref<!tpu.dma_semaphore, #tpu.memory_space<semaphore_mem>>)
    %broadcast_in_dim3A_288 = arith.constant 0.000000e+00 : f32
    %broadcast_in_dim3A_289 = vector.broadcast %broadcast_in_dim3A_288 : f32 to vector<16xf32>
    %swap3A_290 = arith.constant 0 : index
    %swap3A_291 = tpu.vector_load %arg8[%swap3A_290] {strides = array<i32>} : memref<16xf32, #tpu.memory_space<vmem>>, vector<16xf32>,
    tpu.vector_store %arg8[%swap3A_290], %broadcast_in_dim3A_289 {strides = array<i32>} : memref<16xf32, #tpu.memory_space<vmem>>, vector<16xf32>,
    %parallel_loop3A_292 = arith.constant 0 : i32
    %parallel_loop3A_293 = arith.constant 16 : i32
    %parallel_loop3A_294 = arith.constant 1 : i32
    scf.for %parallel_loop3A_304 = %parallel_loop3A_292 to %parallel_loop3A_293 step %parallel_loop3A_294  : i32 {
      %parallel_loop3A_305 = vector.broadcast %parallel_loop3A_304 : i32 to vector<16xi32>
      %parallel_loop3A_306 = arith.constant 0.000000e+00 : f32
      %parallel_loop3A_307 = vector.broadcast %parallel_loop3A_306 : f32 to vector<16xf32>
      %parallel_loop3A_308 = arith.constant 0 : i32
      %parallel_loop3A_309 = arith.constant 32 : i32
      %parallel_loop3A_310 = arith.constant 1 : i32
      %parallel_loop3A_311 = scf.for %parallel_loop3A_322 = %parallel_loop3A_308 to %parallel_loop3A_309 step %parallel_loop3A_310 iter_args(%parallel_loop3A_323 = %parallel_loop3A_307) -> (vector<16xf32>)  : i32 {
        %parallel_loop3A_324 = arith.constant 64 : i32
        %parallel_loop3A_325 = arith.muli %parallel_loop3A_322, %parallel_loop3A_324 : i32
        %parallel_loop3A_326 = vector.broadcast %parallel_loop3A_325 : i32 to vector<16xi32>
        %parallel_loop3A_327 = arith.constant 0 : i32
        %parallel_loop3A_328 = vector.broadcast %parallel_loop3A_327 : i32 to vector<16xi32>
        %parallel_loop3A_329 = arith.addi %parallel_loop3A_326, %add3A_40 : vector<16xi32>
        %parallel_loop3A_330 = tpu.vector_load_idx %arg6[%parallel_loop3A_305, %parallel_loop3A_329] : memref<16x2048xi32, #tpu.memory_space<vmem>>[vector<16xi32>, vector<16xi32>], vector<16xi32>,
        %parallel_loop3A_331 = arith.shli %parallel_loop3A_330, %and3A_9 : vector<16xi32>
        %parallel_loop3A_332 = arith.addi %parallel_loop3A_328, %parallel_loop3A_331 : vector<16xi32>
        %parallel_loop3A_333 = arith.addi %parallel_loop3A_326, %add3A_44 : vector<16xi32>
        %parallel_loop3A_334 = tpu.vector_load_idx %arg6[%parallel_loop3A_305, %parallel_loop3A_333] : memref<16x2048xi32, #tpu.memory_space<vmem>>[vector<16xi32>, vector<16xi32>], vector<16xi32>,
        %parallel_loop3A_335 = arith.shli %parallel_loop3A_334, %and3A_18 : vector<16xi32>
        %parallel_loop3A_336 = arith.addi %parallel_loop3A_332, %parallel_loop3A_335 : vector<16xi32>
        %parallel_loop3A_337 = arith.addi %parallel_loop3A_326, %add3A_48 : vector<16xi32>
        %parallel_loop3A_338 = tpu.vector_load_idx %arg6[%parallel_loop3A_305, %parallel_loop3A_337] : memref<16x2048xi32, #tpu.memory_space<vmem>>[vector<16xi32>, vector<16xi32>], vector<16xi32>,
        %parallel_loop3A_339 = arith.shli %parallel_loop3A_338, %and3A_27 : vector<16xi32>
        %parallel_loop3A_340 = arith.addi %parallel_loop3A_336, %parallel_loop3A_339 : vector<16xi32>
        %parallel_loop3A_341 = arith.addi %parallel_loop3A_326, %add3A_52 : vector<16xi32>
        %parallel_loop3A_342 = tpu.vector_load_idx %arg6[%parallel_loop3A_305, %parallel_loop3A_341] : memref<16x2048xi32, #tpu.memory_space<vmem>>[vector<16xi32>, vector<16xi32>], vector<16xi32>,
        %parallel_loop3A_343 = arith.shli %parallel_loop3A_342, %and3A_36 : vector<16xi32>
        %parallel_loop3A_344 = arith.addi %parallel_loop3A_340, %parallel_loop3A_343 : vector<16xi32>
        %parallel_loop3A_345 = arith.constant 10 : i32
        %parallel_loop3A_346 = vector.broadcast %parallel_loop3A_345 : i32 to vector<16xi32>
        %parallel_loop3A_347 = arith.shli %parallel_loop3A_344, %parallel_loop3A_346 : vector<16xi32>
        %parallel_loop3A_348 = arith.constant 16 : i32
        %parallel_loop3A_349 = arith.muli %parallel_loop3A_322, %parallel_loop3A_348 : i32
        %parallel_loop3A_350 = arith.constant 0 : i32
        %parallel_loop3A_351 = arith.addi %parallel_loop3A_350, %parallel_loop3A_349 : i32
        %parallel_loop3A_352 = vector.broadcast %parallel_loop3A_351 : i32 to vector<16xi32>
        %parallel_loop3A_353 = arith.addi %parallel_loop3A_347, %parallel_loop3A_352 : vector<16xi32>
        %parallel_loop3A_354 = arith.addi %parallel_loop3A_353, %iota3A : vector<16xi32>
        %parallel_loop3A_355 = tpu.vector_load_idx %arg5[%parallel_loop3A_354] : memref<16384xf32, #tpu.memory_space<vmem>>[vector<16xi32>], vector<16xf32>,
        %parallel_loop3A_356 = arith.addf %parallel_loop3A_323, %parallel_loop3A_355 : vector<16xf32>
        scf.yield %parallel_loop3A_356 : vector<16xf32>
      } {sc.loop_unroll_factor = 4 : i64, sc.parallel_access}
      %parallel_loop3A_312 = arith.constant true
      %parallel_loop3A_313 = vector.broadcast %parallel_loop3A_312 : i1 to vector<16xi1>
      %parallel_loop3A_314 = tpu.scan <sum>, %parallel_loop3A_311 masked %parallel_loop3A_313 : vector<16xf32>, vector<16xi1> -> vector<16xf32>
      %parallel_loop3A_315 = vector.extract %parallel_loop3A_314[15] : f32 from vector<16xf32>
      %parallel_loop3A_316 = tpu.vector_load_idx %arg8[%parallel_loop3A_305] : memref<16xf32, #tpu.memory_space<vmem>>[vector<16xi32>], vector<16xf32>,
      %parallel_loop3A_317 = vector.broadcast %parallel_loop3A_315 : f32 to vector<16xf32>
      %parallel_loop3A_318 = arith.addf %parallel_loop3A_316, %parallel_loop3A_317 : vector<16xf32>
      %parallel_loop3A_319 = arith.constant 0 : i32
      %parallel_loop3A_320 = vector.broadcast %parallel_loop3A_319 : i32 to vector<16xi32>
      %parallel_loop3A_321 = arith.cmpi eq, %iota3A, %parallel_loop3A_320 : vector<16xi32>
      tpu.vector_store_idx %arg8[%parallel_loop3A_305], %parallel_loop3A_318 masked %parallel_loop3A_321 : memref<16xf32, #tpu.memory_space<vmem>>[vector<16xi32>], vector<16xf32>, vector<16xi1>
    } {sc.loop_unroll_factor = 1 : i64, sc.parallel_access}
    %dma_wait3A_295 = arith.constant 2048 : i32
    %dma_wait3A_296 = tpu.memref_slice %arg2[%add3A_283, %dma_wait3A_295] : memref<4096x4096xi32, #tpu.memory_space<hbm>> -> memref<16x2048xi32, #tpu.memory_space<hbm>>
    %dma_wait3A_297 = arith.constant 2048 : i32
    %dma_wait3A_298 = tpu.memref_slice %arg2[%add3A_283, %dma_wait3A_297] : memref<4096x4096xi32, #tpu.memory_space<hbm>> -> memref<16x2048xi32, #tpu.memory_space<hbm>>
    tpu.wait_dma2 semaphore(%arg10 : memref<!tpu.dma_semaphore, #tpu.memory_space<semaphore_mem>>) src(%dma_wait3A_298 : memref<16x2048xi32, #tpu.memory_space<hbm>>) dst(%arg7 : memref<16x2048xi32, #tpu.memory_space<vmem>>)
    %parallel_loop3A_299 = arith.constant 0 : i32
    %parallel_loop3A_300 = arith.constant 16 : i32
    %parallel_loop3A_301 = arith.constant 1 : i32
    scf.for %parallel_loop3A_304 = %parallel_loop3A_299 to %parallel_loop3A_300 step %parallel_loop3A_301  : i32 {
      %parallel_loop3A_305 = vector.broadcast %parallel_loop3A_304 : i32 to vector<16xi32>
      %parallel_loop3A_306 = arith.constant 0.000000e+00 : f32
      %parallel_loop3A_307 = vector.broadcast %parallel_loop3A_306 : f32 to vector<16xf32>
      %parallel_loop3A_308 = arith.constant 0 : i32
      %parallel_loop3A_309 = arith.constant 32 : i32
      %parallel_loop3A_310 = arith.constant 1 : i32
      %parallel_loop3A_311 = scf.for %parallel_loop3A_322 = %parallel_loop3A_308 to %parallel_loop3A_309 step %parallel_loop3A_310 iter_args(%parallel_loop3A_323 = %parallel_loop3A_307) -> (vector<16xf32>)  : i32 {
        %parallel_loop3A_324 = arith.constant 64 : i32
        %parallel_loop3A_325 = arith.muli %parallel_loop3A_322, %parallel_loop3A_324 : i32
        %parallel_loop3A_326 = vector.broadcast %parallel_loop3A_325 : i32 to vector<16xi32>
        %parallel_loop3A_327 = arith.constant 0 : i32
        %parallel_loop3A_328 = vector.broadcast %parallel_loop3A_327 : i32 to vector<16xi32>
        %parallel_loop3A_329 = arith.addi %parallel_loop3A_326, %add3A_40 : vector<16xi32>
        %parallel_loop3A_330 = tpu.vector_load_idx %arg7[%parallel_loop3A_305, %parallel_loop3A_329] : memref<16x2048xi32, #tpu.memory_space<vmem>>[vector<16xi32>, vector<16xi32>], vector<16xi32>,
        %parallel_loop3A_331 = arith.shli %parallel_loop3A_330, %and3A_9 : vector<16xi32>
        %parallel_loop3A_332 = arith.addi %parallel_loop3A_328, %parallel_loop3A_331 : vector<16xi32>
        %parallel_loop3A_333 = arith.addi %parallel_loop3A_326, %add3A_44 : vector<16xi32>
        %parallel_loop3A_334 = tpu.vector_load_idx %arg7[%parallel_loop3A_305, %parallel_loop3A_333] : memref<16x2048xi32, #tpu.memory_space<vmem>>[vector<16xi32>, vector<16xi32>], vector<16xi32>,
        %parallel_loop3A_335 = arith.shli %parallel_loop3A_334, %and3A_18 : vector<16xi32>
        %parallel_loop3A_336 = arith.addi %parallel_loop3A_332, %parallel_loop3A_335 : vector<16xi32>
        %parallel_loop3A_337 = arith.addi %parallel_loop3A_326, %add3A_48 : vector<16xi32>
        %parallel_loop3A_338 = tpu.vector_load_idx %arg7[%parallel_loop3A_305, %parallel_loop3A_337] : memref<16x2048xi32, #tpu.memory_space<vmem>>[vector<16xi32>, vector<16xi32>], vector<16xi32>,
        %parallel_loop3A_339 = arith.shli %parallel_loop3A_338, %and3A_27 : vector<16xi32>
        %parallel_loop3A_340 = arith.addi %parallel_loop3A_336, %parallel_loop3A_339 : vector<16xi32>
        %parallel_loop3A_341 = arith.addi %parallel_loop3A_326, %add3A_52 : vector<16xi32>
        %parallel_loop3A_342 = tpu.vector_load_idx %arg7[%parallel_loop3A_305, %parallel_loop3A_341] : memref<16x2048xi32, #tpu.memory_space<vmem>>[vector<16xi32>, vector<16xi32>], vector<16xi32>,
        %parallel_loop3A_343 = arith.shli %parallel_loop3A_342, %and3A_36 : vector<16xi32>
        %parallel_loop3A_344 = arith.addi %parallel_loop3A_340, %parallel_loop3A_343 : vector<16xi32>
        %parallel_loop3A_345 = arith.constant 10 : i32
        %parallel_loop3A_346 = vector.broadcast %parallel_loop3A_345 : i32 to vector<16xi32>
        %parallel_loop3A_347 = arith.shli %parallel_loop3A_344, %parallel_loop3A_346 : vector<16xi32>
        %parallel_loop3A_348 = arith.constant 16 : i32
        %parallel_loop3A_349 = arith.muli %parallel_loop3A_322, %parallel_loop3A_348 : i32
        %parallel_loop3A_350 = arith.constant 512 : i32
        %parallel_loop3A_351 = arith.addi %parallel_loop3A_350, %parallel_loop3A_349 : i32
        %parallel_loop3A_352 = vector.broadcast %parallel_loop3A_351 : i32 to vector<16xi32>
        %parallel_loop3A_353 = arith.addi %parallel_loop3A_347, %parallel_loop3A_352 : vector<16xi32>
        %parallel_loop3A_354 = arith.addi %parallel_loop3A_353, %iota3A : vector<16xi32>
        %parallel_loop3A_355 = tpu.vector_load_idx %arg5[%parallel_loop3A_354] : memref<16384xf32, #tpu.memory_space<vmem>>[vector<16xi32>], vector<16xf32>,
        %parallel_loop3A_356 = arith.addf %parallel_loop3A_323, %parallel_loop3A_355 : vector<16xf32>
        scf.yield %parallel_loop3A_356 : vector<16xf32>
      } {sc.loop_unroll_factor = 4 : i64, sc.parallel_access}
      %parallel_loop3A_312 = arith.constant true
      %parallel_loop3A_313 = vector.broadcast %parallel_loop3A_312 : i1 to vector<16xi1>
      %parallel_loop3A_314 = tpu.scan <sum>, %parallel_loop3A_311 masked %parallel_loop3A_313 : vector<16xf32>, vector<16xi1> -> vector<16xf32>
      %parallel_loop3A_315 = vector.extract %parallel_loop3A_314[15] : f32 from vector<16xf32>
      %parallel_loop3A_316 = tpu.vector_load_idx %arg8[%parallel_loop3A_305] : memref<16xf32, #tpu.memory_space<vmem>>[vector<16xi32>], vector<16xf32>,
      %parallel_loop3A_317 = vector.broadcast %parallel_loop3A_315 : f32 to vector<16xf32>
      %parallel_loop3A_318 = arith.addf %parallel_loop3A_316, %parallel_loop3A_317 : vector<16xf32>
      %parallel_loop3A_319 = arith.constant 0 : i32
      %parallel_loop3A_320 = vector.broadcast %parallel_loop3A_319 : i32 to vector<16xi32>
      %parallel_loop3A_321 = arith.cmpi eq, %iota3A, %parallel_loop3A_320 : vector<16xi32>
      tpu.vector_store_idx %arg8[%parallel_loop3A_305], %parallel_loop3A_318 masked %parallel_loop3A_321 : memref<16xf32, #tpu.memory_space<vmem>>[vector<16xi32>], vector<16xf32>, vector<16xi1>
    } {sc.loop_unroll_factor = 1 : i64, sc.parallel_access}
    %add3A_302 = arith.constant 112 : i32
    %add3A_303 = arith.addi %mul3A_2, %add3A_302 : i32
    "tpu.region"() ({
      %run_scoped3A = tpu.sem_alloc : memref<!tpu.dma_semaphore, #tpu.memory_space<semaphore_mem>>
      %dma_start3A_304 = tpu.memref_slice %arg4[%add3A_303] : memref<4096xf32, #tpu.memory_space<hbm>> -> memref<16xf32, #tpu.memory_space<hbm>>
      %dma_start3A_305 = tpu.memref_slice %arg4[%add3A_303] : memref<4096xf32, #tpu.memory_space<hbm>> -> memref<16xf32, #tpu.memory_space<hbm>>
      tpu.enqueue_dma source(%arg8 : memref<16xf32, #tpu.memory_space<vmem>>) target(%dma_start3A_305 : memref<16xf32, #tpu.memory_space<hbm>>) target_semaphore(%run_scoped3A : memref<!tpu.dma_semaphore, #tpu.memory_space<semaphore_mem>>)
      %dma_wait3A_306 = tpu.memref_slice %arg4[%add3A_303] : memref<4096xf32, #tpu.memory_space<hbm>> -> memref<16xf32, #tpu.memory_space<hbm>>
      %dma_wait3A_307 = tpu.memref_slice %arg4[%add3A_303] : memref<4096xf32, #tpu.memory_space<hbm>> -> memref<16xf32, #tpu.memory_space<hbm>>
      tpu.wait_dma2 semaphore(%run_scoped3A : memref<!tpu.dma_semaphore, #tpu.memory_space<semaphore_mem>>) src(%arg8 : memref<16xf32, #tpu.memory_space<vmem>>) dst(%dma_wait3A_307 : memref<16xf32, #tpu.memory_space<hbm>>)
      tpu.yield
    }) : () -> ()
    return
  }
}

</mosaic_0001>

<sc_bundles>
// kernel: kernel.3.cloned.1.call-start
scs
__scs_entry_jumppad:
0x0: {  	(pc) =	sbr.rel $0x88, $3  }
0x1: {  	(tag) =	ssettag $0x0;
	lr =	simm.s32 $0x1  }
0x2: {  	[smem:$0x3F9F] =	sst lr;
	_ =	strace $0xD0000000  }
0x3: {  	_ = 	snop  }
0x4: {  	_ = 	snop  }
0x5: {  	_ = 	snop  }
0x6: {  	_ = 	snop  }
0x7: {  	_ = 	snop  }
__scs_overlays_trampoline_lowered:
0x8: {  	[smem:$0x3FAE] =	sst s0  }
0x9: {  	[smem:$0x3FAF] =	sst s1  }
0xa: {  	[smem:$0x3FB0] =	sst s2  }
0xb: {  	[smem:$0x3FB1] =	sst s3  }
0xc: {  	[smem:$0x3FB2] =	sst s4  }
0xd: {  	[smem:$0x3FB3] =	sst s5  }
0xe: {  	[smem:$0x3FB4] =	sst s6  }
0xf: {  	[smem:$0x3FB5] =	sst s7  }
0x10: {  	[smem:$0x3FB6] =	sst s8  }
0x11: {  	[smem:$0x3FB7] =	sst s9;
	s0 =	simm.s32 @!p0 $0x0  }
0x12: {  	s1 =	sld [smem:$0x3F9D];
	s0 =	simm.s32 @p0 $0x1  }
0x13: {  	[smem:$0x3FB8] =	sst s0;
	s0 =	simm.s32 @!p1 $0x0  }
0x14: {  	s2 =	sld [smem:$0x3F9C];
	s0 =	simm.s32 @p1 $0x1  }
0x15: {  	[smem:$0x3FB9] =	sst s0;
	s0 =	simm.s32 @!p2 $0x0  }
0x16: {  	s3 =	sld [smem:$0x3FDB];
	s0 =	simm.s32 @p2 $0x1  }
0x17: {  	s4 =	simm.s32 $0x1BF5;
	[smem:$0x3FBB] =	sst s0  }
0x18: {  	s0 =	sld [smem:$0x3F9E];
	_ =	swait.ge [sflag:s4], $0x0  }
0x19: {  	s7 =	sld [smem:$0x3F9F]  }
0x1a: {  	s8 =	sadd.s32 $0xFFFFE003, lr  }
0x1b: {  	s9 =	sadd.s32 $0xFFFFFEF7, lr;
	s5 =	simm.s32 $0xFFFFFFFF;
	p2 =	slt.u32 s8, $0xFFFFF086  }
0x1c: {  	p1 =	slt.u32 s9, $0xF7A;
	s5 =	simm.s32 @!p2 $0x0  }
0x1d: {  	s5 =	simm.s32 @p1 $0x1;
	p0 =	seq.s32 s7, s2  }
0x1e: {  	s7 =	smul.u32 @!p0 $0xF7A, s2;
	p2 =	seq.s32 @!p0 s5, $0x0  }
0x1f: {  	s9 =	smul.u32 $0xF7A, s1;
	s8 =	simm.s32 @!p0 $0x1BF5;
	p2 =	por !p2, p0  }
0x20: {  	[sflag:s8] =	ssyncset.s32 @!p0 $0xFFFFF086;
	s6 =	sadd.s32 @!p0 s3, s7;
	s7 =	simm.s32 @!p0 $0x108  }
0x21: {  	s3 =	sadd.s32 s3, s9;
	s6 =	sadd.s32 @!p0 $0x88, s6;
	s7 =	simm.s32 @p2 $0x1082  }
0x22: {  	[simem:s7], [sflag:s8] =	dma.local @!p0 [hbm:s6], $0xF7A  }
0x23: {  	s9 =	sor.u32 $0xD0000000, s2;
	s6 =	simm.s32 $0x108;
	_ =	swait.ge @!p0 [sflag:s8], $0x0  }
0x24: {  	s3 =	sadd.s32 $0x88, s3;
	s6 =	simm.s32 @!p1 $0x1082;
	[sflag:s4] =	ssyncset.s32 $0xFFFFF086  }
0x25: {  	[simem:s6], [sflag:s4] =	dma.local [hbm:s3], $0xF7A  }
0x26: {  	[smem:$0x3F9F] =	sst s1;
	(tag) =	ssettag s2;
	_ =	strace s9  }
0x27: {  	s1 =	sld [smem:$0x3FAF]  }
0x28: {  	s2 =	sld [smem:$0x3FB0]  }
0x29: {  	s4 =	sld [smem:$0x3FB2]  }
0x2a: {  	p0 =	seq.s32 s5, $0x0;
	s5 =	sld [smem:$0x3FB3]  }
0x2b: {  	s6 =	sld [smem:$0x3FB4]  }
0x2c: {  	s7 =	sld [smem:$0x3FB5]  }
0x2d: {  	s3 =	simm.s32 $0x108;
	s8 =	sld [smem:$0x3FB6]  }
0x2e: {  	s3 =	simm.s32 @!p0 $0x1082;
	s9 =	sld [smem:$0x3FB7]  }
0x2f: {  	lr =	sadd.s32 s0, s3;
	s0 =	sld [smem:$0x3FAE]  }
0x30: {  	s3 =	sld [smem:$0x3FB1]  }
0x31: {  	[smem:$0x3FBA] =	sst s10  }
0x32: {  	s10 =	sld [smem:$0x3FB8];
	_ =	sdelay $0x3  }
0x33: {  	p0 =	seq.s32 s10, $0x1;
	s10 =	sld [smem:$0x3FBA];
	_ =	sdelay $0x3  }
0x34: {  	[smem:$0x3FBA] =	sst s10  }
0x35: {  	s10 =	sld [smem:$0x3FB9];
	_ =	sdelay $0x3  }
0x36: {  	p1 =	seq.s32 s10, $0x1;
	s10 =	sld [smem:$0x3FBA];
	_ =	sdelay $0x3  }
0x37: {  	[smem:$0x3FBA] =	sst s10  }
0x38: {  	s10 =	sld [smem:$0x3FBB]  }
0x39: {  	_ = 	snop;
	(pc) =	sbr.ind lr, $3  }
0x3a: {  	_ = 	snop  }
0x3b: {  	_ = 	snop  }
0x3c: {  	p2 =	seq.s32 s10, $0x1;
	s10 =	sld [smem:$0x3FBA]  }
0x3d: {  	_ =	shalt  }
0x3e: {  	_ =	shalt  }
0x3f: {  	_ =	shalt  }
0x40: {  	_ =	shalt  }
0x41: {  	_ =	shalt  }
0x42: {  	_ =	shalt  }
0x43: {  	_ =	shalt  }
0x44: {  	_ =	shalt  }
0x45: {  	_ =	shalt  }
0x46: {  	_ =	shalt  }
0x47: {  	_ =	shalt  }
0x48: {  	_ =	shalt  }
0x49: {  	_ =	shalt  }
0x4a: {  	_ =	shalt  }
0x4b: {  	_ =	shalt  }
0x4c: {  	_ =	shalt  }
0x4d: {  	_ =	shalt  }
0x4e: {  	_ =	shalt  }
0x4f: {  	_ =	shalt  }
0x50: {  	_ =	shalt  }
0x51: {  	_ =	shalt  }
0x52: {  	_ =	shalt  }
0x53: {  	_ =	shalt  }
0x54: {  	_ =	shalt  }
0x55: {  	_ =	shalt  }
0x56: {  	_ =	shalt  }
0x57: {  	_ =	shalt  }
0x58: {  	_ =	shalt  }
0x59: {  	_ =	shalt  }
0x5a: {  	_ =	shalt  }
0x5b: {  	_ =	shalt  }
0x5c: {  	_ =	shalt  }
0x5d: {  	_ =	shalt  }
0x5e: {  	_ =	shalt  }
0x5f: {  	_ =	shalt  }
0x60: {  	_ =	shalt  }
0x61: {  	_ =	shalt  }
0x62: {  	_ =	shalt  }
0x63: {  	_ =	shalt  }
0x64: {  	_ =	shalt  }
0x65: {  	_ =	shalt  }
0x66: {  	_ =	shalt  }
0x67: {  	_ =	shalt  }
0x68: {  	_ =	shalt  }
0x69: {  	_ =	shalt  }
0x6a: {  	_ =	shalt  }
0x6b: {  	_ =	shalt  }
0x6c: {  	_ =	shalt  }
0x6d: {  	_ =	shalt  }
0x6e: {  	_ =	shalt  }
0x6f: {  	_ =	shalt  }
0x70: {  	_ =	shalt  }
0x71: {  	_ =	shalt  }
0x72: {  	_ =	shalt  }
0x73: {  	_ =	shalt  }
0x74: {  	_ =	shalt  }
0x75: {  	_ =	shalt  }
0x76: {  	_ =	shalt  }
0x77: {  	_ =	shalt  }
0x78: {  	_ =	shalt  }
0x79: {  	_ =	shalt  }
0x7a: {  	_ =	shalt  }
0x7b: {  	_ =	shalt  }
0x7c: {  	_ =	shalt  }
0x7d: {  	_ =	shalt  }
0x7e: {  	_ =	shalt  }
0x7f: {  	_ =	shalt  }
0x80: {  	_ =	shalt  }
0x81: {  	_ =	shalt  }
0x82: {  	_ =	shalt  }
0x83: {  	_ =	shalt  }
0x84: {  	_ =	shalt  }
0x85: {  	_ =	shalt  }
0x86: {  	_ =	shalt  }
0x87: {  	_ =	shalt  }
.Lfunc_end0:
.L_simem_size_0:
called_computation_lowered:
.L_overlay_start_0:
0x88: {  	s2 =	sld [smem:$0x3FD9]  }
0x89: {  	s3 =	sld [smem:$0x3FFE];
	_ =	sdelay $0x1  }
0x8a: {  	s1 =	srdreg.scid  }
0x8b: {  	s0 =	sand.u32 $0x1, s1  }
0x8c: {  	s17 =	sshll.u32 s0, $0xA;
	s2 =	sadd.s32 s3, s2  }
0x8d: {  	s2 =	sadd.s32 s2, s17  }
0x8e: {  	[smem:$0x3FC6] =	sst s2  }
0x8f: {  	_ = 	snop  }
0x90: {  	s2 =	sld [smem:$0x3FC9]  }
0x91: {  	s18 =	sld [smem:$0x3FD0];
	(tm) =	ssettm $0x1  }
0x92: {  	s4 =	sld [smem:$0x3FFB];
	_ =	sdelay $0x3  }
0x93: {  	_ =	strace s4  }
0x94: {  	s4 =	sld [smem:$0x3FFC];
	_ =	sdelay $0x3  }
0x95: {  	_ =	strace s4  }
0x96: {  	s4 =	sld [smem:$0x3FFD];
	_ =	sdelay $0x3  }
0x97: {  	_ =	strace s4  }
0x98: {  	_ =	strace $0x8FFFFFFF  }
0x99: {  	s19 =	sld [smem:$0x3FDB];
	_ =	sdelay $0x1  }
0x9a: {  	s5 =	simm.s32 $_scs_section_size  }
0x9b: {  	s6 =	simm.s32 $_size__tile_overlayer_lowered;
	s7 =	simm.s32 $_tile_overlayer_lowered  }
0x9c: {  	s22 =	simm.s32 $0x1BFF;
	s21 =	sshll.u32 s7, $0x1;
	s4 =	sadd.s32 s5, s19  }
0x9d: {  	s8 =	simm.s32 $0x0;
	s20 =	sshll.u32 s6, $0x1;
	s6 =	sadd.s32 s21, s4  }
0x9e: {  	[timem:s8], [sflag:s22] =	dma.local [hbm:s6], s20  }
0x9f: {  	_ =	swait.ge [sflag:s22], s20  }
0xa0: {  	s5 =	ssub.s32 $0x0, s20;
	[sflag:s22] =	ssyncset.done $0x0  }
0xa1: {  	[sflag:s22] =	ssyncadd.s32 s5;
	_ =	sdelay $0x1  }
0xa2: {  	s23 =	simm.s32 $0x1B8B  }
0xa3: {  	_ =	swait.ge [sflag:s23], $0x1  }
0xa4: {  	[sflag:s23] =	ssyncset.done $0x0  }
0xa5: {  	s25 =	simm.s32 $0x1B8E;
	s24 =	sld [smem:$0x3FFE];
	[sflag:s23] =	ssyncadd.s32 $0xFFFFFFFF  }
0xa6: {  	s26 =	simm.s32 $execute0_lowered;
	[smem:$0x3FD2] =	sst s25  }
0xa7: {  	s6 =	sshll.u32 s26, $0x1;
	_ =	strace $0x80000046;
	[dreg:$0x1] =	wrdreg $0xFFFFFFFF  }
0xa8: {  	s28 =	simm.s32 $_size_execute0_lowered;
	s4 =	sadd.s32 s4, s6;
	[dreg:$0x0] =	wrdreg $0x0  }
0xa9: {  	s6 =	sshll.u32 s28, $0x1;
	[dreg:$0x2] =	wrdreg s4  }
0xaa: {  	[dreg:$0x3] =	wrdreg s6  }
0xab: {  	[dreg:$0x4] =	wrdreg $0xC0  }
0xac: {  	_ =	task [dreg:s8], $0x5FFFF  }
0xad: {  	[dreg:$0x1] =	wrdreg $0xFFFFFFFF  }
0xae: {  	[dreg:$0x0] =	wrdreg $0x60  }
0xaf: {  	[dreg:$0x2] =	wrdreg s2  }
0xb0: {  	[dreg:$0x3] =	wrdreg s24  }
0xb1: {  	[dreg:$0x4] =	wrdreg s18  }
0xb2: {  	[dreg:$0x5] =	wrdreg $0x9  }
0xb3: {  	_ =	task.clear_ibuf [dreg:s8], $0x6FFFF;
	_ =	strace $0x90000046  }
0xb4: {  	s29 =	simm.s32 $0x9;
	_ =	strace $0x80000048  }
0xb5: {  	_ =	swait.ge [sflag:s29], $0x1  }
0xb6: {  	[sflag:s29] =	ssyncadd.s32 $0xFFFFFFFF  }
0xb7: {  	_ =	strace $0x90000048  }
0xb8: {  	_ =	sfence  }
0xb9: {  	s30 =	sld [smem:$0x0];
	_ =	sdelay $0x2  }
0xba: {  	s31 =	sshll.u32 s1, $0xD;
	s1 =	sshrl.u32 s1, $0x2  }
0xbb: {  	s3 =	sand.u32 $0x4000, s31;
	s1 =	sadd.s32 s1, s30  }
0xbc: {  	s0 =	sor.u32 s3, s0;
	s1 =	sshll.u32 s1, $0x11  }
0xbd: {  	s0 =	sor.u32 s1, s0  }
0xbe: {  	s0 =	sadd.s32 $0x8F2B, s0  }
0xbf: {  	[sflag:s0] =	ssyncadd.remote.s32 $0x1  }
0xc0: {  	_ =	sfence.sel $0xFFFF  }
0xc1: {  	[dreg:$0x0] =	wrdreg $0xFFFFFFFF;
	(pc) =	sbr.abs _section_cstart, $3  }
0xc2: {  	[dreg:$0x1] =	wrdreg $0xFFFFFFFF  }
0xc3: {  	_ =	task.clear_ibuf [dreg:s8], $0x2FFFF;
	_ =	strace $0x9FFFFFFF  }
0xc4: {  	(tm) =	ssettm $0x7FFFFFFF  }
0xc5: {  	_ =	shalt  }
tec
execute0_lowered:
.L_overlay_start_1:
0x0: {  	(tag) =	ssettag $0x1  }
0x1: {  	v0 =	vimm.s32 $0x2E2A2622;
	v1 =	vimm.s32 $0x3F3B3733  }
0x2: {  	v2 =	vimm.s32 $0xC080400;
	v3 =	vimm.s32 $0x1D191511;
	vm0 =	vcmask $0x1F10  }
0x3: {  	v4 =	vimm.s32 $0xD090501;
	v5 =	vimm.s32 $0x1E1A1612;
	v6 =	vimm.s32 $0x1F1B1713  }
0x4: {  	v7 =	vimm.s32 $0x2D292521;
	v8 =	vimm.s32 $0x3E3A3632;
	v9 =	vimm.s32 $0xF0B0703  }
0x5: {  	v10 =	vimm.s32 $0x1C181410;
	vm1 =	vcmask $0xF00;
	v11 =	vimm.s32 $0x6F6B6763  }
0x6: {  	v12 =	vimm.s32 $0x5E5A5652;
	v13 =	vimm.s32 $0x5F5B5753;
	v14 =	vimm.s32 $0x6D696561  }
0x7: {  	v15 =	vimm.s32 $0x7E7A7672;
	v0 =	vunpack.c.0.s8.s32 v0;
	v1 =	vunpack.c.0.s8.s32 v1  }
0x8: {  	vm15 =	vcmask $0x2F20;
	v2 =	vunpack.c.0.s8.s32 v2;
	v3 =	vunpack.c.0.s8.s32 v3  }
0x9: {  	s0 =	srdreg.scid;
	s1 =	stileid.u32;
	v6 =	vunpack.c.0.s8.s32 v6;
	v7 =	vunpack.c.0.s8.s32 v7;
	v0 =	vsel vm0, v1, v0  }
0xa: {  	s3 =	rddreg [dreg:$0x0];
	s15 =	simm.s32 $0x0;
	s30 =	simm.s32 $0x8000;
	v1 =	vimm.s32 $0x2F2B2723;
	v2 =	vsel vm0, v3, v2;
	v3 =	vimm.s32 $0x3C383430  }
0xb: {  	s31 =	simm.s32 $0x4000;
	s0 =	sand.u32 $0x1, s0;
	s1 =	sshll.u32 s1, $0x8;
	v9 =	vunpack.c.0.s8.s32 v9;
	v1 =	vunpack.c.0.s8.s32 v1;
	v3 =	vunpack.c.0.s8.s32 v3  }
0xc: {  	s6 =	sadd.s32 $0x800, s3;
	s2 =	ssub.s32 $0x2, s0;
	s0 =	sshll.u32 s0, $0x7;
	v0 =	vcombine.low v2, v0;
	v2 =	vunpack.c.0.s8.s32 v4;
	v4 =	vunpack.c.0.s8.s32 v5  }
0xd: {  	[smem:$0x7FF] =	sst s15;
	s4 =	sshrl.u32 s2, $0x1;
	s1 =	sor.u32 s0, s1;
	v5 =	vimm.s32 $0x3D393531;
	v1 =	vsel vm0, v3, v1;
	v3 =	vimm.s32 $0x2C282420  }
0xe: {  	s0 =	ssub.s32 s2, s4;
	s5 =	sshll.u32 s1, $0x9;
	s19 =	sor.u32 $0x10, s1;
	v2 =	vsel vm0, v4, v2;
	v4 =	vunpack.c.0.s8.s32 v5;
	v5 =	vimm.s32 $0xE0A0602  }
0xf: {  	v10 =	vunpack.c.0.s8.s32 v10;
	s20 =	sor.u32 $0x20, s1;
	s22 =	sor.u32 $0x40, s1;
	s23 =	sor.u32 $0x50, s1;
	v3 =	vunpack.c.0.s8.s32 v3;
	v5 =	vunpack.c.0.s8.s32 v5  }
0x10: {  	v8 =	vunpack.c.0.s8.s32 v8;
	v12 =	vunpack.c.0.s8.s32 v12;
	s11 =	sor.u32 $0x60, s1;
	s4 =	rddreg [dreg:$0x2];
	s2 =	simm.s32 $0x2;
	v1 =	vcombine.low v2, v1  }
0x11: {  	s18 =	sadd.s32 s3, s5;
	s7 =	sshll.u32 s19, $0x9;
	s8 =	sshll.u32 s20, $0x9;
	v2 =	vsel vm0, v4, v3;
	v3 =	vsel vm0, v6, v5;
	v4 =	vsel vm0, v10, v9  }
0x12: {  	s5 =	sadd.s32 s5, s6;
	s10 =	sshll.u32 s22, $0x9;
	s12 =	sshll.u32 s23, $0x9;
	v5 =	vimm.s32 $0xC;
	v6 =	vimm.s32 $0x6E6A6662;
	v9 =	vimm.s32 $0xB  }
0x13: {  	s14 =	sshll.u32 s11, $0x9;
	s11 =	sshrl.u32 s11, $0x3;
	[dreg:$0x4] =	wrdreg s18;
	v10 =	vimm.s32 $0xA;
	v2 =	vcombine.low v3, v2;
	v3 =	vsel vm0, v8, v7  }
0x14: {  	s29 =	smax.u32 s0, $0x1;
	[dreg:$0x5] =	wrdreg s5;
	s24 =	sadd.s32 s3, s7;
	v7 =	vsel vm1, $0xD, v5;
	v5 =	vimm.s32 $0x7F7B7773;
	v8 =	vimm.s32 $0x5D595551  }
0x15: {  	s0 =	simm.s32 $0x1;
	s25 =	sadd.s32 s7, s6;
	[dreg:$0x6] =	wrdreg s24;
	v3 =	vcombine.low v4, v3;
	v4 =	vunpack.c.0.s8.s32 v6;
	v6 =	vimm.s32 $0x4C484440  }
0x16: {  	s26 =	sadd.s32 s3, s8;
	s7 =	sadd.s32 s8, s6;
	[dreg:$0x7] =	wrdreg s25;
	v5 =	vunpack.c.0.s8.s32 v5;
	v8 =	vunpack.c.0.s8.s32 v8;
	v6 =	vunpack.c.0.s8.s32 v6  }
0x17: {  	v13 =	vunpack.c.0.s8.s32 v13;
	s8 =	sor.u32 $0x30, s1;
	s13 =	sadd.s32 s3, s14;
	[dreg:$0x8] =	wrdreg s26;
	v9 =	vsel vm1, $0xC, v9;
	v10 =	vsel vm1, $0xB, v10  }
0x18: {  	s14 =	sadd.s32 s14, s6;
	[dreg:$0x9] =	wrdreg s7;
	s21 =	sshll.u32 s8, $0x9;
	v4 =	vsel vm0, v5, v4;
	v5 =	vsel vm0, v8, v6;
	v8 =	vimm.s32 $0x7C787470  }
0x19: {  	s24 =	sadd.s32 s10, s6;
	s25 =	sadd.s32 s3, s12;
	s12 =	sadd.s32 s12, s6;
	v6 =	vunpack.c.0.s8.s32 v11;
	v11 =	vimm.s32 $0x4D494541;
	v8 =	vunpack.c.0.s8.s32 v8  }
0x1a: {  	s26 =	sshrl.u32 s19, $0x3;
	s9 =	sadd.s32 s3, s21;
	[dreg:$0xd] =	wrdreg s24;
	v11 =	vunpack.c.0.s8.s32 v11;
	v4 =	vcombine.low v5, v4;
	v5 =	vimm.s32 $0x6C686460  }
0x1b: {  	s7 =	sadd.s32 s21, s6;
	[dreg:$0xe] =	wrdreg s25;
	s24 =	sor.u32 $0x70, s1;
	v5 =	vunpack.c.0.s8.s32 v5;
	v8 =	vsel vm0, v8, v6;
	v6 =	vimm.s32 $0x7D797571  }
0x1c: {  	s1 =	sshrl.u32 s1, $0x3;
	s19 =	sadd.s32 s4, s26;
	[dreg:$0xa] =	wrdreg s9;
	v11 =	vsel vm0, v12, v11;
	v12 =	vimm.s32 $0x4E4A4642;
	v6 =	vunpack.c.0.s8.s32 v6  }
0x1d: {  	s26 =	sadd.s32 s4, s11;
	[dreg:$0xb] =	wrdreg s7;
	s9 =	sadd.s32 s3, s10;
	v9 =	vsel vm0, $0xD, v9;
	v17 =	vsel vm0, $0xC, v10;
	v12 =	vunpack.c.0.s8.s32 v12  }
0x1e: {  	s17 =	sshll.u32 s24, $0x9;
	s18 =	sadd.s32 s4, s1;
	s10 =	sshrl.u32 s23, $0x3;
	v16 =	vsel vm0, v6, v5;
	v5 =	vunpack.c.0.s8.s32 v14;
	v6 =	vunpack.c.0.s8.s32 v15  }
0x1f: {  	s25 =	sshrl.u32 s24, $0x3;
	s24 =	simm.s32 $0x3;
	s1 =	simm.s32 $0x14000;
	v12 =	vsel vm0, v13, v12;
	v13 =	vimm.s32 $0x4F4B4743;
	v14 =	vimm.s32 $0x5C585450  }
0x20: {  	[dreg:$0xc] =	wrdreg s9;
	s16 =	sadd.s32 s3, s17;
	s17 =	sadd.s32 s17, s6;
	v15 =	vsel vm0, v6, v5;
	v6 =	vunpack.c.0.s8.s32 v13;
	v13 =	vunpack.c.0.s8.s32 v14  }
0x21: {  	s3 =	sshrl.u32 s20, $0x3;
	s6 =	sshrl.u32 s8, $0x3;
	s9 =	sshrl.u32 s22, $0x3;
	v9 =	vsel vm15, $0xA, v9;
	v12 =	vcombine.low v12, v16;
	v5 =	vimm.f32 $0.0e+00  }
0x22: {  	s23 =	sadd.s32 s4, s10;
	s28 =	sadd.s32 s4, s25;
	s25 =	simm.s32 $0xC000;
	v14 =	vsel vm0, $0xA, v7;
	v13 =	vsel vm0, v13, v6;
	v6 =	vlaneseq.u32  }
0x23: {  	s20 =	sadd.s32 s4, s3;
	s21 =	sadd.s32 s4, s6;
	s22 =	sadd.s32 s4, s9;
	v7 =	vcombine.low v11, v8;
	v11 =	vsel vm15, $0xD, v17;
	v10 =	vshrl.u32 v6, $0x2  }
0x24: {  	_ =	strace $0x80000047;
	s3 =	simm.s32 $0x4;
	s4 =	simm.s32 $0x0;
	v8 =	vsel vm15, $0xB, v14;
	v13 =	vcombine.low v13, v15;
	v10 =	vadd.s32 $0xA, v10  }
.LBB2_1:
0x25: {  	s5 =	rddreg [dreg:$0x1]  }
0x26: {  	[tilespmem:s15], [sflag:$0x3] =	stream.linear.gather [hbm4b:s5+s15], $0x4000, $0x38;
	[tilespmem:$0x14080] =	vst v63  }
0x27: {  	s10 =	rddreg [dreg:$0x4]  }
0x28: {  	[tilespmem:s31], [sflag:$0x1] =	stream.strided.gather [hbm4b:s10+s31], $0x8000, s30, s31, $0x38;
	[tilespmem:$0x14080] =	vst v63  }
0x29: {  	_ =	swait.ge [sflag:s24], $0x4000  }
0x2a: {  	[sflag:s24] =	ssyncset.done $0x0  }
0x2b: {  	[sflag:s24] =	ssyncadd.s32 $0xFFFFC000  }
0x2c: {  	_ =	swait.ge [sflag:s0], $0x8000  }
0x2d: {  	[sflag:s0] =	ssyncset.done $0x0  }
0x2e: {  	s11 =	rddreg [dreg:$0x5];
	[sflag:s0] =	ssyncadd.s32 $0xFFFF8000  }
0x2f: {  	[tilespmem:s25], [sflag:$0x2] =	stream.strided.gather [hbm4b:s11+s31], $0x8000, s30, s31, $0x38;
	[tilespmem:$0x14080] =	vst v63  }
0x30: {  	s5 =	simm.s32 $0x0;
	[tilespmem:$0x14000] =	vst v5  }
.LBB2_2:
0x31: {  	v14 =	vmov s5;
	s6 =	simm.s32 $0xC0;
	s7 =	simm.s32 $0x80  }
0x32: {  	v15 =	vshll.u32 v14, $0xB;
	v16 =	vmov s6;
	v17 =	vmov s7  }
0x33: {  	v15 =	vand.u32 $0x4000, v15;
	v16 =	vshll.u32 v16, $0x3;
	v17 =	vshll.u32 v17, $0x3  }
0x34: {  	s8 =	simm.s32 $0x40;
	v18 =	vshll.u32 v14, $0x7;
	v16 =	vand.u32 $0x3C00, v16;
	v17 =	vor.u32 v15, v17  }
0x35: {  	v22 =	vmov s8;
	v19 =	vor.u32 v15, v16;
	v17 =	vbroadcast v17, $0x0  }
0x36: {  	v22 =	vshll.u32 v22, $0x3;
	v16 =	vand.u32 $0x380, v18;
	v18 =	vbroadcast v19, $0x0  }
0x37: {  	s7 =	simm.s32 $0x0;
	v22 =	vand.u32 $0x3800, v22;
	v17 =	vor.u32 v16, v17  }
0x38: {  	v19 =	vmov s7;
	v20 =	vor.u32 v16, v18;
	v18 =	vor.u32 v3, v17  }
0x39: {  	v22 =	vor.u32 v15, v22;
	v19 =	vshll.u32 v19, $0x3;
	v23 =	vor.u32 v2, v17  }
0x3a: {  	v22 =	vbroadcast v22, $0x0;
	v19 =	vor.u32 v15, v19;
	v24 =	vor.u32 v1, v17  }
0x3b: {  	v25 =	vor.u32 v0, v17;
	v19 =	vbroadcast v19, $0x0  }
0x3c: {  	v22 =	vor.u32 v16, v22;
	v21 =	vor.u32 v7, v20  }
0x3d: {  	v32 =	vor.u32 v13, v22;
	v19 =	vor.u32 v16, v19;
	v26 =	vld.idx.msk [tilespmem:v18+s31+$0x0], $0xffff  }
0x3e: {  	v18 =	vor.u32 v3, v19;
	v23 =	vld.idx.msk [tilespmem:v23+s31+$0x0], $0xffff  }
0x3f: {  	s9 =	simm.s32 $0x1C0;
	s10 =	simm.s32 $0x180;
	v28 =	vor.u32 v2, v19;
	v24 =	vld.idx.msk [tilespmem:v24+s31+$0x0], $0xffff  }
0x40: {  	v27 =	vmov s9;
	v29 =	vmov s10;
	v34 =	vor.u32 v4, v22;
	v25 =	vld.idx.msk [tilespmem:v25+s31+$0x0], $0xffff  }
0x41: {  	s11 =	simm.s32 $0x100;
	v29 =	vshll.u32 v29, $0x3;
	v30 =	vor.u32 v1, v19;
	v19 =	vor.u32 v0, v19;
	v21 =	vld.idx.msk [tilespmem:v21+s31+$0x0], $0xffff  }
0x42: {  	v31 =	vmov s11;
	v27 =	vshll.u32 v27, $0x3;
	v29 =	vor.u32 v15, v29;
	v32 =	vld.idx.msk [tilespmem:v32+s31+$0x0], $0xffff  }
0x43: {  	s8 =	simm.s32 $0x140;
	v31 =	vshll.u32 v31, $0x3;
	v27 =	vand.u32 $0x3C00, v27;
	v29 =	vbroadcast v29, $0x0;
	v33 =	vld.idx.msk [tilespmem:v18+s31+$0x0], $0xffff  }
0x44: {  	v35 =	vmov s8;
	v18 =	vor.u32 v15, v27;
	v27 =	vld.idx.msk [tilespmem:v28+s31+$0x0], $0xffff;
	v28 =	vor.u32 v7, v22  }
0x45: {  	v31 =	vor.u32 v15, v31;
	v29 =	vor.u32 v16, v29;
	v34 =	vld.idx.msk [tilespmem:v34+s31+$0x0], $0xffff;
	v22 =	vor.u32 v12, v22  }
0x46: {  	v31 =	vbroadcast v31, $0x0;
	v17 =	vimm.f32 $0.0e+00;
	v39 =	vor.u32 v3, v29;
	v36 =	vld.idx.msk [tilespmem:v19+s31+$0x0], $0xffff  }
0x47: {  	v41 =	vor.u32 v2, v29;
	v37 =	vor.u32 v4, v20;
	v38 =	vor.u32 v13, v20;
	v30 =	vld.idx.msk [tilespmem:v30+s31+$0x0], $0xffff  }
0x48: {  	v20 =	vor.u32 v12, v20;
	v19 =	vor.u32 v1, v29;
	v42 =	vshll.u32 v26, v8  }
0x49: {  	v23 =	vshll.u32 v23, v9;
	v24 =	vshll.u32 v24, v11;
	v18 =	vbroadcast v18, $0x0;
	v28 =	vld.idx.msk [tilespmem:v28+s31+$0x0], $0xffff  }
0x4a: {  	v25 =	vshll.u32 v25, v10;
	v21 =	vshll.u32 v21, v11;
	v32 =	vshll.u32 v32, v8;
	v22 =	vld.idx.msk [tilespmem:v22+s31+$0x0], $0xffff  }
0x4b: {  	s9 =	simm.s32 $0x0;
	v62 =	vshll.u32 v34, v10;
	v18 =	vor.u32 v16, v18;
	v60 =	vshll.u32 v36, v10  }
0x4c: {  	v61 =	vld.idx.msk [tilespmem:v37+s31+$0x0], $0xffff;
	v30 =	vshll.u32 v30, v11;
	v26 =	vshll.u32 v33, v8;
	v33 =	vadd.s32 s9, v60  }
0x4d: {  	s10 =	simm.s32 $0x10;
	v40 =	vor.u32 v7, v18;
	v27 =	vshll.u32 v27, v9;
	v30 =	vadd.s32 v30, v33  }
0x4e: {  	v63 =	vld.idx.msk [tilespmem:v20+s31+$0x0], $0xffff;
	v20 =	vadd.s32 v27, v30;
	v27 =	vshll.u32 v28, v11;
	v28 =	vadd.s32 s10, v62  }
0x4f: {  	s11 =	simm.s32 $0x20;
	v30 =	vld.idx.msk [tilespmem:v38+s31+$0x0], $0xffff;
	v20 =	vadd.s32 v26, v20;
	v22 =	vshll.u32 v22, v9;
	v26 =	vadd.s32 v27, v28  }
0x50: {  	v28 =	vadd.s32 v6, v20;
	v20 =	vadd.s32 v22, v26;
	v22 =	vadd.s32 s11, v25  }
0x51: {  	s6 =	simm.s32 $0x30;
	v20 =	vadd.s32 v32, v20;
	v22 =	vadd.s32 v24, v22;
	v24 =	vshll.u32 v61, v10  }
0x52: {  	v26 =	vadd.s32 v6, v20;
	v22 =	vadd.s32 v23, v22;
	v23 =	vadd.s32 s6, v24  }
0x53: {  	v20 =	vld.idx.msk [tilespmem:v39+s31+$0x0], $0xffff;
	v24 =	vshll.u32 v63, v9;
	v22 =	vadd.s32 v42, v22;
	v25 =	vadd.s32 v21, v23  }
0x54: {  	v21 =	vld.idx.msk [tilespmem:v40+s31+$0x0], $0xffff;
	v23 =	vadd.s32 v6, v22;
	v22 =	vshll.u32 v30, v8;
	v24 =	vadd.s32 v24, v25  }
0x55: {  	v27 =	vor.u32 v0, v29;
	v30 =	vshll.u32 v35, $0x3;
	v25 =	vld.idx.msk [tilespmem:v28+s15+$0x0], $0xffff;
	v24 =	vadd.s32 v22, v24  }
0x56: {  	s8 =	simm.s32 $0x2C0;
	s7 =	simm.s32 $0x4;
	v28 =	vor.u32 v16, v31;
	v29 =	vand.u32 $0x3800, v30;
	v22 =	vld.idx.msk [tilespmem:v41+s31+$0x0], $0xffff;
	v24 =	vadd.s32 v6, v24  }
.LBB2_3:
0x57: {  	v30 =	vmov s8;
	v31 =	vor.u32 v3, v28;
	v29 =	vor.u32 v15, v29;
	v26 =	vld.idx.msk [tilespmem:v26+s15+$0x0], $0xffff  }
0x58: {  	s9 =	sadd.s32 $0xFFFFFF80, s8;
	s10 =	sadd.s32 $0xFFFFFFC0, s8;
	v32 =	vor.u32 v2, v28;
	v30 =	vshll.u32 v30, $0x3;
	v29 =	vbroadcast v29, $0x0;
	v33 =	vld.idx.msk [tilespmem:v19+s31+$0x0], $0xffff  }
0x59: {  	s11 =	sadd.s32 $0xFFFFFF40, s8;
	v35 =	vor.u32 v1, v28;
	v34 =	vmov s9;
	v19 =	vmov s10;
	v23 =	vld.idx.msk [tilespmem:v23+s15+$0x0], $0xffff  }
0x5a: {  	v28 =	vor.u32 v0, v28;
	v36 =	vmov s11;
	v29 =	vor.u32 v16, v29;
	v27 =	vld.idx.msk [tilespmem:v27+s31+$0x0], $0xffff  }
0x5b: {  	v30 =	vand.u32 $0x3C00, v30;
	v17 =	vadd.f32 v25, v17;
	v37 =	vor.u32 v13, v29;
	v24 =	vld.idx.msk [tilespmem:v24+s15+$0x0], $0xffff  }
0x5c: {  	v19 =	vshll.u32 v19, $0x3;
	v25 =	vshll.u32 v36, $0x3;
	v36 =	vor.u32 v4, v29;
	v31 =	vld.idx.msk [tilespmem:v31+s31+$0x0], $0xffff  }
0x5d: {  	v30 =	vor.u32 v15, v30;
	v38 =	vor.u32 v7, v29;
	v17 =	vadd.f32 v26, v17;
	v32 =	vld.idx.msk [tilespmem:v32+s31+$0x0], $0xffff  }
0x5e: {  	v19 =	vor.u32 v15, v19;
	v29 =	vor.u32 v12, v29;
	v26 =	vbroadcast v30, $0x0;
	v30 =	vld.idx.msk [tilespmem:v35+s31+$0x0], $0xffff  }
0x5f: {  	v25 =	vor.u32 v15, v25;
	v19 =	vbroadcast v19, $0x0;
	v17 =	vadd.f32 v23, v17;
	v28 =	vld.idx.msk [tilespmem:v28+s31+$0x0], $0xffff  }
0x60: {  	v35 =	vbroadcast v25, $0x0;
	v23 =	vor.u32 v16, v26;
	v26 =	vor.u32 v4, v18;
	v25 =	vld.idx.msk [tilespmem:v37+s31+$0x0], $0xffff  }
0x61: {  	v39 =	vor.u32 v13, v18;
	v37 =	vor.u32 v16, v19;
	v17 =	vadd.f32 v24, v17;
	v36 =	vld.idx.msk [tilespmem:v36+s31+$0x0], $0xffff  }
0x62: {  	v41 =	vor.u32 v12, v18;
	v40 =	vor.u32 v7, v23;
	v24 =	vor.u32 v3, v37;
	v38 =	vld.idx.msk [tilespmem:v38+s31+$0x0], $0xffff  }
0x63: {  	v43 =	vshll.u32 v20, v8;
	v19 =	vor.u32 v1, v37;
	v42 =	vor.u32 v2, v37;
	v29 =	vld.idx.msk [tilespmem:v29+s31+$0x0], $0xffff  }
0x64: {  	s6 =	sadd.s32 $0x40, s6;
	v21 =	vshll.u32 v21, v11;
	v20 =	vshll.u32 v22, v9;
	v22 =	vshll.u32 v33, v11;
	v18 =	vmovc v23  }
0x65: {  	s9 =	sadd.s32 $0xFFFFFFD0, s6;
	v27 =	vshll.u32 v27, v10;
	v23 =	vshll.u32 v31, v8;
	v28 =	vshll.u32 v28, v10;
	v26 =	vld.idx.msk [tilespmem:v26+s31+$0x0], $0xffff  }
0x66: {  	v31 =	vshll.u32 v32, v9;
	v30 =	vshll.u32 v30, v11;
	v28 =	vadd.s32 s9, v28  }
0x67: {  	v25 =	vshll.u32 v25, v8;
	s9 =	sadd.s32 $0xFFFFFFE0, s6;
	v28 =	vadd.s32 v30, v28;
	v30 =	vshll.u32 v36, v10;
	v32 =	vld.idx.msk [tilespmem:v41+s31+$0x0], $0xffff  }
0x68: {  	v28 =	vadd.s32 v31, v28;
	v31 =	vshll.u32 v38, v11;
	v30 =	vadd.s32 s9, v30;
	v33 =	vld.idx.msk [tilespmem:v39+s31+$0x0], $0xffff  }
0x69: {  	s9 =	sadd.s32 $0xFFFFFFF0, s6;
	v23 =	vadd.s32 v23, v28;
	v28 =	vshll.u32 v29, v9;
	v29 =	vadd.s32 v31, v30  }
0x6a: {  	s7 =	sadd.s32 $0x4, s7;
	v27 =	vadd.s32 s9, v27;
	v30 =	vadd.s32 v6, v23;
	v23 =	vadd.s32 v28, v29  }
0x6b: {  	p0 =	slt.u32 s7, $0x1C;
	v22 =	vadd.s32 v22, v27;
	v23 =	vadd.s32 v25, v23;
	v25 =	vshll.u32 v26, v10  }
.Ltmp0:
0x6c: {  	v22 =	vadd.s32 v20, v22;
	v26 =	vadd.s32 v6, v23;
	v23 =	vadd.s32 s6, v25;
	(pc) =	sbr.rel @p0 .LBB2_3-.Ltmp0, $4  }
0x6d: {  	v22 =	vadd.s32 v43, v22;
	v25 =	vadd.s32 v21, v23;
	v20 =	vld.idx.msk [tilespmem:v24+s31+$0x0], $0xffff;
	v24 =	vshll.u32 v32, v9  }
0x6e: {  	v23 =	vadd.s32 v6, v22;
	v22 =	vshll.u32 v33, v8;
	v21 =	vld.idx.msk [tilespmem:v40+s31+$0x0], $0xffff;
	v24 =	vadd.s32 v24, v25  }
0x6f: {  	v29 =	vshll.u32 v34, $0x3;
	v27 =	vor.u32 v0, v37;
	v25 =	vld.idx.msk [tilespmem:v30+s15+$0x0], $0xffff;
	v24 =	vadd.s32 v22, v24  }
0x70: {  	s8 =	sadd.s32 $0x100, s8;
	v28 =	vor.u32 v16, v35;
	v29 =	vand.u32 $0x3800, v29;
	v22 =	vld.idx.msk [tilespmem:v42+s31+$0x0], $0xffff;
	v24 =	vadd.s32 v6, v24  }
0x71: {  	_ =	sdelay $0x1  }
0x72: {  	v15 =	vor.u32 v15, v29;
	v46 =	vor.u32 v0, v28  }
0x73: {  	v30 =	vor.u32 v1, v28;
	v15 =	vbroadcast v15, $0x0  }
0x74: {  	v31 =	vor.u32 v3, v28;
	v26 =	vld.idx.msk [tilespmem:v26+s15+$0x0], $0xffff  }
0x75: {  	v47 =	vor.u32 v2, v28;
	v19 =	vld.idx.msk [tilespmem:v19+s31+$0x0], $0xffff;
	v15 =	vor.u32 v16, v15  }
0x76: {  	v48 =	vld.idx.msk [tilespmem:v27+s31+$0x0], $0xffff;
	v32 =	vor.u32 v4, v15  }
0x77: {  	v33 =	vor.u32 v7, v15;
	v29 =	vld.idx.msk [tilespmem:v46+s31+$0x0], $0xffff  }
0x78: {  	v49 =	vor.u32 v13, v15;
	v15 =	vor.u32 v12, v15;
	v30 =	vld.idx.msk [tilespmem:v30+s31+$0x0], $0xffff  }
0x79: {  	v31 =	vld.idx.msk [tilespmem:v31+s31+$0x0], $0xffff  }
0x7a: {  	v34 =	vor.u32 v4, v18;
	v28 =	vld.idx.msk [tilespmem:v47+s31+$0x0], $0xffff  }
0x7b: {  	v52 =	vor.u32 v12, v18;
	v17 =	vadd.f32 v25, v17;
	v50 =	vld.idx.msk [tilespmem:v32+s31+$0x0], $0xffff  }
0x7c: {  	s6 =	sadd.s32 $0x40, s6;
	v54 =	vor.u32 v13, v18;
	v20 =	vshll.u32 v20, v8;
	v21 =	vshll.u32 v21, v11;
	v51 =	vld.idx.msk [tilespmem:v33+s31+$0x0], $0xffff  }
0x7d: {  	s11 =	sadd.s32 $0xFFFFFFF0, s6;
	v22 =	vshll.u32 v22, v9;
	v17 =	vadd.f32 v26, v17;
	v16 =	vshll.u32 v48, v10;
	v15 =	vld.idx.msk [tilespmem:v15+s31+$0x0], $0xffff  }
0x7e: {  	s7 =	sadd.s32 $0xFFFFFFD0, s6;
	v19 =	vshll.u32 v19, v11;
	v16 =	vadd.s32 s11, v16;
	v27 =	vld.idx.msk [tilespmem:v49+s31+$0x0], $0xffff;
	v29 =	vshll.u32 v29, v10  }
0x7f: {  	v56 =	vld.idx.msk [tilespmem:v34+s31+$0x0], $0xffff;
	v30 =	vshll.u32 v30, v11;
	v55 =	vshll.u32 v31, v8;
	v29 =	vadd.s32 s7, v29  }
0x80: {  	s10 =	sadd.s32 $0xFFFFFFE0, s6;
	v28 =	vshll.u32 v28, v9;
	v53 =	vadd.s32 v30, v29;
	v25 =	vshll.u32 v50, v10  }
0x81: {  	v57 =	vld.idx.msk [tilespmem:v52+s31+$0x0], $0xffff;
	v26 =	vadd.s32 v28, v53;
	v58 =	vshll.u32 v51, v11;
	v25 =	vadd.s32 s10, v25  }
0x82: {  	v18 =	vld.idx.msk [tilespmem:v54+s31+$0x0], $0xffff;
	v26 =	vadd.s32 v55, v26;
	v15 =	vshll.u32 v15, v9;
	v25 =	vadd.s32 v58, v25  }
0x83: {  	v27 =	vshll.u32 v27, v8;
	v26 =	vadd.s32 v6, v26;
	v15 =	vadd.s32 v15, v25  }
0x84: {  	v23 =	vld.idx.msk [tilespmem:v23+s15+$0x0], $0xffff;
	v16 =	vadd.s32 v19, v16;
	v59 =	vshll.u32 v56, v10;
	v15 =	vadd.s32 v27, v15  }
0x85: {  	v16 =	vadd.s32 v22, v16;
	v19 =	vadd.s32 s6, v59;
	v15 =	vadd.s32 v6, v15  }
0x86: {  	v60 =	vld.idx.msk [tilespmem:v24+s15+$0x0], $0xffff;
	v16 =	vadd.s32 v20, v16;
	v61 =	vshll.u32 v57, v9;
	v19 =	vadd.s32 v21, v19  }
0x87: {  	v16 =	vadd.s32 v6, v16;
	v18 =	vshll.u32 v18, v8;
	v19 =	vadd.s32 v61, v19  }
0x88: {  	v18 =	vadd.s32 v18, v19;
	v62 =	vld.idx.msk [tilespmem:v26+s15+$0x0], $0xffff  }
0x89: {  	v17 =	vadd.f32 v23, v17;
	v18 =	vadd.s32 v6, v18  }
0x8a: {  	v15 =	vld.idx.msk [tilespmem:v15+s15+$0x0], $0xffff  }
0x8b: {  	v17 =	vadd.f32 v60, v17  }
0x8c: {  	v16 =	vld.idx.msk [tilespmem:v16+s15+$0x0], $0xffff  }
0x8d: {  	v17 =	vadd.f32 v62, v17  }
0x8e: {  	v18 =	vld.idx.msk [tilespmem:v18+s15+$0x0], $0xffff  }
0x8f: {  	v15 =	vadd.f32 v15, v17;
	_ =	sdelay $0x1  }
0x90: {  	v15 =	vadd.f32 v16, v15;
	_ =	sdelay $0x1  }
0x91: {  	v15 =	vadd.f32 v18, v15;
	_ =	sdelay $0x1  }
0x92: {  	(xrf2) =	vadd.scan.msk.f32 $0xffff, v15;
	_ =	sdelay $0x7  }
0x93: {  	v15 =	vld.idx.msk [tilespmem:v14+s1+$0x0], $0xffff  }
0x94: {  	s5 =	sadd.s32 $0x1, s5  }
0x95: {  	p0 =	sne.s32 s5, $0x10;
	v63, _, _ =	vpop (xrf2)  }
.Ltmp1:
0x96: {  	v16 =	vbroadcast v63, $0xF;
	(pc) =	sbr.rel @p0 .LBB2_2-.Ltmp1, $3  }
0x97: {  	_ = 	snop  }
0x98: {  	v15 =	vadd.f32 v15, v16;
	_ =	sdelay $0x1  }
0x99: {  	[tilespmem:v14+s1+$0x0] =	vst.idx.msk $0x1, v15  }
0x9a: {  	_ =	swait.ge [sflag:s2], $0x8000  }
0x9b: {  	[sflag:s2] =	ssyncset.done $0x0  }
0x9c: {  	s5 =	rddreg [dreg:$0x6];
	[sflag:s2] =	ssyncadd.s32 $0xFFFF8000  }
0x9d: {  	[tilespmem:s31], [sflag:$0x1] =	stream.strided.gather [hbm4b:s5+s31], $0x8000, s30, s31, $0x38;
	[tilespmem:$0x14080] =	vst v63  }
0x9e: {  	s5 =	simm.s32 $0x0  }
.LBB2_6:
0x9f: {  	v14 =	vmov s5;
	s6 =	simm.s32 $0xC0;
	s7 =	simm.s32 $0x80  }
0xa0: {  	v15 =	vshll.u32 v14, $0xB;
	v16 =	vmov s6;
	v17 =	vmov s7  }
0xa1: {  	v15 =	vand.u32 $0x4000, v15;
	v16 =	vshll.u32 v16, $0x3;
	v17 =	vshll.u32 v17, $0x3  }
0xa2: {  	s8 =	simm.s32 $0x40;
	v18 =	vshll.u32 v14, $0x7;
	v16 =	vand.u32 $0x3C00, v16;
	v17 =	vor.u32 v15, v17  }
0xa3: {  	v22 =	vmov s8;
	v19 =	vor.u32 v15, v16;
	v17 =	vbroadcast v17, $0x0  }
0xa4: {  	v22 =	vshll.u32 v22, $0x3;
	v16 =	vand.u32 $0x380, v18;
	v18 =	vbroadcast v19, $0x0  }
0xa5: {  	s7 =	simm.s32 $0x0;
	v22 =	vand.u32 $0x3800, v22;
	v17 =	vor.u32 v16, v17  }
0xa6: {  	v19 =	vmov s7;
	v20 =	vor.u32 v16, v18;
	v18 =	vor.u32 v3, v17  }
0xa7: {  	v22 =	vor.u32 v15, v22;
	v19 =	vshll.u32 v19, $0x3;
	v23 =	vor.u32 v2, v17  }
0xa8: {  	v22 =	vbroadcast v22, $0x0;
	v19 =	vor.u32 v15, v19;
	v24 =	vor.u32 v1, v17  }
0xa9: {  	v25 =	vor.u32 v0, v17;
	v19 =	vbroadcast v19, $0x0  }
0xaa: {  	v22 =	vor.u32 v16, v22;
	v21 =	vor.u32 v7, v20  }
0xab: {  	v32 =	vor.u32 v13, v22;
	v19 =	vor.u32 v16, v19;
	v26 =	vld.idx.msk [tilespmem:v18+s25+$0x0], $0xffff  }
0xac: {  	v18 =	vor.u32 v3, v19;
	v23 =	vld.idx.msk [tilespmem:v23+s25+$0x0], $0xffff  }
0xad: {  	s9 =	simm.s32 $0x1C0;
	s10 =	simm.s32 $0x180;
	v28 =	vor.u32 v2, v19;
	v24 =	vld.idx.msk [tilespmem:v24+s25+$0x0], $0xffff  }
0xae: {  	v27 =	vmov s9;
	v29 =	vmov s10;
	v34 =	vor.u32 v4, v22;
	v25 =	vld.idx.msk [tilespmem:v25+s25+$0x0], $0xffff  }
0xaf: {  	s11 =	simm.s32 $0x100;
	v29 =	vshll.u32 v29, $0x3;
	v30 =	vor.u32 v1, v19;
	v19 =	vor.u32 v0, v19;
	v21 =	vld.idx.msk [tilespmem:v21+s25+$0x0], $0xffff  }
0xb0: {  	v31 =	vmov s11;
	v27 =	vshll.u32 v27, $0x3;
	v29 =	vor.u32 v15, v29;
	v32 =	vld.idx.msk [tilespmem:v32+s25+$0x0], $0xffff  }
0xb1: {  	s8 =	simm.s32 $0x140;
	v31 =	vshll.u32 v31, $0x3;
	v27 =	vand.u32 $0x3C00, v27;
	v29 =	vbroadcast v29, $0x0;
	v33 =	vld.idx.msk [tilespmem:v18+s25+$0x0], $0xffff  }
0xb2: {  	v35 =	vmov s8;
	v18 =	vor.u32 v15, v27;
	v27 =	vld.idx.msk [tilespmem:v28+s25+$0x0], $0xffff;
	v28 =	vor.u32 v7, v22  }
0xb3: {  	v31 =	vor.u32 v15, v31;
	v29 =	vor.u32 v16, v29;
	v34 =	vld.idx.msk [tilespmem:v34+s25+$0x0], $0xffff;
	v22 =	vor.u32 v12, v22  }
0xb4: {  	v31 =	vbroadcast v31, $0x0;
	v17 =	vimm.f32 $0.0e+00;
	v39 =	vor.u32 v3, v29;
	v36 =	vld.idx.msk [tilespmem:v19+s25+$0x0], $0xffff  }
0xb5: {  	v41 =	vor.u32 v2, v29;
	v37 =	vor.u32 v4, v20;
	v38 =	vor.u32 v13, v20;
	v30 =	vld.idx.msk [tilespmem:v30+s25+$0x0], $0xffff  }
0xb6: {  	v20 =	vor.u32 v12, v20;
	v19 =	vor.u32 v1, v29;
	v42 =	vshll.u32 v26, v8  }
0xb7: {  	v23 =	vshll.u32 v23, v9;
	v24 =	vshll.u32 v24, v11;
	v18 =	vbroadcast v18, $0x0;
	v28 =	vld.idx.msk [tilespmem:v28+s25+$0x0], $0xffff  }
0xb8: {  	v25 =	vshll.u32 v25, v10;
	v21 =	vshll.u32 v21, v11;
	v32 =	vshll.u32 v32, v8;
	v22 =	vld.idx.msk [tilespmem:v22+s25+$0x0], $0xffff  }
0xb9: {  	s9 =	simm.s32 $0x200;
	v62 =	vshll.u32 v34, v10;
	v18 =	vor.u32 v16, v18;
	v60 =	vshll.u32 v36, v10  }
0xba: {  	v61 =	vld.idx.msk [tilespmem:v37+s25+$0x0], $0xffff;
	v30 =	vshll.u32 v30, v11;
	v26 =	vshll.u32 v33, v8;
	v33 =	vadd.s32 s9, v60  }
0xbb: {  	s10 =	simm.s32 $0x210;
	v40 =	vor.u32 v7, v18;
	v27 =	vshll.u32 v27, v9;
	v30 =	vadd.s32 v30, v33  }
0xbc: {  	v63 =	vld.idx.msk [tilespmem:v20+s25+$0x0], $0xffff;
	v20 =	vadd.s32 v27, v30;
	v27 =	vshll.u32 v28, v11;
	v28 =	vadd.s32 s10, v62  }
0xbd: {  	s11 =	simm.s32 $0x220;
	v30 =	vld.idx.msk [tilespmem:v38+s25+$0x0], $0xffff;
	v20 =	vadd.s32 v26, v20;
	v22 =	vshll.u32 v22, v9;
	v26 =	vadd.s32 v27, v28  }
0xbe: {  	v28 =	vadd.s32 v6, v20;
	v20 =	vadd.s32 v22, v26;
	v22 =	vadd.s32 s11, v25  }
0xbf: {  	s6 =	simm.s32 $0x230;
	v20 =	vadd.s32 v32, v20;
	v22 =	vadd.s32 v24, v22;
	v24 =	vshll.u32 v61, v10  }
0xc0: {  	v26 =	vadd.s32 v6, v20;
	v22 =	vadd.s32 v23, v22;
	v23 =	vadd.s32 s6, v24  }
0xc1: {  	v20 =	vld.idx.msk [tilespmem:v39+s25+$0x0], $0xffff;
	v24 =	vshll.u32 v63, v9;
	v22 =	vadd.s32 v42, v22;
	v25 =	vadd.s32 v21, v23  }
0xc2: {  	v21 =	vld.idx.msk [tilespmem:v40+s25+$0x0], $0xffff;
	v23 =	vadd.s32 v6, v22;
	v22 =	vshll.u32 v30, v8;
	v24 =	vadd.s32 v24, v25  }
0xc3: {  	v27 =	vor.u32 v0, v29;
	v30 =	vshll.u32 v35, $0x3;
	v25 =	vld.idx.msk [tilespmem:v28+s15+$0x0], $0xffff;
	v24 =	vadd.s32 v22, v24  }
0xc4: {  	s8 =	simm.s32 $0x2C0;
	s7 =	simm.s32 $0x4;
	v28 =	vor.u32 v16, v31;
	v29 =	vand.u32 $0x3800, v30;
	v22 =	vld.idx.msk [tilespmem:v41+s25+$0x0], $0xffff;
	v24 =	vadd.s32 v6, v24  }
.LBB2_7:
0xc5: {  	v30 =	vmov s8;
	v31 =	vor.u32 v3, v28;
	v29 =	vor.u32 v15, v29;
	v26 =	vld.idx.msk [tilespmem:v26+s15+$0x0], $0xffff  }
0xc6: {  	s9 =	sadd.s32 $0xFFFFFF80, s8;
	s10 =	sadd.s32 $0xFFFFFFC0, s8;
	v32 =	vor.u32 v2, v28;
	v30 =	vshll.u32 v30, $0x3;
	v29 =	vbroadcast v29, $0x0;
	v33 =	vld.idx.msk [tilespmem:v19+s25+$0x0], $0xffff  }
0xc7: {  	s11 =	sadd.s32 $0xFFFFFF40, s8;
	v35 =	vor.u32 v1, v28;
	v34 =	vmov s9;
	v19 =	vmov s10;
	v23 =	vld.idx.msk [tilespmem:v23+s15+$0x0], $0xffff  }
0xc8: {  	v28 =	vor.u32 v0, v28;
	v36 =	vmov s11;
	v29 =	vor.u32 v16, v29;
	v27 =	vld.idx.msk [tilespmem:v27+s25+$0x0], $0xffff  }
0xc9: {  	v30 =	vand.u32 $0x3C00, v30;
	v17 =	vadd.f32 v25, v17;
	v37 =	vor.u32 v13, v29;
	v24 =	vld.idx.msk [tilespmem:v24+s15+$0x0], $0xffff  }
0xca: {  	v19 =	vshll.u32 v19, $0x3;
	v25 =	vshll.u32 v36, $0x3;
	v36 =	vor.u32 v4, v29;
	v31 =	vld.idx.msk [tilespmem:v31+s25+$0x0], $0xffff  }
0xcb: {  	v30 =	vor.u32 v15, v30;
	v38 =	vor.u32 v7, v29;
	v17 =	vadd.f32 v26, v17;
	v32 =	vld.idx.msk [tilespmem:v32+s25+$0x0], $0xffff  }
0xcc: {  	v19 =	vor.u32 v15, v19;
	v29 =	vor.u32 v12, v29;
	v26 =	vbroadcast v30, $0x0;
	v30 =	vld.idx.msk [tilespmem:v35+s25+$0x0], $0xffff  }
0xcd: {  	v25 =	vor.u32 v15, v25;
	v19 =	vbroadcast v19, $0x0;
	v17 =	vadd.f32 v23, v17;
	v28 =	vld.idx.msk [tilespmem:v28+s25+$0x0], $0xffff  }
0xce: {  	v35 =	vbroadcast v25, $0x0;
	v23 =	vor.u32 v16, v26;
	v26 =	vor.u32 v4, v18;
	v25 =	vld.idx.msk [tilespmem:v37+s25+$0x0], $0xffff  }
0xcf: {  	v39 =	vor.u32 v13, v18;
	v37 =	vor.u32 v16, v19;
	v17 =	vadd.f32 v24, v17;
	v36 =	vld.idx.msk [tilespmem:v36+s25+$0x0], $0xffff  }
0xd0: {  	v41 =	vor.u32 v12, v18;
	v40 =	vor.u32 v7, v23;
	v24 =	vor.u32 v3, v37;
	v38 =	vld.idx.msk [tilespmem:v38+s25+$0x0], $0xffff  }
0xd1: {  	v43 =	vshll.u32 v20, v8;
	v19 =	vor.u32 v1, v37;
	v42 =	vor.u32 v2, v37;
	v29 =	vld.idx.msk [tilespmem:v29+s25+$0x0], $0xffff  }
0xd2: {  	s6 =	sadd.s32 $0x40, s6;
	v21 =	vshll.u32 v21, v11;
	v20 =	vshll.u32 v22, v9;
	v22 =	vshll.u32 v33, v11;
	v18 =	vmovc v23  }
0xd3: {  	s9 =	sadd.s32 $0xFFFFFFD0, s6;
	v27 =	vshll.u32 v27, v10;
	v23 =	vshll.u32 v31, v8;
	v28 =	vshll.u32 v28, v10;
	v26 =	vld.idx.msk [tilespmem:v26+s25+$0x0], $0xffff  }
0xd4: {  	v31 =	vshll.u32 v32, v9;
	v30 =	vshll.u32 v30, v11;
	v28 =	vadd.s32 s9, v28  }
0xd5: {  	v25 =	vshll.u32 v25, v8;
	s9 =	sadd.s32 $0xFFFFFFE0, s6;
	v28 =	vadd.s32 v30, v28;
	v30 =	vshll.u32 v36, v10;
	v32 =	vld.idx.msk [tilespmem:v41+s25+$0x0], $0xffff  }
0xd6: {  	v28 =	vadd.s32 v31, v28;
	v31 =	vshll.u32 v38, v11;
	v30 =	vadd.s32 s9, v30;
	v33 =	vld.idx.msk [tilespmem:v39+s25+$0x0], $0xffff  }
0xd7: {  	s9 =	sadd.s32 $0xFFFFFFF0, s6;
	v23 =	vadd.s32 v23, v28;
	v28 =	vshll.u32 v29, v9;
	v29 =	vadd.s32 v31, v30  }
0xd8: {  	s7 =	sadd.s32 $0x4, s7;
	v27 =	vadd.s32 s9, v27;
	v30 =	vadd.s32 v6, v23;
	v23 =	vadd.s32 v28, v29  }
0xd9: {  	p0 =	slt.u32 s7, $0x1C;
	v22 =	vadd.s32 v22, v27;
	v23 =	vadd.s32 v25, v23;
	v25 =	vshll.u32 v26, v10  }
.Ltmp2:
0xda: {  	v22 =	vadd.s32 v20, v22;
	v26 =	vadd.s32 v6, v23;
	v23 =	vadd.s32 s6, v25;
	(pc) =	sbr.rel @p0 .LBB2_7-.Ltmp2, $4  }
0xdb: {  	v22 =	vadd.s32 v43, v22;
	v25 =	vadd.s32 v21, v23;
	v20 =	vld.idx.msk [tilespmem:v24+s25+$0x0], $0xffff;
	v24 =	vshll.u32 v32, v9  }
0xdc: {  	v23 =	vadd.s32 v6, v22;
	v22 =	vshll.u32 v33, v8;
	v21 =	vld.idx.msk [tilespmem:v40+s25+$0x0], $0xffff;
	v24 =	vadd.s32 v24, v25  }
0xdd: {  	v29 =	vshll.u32 v34, $0x3;
	v27 =	vor.u32 v0, v37;
	v25 =	vld.idx.msk [tilespmem:v30+s15+$0x0], $0xffff;
	v24 =	vadd.s32 v22, v24  }
0xde: {  	s8 =	sadd.s32 $0x100, s8;
	v28 =	vor.u32 v16, v35;
	v29 =	vand.u32 $0x3800, v29;
	v22 =	vld.idx.msk [tilespmem:v42+s25+$0x0], $0xffff;
	v24 =	vadd.s32 v6, v24  }
0xdf: {  	_ =	sdelay $0x1  }
0xe0: {  	v15 =	vor.u32 v15, v29;
	v46 =	vor.u32 v0, v28  }
0xe1: {  	v30 =	vor.u32 v1, v28;
	v15 =	vbroadcast v15, $0x0  }
0xe2: {  	v31 =	vor.u32 v3, v28;
	v26 =	vld.idx.msk [tilespmem:v26+s15+$0x0], $0xffff  }
0xe3: {  	v47 =	vor.u32 v2, v28;
	v19 =	vld.idx.msk [tilespmem:v19+s25+$0x0], $0xffff;
	v15 =	vor.u32 v16, v15  }
0xe4: {  	v48 =	vld.idx.msk [tilespmem:v27+s25+$0x0], $0xffff;
	v32 =	vor.u32 v4, v15  }
0xe5: {  	v33 =	vor.u32 v7, v15;
	v29 =	vld.idx.msk [tilespmem:v46+s25+$0x0], $0xffff  }
0xe6: {  	v49 =	vor.u32 v13, v15;
	v15 =	vor.u32 v12, v15;
	v30 =	vld.idx.msk [tilespmem:v30+s25+$0x0], $0xffff  }
0xe7: {  	v31 =	vld.idx.msk [tilespmem:v31+s25+$0x0], $0xffff  }
0xe8: {  	v34 =	vor.u32 v4, v18;
	v28 =	vld.idx.msk [tilespmem:v47+s25+$0x0], $0xffff  }
0xe9: {  	v52 =	vor.u32 v12, v18;
	v17 =	vadd.f32 v25, v17;
	v50 =	vld.idx.msk [tilespmem:v32+s25+$0x0], $0xffff  }
0xea: {  	s6 =	sadd.s32 $0x40, s6;
	v54 =	vor.u32 v13, v18;
	v20 =	vshll.u32 v20, v8;
	v21 =	vshll.u32 v21, v11;
	v51 =	vld.idx.msk [tilespmem:v33+s25+$0x0], $0xffff  }
0xeb: {  	s11 =	sadd.s32 $0xFFFFFFF0, s6;
	v22 =	vshll.u32 v22, v9;
	v17 =	vadd.f32 v26, v17;
	v16 =	vshll.u32 v48, v10;
	v15 =	vld.idx.msk [tilespmem:v15+s25+$0x0], $0xffff  }
0xec: {  	s7 =	sadd.s32 $0xFFFFFFD0, s6;
	v19 =	vshll.u32 v19, v11;
	v16 =	vadd.s32 s11, v16;
	v27 =	vld.idx.msk [tilespmem:v49+s25+$0x0], $0xffff;
	v29 =	vshll.u32 v29, v10  }
0xed: {  	v56 =	vld.idx.msk [tilespmem:v34+s25+$0x0], $0xffff;
	v30 =	vshll.u32 v30, v11;
	v55 =	vshll.u32 v31, v8;
	v29 =	vadd.s32 s7, v29  }
0xee: {  	s10 =	sadd.s32 $0xFFFFFFE0, s6;
	v28 =	vshll.u32 v28, v9;
	v53 =	vadd.s32 v30, v29;
	v25 =	vshll.u32 v50, v10  }
0xef: {  	v57 =	vld.idx.msk [tilespmem:v52+s25+$0x0], $0xffff;
	v26 =	vadd.s32 v28, v53;
	v58 =	vshll.u32 v51, v11;
	v25 =	vadd.s32 s10, v25  }
0xf0: {  	v18 =	vld.idx.msk [tilespmem:v54+s25+$0x0], $0xffff;
	v26 =	vadd.s32 v55, v26;
	v15 =	vshll.u32 v15, v9;
	v25 =	vadd.s32 v58, v25  }
0xf1: {  	v27 =	vshll.u32 v27, v8;
	v26 =	vadd.s32 v6, v26;
	v15 =	vadd.s32 v15, v25  }
0xf2: {  	v23 =	vld.idx.msk [tilespmem:v23+s15+$0x0], $0xffff;
	v16 =	vadd.s32 v19, v16;
	v59 =	vshll.u32 v56, v10;
	v15 =	vadd.s32 v27, v15  }
0xf3: {  	v16 =	vadd.s32 v22, v16;
	v19 =	vadd.s32 s6, v59;
	v15 =	vadd.s32 v6, v15  }
0xf4: {  	v60 =	vld.idx.msk [tilespmem:v24+s15+$0x0], $0xffff;
	v16 =	vadd.s32 v20, v16;
	v61 =	vshll.u32 v57, v9;
	v19 =	vadd.s32 v21, v19  }
0xf5: {  	v16 =	vadd.s32 v6, v16;
	v18 =	vshll.u32 v18, v8;
	v19 =	vadd.s32 v61, v19  }
0xf6: {  	v18 =	vadd.s32 v18, v19;
	v62 =	vld.idx.msk [tilespmem:v26+s15+$0x0], $0xffff  }
0xf7: {  	v17 =	vadd.f32 v23, v17;
	v18 =	vadd.s32 v6, v18  }
0xf8: {  	v15 =	vld.idx.msk [tilespmem:v15+s15+$0x0], $0xffff  }
0xf9: {  	v17 =	vadd.f32 v60, v17  }
0xfa: {  	v16 =	vld.idx.msk [tilespmem:v16+s15+$0x0], $0xffff  }
0xfb: {  	v17 =	vadd.f32 v62, v17  }
0xfc: {  	v18 =	vld.idx.msk [tilespmem:v18+s15+$0x0], $0xffff  }
0xfd: {  	v15 =	vadd.f32 v15, v17;
	_ =	sdelay $0x1  }
0xfe: {  	v15 =	vadd.f32 v16, v15;
	_ =	sdelay $0x1  }
0xff: {  	v15 =	vadd.f32 v18, v15;
	_ =	sdelay $0x1  }
0x100: {  	(xrf2) =	vadd.scan.msk.f32 $0xffff, v15;
	_ =	sdelay $0x7  }
0x101: {  	v15 =	vld.idx.msk [tilespmem:v14+s1+$0x0], $0xffff  }
0x102: {  	s5 =	sadd.s32 $0x1, s5  }
0x103: {  	p0 =	sne.s32 s5, $0x10;
	v63, _, _ =	vpop (xrf2)  }
.Ltmp3:
0x104: {  	v16 =	vbroadcast v63, $0xF;
	(pc) =	sbr.rel @p0 .LBB2_6-.Ltmp3, $3  }
0x105: {  	_ = 	snop  }
0x106: {  	v15 =	vadd.f32 v15, v16;
	_ =	sdelay $0x1  }
0x107: {  	[tilespmem:v14+s1+$0x0] =	vst.idx.msk $0x1, v15  }
0x108: {  	s5 =	simm.s32 $0x0  }
0x109: {  	[hbm4b:s18+s5] =	stream.linear.scatter [tilespmem:s1], [sflag:$0x4], $0x10, $0x38;
	[tilespmem:$0x14080] =	vst v63  }
0x10a: {  	_ =	swait.ge [sflag:s3], $0x10  }
0x10b: {  	[sflag:s3] =	ssyncset.done $0x0  }
0x10c: {  	[sflag:s3] =	ssyncadd.s32 $0xFFFFFFF0  }
0x10d: {  	_ =	swait.ge [sflag:s0], $0x8000  }
0x10e: {  	[sflag:s0] =	ssyncset.done $0x0  }
0x10f: {  	s6 =	rddreg [dreg:$0x7];
	[sflag:s0] =	ssyncadd.s32 $0xFFFF8000  }
0x110: {  	[tilespmem:s25], [sflag:$0x2] =	stream.strided.gather [hbm4b:s6+s31], $0x8000, s30, s31, $0x38;
	[tilespmem:$0x14080] =	vst v63  }
0x111: {  	[tilespmem:$0x14000] =	vst v5  }
.LBB2_10:
0x112: {  	v14 =	vmov s5;
	s6 =	simm.s32 $0xC0;
	s7 =	simm.s32 $0x80  }
0x113: {  	v15 =	vshll.u32 v14, $0xB;
	v16 =	vmov s6;
	v17 =	vmov s7  }
0x114: {  	v15 =	vand.u32 $0x4000, v15;
	v16 =	vshll.u32 v16, $0x3;
	v17 =	vshll.u32 v17, $0x3  }
0x115: {  	s8 =	simm.s32 $0x40;
	v18 =	vshll.u32 v14, $0x7;
	v16 =	vand.u32 $0x3C00, v16;
	v17 =	vor.u32 v15, v17  }
0x116: {  	v22 =	vmov s8;
	v19 =	vor.u32 v15, v16;
	v17 =	vbroadcast v17, $0x0  }
0x117: {  	v22 =	vshll.u32 v22, $0x3;
	v16 =	vand.u32 $0x380, v18;
	v18 =	vbroadcast v19, $0x0  }
0x118: {  	s7 =	simm.s32 $0x0;
	v22 =	vand.u32 $0x3800, v22;
	v17 =	vor.u32 v16, v17  }
0x119: {  	v19 =	vmov s7;
	v20 =	vor.u32 v16, v18;
	v18 =	vor.u32 v3, v17  }
0x11a: {  	v22 =	vor.u32 v15, v22;
	v19 =	vshll.u32 v19, $0x3;
	v23 =	vor.u32 v2, v17  }
0x11b: {  	v22 =	vbroadcast v22, $0x0;
	v19 =	vor.u32 v15, v19;
	v24 =	vor.u32 v1, v17  }
0x11c: {  	v25 =	vor.u32 v0, v17;
	v19 =	vbroadcast v19, $0x0  }
0x11d: {  	v22 =	vor.u32 v16, v22;
	v21 =	vor.u32 v7, v20  }
0x11e: {  	v32 =	vor.u32 v13, v22;
	v19 =	vor.u32 v16, v19;
	v26 =	vld.idx.msk [tilespmem:v18+s31+$0x0], $0xffff  }
0x11f: {  	v18 =	vor.u32 v3, v19;
	v23 =	vld.idx.msk [tilespmem:v23+s31+$0x0], $0xffff  }
0x120: {  	s9 =	simm.s32 $0x1C0;
	s10 =	simm.s32 $0x180;
	v28 =	vor.u32 v2, v19;
	v24 =	vld.idx.msk [tilespmem:v24+s31+$0x0], $0xffff  }
0x121: {  	v27 =	vmov s9;
	v29 =	vmov s10;
	v34 =	vor.u32 v4, v22;
	v25 =	vld.idx.msk [tilespmem:v25+s31+$0x0], $0xffff  }
0x122: {  	s11 =	simm.s32 $0x100;
	v29 =	vshll.u32 v29, $0x3;
	v30 =	vor.u32 v1, v19;
	v19 =	vor.u32 v0, v19;
	v21 =	vld.idx.msk [tilespmem:v21+s31+$0x0], $0xffff  }
0x123: {  	v31 =	vmov s11;
	v27 =	vshll.u32 v27, $0x3;
	v29 =	vor.u32 v15, v29;
	v32 =	vld.idx.msk [tilespmem:v32+s31+$0x0], $0xffff  }
0x124: {  	s8 =	simm.s32 $0x140;
	v31 =	vshll.u32 v31, $0x3;
	v27 =	vand.u32 $0x3C00, v27;
	v29 =	vbroadcast v29, $0x0;
	v33 =	vld.idx.msk [tilespmem:v18+s31+$0x0], $0xffff  }
0x125: {  	v35 =	vmov s8;
	v18 =	vor.u32 v15, v27;
	v27 =	vld.idx.msk [tilespmem:v28+s31+$0x0], $0xffff;
	v28 =	vor.u32 v7, v22  }
0x126: {  	v31 =	vor.u32 v15, v31;
	v29 =	vor.u32 v16, v29;
	v34 =	vld.idx.msk [tilespmem:v34+s31+$0x0], $0xffff;
	v22 =	vor.u32 v12, v22  }
0x127: {  	v31 =	vbroadcast v31, $0x0;
	v17 =	vimm.f32 $0.0e+00;
	v39 =	vor.u32 v3, v29;
	v36 =	vld.idx.msk [tilespmem:v19+s31+$0x0], $0xffff  }
0x128: {  	v41 =	vor.u32 v2, v29;
	v37 =	vor.u32 v4, v20;
	v38 =	vor.u32 v13, v20;
	v30 =	vld.idx.msk [tilespmem:v30+s31+$0x0], $0xffff  }
0x129: {  	v20 =	vor.u32 v12, v20;
	v19 =	vor.u32 v1, v29;
	v42 =	vshll.u32 v26, v8  }
0x12a: {  	v23 =	vshll.u32 v23, v9;
	v24 =	vshll.u32 v24, v11;
	v18 =	vbroadcast v18, $0x0;
	v28 =	vld.idx.msk [tilespmem:v28+s31+$0x0], $0xffff  }
0x12b: {  	v25 =	vshll.u32 v25, v10;
	v21 =	vshll.u32 v21, v11;
	v32 =	vshll.u32 v32, v8;
	v22 =	vld.idx.msk [tilespmem:v22+s31+$0x0], $0xffff  }
0x12c: {  	s9 =	simm.s32 $0x0;
	v62 =	vshll.u32 v34, v10;
	v18 =	vor.u32 v16, v18;
	v60 =	vshll.u32 v36, v10  }
0x12d: {  	v61 =	vld.idx.msk [tilespmem:v37+s31+$0x0], $0xffff;
	v30 =	vshll.u32 v30, v11;
	v26 =	vshll.u32 v33, v8;
	v33 =	vadd.s32 s9, v60  }
0x12e: {  	s10 =	simm.s32 $0x10;
	v40 =	vor.u32 v7, v18;
	v27 =	vshll.u32 v27, v9;
	v30 =	vadd.s32 v30, v33  }
0x12f: {  	v63 =	vld.idx.msk [tilespmem:v20+s31+$0x0], $0xffff;
	v20 =	vadd.s32 v27, v30;
	v27 =	vshll.u32 v28, v11;
	v28 =	vadd.s32 s10, v62  }
0x130: {  	s11 =	simm.s32 $0x20;
	v30 =	vld.idx.msk [tilespmem:v38+s31+$0x0], $0xffff;
	v20 =	vadd.s32 v26, v20;
	v22 =	vshll.u32 v22, v9;
	v26 =	vadd.s32 v27, v28  }
0x131: {  	v28 =	vadd.s32 v6, v20;
	v20 =	vadd.s32 v22, v26;
	v22 =	vadd.s32 s11, v25  }
0x132: {  	s6 =	simm.s32 $0x30;
	v20 =	vadd.s32 v32, v20;
	v22 =	vadd.s32 v24, v22;
	v24 =	vshll.u32 v61, v10  }
0x133: {  	v26 =	vadd.s32 v6, v20;
	v22 =	vadd.s32 v23, v22;
	v23 =	vadd.s32 s6, v24  }
0x134: {  	v20 =	vld.idx.msk [tilespmem:v39+s31+$0x0], $0xffff;
	v24 =	vshll.u32 v63, v9;
	v22 =	vadd.s32 v42, v22;
	v25 =	vadd.s32 v21, v23  }
0x135: {  	v21 =	vld.idx.msk [tilespmem:v40+s31+$0x0], $0xffff;
	v23 =	vadd.s32 v6, v22;
	v22 =	vshll.u32 v30, v8;
	v24 =	vadd.s32 v24, v25  }
0x136: {  	v27 =	vor.u32 v0, v29;
	v30 =	vshll.u32 v35, $0x3;
	v25 =	vld.idx.msk [tilespmem:v28+s15+$0x0], $0xffff;
	v24 =	vadd.s32 v22, v24  }
0x137: {  	s8 =	simm.s32 $0x2C0;
	s7 =	simm.s32 $0x4;
	v28 =	vor.u32 v16, v31;
	v29 =	vand.u32 $0x3800, v30;
	v22 =	vld.idx.msk [tilespmem:v41+s31+$0x0], $0xffff;
	v24 =	vadd.s32 v6, v24  }
.LBB2_11:
0x138: {  	v30 =	vmov s8;
	v31 =	vor.u32 v3, v28;
	v29 =	vor.u32 v15, v29;
	v26 =	vld.idx.msk [tilespmem:v26+s15+$0x0], $0xffff  }
0x139: {  	s9 =	sadd.s32 $0xFFFFFF80, s8;
	s10 =	sadd.s32 $0xFFFFFFC0, s8;
	v32 =	vor.u32 v2, v28;
	v30 =	vshll.u32 v30, $0x3;
	v29 =	vbroadcast v29, $0x0;
	v33 =	vld.idx.msk [tilespmem:v19+s31+$0x0], $0xffff  }
0x13a: {  	s11 =	sadd.s32 $0xFFFFFF40, s8;
	v35 =	vor.u32 v1, v28;
	v34 =	vmov s9;
	v19 =	vmov s10;
	v23 =	vld.idx.msk [tilespmem:v23+s15+$0x0], $0xffff  }
0x13b: {  	v28 =	vor.u32 v0, v28;
	v36 =	vmov s11;
	v29 =	vor.u32 v16, v29;
	v27 =	vld.idx.msk [tilespmem:v27+s31+$0x0], $0xffff  }
0x13c: {  	v30 =	vand.u32 $0x3C00, v30;
	v17 =	vadd.f32 v25, v17;
	v37 =	vor.u32 v13, v29;
	v24 =	vld.idx.msk [tilespmem:v24+s15+$0x0], $0xffff  }
0x13d: {  	v19 =	vshll.u32 v19, $0x3;
	v25 =	vshll.u32 v36, $0x3;
	v36 =	vor.u32 v4, v29;
	v31 =	vld.idx.msk [tilespmem:v31+s31+$0x0], $0xffff  }
0x13e: {  	v30 =	vor.u32 v15, v30;
	v38 =	vor.u32 v7, v29;
	v17 =	vadd.f32 v26, v17;
	v32 =	vld.idx.msk [tilespmem:v32+s31+$0x0], $0xffff  }
0x13f: {  	v19 =	vor.u32 v15, v19;
	v29 =	vor.u32 v12, v29;
	v26 =	vbroadcast v30, $0x0;
	v30 =	vld.idx.msk [tilespmem:v35+s31+$0x0], $0xffff  }
0x140: {  	v25 =	vor.u32 v15, v25;
	v19 =	vbroadcast v19, $0x0;
	v17 =	vadd.f32 v23, v17;
	v28 =	vld.idx.msk [tilespmem:v28+s31+$0x0], $0xffff  }
0x141: {  	v35 =	vbroadcast v25, $0x0;
	v23 =	vor.u32 v16, v26;
	v26 =	vor.u32 v4, v18;
	v25 =	vld.idx.msk [tilespmem:v37+s31+$0x0], $0xffff  }
0x142: {  	v39 =	vor.u32 v13, v18;
	v37 =	vor.u32 v16, v19;
	v17 =	vadd.f32 v24, v17;
	v36 =	vld.idx.msk [tilespmem:v36+s31+$0x0], $0xffff  }
0x143: {  	v41 =	vor.u32 v12, v18;
	v40 =	vor.u32 v7, v23;
	v24 =	vor.u32 v3, v37;
	v38 =	vld.idx.msk [tilespmem:v38+s31+$0x0], $0xffff  }
0x144: {  	v43 =	vshll.u32 v20, v8;
	v19 =	vor.u32 v1, v37;
	v42 =	vor.u32 v2, v37;
	v29 =	vld.idx.msk [tilespmem:v29+s31+$0x0], $0xffff  }
0x145: {  	s6 =	sadd.s32 $0x40, s6;
	v21 =	vshll.u32 v21, v11;
	v20 =	vshll.u32 v22, v9;
	v22 =	vshll.u32 v33, v11;
	v18 =	vmovc v23  }
0x146: {  	s9 =	sadd.s32 $0xFFFFFFD0, s6;
	v27 =	vshll.u32 v27, v10;
	v23 =	vshll.u32 v31, v8;
	v28 =	vshll.u32 v28, v10;
	v26 =	vld.idx.msk [tilespmem:v26+s31+$0x0], $0xffff  }
0x147: {  	v31 =	vshll.u32 v32, v9;
	v30 =	vshll.u32 v30, v11;
	v28 =	vadd.s32 s9, v28  }
0x148: {  	v25 =	vshll.u32 v25, v8;
	s9 =	sadd.s32 $0xFFFFFFE0, s6;
	v28 =	vadd.s32 v30, v28;
	v30 =	vshll.u32 v36, v10;
	v32 =	vld.idx.msk [tilespmem:v41+s31+$0x0], $0xffff  }
0x149: {  	v28 =	vadd.s32 v31, v28;
	v31 =	vshll.u32 v38, v11;
	v30 =	vadd.s32 s9, v30;
	v33 =	vld.idx.msk [tilespmem:v39+s31+$0x0], $0xffff  }
0x14a: {  	s9 =	sadd.s32 $0xFFFFFFF0, s6;
	v23 =	vadd.s32 v23, v28;
	v28 =	vshll.u32 v29, v9;
	v29 =	vadd.s32 v31, v30  }
0x14b: {  	s7 =	sadd.s32 $0x4, s7;
	v27 =	vadd.s32 s9, v27;
	v30 =	vadd.s32 v6, v23;
	v23 =	vadd.s32 v28, v29  }
0x14c: {  	p0 =	slt.u32 s7, $0x1C;
	v22 =	vadd.s32 v22, v27;
	v23 =	vadd.s32 v25, v23;
	v25 =	vshll.u32 v26, v10  }
.Ltmp4:
0x14d: {  	v22 =	vadd.s32 v20, v22;
	v26 =	vadd.s32 v6, v23;
	v23 =	vadd.s32 s6, v25;
	(pc) =	sbr.rel @p0 .LBB2_11-.Ltmp4, $4  }
0x14e: {  	v22 =	vadd.s32 v43, v22;
	v25 =	vadd.s32 v21, v23;
	v20 =	vld.idx.msk [tilespmem:v24+s31+$0x0], $0xffff;
	v24 =	vshll.u32 v32, v9  }
0x14f: {  	v23 =	vadd.s32 v6, v22;
	v22 =	vshll.u32 v33, v8;
	v21 =	vld.idx.msk [tilespmem:v40+s31+$0x0], $0xffff;
	v24 =	vadd.s32 v24, v25  }
0x150: {  	v29 =	vshll.u32 v34, $0x3;
	v27 =	vor.u32 v0, v37;
	v25 =	vld.idx.msk [tilespmem:v30+s15+$0x0], $0xffff;
	v24 =	vadd.s32 v22, v24  }
0x151: {  	s8 =	sadd.s32 $0x100, s8;
	v28 =	vor.u32 v16, v35;
	v29 =	vand.u32 $0x3800, v29;
	v22 =	vld.idx.msk [tilespmem:v42+s31+$0x0], $0xffff;
	v24 =	vadd.s32 v6, v24  }
0x152: {  	_ =	sdelay $0x1  }
0x153: {  	v15 =	vor.u32 v15, v29;
	v46 =	vor.u32 v0, v28  }
0x154: {  	v30 =	vor.u32 v1, v28;
	v15 =	vbroadcast v15, $0x0  }
0x155: {  	v31 =	vor.u32 v3, v28;
	v26 =	vld.idx.msk [tilespmem:v26+s15+$0x0], $0xffff  }
0x156: {  	v47 =	vor.u32 v2, v28;
	v19 =	vld.idx.msk [tilespmem:v19+s31+$0x0], $0xffff;
	v15 =	vor.u32 v16, v15  }
0x157: {  	v48 =	vld.idx.msk [tilespmem:v27+s31+$0x0], $0xffff;
	v32 =	vor.u32 v4, v15  }
0x158: {  	v33 =	vor.u32 v7, v15;
	v29 =	vld.idx.msk [tilespmem:v46+s31+$0x0], $0xffff  }
0x159: {  	v49 =	vor.u32 v13, v15;
	v15 =	vor.u32 v12, v15;
	v30 =	vld.idx.msk [tilespmem:v30+s31+$0x0], $0xffff  }
0x15a: {  	v31 =	vld.idx.msk [tilespmem:v31+s31+$0x0], $0xffff  }
0x15b: {  	v34 =	vor.u32 v4, v18;
	v28 =	vld.idx.msk [tilespmem:v47+s31+$0x0], $0xffff  }
0x15c: {  	v52 =	vor.u32 v12, v18;
	v17 =	vadd.f32 v25, v17;
	v50 =	vld.idx.msk [tilespmem:v32+s31+$0x0], $0xffff  }
0x15d: {  	s6 =	sadd.s32 $0x40, s6;
	v54 =	vor.u32 v13, v18;
	v20 =	vshll.u32 v20, v8;
	v21 =	vshll.u32 v21, v11;
	v51 =	vld.idx.msk [tilespmem:v33+s31+$0x0], $0xffff  }
0x15e: {  	s11 =	sadd.s32 $0xFFFFFFF0, s6;
	v22 =	vshll.u32 v22, v9;
	v17 =	vadd.f32 v26, v17;
	v16 =	vshll.u32 v48, v10;
	v15 =	vld.idx.msk [tilespmem:v15+s31+$0x0], $0xffff  }
0x15f: {  	s7 =	sadd.s32 $0xFFFFFFD0, s6;
	v19 =	vshll.u32 v19, v11;
	v16 =	vadd.s32 s11, v16;
	v27 =	vld.idx.msk [tilespmem:v49+s31+$0x0], $0xffff;
	v29 =	vshll.u32 v29, v10  }
0x160: {  	v56 =	vld.idx.msk [tilespmem:v34+s31+$0x0], $0xffff;
	v30 =	vshll.u32 v30, v11;
	v55 =	vshll.u32 v31, v8;
	v29 =	vadd.s32 s7, v29  }
0x161: {  	s10 =	sadd.s32 $0xFFFFFFE0, s6;
	v28 =	vshll.u32 v28, v9;
	v53 =	vadd.s32 v30, v29;
	v25 =	vshll.u32 v50, v10  }
0x162: {  	v57 =	vld.idx.msk [tilespmem:v52+s31+$0x0], $0xffff;
	v26 =	vadd.s32 v28, v53;
	v58 =	vshll.u32 v51, v11;
	v25 =	vadd.s32 s10, v25  }
0x163: {  	v18 =	vld.idx.msk [tilespmem:v54+s31+$0x0], $0xffff;
	v26 =	vadd.s32 v55, v26;
	v15 =	vshll.u32 v15, v9;
	v25 =	vadd.s32 v58, v25  }
0x164: {  	v27 =	vshll.u32 v27, v8;
	v26 =	vadd.s32 v6, v26;
	v15 =	vadd.s32 v15, v25  }
0x165: {  	v23 =	vld.idx.msk [tilespmem:v23+s15+$0x0], $0xffff;
	v16 =	vadd.s32 v19, v16;
	v59 =	vshll.u32 v56, v10;
	v15 =	vadd.s32 v27, v15  }
0x166: {  	v16 =	vadd.s32 v22, v16;
	v19 =	vadd.s32 s6, v59;
	v15 =	vadd.s32 v6, v15  }
0x167: {  	v60 =	vld.idx.msk [tilespmem:v24+s15+$0x0], $0xffff;
	v16 =	vadd.s32 v20, v16;
	v61 =	vshll.u32 v57, v9;
	v19 =	vadd.s32 v21, v19  }
0x168: {  	v16 =	vadd.s32 v6, v16;
	v18 =	vshll.u32 v18, v8;
	v19 =	vadd.s32 v61, v19  }
0x169: {  	v18 =	vadd.s32 v18, v19;
	v62 =	vld.idx.msk [tilespmem:v26+s15+$0x0], $0xffff  }
0x16a: {  	v17 =	vadd.f32 v23, v17;
	v18 =	vadd.s32 v6, v18  }
0x16b: {  	v15 =	vld.idx.msk [tilespmem:v15+s15+$0x0], $0xffff  }
0x16c: {  	v17 =	vadd.f32 v60, v17  }
0x16d: {  	v16 =	vld.idx.msk [tilespmem:v16+s15+$0x0], $0xffff  }
0x16e: {  	v17 =	vadd.f32 v62, v17  }
0x16f: {  	v18 =	vld.idx.msk [tilespmem:v18+s15+$0x0], $0xffff  }
0x170: {  	v15 =	vadd.f32 v15, v17;
	_ =	sdelay $0x1  }
0x171: {  	v15 =	vadd.f32 v16, v15;
	_ =	sdelay $0x1  }
0x172: {  	v15 =	vadd.f32 v18, v15;
	_ =	sdelay $0x1  }
0x173: {  	(xrf2) =	vadd.scan.msk.f32 $0xffff, v15;
	_ =	sdelay $0x7  }
0x174: {  	v15 =	vld.idx.msk [tilespmem:v14+s1+$0x0], $0xffff  }
0x175: {  	s5 =	sadd.s32 $0x1, s5  }
0x176: {  	p0 =	sne.s32 s5, $0x10;
	v63, _, _ =	vpop (xrf2)  }
.Ltmp5:
0x177: {  	v16 =	vbroadcast v63, $0xF;
	(pc) =	sbr.rel @p0 .LBB2_10-.Ltmp5, $3  }
0x178: {  	_ = 	snop  }
0x179: {  	v15 =	vadd.f32 v15, v16;
	_ =	sdelay $0x1  }
0x17a: {  	[tilespmem:v14+s1+$0x0] =	vst.idx.msk $0x1, v15  }
0x17b: {  	_ =	swait.ge [sflag:s2], $0x8000  }
0x17c: {  	[sflag:s2] =	ssyncset.done $0x0  }
0x17d: {  	s5 =	rddreg [dreg:$0x8];
	[sflag:s2] =	ssyncadd.s32 $0xFFFF8000  }
0x17e: {  	[tilespmem:s31], [sflag:$0x1] =	stream.strided.gather [hbm4b:s5+s31], $0x8000, s30, s31, $0x38;
	[tilespmem:$0x14080] =	vst v63  }
0x17f: {  	s5 =	simm.s32 $0x0  }
.LBB2_14:
0x180: {  	v14 =	vmov s5;
	s6 =	simm.s32 $0xC0;
	s7 =	simm.s32 $0x80  }
0x181: {  	v15 =	vshll.u32 v14, $0xB;
	v16 =	vmov s6;
	v17 =	vmov s7  }
0x182: {  	v15 =	vand.u32 $0x4000, v15;
	v16 =	vshll.u32 v16, $0x3;
	v17 =	vshll.u32 v17, $0x3  }
0x183: {  	s8 =	simm.s32 $0x40;
	v18 =	vshll.u32 v14, $0x7;
	v16 =	vand.u32 $0x3C00, v16;
	v17 =	vor.u32 v15, v17  }
0x184: {  	v22 =	vmov s8;
	v19 =	vor.u32 v15, v16;
	v17 =	vbroadcast v17, $0x0  }
0x185: {  	v22 =	vshll.u32 v22, $0x3;
	v16 =	vand.u32 $0x380, v18;
	v18 =	vbroadcast v19, $0x0  }
0x186: {  	s7 =	simm.s32 $0x0;
	v22 =	vand.u32 $0x3800, v22;
	v17 =	vor.u32 v16, v17  }
0x187: {  	v19 =	vmov s7;
	v20 =	vor.u32 v16, v18;
	v18 =	vor.u32 v3, v17  }
0x188: {  	v22 =	vor.u32 v15, v22;
	v19 =	vshll.u32 v19, $0x3;
	v23 =	vor.u32 v2, v17  }
0x189: {  	v22 =	vbroadcast v22, $0x0;
	v19 =	vor.u32 v15, v19;
	v24 =	vor.u32 v1, v17  }
0x18a: {  	v25 =	vor.u32 v0, v17;
	v19 =	vbroadcast v19, $0x0  }
0x18b: {  	v22 =	vor.u32 v16, v22;
	v21 =	vor.u32 v7, v20  }
0x18c: {  	v32 =	vor.u32 v13, v22;
	v19 =	vor.u32 v16, v19;
	v26 =	vld.idx.msk [tilespmem:v18+s25+$0x0], $0xffff  }
0x18d: {  	v18 =	vor.u32 v3, v19;
	v23 =	vld.idx.msk [tilespmem:v23+s25+$0x0], $0xffff  }
0x18e: {  	s9 =	simm.s32 $0x1C0;
	s10 =	simm.s32 $0x180;
	v28 =	vor.u32 v2, v19;
	v24 =	vld.idx.msk [tilespmem:v24+s25+$0x0], $0xffff  }
0x18f: {  	v27 =	vmov s9;
	v29 =	vmov s10;
	v34 =	vor.u32 v4, v22;
	v25 =	vld.idx.msk [tilespmem:v25+s25+$0x0], $0xffff  }
0x190: {  	s11 =	simm.s32 $0x100;
	v29 =	vshll.u32 v29, $0x3;
	v30 =	vor.u32 v1, v19;
	v19 =	vor.u32 v0, v19;
	v21 =	vld.idx.msk [tilespmem:v21+s25+$0x0], $0xffff  }
0x191: {  	v31 =	vmov s11;
	v27 =	vshll.u32 v27, $0x3;
	v29 =	vor.u32 v15, v29;
	v32 =	vld.idx.msk [tilespmem:v32+s25+$0x0], $0xffff  }
0x192: {  	s8 =	simm.s32 $0x140;
	v31 =	vshll.u32 v31, $0x3;
	v27 =	vand.u32 $0x3C00, v27;
	v29 =	vbroadcast v29, $0x0;
	v33 =	vld.idx.msk [tilespmem:v18+s25+$0x0], $0xffff  }
0x193: {  	v35 =	vmov s8;
	v18 =	vor.u32 v15, v27;
	v27 =	vld.idx.msk [tilespmem:v28+s25+$0x0], $0xffff;
	v28 =	vor.u32 v7, v22  }
0x194: {  	v31 =	vor.u32 v15, v31;
	v29 =	vor.u32 v16, v29;
	v34 =	vld.idx.msk [tilespmem:v34+s25+$0x0], $0xffff;
	v22 =	vor.u32 v12, v22  }
0x195: {  	v31 =	vbroadcast v31, $0x0;
	v17 =	vimm.f32 $0.0e+00;
	v39 =	vor.u32 v3, v29;
	v36 =	vld.idx.msk [tilespmem:v19+s25+$0x0], $0xffff  }
0x196: {  	v41 =	vor.u32 v2, v29;
	v37 =	vor.u32 v4, v20;
	v38 =	vor.u32 v13, v20;
	v30 =	vld.idx.msk [tilespmem:v30+s25+$0x0], $0xffff  }
0x197: {  	v20 =	vor.u32 v12, v20;
	v19 =	vor.u32 v1, v29;
	v42 =	vshll.u32 v26, v8  }
0x198: {  	v23 =	vshll.u32 v23, v9;
	v24 =	vshll.u32 v24, v11;
	v18 =	vbroadcast v18, $0x0;
	v28 =	vld.idx.msk [tilespmem:v28+s25+$0x0], $0xffff  }
0x199: {  	v25 =	vshll.u32 v25, v10;
	v21 =	vshll.u32 v21, v11;
	v32 =	vshll.u32 v32, v8;
	v22 =	vld.idx.msk [tilespmem:v22+s25+$0x0], $0xffff  }
0x19a: {  	s9 =	simm.s32 $0x200;
	v62 =	vshll.u32 v34, v10;
	v18 =	vor.u32 v16, v18;
	v60 =	vshll.u32 v36, v10  }
0x19b: {  	v61 =	vld.idx.msk [tilespmem:v37+s25+$0x0], $0xffff;
	v30 =	vshll.u32 v30, v11;
	v26 =	vshll.u32 v33, v8;
	v33 =	vadd.s32 s9, v60  }
0x19c: {  	s10 =	simm.s32 $0x210;
	v40 =	vor.u32 v7, v18;
	v27 =	vshll.u32 v27, v9;
	v30 =	vadd.s32 v30, v33  }
0x19d: {  	v63 =	vld.idx.msk [tilespmem:v20+s25+$0x0], $0xffff;
	v20 =	vadd.s32 v27, v30;
	v27 =	vshll.u32 v28, v11;
	v28 =	vadd.s32 s10, v62  }
0x19e: {  	s11 =	simm.s32 $0x220;
	v30 =	vld.idx.msk [tilespmem:v38+s25+$0x0], $0xffff;
	v20 =	vadd.s32 v26, v20;
	v22 =	vshll.u32 v22, v9;
	v26 =	vadd.s32 v27, v28  }
0x19f: {  	v28 =	vadd.s32 v6, v20;
	v20 =	vadd.s32 v22, v26;
	v22 =	vadd.s32 s11, v25  }
0x1a0: {  	s6 =	simm.s32 $0x230;
	v20 =	vadd.s32 v32, v20;
	v22 =	vadd.s32 v24, v22;
	v24 =	vshll.u32 v61, v10  }
0x1a1: {  	v26 =	vadd.s32 v6, v20;
	v22 =	vadd.s32 v23, v22;
	v23 =	vadd.s32 s6, v24  }
0x1a2: {  	v20 =	vld.idx.msk [tilespmem:v39+s25+$0x0], $0xffff;
	v24 =	vshll.u32 v63, v9;
	v22 =	vadd.s32 v42, v22;
	v25 =	vadd.s32 v21, v23  }
0x1a3: {  	v21 =	vld.idx.msk [tilespmem:v40+s25+$0x0], $0xffff;
	v23 =	vadd.s32 v6, v22;
	v22 =	vshll.u32 v30, v8;
	v24 =	vadd.s32 v24, v25  }
0x1a4: {  	v27 =	vor.u32 v0, v29;
	v30 =	vshll.u32 v35, $0x3;
	v25 =	vld.idx.msk [tilespmem:v28+s15+$0x0], $0xffff;
	v24 =	vadd.s32 v22, v24  }
0x1a5: {  	s8 =	simm.s32 $0x2C0;
	s7 =	simm.s32 $0x4;
	v28 =	vor.u32 v16, v31;
	v29 =	vand.u32 $0x3800, v30;
	v22 =	vld.idx.msk [tilespmem:v41+s25+$0x0], $0xffff;
	v24 =	vadd.s32 v6, v24  }
.LBB2_15:
0x1a6: {  	v30 =	vmov s8;
	v31 =	vor.u32 v3, v28;
	v29 =	vor.u32 v15, v29;
	v26 =	vld.idx.msk [tilespmem:v26+s15+$0x0], $0xffff  }
0x1a7: {  	s9 =	sadd.s32 $0xFFFFFF80, s8;
	s10 =	sadd.s32 $0xFFFFFFC0, s8;
	v32 =	vor.u32 v2, v28;
	v30 =	vshll.u32 v30, $0x3;
	v29 =	vbroadcast v29, $0x0;
	v33 =	vld.idx.msk [tilespmem:v19+s25+$0x0], $0xffff  }
0x1a8: {  	s11 =	sadd.s32 $0xFFFFFF40, s8;
	v35 =	vor.u32 v1, v28;
	v34 =	vmov s9;
	v19 =	vmov s10;
	v23 =	vld.idx.msk [tilespmem:v23+s15+$0x0], $0xffff  }
0x1a9: {  	v28 =	vor.u32 v0, v28;
	v36 =	vmov s11;
	v29 =	vor.u32 v16, v29;
	v27 =	vld.idx.msk [tilespmem:v27+s25+$0x0], $0xffff  }
0x1aa: {  	v30 =	vand.u32 $0x3C00, v30;
	v17 =	vadd.f32 v25, v17;
	v37 =	vor.u32 v13, v29;
	v24 =	vld.idx.msk [tilespmem:v24+s15+$0x0], $0xffff  }
0x1ab: {  	v19 =	vshll.u32 v19, $0x3;
	v25 =	vshll.u32 v36, $0x3;
	v36 =	vor.u32 v4, v29;
	v31 =	vld.idx.msk [tilespmem:v31+s25+$0x0], $0xffff  }
0x1ac: {  	v30 =	vor.u32 v15, v30;
	v38 =	vor.u32 v7, v29;
	v17 =	vadd.f32 v26, v17;
	v32 =	vld.idx.msk [tilespmem:v32+s25+$0x0], $0xffff  }
0x1ad: {  	v19 =	vor.u32 v15, v19;
	v29 =	vor.u32 v12, v29;
	v26 =	vbroadcast v30, $0x0;
	v30 =	vld.idx.msk [tilespmem:v35+s25+$0x0], $0xffff  }
0x1ae: {  	v25 =	vor.u32 v15, v25;
	v19 =	vbroadcast v19, $0x0;
	v17 =	vadd.f32 v23, v17;
	v28 =	vld.idx.msk [tilespmem:v28+s25+$0x0], $0xffff  }
0x1af: {  	v35 =	vbroadcast v25, $0x0;
	v23 =	vor.u32 v16, v26;
	v26 =	vor.u32 v4, v18;
	v25 =	vld.idx.msk [tilespmem:v37+s25+$0x0], $0xffff  }
0x1b0: {  	v39 =	vor.u32 v13, v18;
	v37 =	vor.u32 v16, v19;
	v17 =	vadd.f32 v24, v17;
	v36 =	vld.idx.msk [tilespmem:v36+s25+$0x0], $0xffff  }
0x1b1: {  	v41 =	vor.u32 v12, v18;
	v40 =	vor.u32 v7, v23;
	v24 =	vor.u32 v3, v37;
	v38 =	vld.idx.msk [tilespmem:v38+s25+$0x0], $0xffff  }
0x1b2: {  	v43 =	vshll.u32 v20, v8;
	v19 =	vor.u32 v1, v37;
	v42 =	vor.u32 v2, v37;
	v29 =	vld.idx.msk [tilespmem:v29+s25+$0x0], $0xffff  }
0x1b3: {  	s6 =	sadd.s32 $0x40, s6;
	v21 =	vshll.u32 v21, v11;
	v20 =	vshll.u32 v22, v9;
	v22 =	vshll.u32 v33, v11;
	v18 =	vmovc v23  }
0x1b4: {  	s9 =	sadd.s32 $0xFFFFFFD0, s6;
	v27 =	vshll.u32 v27, v10;
	v23 =	vshll.u32 v31, v8;
	v28 =	vshll.u32 v28, v10;
	v26 =	vld.idx.msk [tilespmem:v26+s25+$0x0], $0xffff  }
0x1b5: {  	v31 =	vshll.u32 v32, v9;
	v30 =	vshll.u32 v30, v11;
	v28 =	vadd.s32 s9, v28  }
0x1b6: {  	v25 =	vshll.u32 v25, v8;
	s9 =	sadd.s32 $0xFFFFFFE0, s6;
	v28 =	vadd.s32 v30, v28;
	v30 =	vshll.u32 v36, v10;
	v32 =	vld.idx.msk [tilespmem:v41+s25+$0x0], $0xffff  }
0x1b7: {  	v28 =	vadd.s32 v31, v28;
	v31 =	vshll.u32 v38, v11;
	v30 =	vadd.s32 s9, v30;
	v33 =	vld.idx.msk [tilespmem:v39+s25+$0x0], $0xffff  }
0x1b8: {  	s9 =	sadd.s32 $0xFFFFFFF0, s6;
	v23 =	vadd.s32 v23, v28;
	v28 =	vshll.u32 v29, v9;
	v29 =	vadd.s32 v31, v30  }
0x1b9: {  	s7 =	sadd.s32 $0x4, s7;
	v27 =	vadd.s32 s9, v27;
	v30 =	vadd.s32 v6, v23;
	v23 =	vadd.s32 v28, v29  }
0x1ba: {  	p0 =	slt.u32 s7, $0x1C;
	v22 =	vadd.s32 v22, v27;
	v23 =	vadd.s32 v25, v23;
	v25 =	vshll.u32 v26, v10  }
.Ltmp6:
0x1bb: {  	v22 =	vadd.s32 v20, v22;
	v26 =	vadd.s32 v6, v23;
	v23 =	vadd.s32 s6, v25;
	(pc) =	sbr.rel @p0 .LBB2_15-.Ltmp6, $4  }
0x1bc: {  	v22 =	vadd.s32 v43, v22;
	v25 =	vadd.s32 v21, v23;
	v20 =	vld.idx.msk [tilespmem:v24+s25+$0x0], $0xffff;
	v24 =	vshll.u32 v32, v9  }
0x1bd: {  	v23 =	vadd.s32 v6, v22;
	v22 =	vshll.u32 v33, v8;
	v21 =	vld.idx.msk [tilespmem:v40+s25+$0x0], $0xffff;
	v24 =	vadd.s32 v24, v25  }
0x1be: {  	v29 =	vshll.u32 v34, $0x3;
	v27 =	vor.u32 v0, v37;
	v25 =	vld.idx.msk [tilespmem:v30+s15+$0x0], $0xffff;
	v24 =	vadd.s32 v22, v24  }
0x1bf: {  	s8 =	sadd.s32 $0x100, s8;
	v28 =	vor.u32 v16, v35;
	v29 =	vand.u32 $0x3800, v29;
	v22 =	vld.idx.msk [tilespmem:v42+s25+$0x0], $0xffff;
	v24 =	vadd.s32 v6, v24  }
0x1c0: {  	_ =	sdelay $0x1  }
0x1c1: {  	v15 =	vor.u32 v15, v29;
	v46 =	vor.u32 v0, v28  }
0x1c2: {  	v30 =	vor.u32 v1, v28;
	v15 =	vbroadcast v15, $0x0  }
0x1c3: {  	v31 =	vor.u32 v3, v28;
	v26 =	vld.idx.msk [tilespmem:v26+s15+$0x0], $0xffff  }
0x1c4: {  	v47 =	vor.u32 v2, v28;
	v19 =	vld.idx.msk [tilespmem:v19+s25+$0x0], $0xffff;
	v15 =	vor.u32 v16, v15  }
0x1c5: {  	v48 =	vld.idx.msk [tilespmem:v27+s25+$0x0], $0xffff;
	v32 =	vor.u32 v4, v15  }
0x1c6: {  	v33 =	vor.u32 v7, v15;
	v29 =	vld.idx.msk [tilespmem:v46+s25+$0x0], $0xffff  }
0x1c7: {  	v49 =	vor.u32 v13, v15;
	v15 =	vor.u32 v12, v15;
	v30 =	vld.idx.msk [tilespmem:v30+s25+$0x0], $0xffff  }
0x1c8: {  	v31 =	vld.idx.msk [tilespmem:v31+s25+$0x0], $0xffff  }
0x1c9: {  	v34 =	vor.u32 v4, v18;
	v28 =	vld.idx.msk [tilespmem:v47+s25+$0x0], $0xffff  }
0x1ca: {  	v52 =	vor.u32 v12, v18;
	v17 =	vadd.f32 v25, v17;
	v50 =	vld.idx.msk [tilespmem:v32+s25+$0x0], $0xffff  }
0x1cb: {  	s6 =	sadd.s32 $0x40, s6;
	v54 =	vor.u32 v13, v18;
	v20 =	vshll.u32 v20, v8;
	v21 =	vshll.u32 v21, v11;
	v51 =	vld.idx.msk [tilespmem:v33+s25+$0x0], $0xffff  }
0x1cc: {  	s11 =	sadd.s32 $0xFFFFFFF0, s6;
	v22 =	vshll.u32 v22, v9;
	v17 =	vadd.f32 v26, v17;
	v16 =	vshll.u32 v48, v10;
	v15 =	vld.idx.msk [tilespmem:v15+s25+$0x0], $0xffff  }
0x1cd: {  	s7 =	sadd.s32 $0xFFFFFFD0, s6;
	v19 =	vshll.u32 v19, v11;
	v16 =	vadd.s32 s11, v16;
	v27 =	vld.idx.msk [tilespmem:v49+s25+$0x0], $0xffff;
	v29 =	vshll.u32 v29, v10  }
0x1ce: {  	v56 =	vld.idx.msk [tilespmem:v34+s25+$0x0], $0xffff;
	v30 =	vshll.u32 v30, v11;
	v55 =	vshll.u32 v31, v8;
	v29 =	vadd.s32 s7, v29  }
0x1cf: {  	s10 =	sadd.s32 $0xFFFFFFE0, s6;
	v28 =	vshll.u32 v28, v9;
	v53 =	vadd.s32 v30, v29;
	v25 =	vshll.u32 v50, v10  }
0x1d0: {  	v57 =	vld.idx.msk [tilespmem:v52+s25+$0x0], $0xffff;
	v26 =	vadd.s32 v28, v53;
	v58 =	vshll.u32 v51, v11;
	v25 =	vadd.s32 s10, v25  }
0x1d1: {  	v18 =	vld.idx.msk [tilespmem:v54+s25+$0x0], $0xffff;
	v26 =	vadd.s32 v55, v26;
	v15 =	vshll.u32 v15, v9;
	v25 =	vadd.s32 v58, v25  }
0x1d2: {  	v27 =	vshll.u32 v27, v8;
	v26 =	vadd.s32 v6, v26;
	v15 =	vadd.s32 v15, v25  }
0x1d3: {  	v23 =	vld.idx.msk [tilespmem:v23+s15+$0x0], $0xffff;
	v16 =	vadd.s32 v19, v16;
	v59 =	vshll.u32 v56, v10;
	v15 =	vadd.s32 v27, v15  }
0x1d4: {  	v16 =	vadd.s32 v22, v16;
	v19 =	vadd.s32 s6, v59;
	v15 =	vadd.s32 v6, v15  }
0x1d5: {  	v60 =	vld.idx.msk [tilespmem:v24+s15+$0x0], $0xffff;
	v16 =	vadd.s32 v20, v16;
	v61 =	vshll.u32 v57, v9;
	v19 =	vadd.s32 v21, v19  }
0x1d6: {  	v16 =	vadd.s32 v6, v16;
	v18 =	vshll.u32 v18, v8;
	v19 =	vadd.s32 v61, v19  }
0x1d7: {  	v18 =	vadd.s32 v18, v19;
	v62 =	vld.idx.msk [tilespmem:v26+s15+$0x0], $0xffff  }
0x1d8: {  	v17 =	vadd.f32 v23, v17;
	v18 =	vadd.s32 v6, v18  }
0x1d9: {  	v15 =	vld.idx.msk [tilespmem:v15+s15+$0x0], $0xffff  }
0x1da: {  	v17 =	vadd.f32 v60, v17  }
0x1db: {  	v16 =	vld.idx.msk [tilespmem:v16+s15+$0x0], $0xffff  }
0x1dc: {  	v17 =	vadd.f32 v62, v17  }
0x1dd: {  	v18 =	vld.idx.msk [tilespmem:v18+s15+$0x0], $0xffff  }
0x1de: {  	v15 =	vadd.f32 v15, v17;
	_ =	sdelay $0x1  }
0x1df: {  	v15 =	vadd.f32 v16, v15;
	_ =	sdelay $0x1  }
0x1e0: {  	v15 =	vadd.f32 v18, v15;
	_ =	sdelay $0x1  }
0x1e1: {  	(xrf2) =	vadd.scan.msk.f32 $0xffff, v15;
	_ =	sdelay $0x7  }
0x1e2: {  	v15 =	vld.idx.msk [tilespmem:v14+s1+$0x0], $0xffff  }
0x1e3: {  	s5 =	sadd.s32 $0x1, s5  }
0x1e4: {  	p0 =	sne.s32 s5, $0x10;
	v63, _, _ =	vpop (xrf2)  }
.Ltmp7:
0x1e5: {  	v16 =	vbroadcast v63, $0xF;
	(pc) =	sbr.rel @p0 .LBB2_14-.Ltmp7, $3  }
0x1e6: {  	_ = 	snop  }
0x1e7: {  	v15 =	vadd.f32 v15, v16;
	_ =	sdelay $0x1  }
0x1e8: {  	[tilespmem:v14+s1+$0x0] =	vst.idx.msk $0x1, v15  }
0x1e9: {  	s5 =	simm.s32 $0x0  }
0x1ea: {  	[hbm4b:s19+s5] =	stream.linear.scatter [tilespmem:s1], [sflag:$0x4], $0x10, $0x38;
	[tilespmem:$0x14080] =	vst v63  }
0x1eb: {  	_ =	swait.ge [sflag:s3], $0x10  }
0x1ec: {  	[sflag:s3] =	ssyncset.done $0x0  }
0x1ed: {  	[sflag:s3] =	ssyncadd.s32 $0xFFFFFFF0  }
0x1ee: {  	_ =	swait.ge [sflag:s0], $0x8000  }
0x1ef: {  	[sflag:s0] =	ssyncset.done $0x0  }
0x1f0: {  	s6 =	rddreg [dreg:$0x9];
	[sflag:s0] =	ssyncadd.s32 $0xFFFF8000  }
0x1f1: {  	[tilespmem:s25], [sflag:$0x2] =	stream.strided.gather [hbm4b:s6+s31], $0x8000, s30, s31, $0x38;
	[tilespmem:$0x14080] =	vst v63  }
0x1f2: {  	[tilespmem:$0x14000] =	vst v5  }
.LBB2_18:
0x1f3: {  	v14 =	vmov s5;
	s6 =	simm.s32 $0xC0;
	s7 =	simm.s32 $0x80  }
0x1f4: {  	v15 =	vshll.u32 v14, $0xB;
	v16 =	vmov s6;
	v17 =	vmov s7  }
0x1f5: {  	v15 =	vand.u32 $0x4000, v15;
	v16 =	vshll.u32 v16, $0x3;
	v17 =	vshll.u32 v17, $0x3  }
0x1f6: {  	s8 =	simm.s32 $0x40;
	v18 =	vshll.u32 v14, $0x7;
	v16 =	vand.u32 $0x3C00, v16;
	v17 =	vor.u32 v15, v17  }
0x1f7: {  	v22 =	vmov s8;
	v19 =	vor.u32 v15, v16;
	v17 =	vbroadcast v17, $0x0  }
0x1f8: {  	v22 =	vshll.u32 v22, $0x3;
	v16 =	vand.u32 $0x380, v18;
	v18 =	vbroadcast v19, $0x0  }
0x1f9: {  	s7 =	simm.s32 $0x0;
	v22 =	vand.u32 $0x3800, v22;
	v17 =	vor.u32 v16, v17  }
0x1fa: {  	v19 =	vmov s7;
	v20 =	vor.u32 v16, v18;
	v18 =	vor.u32 v3, v17  }
0x1fb: {  	v22 =	vor.u32 v15, v22;
	v19 =	vshll.u32 v19, $0x3;
	v23 =	vor.u32 v2, v17  }
0x1fc: {  	v22 =	vbroadcast v22, $0x0;
	v19 =	vor.u32 v15, v19;
	v24 =	vor.u32 v1, v17  }
0x1fd: {  	v25 =	vor.u32 v0, v17;
	v19 =	vbroadcast v19, $0x0  }
0x1fe: {  	v22 =	vor.u32 v16, v22;
	v21 =	vor.u32 v7, v20  }
0x1ff: {  	v32 =	vor.u32 v13, v22;
	v19 =	vor.u32 v16, v19;
	v26 =	vld.idx.msk [tilespmem:v18+s31+$0x0], $0xffff  }
0x200: {  	v18 =	vor.u32 v3, v19;
	v23 =	vld.idx.msk [tilespmem:v23+s31+$0x0], $0xffff  }
0x201: {  	s9 =	simm.s32 $0x1C0;
	s10 =	simm.s32 $0x180;
	v28 =	vor.u32 v2, v19;
	v24 =	vld.idx.msk [tilespmem:v24+s31+$0x0], $0xffff  }
0x202: {  	v27 =	vmov s9;
	v29 =	vmov s10;
	v34 =	vor.u32 v4, v22;
	v25 =	vld.idx.msk [tilespmem:v25+s31+$0x0], $0xffff  }
0x203: {  	s11 =	simm.s32 $0x100;
	v29 =	vshll.u32 v29, $0x3;
	v30 =	vor.u32 v1, v19;
	v19 =	vor.u32 v0, v19;
	v21 =	vld.idx.msk [tilespmem:v21+s31+$0x0], $0xffff  }
0x204: {  	v31 =	vmov s11;
	v27 =	vshll.u32 v27, $0x3;
	v29 =	vor.u32 v15, v29;
	v32 =	vld.idx.msk [tilespmem:v32+s31+$0x0], $0xffff  }
0x205: {  	s8 =	simm.s32 $0x140;
	v31 =	vshll.u32 v31, $0x3;
	v27 =	vand.u32 $0x3C00, v27;
	v29 =	vbroadcast v29, $0x0;
	v33 =	vld.idx.msk [tilespmem:v18+s31+$0x0], $0xffff  }
0x206: {  	v35 =	vmov s8;
	v18 =	vor.u32 v15, v27;
	v27 =	vld.idx.msk [tilespmem:v28+s31+$0x0], $0xffff;
	v28 =	vor.u32 v7, v22  }
0x207: {  	v31 =	vor.u32 v15, v31;
	v29 =	vor.u32 v16, v29;
	v34 =	vld.idx.msk [tilespmem:v34+s31+$0x0], $0xffff;
	v22 =	vor.u32 v12, v22  }
0x208: {  	v31 =	vbroadcast v31, $0x0;
	v17 =	vimm.f32 $0.0e+00;
	v39 =	vor.u32 v3, v29;
	v36 =	vld.idx.msk [tilespmem:v19+s31+$0x0], $0xffff  }
0x209: {  	v41 =	vor.u32 v2, v29;
	v37 =	vor.u32 v4, v20;
	v38 =	vor.u32 v13, v20;
	v30 =	vld.idx.msk [tilespmem:v30+s31+$0x0], $0xffff  }
0x20a: {  	v20 =	vor.u32 v12, v20;
	v19 =	vor.u32 v1, v29;
	v42 =	vshll.u32 v26, v8  }
0x20b: {  	v23 =	vshll.u32 v23, v9;
	v24 =	vshll.u32 v24, v11;
	v18 =	vbroadcast v18, $0x0;
	v28 =	vld.idx.msk [tilespmem:v28+s31+$0x0], $0xffff  }
0x20c: {  	v25 =	vshll.u32 v25, v10;
	v21 =	vshll.u32 v21, v11;
	v32 =	vshll.u32 v32, v8;
	v22 =	vld.idx.msk [tilespmem:v22+s31+$0x0], $0xffff  }
0x20d: {  	s9 =	simm.s32 $0x0;
	v62 =	vshll.u32 v34, v10;
	v18 =	vor.u32 v16, v18;
	v60 =	vshll.u32 v36, v10  }
0x20e: {  	v61 =	vld.idx.msk [tilespmem:v37+s31+$0x0], $0xffff;
	v30 =	vshll.u32 v30, v11;
	v26 =	vshll.u32 v33, v8;
	v33 =	vadd.s32 s9, v60  }
0x20f: {  	s10 =	simm.s32 $0x10;
	v40 =	vor.u32 v7, v18;
	v27 =	vshll.u32 v27, v9;
	v30 =	vadd.s32 v30, v33  }
0x210: {  	v63 =	vld.idx.msk [tilespmem:v20+s31+$0x0], $0xffff;
	v20 =	vadd.s32 v27, v30;
	v27 =	vshll.u32 v28, v11;
	v28 =	vadd.s32 s10, v62  }
0x211: {  	s11 =	simm.s32 $0x20;
	v30 =	vld.idx.msk [tilespmem:v38+s31+$0x0], $0xffff;
	v20 =	vadd.s32 v26, v20;
	v22 =	vshll.u32 v22, v9;
	v26 =	vadd.s32 v27, v28  }
0x212: {  	v28 =	vadd.s32 v6, v20;
	v20 =	vadd.s32 v22, v26;
	v22 =	vadd.s32 s11, v25  }
0x213: {  	s6 =	simm.s32 $0x30;
	v20 =	vadd.s32 v32, v20;
	v22 =	vadd.s32 v24, v22;
	v24 =	vshll.u32 v61, v10  }
0x214: {  	v26 =	vadd.s32 v6, v20;
	v22 =	vadd.s32 v23, v22;
	v23 =	vadd.s32 s6, v24  }
0x215: {  	v20 =	vld.idx.msk [tilespmem:v39+s31+$0x0], $0xffff;
	v24 =	vshll.u32 v63, v9;
	v22 =	vadd.s32 v42, v22;
	v25 =	vadd.s32 v21, v23  }
0x216: {  	v21 =	vld.idx.msk [tilespmem:v40+s31+$0x0], $0xffff;
	v23 =	vadd.s32 v6, v22;
	v22 =	vshll.u32 v30, v8;
	v24 =	vadd.s32 v24, v25  }
0x217: {  	v27 =	vor.u32 v0, v29;
	v30 =	vshll.u32 v35, $0x3;
	v25 =	vld.idx.msk [tilespmem:v28+s15+$0x0], $0xffff;
	v24 =	vadd.s32 v22, v24  }
0x218: {  	s8 =	simm.s32 $0x2C0;
	s7 =	simm.s32 $0x4;
	v28 =	vor.u32 v16, v31;
	v29 =	vand.u32 $0x3800, v30;
	v22 =	vld.idx.msk [tilespmem:v41+s31+$0x0], $0xffff;
	v24 =	vadd.s32 v6, v24  }
.LBB2_19:
0x219: {  	v30 =	vmov s8;
	v31 =	vor.u32 v3, v28;
	v29 =	vor.u32 v15, v29;
	v26 =	vld.idx.msk [tilespmem:v26+s15+$0x0], $0xffff  }
0x21a: {  	s9 =	sadd.s32 $0xFFFFFF80, s8;
	s10 =	sadd.s32 $0xFFFFFFC0, s8;
	v32 =	vor.u32 v2, v28;
	v30 =	vshll.u32 v30, $0x3;
	v29 =	vbroadcast v29, $0x0;
	v33 =	vld.idx.msk [tilespmem:v19+s31+$0x0], $0xffff  }
0x21b: {  	s11 =	sadd.s32 $0xFFFFFF40, s8;
	v35 =	vor.u32 v1, v28;
	v34 =	vmov s9;
	v19 =	vmov s10;
	v23 =	vld.idx.msk [tilespmem:v23+s15+$0x0], $0xffff  }
0x21c: {  	v28 =	vor.u32 v0, v28;
	v36 =	vmov s11;
	v29 =	vor.u32 v16, v29;
	v27 =	vld.idx.msk [tilespmem:v27+s31+$0x0], $0xffff  }
0x21d: {  	v30 =	vand.u32 $0x3C00, v30;
	v17 =	vadd.f32 v25, v17;
	v37 =	vor.u32 v13, v29;
	v24 =	vld.idx.msk [tilespmem:v24+s15+$0x0], $0xffff  }
0x21e: {  	v19 =	vshll.u32 v19, $0x3;
	v25 =	vshll.u32 v36, $0x3;
	v36 =	vor.u32 v4, v29;
	v31 =	vld.idx.msk [tilespmem:v31+s31+$0x0], $0xffff  }
0x21f: {  	v30 =	vor.u32 v15, v30;
	v38 =	vor.u32 v7, v29;
	v17 =	vadd.f32 v26, v17;
	v32 =	vld.idx.msk [tilespmem:v32+s31+$0x0], $0xffff  }
0x220: {  	v19 =	vor.u32 v15, v19;
	v29 =	vor.u32 v12, v29;
	v26 =	vbroadcast v30, $0x0;
	v30 =	vld.idx.msk [tilespmem:v35+s31+$0x0], $0xffff  }
0x221: {  	v25 =	vor.u32 v15, v25;
	v19 =	vbroadcast v19, $0x0;
	v17 =	vadd.f32 v23, v17;
	v28 =	vld.idx.msk [tilespmem:v28+s31+$0x0], $0xffff  }
0x222: {  	v35 =	vbroadcast v25, $0x0;
	v23 =	vor.u32 v16, v26;
	v26 =	vor.u32 v4, v18;
	v25 =	vld.idx.msk [tilespmem:v37+s31+$0x0], $0xffff  }
0x223: {  	v39 =	vor.u32 v13, v18;
	v37 =	vor.u32 v16, v19;
	v17 =	vadd.f32 v24, v17;
	v36 =	vld.idx.msk [tilespmem:v36+s31+$0x0], $0xffff  }
0x224: {  	v41 =	vor.u32 v12, v18;
	v40 =	vor.u32 v7, v23;
	v24 =	vor.u32 v3, v37;
	v38 =	vld.idx.msk [tilespmem:v38+s31+$0x0], $0xffff  }
0x225: {  	v43 =	vshll.u32 v20, v8;
	v19 =	vor.u32 v1, v37;
	v42 =	vor.u32 v2, v37;
	v29 =	vld.idx.msk [tilespmem:v29+s31+$0x0], $0xffff  }
0x226: {  	s6 =	sadd.s32 $0x40, s6;
	v21 =	vshll.u32 v21, v11;
	v20 =	vshll.u32 v22, v9;
	v22 =	vshll.u32 v33, v11;
	v18 =	vmovc v23  }
0x227: {  	s9 =	sadd.s32 $0xFFFFFFD0, s6;
	v27 =	vshll.u32 v27, v10;
	v23 =	vshll.u32 v31, v8;
	v28 =	vshll.u32 v28, v10;
	v26 =	vld.idx.msk [tilespmem:v26+s31+$0x0], $0xffff  }
0x228: {  	v31 =	vshll.u32 v32, v9;
	v30 =	vshll.u32 v30, v11;
	v28 =	vadd.s32 s9, v28  }
0x229: {  	v25 =	vshll.u32 v25, v8;
	s9 =	sadd.s32 $0xFFFFFFE0, s6;
	v28 =	vadd.s32 v30, v28;
	v30 =	vshll.u32 v36, v10;
	v32 =	vld.idx.msk [tilespmem:v41+s31+$0x0], $0xffff  }
0x22a: {  	v28 =	vadd.s32 v31, v28;
	v31 =	vshll.u32 v38, v11;
	v30 =	vadd.s32 s9, v30;
	v33 =	vld.idx.msk [tilespmem:v39+s31+$0x0], $0xffff  }
0x22b: {  	s9 =	sadd.s32 $0xFFFFFFF0, s6;
	v23 =	vadd.s32 v23, v28;
	v28 =	vshll.u32 v29, v9;
	v29 =	vadd.s32 v31, v30  }
0x22c: {  	s7 =	sadd.s32 $0x4, s7;
	v27 =	vadd.s32 s9, v27;
	v30 =	vadd.s32 v6, v23;
	v23 =	vadd.s32 v28, v29  }
0x22d: {  	p0 =	slt.u32 s7, $0x1C;
	v22 =	vadd.s32 v22, v27;
	v23 =	vadd.s32 v25, v23;
	v25 =	vshll.u32 v26, v10  }
.Ltmp8:
0x22e: {  	v22 =	vadd.s32 v20, v22;
	v26 =	vadd.s32 v6, v23;
	v23 =	vadd.s32 s6, v25;
	(pc) =	sbr.rel @p0 .LBB2_19-.Ltmp8, $4  }
0x22f: {  	v22 =	vadd.s32 v43, v22;
	v25 =	vadd.s32 v21, v23;
	v20 =	vld.idx.msk [tilespmem:v24+s31+$0x0], $0xffff;
	v24 =	vshll.u32 v32, v9  }
0x230: {  	v23 =	vadd.s32 v6, v22;
	v22 =	vshll.u32 v33, v8;
	v21 =	vld.idx.msk [tilespmem:v40+s31+$0x0], $0xffff;
	v24 =	vadd.s32 v24, v25  }
0x231: {  	v29 =	vshll.u32 v34, $0x3;
	v27 =	vor.u32 v0, v37;
	v25 =	vld.idx.msk [tilespmem:v30+s15+$0x0], $0xffff;
	v24 =	vadd.s32 v22, v24  }
0x232: {  	s8 =	sadd.s32 $0x100, s8;
	v28 =	vor.u32 v16, v35;
	v29 =	vand.u32 $0x3800, v29;
	v22 =	vld.idx.msk [tilespmem:v42+s31+$0x0], $0xffff;
	v24 =	vadd.s32 v6, v24  }
0x233: {  	_ =	sdelay $0x1  }
0x234: {  	v15 =	vor.u32 v15, v29;
	v46 =	vor.u32 v0, v28  }
0x235: {  	v30 =	vor.u32 v1, v28;
	v15 =	vbroadcast v15, $0x0  }
0x236: {  	v31 =	vor.u32 v3, v28;
	v26 =	vld.idx.msk [tilespmem:v26+s15+$0x0], $0xffff  }
0x237: {  	v47 =	vor.u32 v2, v28;
	v19 =	vld.idx.msk [tilespmem:v19+s31+$0x0], $0xffff;
	v15 =	vor.u32 v16, v15  }
0x238: {  	v48 =	vld.idx.msk [tilespmem:v27+s31+$0x0], $0xffff;
	v32 =	vor.u32 v4, v15  }
0x239: {  	v33 =	vor.u32 v7, v15;
	v29 =	vld.idx.msk [tilespmem:v46+s31+$0x0], $0xffff  }
0x23a: {  	v49 =	vor.u32 v13, v15;
	v15 =	vor.u32 v12, v15;
	v30 =	vld.idx.msk [tilespmem:v30+s31+$0x0], $0xffff  }
0x23b: {  	v31 =	vld.idx.msk [tilespmem:v31+s31+$0x0], $0xffff  }
0x23c: {  	v34 =	vor.u32 v4, v18;
	v28 =	vld.idx.msk [tilespmem:v47+s31+$0x0], $0xffff  }
0x23d: {  	v52 =	vor.u32 v12, v18;
	v17 =	vadd.f32 v25, v17;
	v50 =	vld.idx.msk [tilespmem:v32+s31+$0x0], $0xffff  }
0x23e: {  	s6 =	sadd.s32 $0x40, s6;
	v54 =	vor.u32 v13, v18;
	v20 =	vshll.u32 v20, v8;
	v21 =	vshll.u32 v21, v11;
	v51 =	vld.idx.msk [tilespmem:v33+s31+$0x0], $0xffff  }
0x23f: {  	s11 =	sadd.s32 $0xFFFFFFF0, s6;
	v22 =	vshll.u32 v22, v9;
	v17 =	vadd.f32 v26, v17;
	v16 =	vshll.u32 v48, v10;
	v15 =	vld.idx.msk [tilespmem:v15+s31+$0x0], $0xffff  }
0x240: {  	s7 =	sadd.s32 $0xFFFFFFD0, s6;
	v19 =	vshll.u32 v19, v11;
	v16 =	vadd.s32 s11, v16;
	v27 =	vld.idx.msk [tilespmem:v49+s31+$0x0], $0xffff;
	v29 =	vshll.u32 v29, v10  }
0x241: {  	v56 =	vld.idx.msk [tilespmem:v34+s31+$0x0], $0xffff;
	v30 =	vshll.u32 v30, v11;
	v55 =	vshll.u32 v31, v8;
	v29 =	vadd.s32 s7, v29  }
0x242: {  	s10 =	sadd.s32 $0xFFFFFFE0, s6;
	v28 =	vshll.u32 v28, v9;
	v53 =	vadd.s32 v30, v29;
	v25 =	vshll.u32 v50, v10  }
0x243: {  	v57 =	vld.idx.msk [tilespmem:v52+s31+$0x0], $0xffff;
	v26 =	vadd.s32 v28, v53;
	v58 =	vshll.u32 v51, v11;
	v25 =	vadd.s32 s10, v25  }
0x244: {  	v18 =	vld.idx.msk [tilespmem:v54+s31+$0x0], $0xffff;
	v26 =	vadd.s32 v55, v26;
	v15 =	vshll.u32 v15, v9;
	v25 =	vadd.s32 v58, v25  }
0x245: {  	v27 =	vshll.u32 v27, v8;
	v26 =	vadd.s32 v6, v26;
	v15 =	vadd.s32 v15, v25  }
0x246: {  	v23 =	vld.idx.msk [tilespmem:v23+s15+$0x0], $0xffff;
	v16 =	vadd.s32 v19, v16;
	v59 =	vshll.u32 v56, v10;
	v15 =	vadd.s32 v27, v15  }
0x247: {  	v16 =	vadd.s32 v22, v16;
	v19 =	vadd.s32 s6, v59;
	v15 =	vadd.s32 v6, v15  }
0x248: {  	v60 =	vld.idx.msk [tilespmem:v24+s15+$0x0], $0xffff;
	v16 =	vadd.s32 v20, v16;
	v61 =	vshll.u32 v57, v9;
	v19 =	vadd.s32 v21, v19  }
0x249: {  	v16 =	vadd.s32 v6, v16;
	v18 =	vshll.u32 v18, v8;
	v19 =	vadd.s32 v61, v19  }
0x24a: {  	v18 =	vadd.s32 v18, v19;
	v62 =	vld.idx.msk [tilespmem:v26+s15+$0x0], $0xffff  }
0x24b: {  	v17 =	vadd.f32 v23, v17;
	v18 =	vadd.s32 v6, v18  }
0x24c: {  	v15 =	vld.idx.msk [tilespmem:v15+s15+$0x0], $0xffff  }
0x24d: {  	v17 =	vadd.f32 v60, v17  }
0x24e: {  	v16 =	vld.idx.msk [tilespmem:v16+s15+$0x0], $0xffff  }
0x24f: {  	v17 =	vadd.f32 v62, v17  }
0x250: {  	v18 =	vld.idx.msk [tilespmem:v18+s15+$0x0], $0xffff  }
0x251: {  	v15 =	vadd.f32 v15, v17;
	_ =	sdelay $0x1  }
0x252: {  	v15 =	vadd.f32 v16, v15;
	_ =	sdelay $0x1  }
0x253: {  	v15 =	vadd.f32 v18, v15;
	_ =	sdelay $0x1  }
0x254: {  	(xrf2) =	vadd.scan.msk.f32 $0xffff, v15;
	_ =	sdelay $0x7  }
0x255: {  	v15 =	vld.idx.msk [tilespmem:v14+s1+$0x0], $0xffff  }
0x256: {  	s5 =	sadd.s32 $0x1, s5  }
0x257: {  	p0 =	sne.s32 s5, $0x10;
	v63, _, _ =	vpop (xrf2)  }
.Ltmp9:
0x258: {  	v16 =	vbroadcast v63, $0xF;
	(pc) =	sbr.rel @p0 .LBB2_18-.Ltmp9, $3  }
0x259: {  	_ = 	snop  }
0x25a: {  	v15 =	vadd.f32 v15, v16;
	_ =	sdelay $0x1  }
0x25b: {  	[tilespmem:v14+s1+$0x0] =	vst.idx.msk $0x1, v15  }
0x25c: {  	_ =	swait.ge [sflag:s2], $0x8000  }
0x25d: {  	[sflag:s2] =	ssyncset.done $0x0  }
0x25e: {  	s5 =	rddreg [dreg:$0xa];
	[sflag:s2] =	ssyncadd.s32 $0xFFFF8000  }
0x25f: {  	[tilespmem:s31], [sflag:$0x1] =	stream.strided.gather [hbm4b:s5+s31], $0x8000, s30, s31, $0x38;
	[tilespmem:$0x14080] =	vst v63  }
0x260: {  	s5 =	simm.s32 $0x0  }
.LBB2_22:
0x261: {  	v14 =	vmov s5;
	s6 =	simm.s32 $0xC0;
	s7 =	simm.s32 $0x80  }
0x262: {  	v15 =	vshll.u32 v14, $0xB;
	v16 =	vmov s6;
	v17 =	vmov s7  }
0x263: {  	v15 =	vand.u32 $0x4000, v15;
	v16 =	vshll.u32 v16, $0x3;
	v17 =	vshll.u32 v17, $0x3  }
0x264: {  	s8 =	simm.s32 $0x40;
	v18 =	vshll.u32 v14, $0x7;
	v16 =	vand.u32 $0x3C00, v16;
	v17 =	vor.u32 v15, v17  }
0x265: {  	v22 =	vmov s8;
	v19 =	vor.u32 v15, v16;
	v17 =	vbroadcast v17, $0x0  }
0x266: {  	v22 =	vshll.u32 v22, $0x3;
	v16 =	vand.u32 $0x380, v18;
	v18 =	vbroadcast v19, $0x0  }
0x267: {  	s7 =	simm.s32 $0x0;
	v22 =	vand.u32 $0x3800, v22;
	v17 =	vor.u32 v16, v17  }
0x268: {  	v19 =	vmov s7;
	v20 =	vor.u32 v16, v18;
	v18 =	vor.u32 v3, v17  }
0x269: {  	v22 =	vor.u32 v15, v22;
	v19 =	vshll.u32 v19, $0x3;
	v23 =	vor.u32 v2, v17  }
0x26a: {  	v22 =	vbroadcast v22, $0x0;
	v19 =	vor.u32 v15, v19;
	v24 =	vor.u32 v1, v17  }
0x26b: {  	v25 =	vor.u32 v0, v17;
	v19 =	vbroadcast v19, $0x0  }
0x26c: {  	v22 =	vor.u32 v16, v22;
	v21 =	vor.u32 v7, v20  }
0x26d: {  	v32 =	vor.u32 v13, v22;
	v19 =	vor.u32 v16, v19;
	v26 =	vld.idx.msk [tilespmem:v18+s25+$0x0], $0xffff  }
0x26e: {  	v18 =	vor.u32 v3, v19;
	v23 =	vld.idx.msk [tilespmem:v23+s25+$0x0], $0xffff  }
0x26f: {  	s9 =	simm.s32 $0x1C0;
	s10 =	simm.s32 $0x180;
	v28 =	vor.u32 v2, v19;
	v24 =	vld.idx.msk [tilespmem:v24+s25+$0x0], $0xffff  }
0x270: {  	v27 =	vmov s9;
	v29 =	vmov s10;
	v34 =	vor.u32 v4, v22;
	v25 =	vld.idx.msk [tilespmem:v25+s25+$0x0], $0xffff  }
0x271: {  	s11 =	simm.s32 $0x100;
	v29 =	vshll.u32 v29, $0x3;
	v30 =	vor.u32 v1, v19;
	v19 =	vor.u32 v0, v19;
	v21 =	vld.idx.msk [tilespmem:v21+s25+$0x0], $0xffff  }
0x272: {  	v31 =	vmov s11;
	v27 =	vshll.u32 v27, $0x3;
	v29 =	vor.u32 v15, v29;
	v32 =	vld.idx.msk [tilespmem:v32+s25+$0x0], $0xffff  }
0x273: {  	s8 =	simm.s32 $0x140;
	v31 =	vshll.u32 v31, $0x3;
	v27 =	vand.u32 $0x3C00, v27;
	v29 =	vbroadcast v29, $0x0;
	v33 =	vld.idx.msk [tilespmem:v18+s25+$0x0], $0xffff  }
0x274: {  	v35 =	vmov s8;
	v18 =	vor.u32 v15, v27;
	v27 =	vld.idx.msk [tilespmem:v28+s25+$0x0], $0xffff;
	v28 =	vor.u32 v7, v22  }
0x275: {  	v31 =	vor.u32 v15, v31;
	v29 =	vor.u32 v16, v29;
	v34 =	vld.idx.msk [tilespmem:v34+s25+$0x0], $0xffff;
	v22 =	vor.u32 v12, v22  }
0x276: {  	v31 =	vbroadcast v31, $0x0;
	v17 =	vimm.f32 $0.0e+00;
	v39 =	vor.u32 v3, v29;
	v36 =	vld.idx.msk [tilespmem:v19+s25+$0x0], $0xffff  }
0x277: {  	v41 =	vor.u32 v2, v29;
	v37 =	vor.u32 v4, v20;
	v38 =	vor.u32 v13, v20;
	v30 =	vld.idx.msk [tilespmem:v30+s25+$0x0], $0xffff  }
0x278: {  	v20 =	vor.u32 v12, v20;
	v19 =	vor.u32 v1, v29;
	v42 =	vshll.u32 v26, v8  }
0x279: {  	v23 =	vshll.u32 v23, v9;
	v24 =	vshll.u32 v24, v11;
	v18 =	vbroadcast v18, $0x0;
	v28 =	vld.idx.msk [tilespmem:v28+s25+$0x0], $0xffff  }
0x27a: {  	v25 =	vshll.u32 v25, v10;
	v21 =	vshll.u32 v21, v11;
	v32 =	vshll.u32 v32, v8;
	v22 =	vld.idx.msk [tilespmem:v22+s25+$0x0], $0xffff  }
0x27b: {  	s9 =	simm.s32 $0x200;
	v62 =	vshll.u32 v34, v10;
	v18 =	vor.u32 v16, v18;
	v60 =	vshll.u32 v36, v10  }
0x27c: {  	v61 =	vld.idx.msk [tilespmem:v37+s25+$0x0], $0xffff;
	v30 =	vshll.u32 v30, v11;
	v26 =	vshll.u32 v33, v8;
	v33 =	vadd.s32 s9, v60  }
0x27d: {  	s10 =	simm.s32 $0x210;
	v40 =	vor.u32 v7, v18;
	v27 =	vshll.u32 v27, v9;
	v30 =	vadd.s32 v30, v33  }
0x27e: {  	v63 =	vld.idx.msk [tilespmem:v20+s25+$0x0], $0xffff;
	v20 =	vadd.s32 v27, v30;
	v27 =	vshll.u32 v28, v11;
	v28 =	vadd.s32 s10, v62  }
0x27f: {  	s11 =	simm.s32 $0x220;
	v30 =	vld.idx.msk [tilespmem:v38+s25+$0x0], $0xffff;
	v20 =	vadd.s32 v26, v20;
	v22 =	vshll.u32 v22, v9;
	v26 =	vadd.s32 v27, v28  }
0x280: {  	v28 =	vadd.s32 v6, v20;
	v20 =	vadd.s32 v22, v26;
	v22 =	vadd.s32 s11, v25  }
0x281: {  	s6 =	simm.s32 $0x230;
	v20 =	vadd.s32 v32, v20;
	v22 =	vadd.s32 v24, v22;
	v24 =	vshll.u32 v61, v10  }
0x282: {  	v26 =	vadd.s32 v6, v20;
	v22 =	vadd.s32 v23, v22;
	v23 =	vadd.s32 s6, v24  }
0x283: {  	v20 =	vld.idx.msk [tilespmem:v39+s25+$0x0], $0xffff;
	v24 =	vshll.u32 v63, v9;
	v22 =	vadd.s32 v42, v22;
	v25 =	vadd.s32 v21, v23  }
0x284: {  	v21 =	vld.idx.msk [tilespmem:v40+s25+$0x0], $0xffff;
	v23 =	vadd.s32 v6, v22;
	v22 =	vshll.u32 v30, v8;
	v24 =	vadd.s32 v24, v25  }
0x285: {  	v27 =	vor.u32 v0, v29;
	v30 =	vshll.u32 v35, $0x3;
	v25 =	vld.idx.msk [tilespmem:v28+s15+$0x0], $0xffff;
	v24 =	vadd.s32 v22, v24  }
0x286: {  	s8 =	simm.s32 $0x2C0;
	s7 =	simm.s32 $0x4;
	v28 =	vor.u32 v16, v31;
	v29 =	vand.u32 $0x3800, v30;
	v22 =	vld.idx.msk [tilespmem:v41+s25+$0x0], $0xffff;
	v24 =	vadd.s32 v6, v24  }
.LBB2_23:
0x287: {  	v30 =	vmov s8;
	v31 =	vor.u32 v3, v28;
	v29 =	vor.u32 v15, v29;
	v26 =	vld.idx.msk [tilespmem:v26+s15+$0x0], $0xffff  }
0x288: {  	s9 =	sadd.s32 $0xFFFFFF80, s8;
	s10 =	sadd.s32 $0xFFFFFFC0, s8;
	v32 =	vor.u32 v2, v28;
	v30 =	vshll.u32 v30, $0x3;
	v29 =	vbroadcast v29, $0x0;
	v33 =	vld.idx.msk [tilespmem:v19+s25+$0x0], $0xffff  }
0x289: {  	s11 =	sadd.s32 $0xFFFFFF40, s8;
	v35 =	vor.u32 v1, v28;
	v34 =	vmov s9;
	v19 =	vmov s10;
	v23 =	vld.idx.msk [tilespmem:v23+s15+$0x0], $0xffff  }
0x28a: {  	v28 =	vor.u32 v0, v28;
	v36 =	vmov s11;
	v29 =	vor.u32 v16, v29;
	v27 =	vld.idx.msk [tilespmem:v27+s25+$0x0], $0xffff  }
0x28b: {  	v30 =	vand.u32 $0x3C00, v30;
	v17 =	vadd.f32 v25, v17;
	v37 =	vor.u32 v13, v29;
	v24 =	vld.idx.msk [tilespmem:v24+s15+$0x0], $0xffff  }
0x28c: {  	v19 =	vshll.u32 v19, $0x3;
	v25 =	vshll.u32 v36, $0x3;
	v36 =	vor.u32 v4, v29;
	v31 =	vld.idx.msk [tilespmem:v31+s25+$0x0], $0xffff  }
0x28d: {  	v30 =	vor.u32 v15, v30;
	v38 =	vor.u32 v7, v29;
	v17 =	vadd.f32 v26, v17;
	v32 =	vld.idx.msk [tilespmem:v32+s25+$0x0], $0xffff  }
0x28e: {  	v19 =	vor.u32 v15, v19;
	v29 =	vor.u32 v12, v29;
	v26 =	vbroadcast v30, $0x0;
	v30 =	vld.idx.msk [tilespmem:v35+s25+$0x0], $0xffff  }
0x28f: {  	v25 =	vor.u32 v15, v25;
	v19 =	vbroadcast v19, $0x0;
	v17 =	vadd.f32 v23, v17;
	v28 =	vld.idx.msk [tilespmem:v28+s25+$0x0], $0xffff  }
0x290: {  	v35 =	vbroadcast v25, $0x0;
	v23 =	vor.u32 v16, v26;
	v26 =	vor.u32 v4, v18;
	v25 =	vld.idx.msk [tilespmem:v37+s25+$0x0], $0xffff  }
0x291: {  	v39 =	vor.u32 v13, v18;
	v37 =	vor.u32 v16, v19;
	v17 =	vadd.f32 v24, v17;
	v36 =	vld.idx.msk [tilespmem:v36+s25+$0x0], $0xffff  }
0x292: {  	v41 =	vor.u32 v12, v18;
	v40 =	vor.u32 v7, v23;
	v24 =	vor.u32 v3, v37;
	v38 =	vld.idx.msk [tilespmem:v38+s25+$0x0], $0xffff  }
0x293: {  	v43 =	vshll.u32 v20, v8;
	v19 =	vor.u32 v1, v37;
	v42 =	vor.u32 v2, v37;
	v29 =	vld.idx.msk [tilespmem:v29+s25+$0x0], $0xffff  }
0x294: {  	s6 =	sadd.s32 $0x40, s6;
	v21 =	vshll.u32 v21, v11;
	v20 =	vshll.u32 v22, v9;
	v22 =	vshll.u32 v33, v11;
	v18 =	vmovc v23  }
0x295: {  	s9 =	sadd.s32 $0xFFFFFFD0, s6;
	v27 =	vshll.u32 v27, v10;
	v23 =	vshll.u32 v31, v8;
	v28 =	vshll.u32 v28, v10;
	v26 =	vld.idx.msk [tilespmem:v26+s25+$0x0], $0xffff  }
0x296: {  	v31 =	vshll.u32 v32, v9;
	v30 =	vshll.u32 v30, v11;
	v28 =	vadd.s32 s9, v28  }
0x297: {  	v25 =	vshll.u32 v25, v8;
	s9 =	sadd.s32 $0xFFFFFFE0, s6;
	v28 =	vadd.s32 v30, v28;
	v30 =	vshll.u32 v36, v10;
	v32 =	vld.idx.msk [tilespmem:v41+s25+$0x0], $0xffff  }
0x298: {  	v28 =	vadd.s32 v31, v28;
	v31 =	vshll.u32 v38, v11;
	v30 =	vadd.s32 s9, v30;
	v33 =	vld.idx.msk [tilespmem:v39+s25+$0x0], $0xffff  }
0x299: {  	s9 =	sadd.s32 $0xFFFFFFF0, s6;
	v23 =	vadd.s32 v23, v28;
	v28 =	vshll.u32 v29, v9;
	v29 =	vadd.s32 v31, v30  }
0x29a: {  	s7 =	sadd.s32 $0x4, s7;
	v27 =	vadd.s32 s9, v27;
	v30 =	vadd.s32 v6, v23;
	v23 =	vadd.s32 v28, v29  }
0x29b: {  	p0 =	slt.u32 s7, $0x1C;
	v22 =	vadd.s32 v22, v27;
	v23 =	vadd.s32 v25, v23;
	v25 =	vshll.u32 v26, v10  }
.Ltmp10:
0x29c: {  	v22 =	vadd.s32 v20, v22;
	v26 =	vadd.s32 v6, v23;
	v23 =	vadd.s32 s6, v25;
	(pc) =	sbr.rel @p0 .LBB2_23-.Ltmp10, $4  }
0x29d: {  	v22 =	vadd.s32 v43, v22;
	v25 =	vadd.s32 v21, v23;
	v20 =	vld.idx.msk [tilespmem:v24+s25+$0x0], $0xffff;
	v24 =	vshll.u32 v32, v9  }
0x29e: {  	v23 =	vadd.s32 v6, v22;
	v22 =	vshll.u32 v33, v8;
	v21 =	vld.idx.msk [tilespmem:v40+s25+$0x0], $0xffff;
	v24 =	vadd.s32 v24, v25  }
0x29f: {  	v29 =	vshll.u32 v34, $0x3;
	v27 =	vor.u32 v0, v37;
	v25 =	vld.idx.msk [tilespmem:v30+s15+$0x0], $0xffff;
	v24 =	vadd.s32 v22, v24  }
0x2a0: {  	s8 =	sadd.s32 $0x100, s8;
	v28 =	vor.u32 v16, v35;
	v29 =	vand.u32 $0x3800, v29;
	v22 =	vld.idx.msk [tilespmem:v42+s25+$0x0], $0xffff;
	v24 =	vadd.s32 v6, v24  }
0x2a1: {  	_ =	sdelay $0x1  }
0x2a2: {  	v15 =	vor.u32 v15, v29;
	v46 =	vor.u32 v0, v28  }
0x2a3: {  	v30 =	vor.u32 v1, v28;
	v15 =	vbroadcast v15, $0x0  }
0x2a4: {  	v31 =	vor.u32 v3, v28;
	v26 =	vld.idx.msk [tilespmem:v26+s15+$0x0], $0xffff  }
0x2a5: {  	v47 =	vor.u32 v2, v28;
	v19 =	vld.idx.msk [tilespmem:v19+s25+$0x0], $0xffff;
	v15 =	vor.u32 v16, v15  }
0x2a6: {  	v48 =	vld.idx.msk [tilespmem:v27+s25+$0x0], $0xffff;
	v32 =	vor.u32 v4, v15  }
0x2a7: {  	v33 =	vor.u32 v7, v15;
	v29 =	vld.idx.msk [tilespmem:v46+s25+$0x0], $0xffff  }
0x2a8: {  	v49 =	vor.u32 v13, v15;
	v15 =	vor.u32 v12, v15;
	v30 =	vld.idx.msk [tilespmem:v30+s25+$0x0], $0xffff  }
0x2a9: {  	v31 =	vld.idx.msk [tilespmem:v31+s25+$0x0], $0xffff  }
0x2aa: {  	v34 =	vor.u32 v4, v18;
	v28 =	vld.idx.msk [tilespmem:v47+s25+$0x0], $0xffff  }
0x2ab: {  	v52 =	vor.u32 v12, v18;
	v17 =	vadd.f32 v25, v17;
	v50 =	vld.idx.msk [tilespmem:v32+s25+$0x0], $0xffff  }
0x2ac: {  	s6 =	sadd.s32 $0x40, s6;
	v54 =	vor.u32 v13, v18;
	v20 =	vshll.u32 v20, v8;
	v21 =	vshll.u32 v21, v11;
	v51 =	vld.idx.msk [tilespmem:v33+s25+$0x0], $0xffff  }
0x2ad: {  	s11 =	sadd.s32 $0xFFFFFFF0, s6;
	v22 =	vshll.u32 v22, v9;
	v17 =	vadd.f32 v26, v17;
	v16 =	vshll.u32 v48, v10;
	v15 =	vld.idx.msk [tilespmem:v15+s25+$0x0], $0xffff  }
0x2ae: {  	s7 =	sadd.s32 $0xFFFFFFD0, s6;
	v19 =	vshll.u32 v19, v11;
	v16 =	vadd.s32 s11, v16;
	v27 =	vld.idx.msk [tilespmem:v49+s25+$0x0], $0xffff;
	v29 =	vshll.u32 v29, v10  }
0x2af: {  	v56 =	vld.idx.msk [tilespmem:v34+s25+$0x0], $0xffff;
	v30 =	vshll.u32 v30, v11;
	v55 =	vshll.u32 v31, v8;
	v29 =	vadd.s32 s7, v29  }
0x2b0: {  	s10 =	sadd.s32 $0xFFFFFFE0, s6;
	v28 =	vshll.u32 v28, v9;
	v53 =	vadd.s32 v30, v29;
	v25 =	vshll.u32 v50, v10  }
0x2b1: {  	v57 =	vld.idx.msk [tilespmem:v52+s25+$0x0], $0xffff;
	v26 =	vadd.s32 v28, v53;
	v58 =	vshll.u32 v51, v11;
	v25 =	vadd.s32 s10, v25  }
0x2b2: {  	v18 =	vld.idx.msk [tilespmem:v54+s25+$0x0], $0xffff;
	v26 =	vadd.s32 v55, v26;
	v15 =	vshll.u32 v15, v9;
	v25 =	vadd.s32 v58, v25  }
0x2b3: {  	v27 =	vshll.u32 v27, v8;
	v26 =	vadd.s32 v6, v26;
	v15 =	vadd.s32 v15, v25  }
0x2b4: {  	v23 =	vld.idx.msk [tilespmem:v23+s15+$0x0], $0xffff;
	v16 =	vadd.s32 v19, v16;
	v59 =	vshll.u32 v56, v10;
	v15 =	vadd.s32 v27, v15  }
0x2b5: {  	v16 =	vadd.s32 v22, v16;
	v19 =	vadd.s32 s6, v59;
	v15 =	vadd.s32 v6, v15  }
0x2b6: {  	v60 =	vld.idx.msk [tilespmem:v24+s15+$0x0], $0xffff;
	v16 =	vadd.s32 v20, v16;
	v61 =	vshll.u32 v57, v9;
	v19 =	vadd.s32 v21, v19  }
0x2b7: {  	v16 =	vadd.s32 v6, v16;
	v18 =	vshll.u32 v18, v8;
	v19 =	vadd.s32 v61, v19  }
0x2b8: {  	v18 =	vadd.s32 v18, v19;
	v62 =	vld.idx.msk [tilespmem:v26+s15+$0x0], $0xffff  }
0x2b9: {  	v17 =	vadd.f32 v23, v17;
	v18 =	vadd.s32 v6, v18  }
0x2ba: {  	v15 =	vld.idx.msk [tilespmem:v15+s15+$0x0], $0xffff  }
0x2bb: {  	v17 =	vadd.f32 v60, v17  }
0x2bc: {  	v16 =	vld.idx.msk [tilespmem:v16+s15+$0x0], $0xffff  }
0x2bd: {  	v17 =	vadd.f32 v62, v17  }
0x2be: {  	v18 =	vld.idx.msk [tilespmem:v18+s15+$0x0], $0xffff  }
0x2bf: {  	v15 =	vadd.f32 v15, v17;
	_ =	sdelay $0x1  }
0x2c0: {  	v15 =	vadd.f32 v16, v15;
	_ =	sdelay $0x1  }
0x2c1: {  	v15 =	vadd.f32 v18, v15;
	_ =	sdelay $0x1  }
0x2c2: {  	(xrf2) =	vadd.scan.msk.f32 $0xffff, v15;
	_ =	sdelay $0x7  }
0x2c3: {  	v15 =	vld.idx.msk [tilespmem:v14+s1+$0x0], $0xffff  }
0x2c4: {  	s5 =	sadd.s32 $0x1, s5  }
0x2c5: {  	p0 =	sne.s32 s5, $0x10;
	v63, _, _ =	vpop (xrf2)  }
.Ltmp11:
0x2c6: {  	v16 =	vbroadcast v63, $0xF;
	(pc) =	sbr.rel @p0 .LBB2_22-.Ltmp11, $3  }
0x2c7: {  	_ = 	snop  }
0x2c8: {  	v15 =	vadd.f32 v15, v16;
	_ =	sdelay $0x1  }
0x2c9: {  	[tilespmem:v14+s1+$0x0] =	vst.idx.msk $0x1, v15  }
0x2ca: {  	s5 =	simm.s32 $0x0  }
0x2cb: {  	[hbm4b:s20+s5] =	stream.linear.scatter [tilespmem:s1], [sflag:$0x4], $0x10, $0x38;
	[tilespmem:$0x14080] =	vst v63  }
0x2cc: {  	_ =	swait.ge [sflag:s3], $0x10  }
0x2cd: {  	[sflag:s3] =	ssyncset.done $0x0  }
0x2ce: {  	[sflag:s3] =	ssyncadd.s32 $0xFFFFFFF0  }
0x2cf: {  	_ =	swait.ge [sflag:s0], $0x8000  }
0x2d0: {  	[sflag:s0] =	ssyncset.done $0x0  }
0x2d1: {  	s6 =	rddreg [dreg:$0xb];
	[sflag:s0] =	ssyncadd.s32 $0xFFFF8000  }
0x2d2: {  	[tilespmem:s25], [sflag:$0x2] =	stream.strided.gather [hbm4b:s6+s31], $0x8000, s30, s31, $0x38;
	[tilespmem:$0x14080] =	vst v63  }
0x2d3: {  	[tilespmem:$0x14000] =	vst v5  }
.LBB2_26:
0x2d4: {  	v14 =	vmov s5;
	s6 =	simm.s32 $0xC0;
	s7 =	simm.s32 $0x80  }
0x2d5: {  	v15 =	vshll.u32 v14, $0xB;
	v16 =	vmov s6;
	v17 =	vmov s7  }
0x2d6: {  	v15 =	vand.u32 $0x4000, v15;
	v16 =	vshll.u32 v16, $0x3;
	v17 =	vshll.u32 v17, $0x3  }
0x2d7: {  	s8 =	simm.s32 $0x40;
	v18 =	vshll.u32 v14, $0x7;
	v16 =	vand.u32 $0x3C00, v16;
	v17 =	vor.u32 v15, v17  }
0x2d8: {  	v22 =	vmov s8;
	v19 =	vor.u32 v15, v16;
	v17 =	vbroadcast v17, $0x0  }
0x2d9: {  	v22 =	vshll.u32 v22, $0x3;
	v16 =	vand.u32 $0x380, v18;
	v18 =	vbroadcast v19, $0x0  }
0x2da: {  	s7 =	simm.s32 $0x0;
	v22 =	vand.u32 $0x3800, v22;
	v17 =	vor.u32 v16, v17  }
0x2db: {  	v19 =	vmov s7;
	v20 =	vor.u32 v16, v18;
	v18 =	vor.u32 v3, v17  }
0x2dc: {  	v22 =	vor.u32 v15, v22;
	v19 =	vshll.u32 v19, $0x3;
	v23 =	vor.u32 v2, v17  }
0x2dd: {  	v22 =	vbroadcast v22, $0x0;
	v19 =	vor.u32 v15, v19;
	v24 =	vor.u32 v1, v17  }
0x2de: {  	v25 =	vor.u32 v0, v17;
	v19 =	vbroadcast v19, $0x0  }
0x2df: {  	v22 =	vor.u32 v16, v22;
	v21 =	vor.u32 v7, v20  }
0x2e0: {  	v32 =	vor.u32 v13, v22;
	v19 =	vor.u32 v16, v19;
	v26 =	vld.idx.msk [tilespmem:v18+s31+$0x0], $0xffff  }
0x2e1: {  	v18 =	vor.u32 v3, v19;
	v23 =	vld.idx.msk [tilespmem:v23+s31+$0x0], $0xffff  }
0x2e2: {  	s9 =	simm.s32 $0x1C0;
	s10 =	simm.s32 $0x180;
	v28 =	vor.u32 v2, v19;
	v24 =	vld.idx.msk [tilespmem:v24+s31+$0x0], $0xffff  }
0x2e3: {  	v27 =	vmov s9;
	v29 =	vmov s10;
	v34 =	vor.u32 v4, v22;
	v25 =	vld.idx.msk [tilespmem:v25+s31+$0x0], $0xffff  }
0x2e4: {  	s11 =	simm.s32 $0x100;
	v29 =	vshll.u32 v29, $0x3;
	v30 =	vor.u32 v1, v19;
	v19 =	vor.u32 v0, v19;
	v21 =	vld.idx.msk [tilespmem:v21+s31+$0x0], $0xffff  }
0x2e5: {  	v31 =	vmov s11;
	v27 =	vshll.u32 v27, $0x3;
	v29 =	vor.u32 v15, v29;
	v32 =	vld.idx.msk [tilespmem:v32+s31+$0x0], $0xffff  }
0x2e6: {  	s8 =	simm.s32 $0x140;
	v31 =	vshll.u32 v31, $0x3;
	v27 =	vand.u32 $0x3C00, v27;
	v29 =	vbroadcast v29, $0x0;
	v33 =	vld.idx.msk [tilespmem:v18+s31+$0x0], $0xffff  }
0x2e7: {  	v35 =	vmov s8;
	v18 =	vor.u32 v15, v27;
	v27 =	vld.idx.msk [tilespmem:v28+s31+$0x0], $0xffff;
	v28 =	vor.u32 v7, v22  }
0x2e8: {  	v31 =	vor.u32 v15, v31;
	v29 =	vor.u32 v16, v29;
	v34 =	vld.idx.msk [tilespmem:v34+s31+$0x0], $0xffff;
	v22 =	vor.u32 v12, v22  }
0x2e9: {  	v31 =	vbroadcast v31, $0x0;
	v17 =	vimm.f32 $0.0e+00;
	v39 =	vor.u32 v3, v29;
	v36 =	vld.idx.msk [tilespmem:v19+s31+$0x0], $0xffff  }
0x2ea: {  	v41 =	vor.u32 v2, v29;
	v37 =	vor.u32 v4, v20;
	v38 =	vor.u32 v13, v20;
	v30 =	vld.idx.msk [tilespmem:v30+s31+$0x0], $0xffff  }
0x2eb: {  	v20 =	vor.u32 v12, v20;
	v19 =	vor.u32 v1, v29;
	v42 =	vshll.u32 v26, v8  }
0x2ec: {  	v23 =	vshll.u32 v23, v9;
	v24 =	vshll.u32 v24, v11;
	v18 =	vbroadcast v18, $0x0;
	v28 =	vld.idx.msk [tilespmem:v28+s31+$0x0], $0xffff  }
0x2ed: {  	v25 =	vshll.u32 v25, v10;
	v21 =	vshll.u32 v21, v11;
	v32 =	vshll.u32 v32, v8;
	v22 =	vld.idx.msk [tilespmem:v22+s31+$0x0], $0xffff  }
0x2ee: {  	s9 =	simm.s32 $0x0;
	v62 =	vshll.u32 v34, v10;
	v18 =	vor.u32 v16, v18;
	v60 =	vshll.u32 v36, v10  }
0x2ef: {  	v61 =	vld.idx.msk [tilespmem:v37+s31+$0x0], $0xffff;
	v30 =	vshll.u32 v30, v11;
	v26 =	vshll.u32 v33, v8;
	v33 =	vadd.s32 s9, v60  }
0x2f0: {  	s10 =	simm.s32 $0x10;
	v40 =	vor.u32 v7, v18;
	v27 =	vshll.u32 v27, v9;
	v30 =	vadd.s32 v30, v33  }
0x2f1: {  	v63 =	vld.idx.msk [tilespmem:v20+s31+$0x0], $0xffff;
	v20 =	vadd.s32 v27, v30;
	v27 =	vshll.u32 v28, v11;
	v28 =	vadd.s32 s10, v62  }
0x2f2: {  	s11 =	simm.s32 $0x20;
	v30 =	vld.idx.msk [tilespmem:v38+s31+$0x0], $0xffff;
	v20 =	vadd.s32 v26, v20;
	v22 =	vshll.u32 v22, v9;
	v26 =	vadd.s32 v27, v28  }
0x2f3: {  	v28 =	vadd.s32 v6, v20;
	v20 =	vadd.s32 v22, v26;
	v22 =	vadd.s32 s11, v25  }
0x2f4: {  	s6 =	simm.s32 $0x30;
	v20 =	vadd.s32 v32, v20;
	v22 =	vadd.s32 v24, v22;
	v24 =	vshll.u32 v61, v10  }
0x2f5: {  	v26 =	vadd.s32 v6, v20;
	v22 =	vadd.s32 v23, v22;
	v23 =	vadd.s32 s6, v24  }
0x2f6: {  	v20 =	vld.idx.msk [tilespmem:v39+s31+$0x0], $0xffff;
	v24 =	vshll.u32 v63, v9;
	v22 =	vadd.s32 v42, v22;
	v25 =	vadd.s32 v21, v23  }
0x2f7: {  	v21 =	vld.idx.msk [tilespmem:v40+s31+$0x0], $0xffff;
	v23 =	vadd.s32 v6, v22;
	v22 =	vshll.u32 v30, v8;
	v24 =	vadd.s32 v24, v25  }
0x2f8: {  	v27 =	vor.u32 v0, v29;
	v30 =	vshll.u32 v35, $0x3;
	v25 =	vld.idx.msk [tilespmem:v28+s15+$0x0], $0xffff;
	v24 =	vadd.s32 v22, v24  }
0x2f9: {  	s8 =	simm.s32 $0x2C0;
	s7 =	simm.s32 $0x4;
	v28 =	vor.u32 v16, v31;
	v29 =	vand.u32 $0x3800, v30;
	v22 =	vld.idx.msk [tilespmem:v41+s31+$0x0], $0xffff;
	v24 =	vadd.s32 v6, v24  }
.LBB2_27:
0x2fa: {  	v30 =	vmov s8;
	v31 =	vor.u32 v3, v28;
	v29 =	vor.u32 v15, v29;
	v26 =	vld.idx.msk [tilespmem:v26+s15+$0x0], $0xffff  }
0x2fb: {  	s9 =	sadd.s32 $0xFFFFFF80, s8;
	s10 =	sadd.s32 $0xFFFFFFC0, s8;
	v32 =	vor.u32 v2, v28;
	v30 =	vshll.u32 v30, $0x3;
	v29 =	vbroadcast v29, $0x0;
	v33 =	vld.idx.msk [tilespmem:v19+s31+$0x0], $0xffff  }
0x2fc: {  	s11 =	sadd.s32 $0xFFFFFF40, s8;
	v35 =	vor.u32 v1, v28;
	v34 =	vmov s9;
	v19 =	vmov s10;
	v23 =	vld.idx.msk [tilespmem:v23+s15+$0x0], $0xffff  }
0x2fd: {  	v28 =	vor.u32 v0, v28;
	v36 =	vmov s11;
	v29 =	vor.u32 v16, v29;
	v27 =	vld.idx.msk [tilespmem:v27+s31+$0x0], $0xffff  }
0x2fe: {  	v30 =	vand.u32 $0x3C00, v30;
	v17 =	vadd.f32 v25, v17;
	v37 =	vor.u32 v13, v29;
	v24 =	vld.idx.msk [tilespmem:v24+s15+$0x0], $0xffff  }
0x2ff: {  	v19 =	vshll.u32 v19, $0x3;
	v25 =	vshll.u32 v36, $0x3;
	v36 =	vor.u32 v4, v29;
	v31 =	vld.idx.msk [tilespmem:v31+s31+$0x0], $0xffff  }
0x300: {  	v30 =	vor.u32 v15, v30;
	v38 =	vor.u32 v7, v29;
	v17 =	vadd.f32 v26, v17;
	v32 =	vld.idx.msk [tilespmem:v32+s31+$0x0], $0xffff  }
0x301: {  	v19 =	vor.u32 v15, v19;
	v29 =	vor.u32 v12, v29;
	v26 =	vbroadcast v30, $0x0;
	v30 =	vld.idx.msk [tilespmem:v35+s31+$0x0], $0xffff  }
0x302: {  	v25 =	vor.u32 v15, v25;
	v19 =	vbroadcast v19, $0x0;
	v17 =	vadd.f32 v23, v17;
	v28 =	vld.idx.msk [tilespmem:v28+s31+$0x0], $0xffff  }
0x303: {  	v35 =	vbroadcast v25, $0x0;
	v23 =	vor.u32 v16, v26;
	v26 =	vor.u32 v4, v18;
	v25 =	vld.idx.msk [tilespmem:v37+s31+$0x0], $0xffff  }
0x304: {  	v39 =	vor.u32 v13, v18;
	v37 =	vor.u32 v16, v19;
	v17 =	vadd.f32 v24, v17;
	v36 =	vld.idx.msk [tilespmem:v36+s31+$0x0], $0xffff  }
0x305: {  	v41 =	vor.u32 v12, v18;
	v40 =	vor.u32 v7, v23;
	v24 =	vor.u32 v3, v37;
	v38 =	vld.idx.msk [tilespmem:v38+s31+$0x0], $0xffff  }
0x306: {  	v43 =	vshll.u32 v20, v8;
	v19 =	vor.u32 v1, v37;
	v42 =	vor.u32 v2, v37;
	v29 =	vld.idx.msk [tilespmem:v29+s31+$0x0], $0xffff  }
0x307: {  	s6 =	sadd.s32 $0x40, s6;
	v21 =	vshll.u32 v21, v11;
	v20 =	vshll.u32 v22, v9;
	v22 =	vshll.u32 v33, v11;
	v18 =	vmovc v23  }
0x308: {  	s9 =	sadd.s32 $0xFFFFFFD0, s6;
	v27 =	vshll.u32 v27, v10;
	v23 =	vshll.u32 v31, v8;
	v28 =	vshll.u32 v28, v10;
	v26 =	vld.idx.msk [tilespmem:v26+s31+$0x0], $0xffff  }
0x309: {  	v31 =	vshll.u32 v32, v9;
	v30 =	vshll.u32 v30, v11;
	v28 =	vadd.s32 s9, v28  }
0x30a: {  	v25 =	vshll.u32 v25, v8;
	s9 =	sadd.s32 $0xFFFFFFE0, s6;
	v28 =	vadd.s32 v30, v28;
	v30 =	vshll.u32 v36, v10;
	v32 =	vld.idx.msk [tilespmem:v41+s31+$0x0], $0xffff  }
0x30b: {  	v28 =	vadd.s32 v31, v28;
	v31 =	vshll.u32 v38, v11;
	v30 =	vadd.s32 s9, v30;
	v33 =	vld.idx.msk [tilespmem:v39+s31+$0x0], $0xffff  }
0x30c: {  	s9 =	sadd.s32 $0xFFFFFFF0, s6;
	v23 =	vadd.s32 v23, v28;
	v28 =	vshll.u32 v29, v9;
	v29 =	vadd.s32 v31, v30  }
0x30d: {  	s7 =	sadd.s32 $0x4, s7;
	v27 =	vadd.s32 s9, v27;
	v30 =	vadd.s32 v6, v23;
	v23 =	vadd.s32 v28, v29  }
0x30e: {  	p0 =	slt.u32 s7, $0x1C;
	v22 =	vadd.s32 v22, v27;
	v23 =	vadd.s32 v25, v23;
	v25 =	vshll.u32 v26, v10  }
.Ltmp12:
0x30f: {  	v22 =	vadd.s32 v20, v22;
	v26 =	vadd.s32 v6, v23;
	v23 =	vadd.s32 s6, v25;
	(pc) =	sbr.rel @p0 .LBB2_27-.Ltmp12, $4  }
0x310: {  	v22 =	vadd.s32 v43, v22;
	v25 =	vadd.s32 v21, v23;
	v20 =	vld.idx.msk [tilespmem:v24+s31+$0x0], $0xffff;
	v24 =	vshll.u32 v32, v9  }
0x311: {  	v23 =	vadd.s32 v6, v22;
	v22 =	vshll.u32 v33, v8;
	v21 =	vld.idx.msk [tilespmem:v40+s31+$0x0], $0xffff;
	v24 =	vadd.s32 v24, v25  }
0x312: {  	v29 =	vshll.u32 v34, $0x3;
	v27 =	vor.u32 v0, v37;
	v25 =	vld.idx.msk [tilespmem:v30+s15+$0x0], $0xffff;
	v24 =	vadd.s32 v22, v24  }
0x313: {  	s8 =	sadd.s32 $0x100, s8;
	v28 =	vor.u32 v16, v35;
	v29 =	vand.u32 $0x3800, v29;
	v22 =	vld.idx.msk [tilespmem:v42+s31+$0x0], $0xffff;
	v24 =	vadd.s32 v6, v24  }
0x314: {  	_ =	sdelay $0x1  }
0x315: {  	v15 =	vor.u32 v15, v29;
	v46 =	vor.u32 v0, v28  }
0x316: {  	v30 =	vor.u32 v1, v28;
	v15 =	vbroadcast v15, $0x0  }
0x317: {  	v31 =	vor.u32 v3, v28;
	v26 =	vld.idx.msk [tilespmem:v26+s15+$0x0], $0xffff  }
0x318: {  	v47 =	vor.u32 v2, v28;
	v19 =	vld.idx.msk [tilespmem:v19+s31+$0x0], $0xffff;
	v15 =	vor.u32 v16, v15  }
0x319: {  	v48 =	vld.idx.msk [tilespmem:v27+s31+$0x0], $0xffff;
	v32 =	vor.u32 v4, v15  }
0x31a: {  	v33 =	vor.u32 v7, v15;
	v29 =	vld.idx.msk [tilespmem:v46+s31+$0x0], $0xffff  }
0x31b: {  	v49 =	vor.u32 v13, v15;
	v15 =	vor.u32 v12, v15;
	v30 =	vld.idx.msk [tilespmem:v30+s31+$0x0], $0xffff  }
0x31c: {  	v31 =	vld.idx.msk [tilespmem:v31+s31+$0x0], $0xffff  }
0x31d: {  	v34 =	vor.u32 v4, v18;
	v28 =	vld.idx.msk [tilespmem:v47+s31+$0x0], $0xffff  }
0x31e: {  	v52 =	vor.u32 v12, v18;
	v17 =	vadd.f32 v25, v17;
	v50 =	vld.idx.msk [tilespmem:v32+s31+$0x0], $0xffff  }
0x31f: {  	s6 =	sadd.s32 $0x40, s6;
	v54 =	vor.u32 v13, v18;
	v20 =	vshll.u32 v20, v8;
	v21 =	vshll.u32 v21, v11;
	v51 =	vld.idx.msk [tilespmem:v33+s31+$0x0], $0xffff  }
0x320: {  	s11 =	sadd.s32 $0xFFFFFFF0, s6;
	v22 =	vshll.u32 v22, v9;
	v17 =	vadd.f32 v26, v17;
	v16 =	vshll.u32 v48, v10;
	v15 =	vld.idx.msk [tilespmem:v15+s31+$0x0], $0xffff  }
0x321: {  	s7 =	sadd.s32 $0xFFFFFFD0, s6;
	v19 =	vshll.u32 v19, v11;
	v16 =	vadd.s32 s11, v16;
	v27 =	vld.idx.msk [tilespmem:v49+s31+$0x0], $0xffff;
	v29 =	vshll.u32 v29, v10  }
0x322: {  	v56 =	vld.idx.msk [tilespmem:v34+s31+$0x0], $0xffff;
	v30 =	vshll.u32 v30, v11;
	v55 =	vshll.u32 v31, v8;
	v29 =	vadd.s32 s7, v29  }
0x323: {  	s10 =	sadd.s32 $0xFFFFFFE0, s6;
	v28 =	vshll.u32 v28, v9;
	v53 =	vadd.s32 v30, v29;
	v25 =	vshll.u32 v50, v10  }
0x324: {  	v57 =	vld.idx.msk [tilespmem:v52+s31+$0x0], $0xffff;
	v26 =	vadd.s32 v28, v53;
	v58 =	vshll.u32 v51, v11;
	v25 =	vadd.s32 s10, v25  }
0x325: {  	v18 =	vld.idx.msk [tilespmem:v54+s31+$0x0], $0xffff;
	v26 =	vadd.s32 v55, v26;
	v15 =	vshll.u32 v15, v9;
	v25 =	vadd.s32 v58, v25  }
0x326: {  	v27 =	vshll.u32 v27, v8;
	v26 =	vadd.s32 v6, v26;
	v15 =	vadd.s32 v15, v25  }
0x327: {  	v23 =	vld.idx.msk [tilespmem:v23+s15+$0x0], $0xffff;
	v16 =	vadd.s32 v19, v16;
	v59 =	vshll.u32 v56, v10;
	v15 =	vadd.s32 v27, v15  }
0x328: {  	v16 =	vadd.s32 v22, v16;
	v19 =	vadd.s32 s6, v59;
	v15 =	vadd.s32 v6, v15  }
0x329: {  	v60 =	vld.idx.msk [tilespmem:v24+s15+$0x0], $0xffff;
	v16 =	vadd.s32 v20, v16;
	v61 =	vshll.u32 v57, v9;
	v19 =	vadd.s32 v21, v19  }
0x32a: {  	v16 =	vadd.s32 v6, v16;
	v18 =	vshll.u32 v18, v8;
	v19 =	vadd.s32 v61, v19  }
0x32b: {  	v18 =	vadd.s32 v18, v19;
	v62 =	vld.idx.msk [tilespmem:v26+s15+$0x0], $0xffff  }
0x32c: {  	v17 =	vadd.f32 v23, v17;
	v18 =	vadd.s32 v6, v18  }
0x32d: {  	v15 =	vld.idx.msk [tilespmem:v15+s15+$0x0], $0xffff  }
0x32e: {  	v17 =	vadd.f32 v60, v17  }
0x32f: {  	v16 =	vld.idx.msk [tilespmem:v16+s15+$0x0], $0xffff  }
0x330: {  	v17 =	vadd.f32 v62, v17  }
0x331: {  	v18 =	vld.idx.msk [tilespmem:v18+s15+$0x0], $0xffff  }
0x332: {  	v15 =	vadd.f32 v15, v17;
	_ =	sdelay $0x1  }
0x333: {  	v15 =	vadd.f32 v16, v15;
	_ =	sdelay $0x1  }
0x334: {  	v15 =	vadd.f32 v18, v15;
	_ =	sdelay $0x1  }
0x335: {  	(xrf2) =	vadd.scan.msk.f32 $0xffff, v15;
	_ =	sdelay $0x7  }
0x336: {  	v15 =	vld.idx.msk [tilespmem:v14+s1+$0x0], $0xffff  }
0x337: {  	s5 =	sadd.s32 $0x1, s5  }
0x338: {  	p0 =	sne.s32 s5, $0x10;
	v63, _, _ =	vpop (xrf2)  }
.Ltmp13:
0x339: {  	v16 =	vbroadcast v63, $0xF;
	(pc) =	sbr.rel @p0 .LBB2_26-.Ltmp13, $3  }
0x33a: {  	_ = 	snop  }
0x33b: {  	v15 =	vadd.f32 v15, v16;
	_ =	sdelay $0x1  }
0x33c: {  	[tilespmem:v14+s1+$0x0] =	vst.idx.msk $0x1, v15  }
0x33d: {  	_ =	swait.ge [sflag:s2], $0x8000  }
0x33e: {  	[sflag:s2] =	ssyncset.done $0x0  }
0x33f: {  	s5 =	rddreg [dreg:$0xc];
	[sflag:s2] =	ssyncadd.s32 $0xFFFF8000  }
0x340: {  	[tilespmem:s31], [sflag:$0x1] =	stream.strided.gather [hbm4b:s5+s31], $0x8000, s30, s31, $0x38;
	[tilespmem:$0x14080] =	vst v63  }
0x341: {  	s5 =	simm.s32 $0x0  }
.LBB2_30:
0x342: {  	v14 =	vmov s5;
	s6 =	simm.s32 $0xC0;
	s7 =	simm.s32 $0x80  }
0x343: {  	v15 =	vshll.u32 v14, $0xB;
	v16 =	vmov s6;
	v17 =	vmov s7  }
0x344: {  	v15 =	vand.u32 $0x4000, v15;
	v16 =	vshll.u32 v16, $0x3;
	v17 =	vshll.u32 v17, $0x3  }
0x345: {  	s8 =	simm.s32 $0x40;
	v18 =	vshll.u32 v14, $0x7;
	v16 =	vand.u32 $0x3C00, v16;
	v17 =	vor.u32 v15, v17  }
0x346: {  	v22 =	vmov s8;
	v19 =	vor.u32 v15, v16;
	v17 =	vbroadcast v17, $0x0  }
0x347: {  	v22 =	vshll.u32 v22, $0x3;
	v16 =	vand.u32 $0x380, v18;
	v18 =	vbroadcast v19, $0x0  }
0x348: {  	s7 =	simm.s32 $0x0;
	v22 =	vand.u32 $0x3800, v22;
	v17 =	vor.u32 v16, v17  }
0x349: {  	v19 =	vmov s7;
	v20 =	vor.u32 v16, v18;
	v18 =	vor.u32 v3, v17  }
0x34a: {  	v22 =	vor.u32 v15, v22;
	v19 =	vshll.u32 v19, $0x3;
	v23 =	vor.u32 v2, v17  }
0x34b: {  	v22 =	vbroadcast v22, $0x0;
	v19 =	vor.u32 v15, v19;
	v24 =	vor.u32 v1, v17  }
0x34c: {  	v25 =	vor.u32 v0, v17;
	v19 =	vbroadcast v19, $0x0  }
0x34d: {  	v22 =	vor.u32 v16, v22;
	v21 =	vor.u32 v7, v20  }
0x34e: {  	v32 =	vor.u32 v13, v22;
	v19 =	vor.u32 v16, v19;
	v26 =	vld.idx.msk [tilespmem:v18+s25+$0x0], $0xffff  }
0x34f: {  	v18 =	vor.u32 v3, v19;
	v23 =	vld.idx.msk [tilespmem:v23+s25+$0x0], $0xffff  }
0x350: {  	s9 =	simm.s32 $0x1C0;
	s10 =	simm.s32 $0x180;
	v28 =	vor.u32 v2, v19;
	v24 =	vld.idx.msk [tilespmem:v24+s25+$0x0], $0xffff  }
0x351: {  	v27 =	vmov s9;
	v29 =	vmov s10;
	v34 =	vor.u32 v4, v22;
	v25 =	vld.idx.msk [tilespmem:v25+s25+$0x0], $0xffff  }
0x352: {  	s11 =	simm.s32 $0x100;
	v29 =	vshll.u32 v29, $0x3;
	v30 =	vor.u32 v1, v19;
	v19 =	vor.u32 v0, v19;
	v21 =	vld.idx.msk [tilespmem:v21+s25+$0x0], $0xffff  }
0x353: {  	v31 =	vmov s11;
	v27 =	vshll.u32 v27, $0x3;
	v29 =	vor.u32 v15, v29;
	v32 =	vld.idx.msk [tilespmem:v32+s25+$0x0], $0xffff  }
0x354: {  	s8 =	simm.s32 $0x140;
	v31 =	vshll.u32 v31, $0x3;
	v27 =	vand.u32 $0x3C00, v27;
	v29 =	vbroadcast v29, $0x0;
	v33 =	vld.idx.msk [tilespmem:v18+s25+$0x0], $0xffff  }
0x355: {  	v35 =	vmov s8;
	v18 =	vor.u32 v15, v27;
	v27 =	vld.idx.msk [tilespmem:v28+s25+$0x0], $0xffff;
	v28 =	vor.u32 v7, v22  }
0x356: {  	v31 =	vor.u32 v15, v31;
	v29 =	vor.u32 v16, v29;
	v34 =	vld.idx.msk [tilespmem:v34+s25+$0x0], $0xffff;
	v22 =	vor.u32 v12, v22  }
0x357: {  	v31 =	vbroadcast v31, $0x0;
	v17 =	vimm.f32 $0.0e+00;
	v39 =	vor.u32 v3, v29;
	v36 =	vld.idx.msk [tilespmem:v19+s25+$0x0], $0xffff  }
0x358: {  	v41 =	vor.u32 v2, v29;
	v37 =	vor.u32 v4, v20;
	v38 =	vor.u32 v13, v20;
	v30 =	vld.idx.msk [tilespmem:v30+s25+$0x0], $0xffff  }
0x359: {  	v20 =	vor.u32 v12, v20;
	v19 =	vor.u32 v1, v29;
	v42 =	vshll.u32 v26, v8  }
0x35a: {  	v23 =	vshll.u32 v23, v9;
	v24 =	vshll.u32 v24, v11;
	v18 =	vbroadcast v18, $0x0;
	v28 =	vld.idx.msk [tilespmem:v28+s25+$0x0], $0xffff  }
0x35b: {  	v25 =	vshll.u32 v25, v10;
	v21 =	vshll.u32 v21, v11;
	v32 =	vshll.u32 v32, v8;
	v22 =	vld.idx.msk [tilespmem:v22+s25+$0x0], $0xffff  }
0x35c: {  	s9 =	simm.s32 $0x200;
	v62 =	vshll.u32 v34, v10;
	v18 =	vor.u32 v16, v18;
	v60 =	vshll.u32 v36, v10  }
0x35d: {  	v61 =	vld.idx.msk [tilespmem:v37+s25+$0x0], $0xffff;
	v30 =	vshll.u32 v30, v11;
	v26 =	vshll.u32 v33, v8;
	v33 =	vadd.s32 s9, v60  }
0x35e: {  	s10 =	simm.s32 $0x210;
	v40 =	vor.u32 v7, v18;
	v27 =	vshll.u32 v27, v9;
	v30 =	vadd.s32 v30, v33  }
0x35f: {  	v63 =	vld.idx.msk [tilespmem:v20+s25+$0x0], $0xffff;
	v20 =	vadd.s32 v27, v30;
	v27 =	vshll.u32 v28, v11;
	v28 =	vadd.s32 s10, v62  }
0x360: {  	s11 =	simm.s32 $0x220;
	v30 =	vld.idx.msk [tilespmem:v38+s25+$0x0], $0xffff;
	v20 =	vadd.s32 v26, v20;
	v22 =	vshll.u32 v22, v9;
	v26 =	vadd.s32 v27, v28  }
0x361: {  	v28 =	vadd.s32 v6, v20;
	v20 =	vadd.s32 v22, v26;
	v22 =	vadd.s32 s11, v25  }
0x362: {  	s6 =	simm.s32 $0x230;
	v20 =	vadd.s32 v32, v20;
	v22 =	vadd.s32 v24, v22;
	v24 =	vshll.u32 v61, v10  }
0x363: {  	v26 =	vadd.s32 v6, v20;
	v22 =	vadd.s32 v23, v22;
	v23 =	vadd.s32 s6, v24  }
0x364: {  	v20 =	vld.idx.msk [tilespmem:v39+s25+$0x0], $0xffff;
	v24 =	vshll.u32 v63, v9;
	v22 =	vadd.s32 v42, v22;
	v25 =	vadd.s32 v21, v23  }
0x365: {  	v21 =	vld.idx.msk [tilespmem:v40+s25+$0x0], $0xffff;
	v23 =	vadd.s32 v6, v22;
	v22 =	vshll.u32 v30, v8;
	v24 =	vadd.s32 v24, v25  }
0x366: {  	v27 =	vor.u32 v0, v29;
	v30 =	vshll.u32 v35, $0x3;
	v25 =	vld.idx.msk [tilespmem:v28+s15+$0x0], $0xffff;
	v24 =	vadd.s32 v22, v24  }
0x367: {  	s8 =	simm.s32 $0x2C0;
	s7 =	simm.s32 $0x4;
	v28 =	vor.u32 v16, v31;
	v29 =	vand.u32 $0x3800, v30;
	v22 =	vld.idx.msk [tilespmem:v41+s25+$0x0], $0xffff;
	v24 =	vadd.s32 v6, v24  }
.LBB2_31:
0x368: {  	v30 =	vmov s8;
	v31 =	vor.u32 v3, v28;
	v29 =	vor.u32 v15, v29;
	v26 =	vld.idx.msk [tilespmem:v26+s15+$0x0], $0xffff  }
0x369: {  	s9 =	sadd.s32 $0xFFFFFF80, s8;
	s10 =	sadd.s32 $0xFFFFFFC0, s8;
	v32 =	vor.u32 v2, v28;
	v30 =	vshll.u32 v30, $0x3;
	v29 =	vbroadcast v29, $0x0;
	v33 =	vld.idx.msk [tilespmem:v19+s25+$0x0], $0xffff  }
0x36a: {  	s11 =	sadd.s32 $0xFFFFFF40, s8;
	v35 =	vor.u32 v1, v28;
	v34 =	vmov s9;
	v19 =	vmov s10;
	v23 =	vld.idx.msk [tilespmem:v23+s15+$0x0], $0xffff  }
0x36b: {  	v28 =	vor.u32 v0, v28;
	v36 =	vmov s11;
	v29 =	vor.u32 v16, v29;
	v27 =	vld.idx.msk [tilespmem:v27+s25+$0x0], $0xffff  }
0x36c: {  	v30 =	vand.u32 $0x3C00, v30;
	v17 =	vadd.f32 v25, v17;
	v37 =	vor.u32 v13, v29;
	v24 =	vld.idx.msk [tilespmem:v24+s15+$0x0], $0xffff  }
0x36d: {  	v19 =	vshll.u32 v19, $0x3;
	v25 =	vshll.u32 v36, $0x3;
	v36 =	vor.u32 v4, v29;
	v31 =	vld.idx.msk [tilespmem:v31+s25+$0x0], $0xffff  }
0x36e: {  	v30 =	vor.u32 v15, v30;
	v38 =	vor.u32 v7, v29;
	v17 =	vadd.f32 v26, v17;
	v32 =	vld.idx.msk [tilespmem:v32+s25+$0x0], $0xffff  }
0x36f: {  	v19 =	vor.u32 v15, v19;
	v29 =	vor.u32 v12, v29;
	v26 =	vbroadcast v30, $0x0;
	v30 =	vld.idx.msk [tilespmem:v35+s25+$0x0], $0xffff  }
0x370: {  	v25 =	vor.u32 v15, v25;
	v19 =	vbroadcast v19, $0x0;
	v17 =	vadd.f32 v23, v17;
	v28 =	vld.idx.msk [tilespmem:v28+s25+$0x0], $0xffff  }
0x371: {  	v35 =	vbroadcast v25, $0x0;
	v23 =	vor.u32 v16, v26;
	v26 =	vor.u32 v4, v18;
	v25 =	vld.idx.msk [tilespmem:v37+s25+$0x0], $0xffff  }
0x372: {  	v39 =	vor.u32 v13, v18;
	v37 =	vor.u32 v16, v19;
	v17 =	vadd.f32 v24, v17;
	v36 =	vld.idx.msk [tilespmem:v36+s25+$0x0], $0xffff  }
0x373: {  	v41 =	vor.u32 v12, v18;
	v40 =	vor.u32 v7, v23;
	v24 =	vor.u32 v3, v37;
	v38 =	vld.idx.msk [tilespmem:v38+s25+$0x0], $0xffff  }
0x374: {  	v43 =	vshll.u32 v20, v8;
	v19 =	vor.u32 v1, v37;
	v42 =	vor.u32 v2, v37;
	v29 =	vld.idx.msk [tilespmem:v29+s25+$0x0], $0xffff  }
0x375: {  	s6 =	sadd.s32 $0x40, s6;
	v21 =	vshll.u32 v21, v11;
	v20 =	vshll.u32 v22, v9;
	v22 =	vshll.u32 v33, v11;
	v18 =	vmovc v23  }
0x376: {  	s9 =	sadd.s32 $0xFFFFFFD0, s6;
	v27 =	vshll.u32 v27, v10;
	v23 =	vshll.u32 v31, v8;
	v28 =	vshll.u32 v28, v10;
	v26 =	vld.idx.msk [tilespmem:v26+s25+$0x0], $0xffff  }
0x377: {  	v31 =	vshll.u32 v32, v9;
	v30 =	vshll.u32 v30, v11;
	v28 =	vadd.s32 s9, v28  }
0x378: {  	v25 =	vshll.u32 v25, v8;
	s9 =	sadd.s32 $0xFFFFFFE0, s6;
	v28 =	vadd.s32 v30, v28;
	v30 =	vshll.u32 v36, v10;
	v32 =	vld.idx.msk [tilespmem:v41+s25+$0x0], $0xffff  }
0x379: {  	v28 =	vadd.s32 v31, v28;
	v31 =	vshll.u32 v38, v11;
	v30 =	vadd.s32 s9, v30;
	v33 =	vld.idx.msk [tilespmem:v39+s25+$0x0], $0xffff  }
0x37a: {  	s9 =	sadd.s32 $0xFFFFFFF0, s6;
	v23 =	vadd.s32 v23, v28;
	v28 =	vshll.u32 v29, v9;
	v29 =	vadd.s32 v31, v30  }
0x37b: {  	s7 =	sadd.s32 $0x4, s7;
	v27 =	vadd.s32 s9, v27;
	v30 =	vadd.s32 v6, v23;
	v23 =	vadd.s32 v28, v29  }
0x37c: {  	p0 =	slt.u32 s7, $0x1C;
	v22 =	vadd.s32 v22, v27;
	v23 =	vadd.s32 v25, v23;
	v25 =	vshll.u32 v26, v10  }
.Ltmp14:
0x37d: {  	v22 =	vadd.s32 v20, v22;
	v26 =	vadd.s32 v6, v23;
	v23 =	vadd.s32 s6, v25;
	(pc) =	sbr.rel @p0 .LBB2_31-.Ltmp14, $4  }
0x37e: {  	v22 =	vadd.s32 v43, v22;
	v25 =	vadd.s32 v21, v23;
	v20 =	vld.idx.msk [tilespmem:v24+s25+$0x0], $0xffff;
	v24 =	vshll.u32 v32, v9  }
0x37f: {  	v23 =	vadd.s32 v6, v22;
	v22 =	vshll.u32 v33, v8;
	v21 =	vld.idx.msk [tilespmem:v40+s25+$0x0], $0xffff;
	v24 =	vadd.s32 v24, v25  }
0x380: {  	v29 =	vshll.u32 v34, $0x3;
	v27 =	vor.u32 v0, v37;
	v25 =	vld.idx.msk [tilespmem:v30+s15+$0x0], $0xffff;
	v24 =	vadd.s32 v22, v24  }
0x381: {  	s8 =	sadd.s32 $0x100, s8;
	v28 =	vor.u32 v16, v35;
	v29 =	vand.u32 $0x3800, v29;
	v22 =	vld.idx.msk [tilespmem:v42+s25+$0x0], $0xffff;
	v24 =	vadd.s32 v6, v24  }
0x382: {  	_ =	sdelay $0x1  }
0x383: {  	v15 =	vor.u32 v15, v29;
	v46 =	vor.u32 v0, v28  }
0x384: {  	v30 =	vor.u32 v1, v28;
	v15 =	vbroadcast v15, $0x0  }
0x385: {  	v31 =	vor.u32 v3, v28;
	v26 =	vld.idx.msk [tilespmem:v26+s15+$0x0], $0xffff  }
0x386: {  	v47 =	vor.u32 v2, v28;
	v19 =	vld.idx.msk [tilespmem:v19+s25+$0x0], $0xffff;
	v15 =	vor.u32 v16, v15  }
0x387: {  	v48 =	vld.idx.msk [tilespmem:v27+s25+$0x0], $0xffff;
	v32 =	vor.u32 v4, v15  }
0x388: {  	v33 =	vor.u32 v7, v15;
	v29 =	vld.idx.msk [tilespmem:v46+s25+$0x0], $0xffff  }
0x389: {  	v49 =	vor.u32 v13, v15;
	v15 =	vor.u32 v12, v15;
	v30 =	vld.idx.msk [tilespmem:v30+s25+$0x0], $0xffff  }
0x38a: {  	v31 =	vld.idx.msk [tilespmem:v31+s25+$0x0], $0xffff  }
0x38b: {  	v34 =	vor.u32 v4, v18;
	v28 =	vld.idx.msk [tilespmem:v47+s25+$0x0], $0xffff  }
0x38c: {  	v52 =	vor.u32 v12, v18;
	v17 =	vadd.f32 v25, v17;
	v50 =	vld.idx.msk [tilespmem:v32+s25+$0x0], $0xffff  }
0x38d: {  	s6 =	sadd.s32 $0x40, s6;
	v54 =	vor.u32 v13, v18;
	v20 =	vshll.u32 v20, v8;
	v21 =	vshll.u32 v21, v11;
	v51 =	vld.idx.msk [tilespmem:v33+s25+$0x0], $0xffff  }
0x38e: {  	s11 =	sadd.s32 $0xFFFFFFF0, s6;
	v22 =	vshll.u32 v22, v9;
	v17 =	vadd.f32 v26, v17;
	v16 =	vshll.u32 v48, v10;
	v15 =	vld.idx.msk [tilespmem:v15+s25+$0x0], $0xffff  }
0x38f: {  	s7 =	sadd.s32 $0xFFFFFFD0, s6;
	v19 =	vshll.u32 v19, v11;
	v16 =	vadd.s32 s11, v16;
	v27 =	vld.idx.msk [tilespmem:v49+s25+$0x0], $0xffff;
	v29 =	vshll.u32 v29, v10  }
0x390: {  	v56 =	vld.idx.msk [tilespmem:v34+s25+$0x0], $0xffff;
	v30 =	vshll.u32 v30, v11;
	v55 =	vshll.u32 v31, v8;
	v29 =	vadd.s32 s7, v29  }
0x391: {  	s10 =	sadd.s32 $0xFFFFFFE0, s6;
	v28 =	vshll.u32 v28, v9;
	v53 =	vadd.s32 v30, v29;
	v25 =	vshll.u32 v50, v10  }
0x392: {  	v57 =	vld.idx.msk [tilespmem:v52+s25+$0x0], $0xffff;
	v26 =	vadd.s32 v28, v53;
	v58 =	vshll.u32 v51, v11;
	v25 =	vadd.s32 s10, v25  }
0x393: {  	v18 =	vld.idx.msk [tilespmem:v54+s25+$0x0], $0xffff;
	v26 =	vadd.s32 v55, v26;
	v15 =	vshll.u32 v15, v9;
	v25 =	vadd.s32 v58, v25  }
0x394: {  	v27 =	vshll.u32 v27, v8;
	v26 =	vadd.s32 v6, v26;
	v15 =	vadd.s32 v15, v25  }
0x395: {  	v23 =	vld.idx.msk [tilespmem:v23+s15+$0x0], $0xffff;
	v16 =	vadd.s32 v19, v16;
	v59 =	vshll.u32 v56, v10;
	v15 =	vadd.s32 v27, v15  }
0x396: {  	v16 =	vadd.s32 v22, v16;
	v19 =	vadd.s32 s6, v59;
	v15 =	vadd.s32 v6, v15  }
0x397: {  	v60 =	vld.idx.msk [tilespmem:v24+s15+$0x0], $0xffff;
	v16 =	vadd.s32 v20, v16;
	v61 =	vshll.u32 v57, v9;
	v19 =	vadd.s32 v21, v19  }
0x398: {  	v16 =	vadd.s32 v6, v16;
	v18 =	vshll.u32 v18, v8;
	v19 =	vadd.s32 v61, v19  }
0x399: {  	v18 =	vadd.s32 v18, v19;
	v62 =	vld.idx.msk [tilespmem:v26+s15+$0x0], $0xffff  }
0x39a: {  	v17 =	vadd.f32 v23, v17;
	v18 =	vadd.s32 v6, v18  }
0x39b: {  	v15 =	vld.idx.msk [tilespmem:v15+s15+$0x0], $0xffff  }
0x39c: {  	v17 =	vadd.f32 v60, v17  }
0x39d: {  	v16 =	vld.idx.msk [tilespmem:v16+s15+$0x0], $0xffff  }
0x39e: {  	v17 =	vadd.f32 v62, v17  }
0x39f: {  	v18 =	vld.idx.msk [tilespmem:v18+s15+$0x0], $0xffff  }
0x3a0: {  	v15 =	vadd.f32 v15, v17;
	_ =	sdelay $0x1  }
0x3a1: {  	v15 =	vadd.f32 v16, v15;
	_ =	sdelay $0x1  }
0x3a2: {  	v15 =	vadd.f32 v18, v15;
	_ =	sdelay $0x1  }
0x3a3: {  	(xrf2) =	vadd.scan.msk.f32 $0xffff, v15;
	_ =	sdelay $0x7  }
0x3a4: {  	v15 =	vld.idx.msk [tilespmem:v14+s1+$0x0], $0xffff  }
0x3a5: {  	s5 =	sadd.s32 $0x1, s5  }
0x3a6: {  	p0 =	sne.s32 s5, $0x10;
	v63, _, _ =	vpop (xrf2)  }
.Ltmp15:
0x3a7: {  	v16 =	vbroadcast v63, $0xF;
	(pc) =	sbr.rel @p0 .LBB2_30-.Ltmp15, $3  }
0x3a8: {  	_ = 	snop  }
0x3a9: {  	v15 =	vadd.f32 v15, v16;
	_ =	sdelay $0x1  }
0x3aa: {  	[tilespmem:v14+s1+$0x0] =	vst.idx.msk $0x1, v15  }
0x3ab: {  	s5 =	simm.s32 $0x0  }
0x3ac: {  	[hbm4b:s21+s5] =	stream.linear.scatter [tilespmem:s1], [sflag:$0x4], $0x10, $0x38;
	[tilespmem:$0x14080] =	vst v63  }
0x3ad: {  	_ =	swait.ge [sflag:s3], $0x10  }
0x3ae: {  	[sflag:s3] =	ssyncset.done $0x0  }
0x3af: {  	[sflag:s3] =	ssyncadd.s32 $0xFFFFFFF0  }
0x3b0: {  	_ =	swait.ge [sflag:s0], $0x8000  }
0x3b1: {  	[sflag:s0] =	ssyncset.done $0x0  }
0x3b2: {  	s6 =	rddreg [dreg:$0xd];
	[sflag:s0] =	ssyncadd.s32 $0xFFFF8000  }
0x3b3: {  	[tilespmem:s25], [sflag:$0x2] =	stream.strided.gather [hbm4b:s6+s31], $0x8000, s30, s31, $0x38;
	[tilespmem:$0x14080] =	vst v63  }
0x3b4: {  	[tilespmem:$0x14000] =	vst v5  }
.LBB2_34:
0x3b5: {  	v14 =	vmov s5;
	s6 =	simm.s32 $0xC0;
	s7 =	simm.s32 $0x80  }
0x3b6: {  	v15 =	vshll.u32 v14, $0xB;
	v16 =	vmov s6;
	v17 =	vmov s7  }
0x3b7: {  	v15 =	vand.u32 $0x4000, v15;
	v16 =	vshll.u32 v16, $0x3;
	v17 =	vshll.u32 v17, $0x3  }
0x3b8: {  	s8 =	simm.s32 $0x40;
	v18 =	vshll.u32 v14, $0x7;
	v16 =	vand.u32 $0x3C00, v16;
	v17 =	vor.u32 v15, v17  }
0x3b9: {  	v22 =	vmov s8;
	v19 =	vor.u32 v15, v16;
	v17 =	vbroadcast v17, $0x0  }
0x3ba: {  	v22 =	vshll.u32 v22, $0x3;
	v16 =	vand.u32 $0x380, v18;
	v18 =	vbroadcast v19, $0x0  }
0x3bb: {  	s7 =	simm.s32 $0x0;
	v22 =	vand.u32 $0x3800, v22;
	v17 =	vor.u32 v16, v17  }
0x3bc: {  	v19 =	vmov s7;
	v20 =	vor.u32 v16, v18;
	v18 =	vor.u32 v3, v17  }
0x3bd: {  	v22 =	vor.u32 v15, v22;
	v19 =	vshll.u32 v19, $0x3;
	v23 =	vor.u32 v2, v17  }
0x3be: {  	v22 =	vbroadcast v22, $0x0;
	v19 =	vor.u32 v15, v19;
	v24 =	vor.u32 v1, v17  }
0x3bf: {  	v25 =	vor.u32 v0, v17;
	v19 =	vbroadcast v19, $0x0  }
0x3c0: {  	v22 =	vor.u32 v16, v22;
	v21 =	vor.u32 v7, v20  }
0x3c1: {  	v32 =	vor.u32 v13, v22;
	v19 =	vor.u32 v16, v19;
	v26 =	vld.idx.msk [tilespmem:v18+s31+$0x0], $0xffff  }
0x3c2: {  	v18 =	vor.u32 v3, v19;
	v23 =	vld.idx.msk [tilespmem:v23+s31+$0x0], $0xffff  }
0x3c3: {  	s9 =	simm.s32 $0x1C0;
	s10 =	simm.s32 $0x180;
	v28 =	vor.u32 v2, v19;
	v24 =	vld.idx.msk [tilespmem:v24+s31+$0x0], $0xffff  }
0x3c4: {  	v27 =	vmov s9;
	v29 =	vmov s10;
	v34 =	vor.u32 v4, v22;
	v25 =	vld.idx.msk [tilespmem:v25+s31+$0x0], $0xffff  }
0x3c5: {  	s11 =	simm.s32 $0x100;
	v29 =	vshll.u32 v29, $0x3;
	v30 =	vor.u32 v1, v19;
	v19 =	vor.u32 v0, v19;
	v21 =	vld.idx.msk [tilespmem:v21+s31+$0x0], $0xffff  }
0x3c6: {  	v31 =	vmov s11;
	v27 =	vshll.u32 v27, $0x3;
	v29 =	vor.u32 v15, v29;
	v32 =	vld.idx.msk [tilespmem:v32+s31+$0x0], $0xffff  }
0x3c7: {  	s8 =	simm.s32 $0x140;
	v31 =	vshll.u32 v31, $0x3;
	v27 =	vand.u32 $0x3C00, v27;
	v29 =	vbroadcast v29, $0x0;
	v33 =	vld.idx.msk [tilespmem:v18+s31+$0x0], $0xffff  }
0x3c8: {  	v35 =	vmov s8;
	v18 =	vor.u32 v15, v27;
	v27 =	vld.idx.msk [tilespmem:v28+s31+$0x0], $0xffff;
	v28 =	vor.u32 v7, v22  }
0x3c9: {  	v31 =	vor.u32 v15, v31;
	v29 =	vor.u32 v16, v29;
	v34 =	vld.idx.msk [tilespmem:v34+s31+$0x0], $0xffff;
	v22 =	vor.u32 v12, v22  }
0x3ca: {  	v31 =	vbroadcast v31, $0x0;
	v17 =	vimm.f32 $0.0e+00;
	v39 =	vor.u32 v3, v29;
	v36 =	vld.idx.msk [tilespmem:v19+s31+$0x0], $0xffff  }
0x3cb: {  	v41 =	vor.u32 v2, v29;
	v37 =	vor.u32 v4, v20;
	v38 =	vor.u32 v13, v20;
	v30 =	vld.idx.msk [tilespmem:v30+s31+$0x0], $0xffff  }
0x3cc: {  	v20 =	vor.u32 v12, v20;
	v19 =	vor.u32 v1, v29;
	v42 =	vshll.u32 v26, v8  }
0x3cd: {  	v23 =	vshll.u32 v23, v9;
	v24 =	vshll.u32 v24, v11;
	v18 =	vbroadcast v18, $0x0;
	v28 =	vld.idx.msk [tilespmem:v28+s31+$0x0], $0xffff  }
0x3ce: {  	v25 =	vshll.u32 v25, v10;
	v21 =	vshll.u32 v21, v11;
	v32 =	vshll.u32 v32, v8;
	v22 =	vld.idx.msk [tilespmem:v22+s31+$0x0], $0xffff  }
0x3cf: {  	s9 =	simm.s32 $0x0;
	v62 =	vshll.u32 v34, v10;
	v18 =	vor.u32 v16, v18;
	v60 =	vshll.u32 v36, v10  }
0x3d0: {  	v61 =	vld.idx.msk [tilespmem:v37+s31+$0x0], $0xffff;
	v30 =	vshll.u32 v30, v11;
	v26 =	vshll.u32 v33, v8;
	v33 =	vadd.s32 s9, v60  }
0x3d1: {  	s10 =	simm.s32 $0x10;
	v40 =	vor.u32 v7, v18;
	v27 =	vshll.u32 v27, v9;
	v30 =	vadd.s32 v30, v33  }
0x3d2: {  	v63 =	vld.idx.msk [tilespmem:v20+s31+$0x0], $0xffff;
	v20 =	vadd.s32 v27, v30;
	v27 =	vshll.u32 v28, v11;
	v28 =	vadd.s32 s10, v62  }
0x3d3: {  	s11 =	simm.s32 $0x20;
	v30 =	vld.idx.msk [tilespmem:v38+s31+$0x0], $0xffff;
	v20 =	vadd.s32 v26, v20;
	v22 =	vshll.u32 v22, v9;
	v26 =	vadd.s32 v27, v28  }
0x3d4: {  	v28 =	vadd.s32 v6, v20;
	v20 =	vadd.s32 v22, v26;
	v22 =	vadd.s32 s11, v25  }
0x3d5: {  	s6 =	simm.s32 $0x30;
	v20 =	vadd.s32 v32, v20;
	v22 =	vadd.s32 v24, v22;
	v24 =	vshll.u32 v61, v10  }
0x3d6: {  	v26 =	vadd.s32 v6, v20;
	v22 =	vadd.s32 v23, v22;
	v23 =	vadd.s32 s6, v24  }
0x3d7: {  	v20 =	vld.idx.msk [tilespmem:v39+s31+$0x0], $0xffff;
	v24 =	vshll.u32 v63, v9;
	v22 =	vadd.s32 v42, v22;
	v25 =	vadd.s32 v21, v23  }
0x3d8: {  	v21 =	vld.idx.msk [tilespmem:v40+s31+$0x0], $0xffff;
	v23 =	vadd.s32 v6, v22;
	v22 =	vshll.u32 v30, v8;
	v24 =	vadd.s32 v24, v25  }
0x3d9: {  	v27 =	vor.u32 v0, v29;
	v30 =	vshll.u32 v35, $0x3;
	v25 =	vld.idx.msk [tilespmem:v28+s15+$0x0], $0xffff;
	v24 =	vadd.s32 v22, v24  }
0x3da: {  	s8 =	simm.s32 $0x2C0;
	s7 =	simm.s32 $0x4;
	v28 =	vor.u32 v16, v31;
	v29 =	vand.u32 $0x3800, v30;
	v22 =	vld.idx.msk [tilespmem:v41+s31+$0x0], $0xffff;
	v24 =	vadd.s32 v6, v24  }
.LBB2_35:
0x3db: {  	v30 =	vmov s8;
	v31 =	vor.u32 v3, v28;
	v29 =	vor.u32 v15, v29;
	v26 =	vld.idx.msk [tilespmem:v26+s15+$0x0], $0xffff  }
0x3dc: {  	s9 =	sadd.s32 $0xFFFFFF80, s8;
	s10 =	sadd.s32 $0xFFFFFFC0, s8;
	v32 =	vor.u32 v2, v28;
	v30 =	vshll.u32 v30, $0x3;
	v29 =	vbroadcast v29, $0x0;
	v33 =	vld.idx.msk [tilespmem:v19+s31+$0x0], $0xffff  }
0x3dd: {  	s11 =	sadd.s32 $0xFFFFFF40, s8;
	v35 =	vor.u32 v1, v28;
	v34 =	vmov s9;
	v19 =	vmov s10;
	v23 =	vld.idx.msk [tilespmem:v23+s15+$0x0], $0xffff  }
0x3de: {  	v28 =	vor.u32 v0, v28;
	v36 =	vmov s11;
	v29 =	vor.u32 v16, v29;
	v27 =	vld.idx.msk [tilespmem:v27+s31+$0x0], $0xffff  }
0x3df: {  	v30 =	vand.u32 $0x3C00, v30;
	v17 =	vadd.f32 v25, v17;
	v37 =	vor.u32 v13, v29;
	v24 =	vld.idx.msk [tilespmem:v24+s15+$0x0], $0xffff  }
0x3e0: {  	v19 =	vshll.u32 v19, $0x3;
	v25 =	vshll.u32 v36, $0x3;
	v36 =	vor.u32 v4, v29;
	v31 =	vld.idx.msk [tilespmem:v31+s31+$0x0], $0xffff  }
0x3e1: {  	v30 =	vor.u32 v15, v30;
	v38 =	vor.u32 v7, v29;
	v17 =	vadd.f32 v26, v17;
	v32 =	vld.idx.msk [tilespmem:v32+s31+$0x0], $0xffff  }
0x3e2: {  	v19 =	vor.u32 v15, v19;
	v29 =	vor.u32 v12, v29;
	v26 =	vbroadcast v30, $0x0;
	v30 =	vld.idx.msk [tilespmem:v35+s31+$0x0], $0xffff  }
0x3e3: {  	v25 =	vor.u32 v15, v25;
	v19 =	vbroadcast v19, $0x0;
	v17 =	vadd.f32 v23, v17;
	v28 =	vld.idx.msk [tilespmem:v28+s31+$0x0], $0xffff  }
0x3e4: {  	v35 =	vbroadcast v25, $0x0;
	v23 =	vor.u32 v16, v26;
	v26 =	vor.u32 v4, v18;
	v25 =	vld.idx.msk [tilespmem:v37+s31+$0x0], $0xffff  }
0x3e5: {  	v39 =	vor.u32 v13, v18;
	v37 =	vor.u32 v16, v19;
	v17 =	vadd.f32 v24, v17;
	v36 =	vld.idx.msk [tilespmem:v36+s31+$0x0], $0xffff  }
0x3e6: {  	v41 =	vor.u32 v12, v18;
	v40 =	vor.u32 v7, v23;
	v24 =	vor.u32 v3, v37;
	v38 =	vld.idx.msk [tilespmem:v38+s31+$0x0], $0xffff  }
0x3e7: {  	v43 =	vshll.u32 v20, v8;
	v19 =	vor.u32 v1, v37;
	v42 =	vor.u32 v2, v37;
	v29 =	vld.idx.msk [tilespmem:v29+s31+$0x0], $0xffff  }
0x3e8: {  	s6 =	sadd.s32 $0x40, s6;
	v21 =	vshll.u32 v21, v11;
	v20 =	vshll.u32 v22, v9;
	v22 =	vshll.u32 v33, v11;
	v18 =	vmovc v23  }
0x3e9: {  	s9 =	sadd.s32 $0xFFFFFFD0, s6;
	v27 =	vshll.u32 v27, v10;
	v23 =	vshll.u32 v31, v8;
	v28 =	vshll.u32 v28, v10;
	v26 =	vld.idx.msk [tilespmem:v26+s31+$0x0], $0xffff  }
0x3ea: {  	v31 =	vshll.u32 v32, v9;
	v30 =	vshll.u32 v30, v11;
	v28 =	vadd.s32 s9, v28  }
0x3eb: {  	v25 =	vshll.u32 v25, v8;
	s9 =	sadd.s32 $0xFFFFFFE0, s6;
	v28 =	vadd.s32 v30, v28;
	v30 =	vshll.u32 v36, v10;
	v32 =	vld.idx.msk [tilespmem:v41+s31+$0x0], $0xffff  }
0x3ec: {  	v28 =	vadd.s32 v31, v28;
	v31 =	vshll.u32 v38, v11;
	v30 =	vadd.s32 s9, v30;
	v33 =	vld.idx.msk [tilespmem:v39+s31+$0x0], $0xffff  }
0x3ed: {  	s9 =	sadd.s32 $0xFFFFFFF0, s6;
	v23 =	vadd.s32 v23, v28;
	v28 =	vshll.u32 v29, v9;
	v29 =	vadd.s32 v31, v30  }
0x3ee: {  	s7 =	sadd.s32 $0x4, s7;
	v27 =	vadd.s32 s9, v27;
	v30 =	vadd.s32 v6, v23;
	v23 =	vadd.s32 v28, v29  }
0x3ef: {  	p0 =	slt.u32 s7, $0x1C;
	v22 =	vadd.s32 v22, v27;
	v23 =	vadd.s32 v25, v23;
	v25 =	vshll.u32 v26, v10  }
.Ltmp16:
0x3f0: {  	v22 =	vadd.s32 v20, v22;
	v26 =	vadd.s32 v6, v23;
	v23 =	vadd.s32 s6, v25;
	(pc) =	sbr.rel @p0 .LBB2_35-.Ltmp16, $4  }
0x3f1: {  	v22 =	vadd.s32 v43, v22;
	v25 =	vadd.s32 v21, v23;
	v20 =	vld.idx.msk [tilespmem:v24+s31+$0x0], $0xffff;
	v24 =	vshll.u32 v32, v9  }
0x3f2: {  	v23 =	vadd.s32 v6, v22;
	v22 =	vshll.u32 v33, v8;
	v21 =	vld.idx.msk [tilespmem:v40+s31+$0x0], $0xffff;
	v24 =	vadd.s32 v24, v25  }
0x3f3: {  	v29 =	vshll.u32 v34, $0x3;
	v27 =	vor.u32 v0, v37;
	v25 =	vld.idx.msk [tilespmem:v30+s15+$0x0], $0xffff;
	v24 =	vadd.s32 v22, v24  }
0x3f4: {  	s8 =	sadd.s32 $0x100, s8;
	v28 =	vor.u32 v16, v35;
	v29 =	vand.u32 $0x3800, v29;
	v22 =	vld.idx.msk [tilespmem:v42+s31+$0x0], $0xffff;
	v24 =	vadd.s32 v6, v24  }
0x3f5: {  	_ =	sdelay $0x1  }
0x3f6: {  	v15 =	vor.u32 v15, v29;
	v46 =	vor.u32 v0, v28  }
0x3f7: {  	v30 =	vor.u32 v1, v28;
	v15 =	vbroadcast v15, $0x0  }
0x3f8: {  	v31 =	vor.u32 v3, v28;
	v26 =	vld.idx.msk [tilespmem:v26+s15+$0x0], $0xffff  }
0x3f9: {  	v47 =	vor.u32 v2, v28;
	v19 =	vld.idx.msk [tilespmem:v19+s31+$0x0], $0xffff;
	v15 =	vor.u32 v16, v15  }
0x3fa: {  	v48 =	vld.idx.msk [tilespmem:v27+s31+$0x0], $0xffff;
	v32 =	vor.u32 v4, v15  }
0x3fb: {  	v33 =	vor.u32 v7, v15;
	v29 =	vld.idx.msk [tilespmem:v46+s31+$0x0], $0xffff  }
0x3fc: {  	v49 =	vor.u32 v13, v15;
	v15 =	vor.u32 v12, v15;
	v30 =	vld.idx.msk [tilespmem:v30+s31+$0x0], $0xffff  }
0x3fd: {  	v31 =	vld.idx.msk [tilespmem:v31+s31+$0x0], $0xffff  }
0x3fe: {  	v34 =	vor.u32 v4, v18;
	v28 =	vld.idx.msk [tilespmem:v47+s31+$0x0], $0xffff  }
0x3ff: {  	v52 =	vor.u32 v12, v18;
	v17 =	vadd.f32 v25, v17;
	v50 =	vld.idx.msk [tilespmem:v32+s31+$0x0], $0xffff  }
0x400: {  	s6 =	sadd.s32 $0x40, s6;
	v54 =	vor.u32 v13, v18;
	v20 =	vshll.u32 v20, v8;
	v21 =	vshll.u32 v21, v11;
	v51 =	vld.idx.msk [tilespmem:v33+s31+$0x0], $0xffff  }
0x401: {  	s11 =	sadd.s32 $0xFFFFFFF0, s6;
	v22 =	vshll.u32 v22, v9;
	v17 =	vadd.f32 v26, v17;
	v16 =	vshll.u32 v48, v10;
	v15 =	vld.idx.msk [tilespmem:v15+s31+$0x0], $0xffff  }
0x402: {  	s7 =	sadd.s32 $0xFFFFFFD0, s6;
	v19 =	vshll.u32 v19, v11;
	v16 =	vadd.s32 s11, v16;
	v27 =	vld.idx.msk [tilespmem:v49+s31+$0x0], $0xffff;
	v29 =	vshll.u32 v29, v10  }
0x403: {  	v56 =	vld.idx.msk [tilespmem:v34+s31+$0x0], $0xffff;
	v30 =	vshll.u32 v30, v11;
	v55 =	vshll.u32 v31, v8;
	v29 =	vadd.s32 s7, v29  }
0x404: {  	s10 =	sadd.s32 $0xFFFFFFE0, s6;
	v28 =	vshll.u32 v28, v9;
	v53 =	vadd.s32 v30, v29;
	v25 =	vshll.u32 v50, v10  }
0x405: {  	v57 =	vld.idx.msk [tilespmem:v52+s31+$0x0], $0xffff;
	v26 =	vadd.s32 v28, v53;
	v58 =	vshll.u32 v51, v11;
	v25 =	vadd.s32 s10, v25  }
0x406: {  	v18 =	vld.idx.msk [tilespmem:v54+s31+$0x0], $0xffff;
	v26 =	vadd.s32 v55, v26;
	v15 =	vshll.u32 v15, v9;
	v25 =	vadd.s32 v58, v25  }
0x407: {  	v27 =	vshll.u32 v27, v8;
	v26 =	vadd.s32 v6, v26;
	v15 =	vadd.s32 v15, v25  }
0x408: {  	v23 =	vld.idx.msk [tilespmem:v23+s15+$0x0], $0xffff;
	v16 =	vadd.s32 v19, v16;
	v59 =	vshll.u32 v56, v10;
	v15 =	vadd.s32 v27, v15  }
0x409: {  	v16 =	vadd.s32 v22, v16;
	v19 =	vadd.s32 s6, v59;
	v15 =	vadd.s32 v6, v15  }
0x40a: {  	v60 =	vld.idx.msk [tilespmem:v24+s15+$0x0], $0xffff;
	v16 =	vadd.s32 v20, v16;
	v61 =	vshll.u32 v57, v9;
	v19 =	vadd.s32 v21, v19  }
0x40b: {  	v16 =	vadd.s32 v6, v16;
	v18 =	vshll.u32 v18, v8;
	v19 =	vadd.s32 v61, v19  }
0x40c: {  	v18 =	vadd.s32 v18, v19;
	v62 =	vld.idx.msk [tilespmem:v26+s15+$0x0], $0xffff  }
0x40d: {  	v17 =	vadd.f32 v23, v17;
	v18 =	vadd.s32 v6, v18  }
0x40e: {  	v15 =	vld.idx.msk [tilespmem:v15+s15+$0x0], $0xffff  }
0x40f: {  	v17 =	vadd.f32 v60, v17  }
0x410: {  	v16 =	vld.idx.msk [tilespmem:v16+s15+$0x0], $0xffff  }
0x411: {  	v17 =	vadd.f32 v62, v17  }
0x412: {  	v18 =	vld.idx.msk [tilespmem:v18+s15+$0x0], $0xffff  }
0x413: {  	v15 =	vadd.f32 v15, v17;
	_ =	sdelay $0x1  }
0x414: {  	v15 =	vadd.f32 v16, v15;
	_ =	sdelay $0x1  }
0x415: {  	v15 =	vadd.f32 v18, v15;
	_ =	sdelay $0x1  }
0x416: {  	(xrf2) =	vadd.scan.msk.f32 $0xffff, v15;
	_ =	sdelay $0x7  }
0x417: {  	v15 =	vld.idx.msk [tilespmem:v14+s1+$0x0], $0xffff  }
0x418: {  	s5 =	sadd.s32 $0x1, s5  }
0x419: {  	p0 =	sne.s32 s5, $0x10;
	v63, _, _ =	vpop (xrf2)  }
.Ltmp17:
0x41a: {  	v16 =	vbroadcast v63, $0xF;
	(pc) =	sbr.rel @p0 .LBB2_34-.Ltmp17, $3  }
0x41b: {  	_ = 	snop  }
0x41c: {  	v15 =	vadd.f32 v15, v16;
	_ =	sdelay $0x1  }
0x41d: {  	[tilespmem:v14+s1+$0x0] =	vst.idx.msk $0x1, v15  }
0x41e: {  	_ =	swait.ge [sflag:s2], $0x8000  }
0x41f: {  	[sflag:s2] =	ssyncset.done $0x0  }
0x420: {  	s5 =	rddreg [dreg:$0xe];
	[sflag:s2] =	ssyncadd.s32 $0xFFFF8000  }
0x421: {  	[tilespmem:s31], [sflag:$0x1] =	stream.strided.gather [hbm4b:s5+s31], $0x8000, s30, s31, $0x38;
	[tilespmem:$0x14080] =	vst v63  }
0x422: {  	s5 =	simm.s32 $0x0  }
.LBB2_38:
0x423: {  	v14 =	vmov s5;
	s6 =	simm.s32 $0xC0;
	s7 =	simm.s32 $0x80  }
0x424: {  	v15 =	vshll.u32 v14, $0xB;
	v16 =	vmov s6;
	v17 =	vmov s7  }
0x425: {  	v15 =	vand.u32 $0x4000, v15;
	v16 =	vshll.u32 v16, $0x3;
	v17 =	vshll.u32 v17, $0x3  }
0x426: {  	s8 =	simm.s32 $0x40;
	v18 =	vshll.u32 v14, $0x7;
	v16 =	vand.u32 $0x3C00, v16;
	v17 =	vor.u32 v15, v17  }
0x427: {  	v22 =	vmov s8;
	v19 =	vor.u32 v15, v16;
	v17 =	vbroadcast v17, $0x0  }
0x428: {  	v22 =	vshll.u32 v22, $0x3;
	v16 =	vand.u32 $0x380, v18;
	v18 =	vbroadcast v19, $0x0  }
0x429: {  	s7 =	simm.s32 $0x0;
	v22 =	vand.u32 $0x3800, v22;
	v17 =	vor.u32 v16, v17  }
0x42a: {  	v19 =	vmov s7;
	v20 =	vor.u32 v16, v18;
	v18 =	vor.u32 v3, v17  }
0x42b: {  	v22 =	vor.u32 v15, v22;
	v19 =	vshll.u32 v19, $0x3;
	v23 =	vor.u32 v2, v17  }
0x42c: {  	v22 =	vbroadcast v22, $0x0;
	v19 =	vor.u32 v15, v19;
	v24 =	vor.u32 v1, v17  }
0x42d: {  	v25 =	vor.u32 v0, v17;
	v19 =	vbroadcast v19, $0x0  }
0x42e: {  	v22 =	vor.u32 v16, v22;
	v21 =	vor.u32 v7, v20  }
0x42f: {  	v32 =	vor.u32 v13, v22;
	v19 =	vor.u32 v16, v19;
	v26 =	vld.idx.msk [tilespmem:v18+s25+$0x0], $0xffff  }
0x430: {  	v18 =	vor.u32 v3, v19;
	v23 =	vld.idx.msk [tilespmem:v23+s25+$0x0], $0xffff  }
0x431: {  	s9 =	simm.s32 $0x1C0;
	s10 =	simm.s32 $0x180;
	v28 =	vor.u32 v2, v19;
	v24 =	vld.idx.msk [tilespmem:v24+s25+$0x0], $0xffff  }
0x432: {  	v27 =	vmov s9;
	v29 =	vmov s10;
	v34 =	vor.u32 v4, v22;
	v25 =	vld.idx.msk [tilespmem:v25+s25+$0x0], $0xffff  }
0x433: {  	s11 =	simm.s32 $0x100;
	v29 =	vshll.u32 v29, $0x3;
	v30 =	vor.u32 v1, v19;
	v19 =	vor.u32 v0, v19;
	v21 =	vld.idx.msk [tilespmem:v21+s25+$0x0], $0xffff  }
0x434: {  	v31 =	vmov s11;
	v27 =	vshll.u32 v27, $0x3;
	v29 =	vor.u32 v15, v29;
	v32 =	vld.idx.msk [tilespmem:v32+s25+$0x0], $0xffff  }
0x435: {  	s8 =	simm.s32 $0x140;
	v31 =	vshll.u32 v31, $0x3;
	v27 =	vand.u32 $0x3C00, v27;
	v29 =	vbroadcast v29, $0x0;
	v33 =	vld.idx.msk [tilespmem:v18+s25+$0x0], $0xffff  }
0x436: {  	v35 =	vmov s8;
	v18 =	vor.u32 v15, v27;
	v27 =	vld.idx.msk [tilespmem:v28+s25+$0x0], $0xffff;
	v28 =	vor.u32 v7, v22  }
0x437: {  	v31 =	vor.u32 v15, v31;
	v29 =	vor.u32 v16, v29;
	v34 =	vld.idx.msk [tilespmem:v34+s25+$0x0], $0xffff;
	v22 =	vor.u32 v12, v22  }
0x438: {  	v31 =	vbroadcast v31, $0x0;
	v17 =	vimm.f32 $0.0e+00;
	v39 =	vor.u32 v3, v29;
	v36 =	vld.idx.msk [tilespmem:v19+s25+$0x0], $0xffff  }
0x439: {  	v41 =	vor.u32 v2, v29;
	v37 =	vor.u32 v4, v20;
	v38 =	vor.u32 v13, v20;
	v30 =	vld.idx.msk [tilespmem:v30+s25+$0x0], $0xffff  }
0x43a: {  	v20 =	vor.u32 v12, v20;
	v19 =	vor.u32 v1, v29;
	v42 =	vshll.u32 v26, v8  }
0x43b: {  	v23 =	vshll.u32 v23, v9;
	v24 =	vshll.u32 v24, v11;
	v18 =	vbroadcast v18, $0x0;
	v28 =	vld.idx.msk [tilespmem:v28+s25+$0x0], $0xffff  }
0x43c: {  	v25 =	vshll.u32 v25, v10;
	v21 =	vshll.u32 v21, v11;
	v32 =	vshll.u32 v32, v8;
	v22 =	vld.idx.msk [tilespmem:v22+s25+$0x0], $0xffff  }
0x43d: {  	s9 =	simm.s32 $0x200;
	v62 =	vshll.u32 v34, v10;
	v18 =	vor.u32 v16, v18;
	v60 =	vshll.u32 v36, v10  }
0x43e: {  	v61 =	vld.idx.msk [tilespmem:v37+s25+$0x0], $0xffff;
	v30 =	vshll.u32 v30, v11;
	v26 =	vshll.u32 v33, v8;
	v33 =	vadd.s32 s9, v60  }
0x43f: {  	s10 =	simm.s32 $0x210;
	v40 =	vor.u32 v7, v18;
	v27 =	vshll.u32 v27, v9;
	v30 =	vadd.s32 v30, v33  }
0x440: {  	v63 =	vld.idx.msk [tilespmem:v20+s25+$0x0], $0xffff;
	v20 =	vadd.s32 v27, v30;
	v27 =	vshll.u32 v28, v11;
	v28 =	vadd.s32 s10, v62  }
0x441: {  	s11 =	simm.s32 $0x220;
	v30 =	vld.idx.msk [tilespmem:v38+s25+$0x0], $0xffff;
	v20 =	vadd.s32 v26, v20;
	v22 =	vshll.u32 v22, v9;
	v26 =	vadd.s32 v27, v28  }
0x442: {  	v28 =	vadd.s32 v6, v20;
	v20 =	vadd.s32 v22, v26;
	v22 =	vadd.s32 s11, v25  }
0x443: {  	s6 =	simm.s32 $0x230;
	v20 =	vadd.s32 v32, v20;
	v22 =	vadd.s32 v24, v22;
	v24 =	vshll.u32 v61, v10  }
0x444: {  	v26 =	vadd.s32 v6, v20;
	v22 =	vadd.s32 v23, v22;
	v23 =	vadd.s32 s6, v24  }
0x445: {  	v20 =	vld.idx.msk [tilespmem:v39+s25+$0x0], $0xffff;
	v24 =	vshll.u32 v63, v9;
	v22 =	vadd.s32 v42, v22;
	v25 =	vadd.s32 v21, v23  }
0x446: {  	v21 =	vld.idx.msk [tilespmem:v40+s25+$0x0], $0xffff;
	v23 =	vadd.s32 v6, v22;
	v22 =	vshll.u32 v30, v8;
	v24 =	vadd.s32 v24, v25  }
0x447: {  	v27 =	vor.u32 v0, v29;
	v30 =	vshll.u32 v35, $0x3;
	v25 =	vld.idx.msk [tilespmem:v28+s15+$0x0], $0xffff;
	v24 =	vadd.s32 v22, v24  }
0x448: {  	s8 =	simm.s32 $0x2C0;
	s7 =	simm.s32 $0x4;
	v28 =	vor.u32 v16, v31;
	v29 =	vand.u32 $0x3800, v30;
	v22 =	vld.idx.msk [tilespmem:v41+s25+$0x0], $0xffff;
	v24 =	vadd.s32 v6, v24  }
.LBB2_39:
0x449: {  	v30 =	vmov s8;
	v31 =	vor.u32 v3, v28;
	v29 =	vor.u32 v15, v29;
	v26 =	vld.idx.msk [tilespmem:v26+s15+$0x0], $0xffff  }
0x44a: {  	s9 =	sadd.s32 $0xFFFFFF80, s8;
	s10 =	sadd.s32 $0xFFFFFFC0, s8;
	v32 =	vor.u32 v2, v28;
	v30 =	vshll.u32 v30, $0x3;
	v29 =	vbroadcast v29, $0x0;
	v33 =	vld.idx.msk [tilespmem:v19+s25+$0x0], $0xffff  }
0x44b: {  	s11 =	sadd.s32 $0xFFFFFF40, s8;
	v35 =	vor.u32 v1, v28;
	v34 =	vmov s9;
	v19 =	vmov s10;
	v23 =	vld.idx.msk [tilespmem:v23+s15+$0x0], $0xffff  }
0x44c: {  	v28 =	vor.u32 v0, v28;
	v36 =	vmov s11;
	v29 =	vor.u32 v16, v29;
	v27 =	vld.idx.msk [tilespmem:v27+s25+$0x0], $0xffff  }
0x44d: {  	v30 =	vand.u32 $0x3C00, v30;
	v17 =	vadd.f32 v25, v17;
	v37 =	vor.u32 v13, v29;
	v24 =	vld.idx.msk [tilespmem:v24+s15+$0x0], $0xffff  }
0x44e: {  	v19 =	vshll.u32 v19, $0x3;
	v25 =	vshll.u32 v36, $0x3;
	v36 =	vor.u32 v4, v29;
	v31 =	vld.idx.msk [tilespmem:v31+s25+$0x0], $0xffff  }
0x44f: {  	v30 =	vor.u32 v15, v30;
	v38 =	vor.u32 v7, v29;
	v17 =	vadd.f32 v26, v17;
	v32 =	vld.idx.msk [tilespmem:v32+s25+$0x0], $0xffff  }
0x450: {  	v19 =	vor.u32 v15, v19;
	v29 =	vor.u32 v12, v29;
	v26 =	vbroadcast v30, $0x0;
	v30 =	vld.idx.msk [tilespmem:v35+s25+$0x0], $0xffff  }
0x451: {  	v25 =	vor.u32 v15, v25;
	v19 =	vbroadcast v19, $0x0;
	v17 =	vadd.f32 v23, v17;
	v28 =	vld.idx.msk [tilespmem:v28+s25+$0x0], $0xffff  }
0x452: {  	v35 =	vbroadcast v25, $0x0;
	v23 =	vor.u32 v16, v26;
	v26 =	vor.u32 v4, v18;
	v25 =	vld.idx.msk [tilespmem:v37+s25+$0x0], $0xffff  }
0x453: {  	v39 =	vor.u32 v13, v18;
	v37 =	vor.u32 v16, v19;
	v17 =	vadd.f32 v24, v17;
	v36 =	vld.idx.msk [tilespmem:v36+s25+$0x0], $0xffff  }
0x454: {  	v41 =	vor.u32 v12, v18;
	v40 =	vor.u32 v7, v23;
	v24 =	vor.u32 v3, v37;
	v38 =	vld.idx.msk [tilespmem:v38+s25+$0x0], $0xffff  }
0x455: {  	v43 =	vshll.u32 v20, v8;
	v19 =	vor.u32 v1, v37;
	v42 =	vor.u32 v2, v37;
	v29 =	vld.idx.msk [tilespmem:v29+s25+$0x0], $0xffff  }
0x456: {  	s6 =	sadd.s32 $0x40, s6;
	v21 =	vshll.u32 v21, v11;
	v20 =	vshll.u32 v22, v9;
	v22 =	vshll.u32 v33, v11;
	v18 =	vmovc v23  }
0x457: {  	s9 =	sadd.s32 $0xFFFFFFD0, s6;
	v27 =	vshll.u32 v27, v10;
	v23 =	vshll.u32 v31, v8;
	v28 =	vshll.u32 v28, v10;
	v26 =	vld.idx.msk [tilespmem:v26+s25+$0x0], $0xffff  }
0x458: {  	v31 =	vshll.u32 v32, v9;
	v30 =	vshll.u32 v30, v11;
	v28 =	vadd.s32 s9, v28  }
0x459: {  	v25 =	vshll.u32 v25, v8;
	s9 =	sadd.s32 $0xFFFFFFE0, s6;
	v28 =	vadd.s32 v30, v28;
	v30 =	vshll.u32 v36, v10;
	v32 =	vld.idx.msk [tilespmem:v41+s25+$0x0], $0xffff  }
0x45a: {  	v28 =	vadd.s32 v31, v28;
	v31 =	vshll.u32 v38, v11;
	v30 =	vadd.s32 s9, v30;
	v33 =	vld.idx.msk [tilespmem:v39+s25+$0x0], $0xffff  }
0x45b: {  	s9 =	sadd.s32 $0xFFFFFFF0, s6;
	v23 =	vadd.s32 v23, v28;
	v28 =	vshll.u32 v29, v9;
	v29 =	vadd.s32 v31, v30  }
0x45c: {  	s7 =	sadd.s32 $0x4, s7;
	v27 =	vadd.s32 s9, v27;
	v30 =	vadd.s32 v6, v23;
	v23 =	vadd.s32 v28, v29  }
0x45d: {  	p0 =	slt.u32 s7, $0x1C;
	v22 =	vadd.s32 v22, v27;
	v23 =	vadd.s32 v25, v23;
	v25 =	vshll.u32 v26, v10  }
.Ltmp18:
0x45e: {  	v22 =	vadd.s32 v20, v22;
	v26 =	vadd.s32 v6, v23;
	v23 =	vadd.s32 s6, v25;
	(pc) =	sbr.rel @p0 .LBB2_39-.Ltmp18, $4  }
0x45f: {  	v22 =	vadd.s32 v43, v22;
	v25 =	vadd.s32 v21, v23;
	v20 =	vld.idx.msk [tilespmem:v24+s25+$0x0], $0xffff;
	v24 =	vshll.u32 v32, v9  }
0x460: {  	v23 =	vadd.s32 v6, v22;
	v22 =	vshll.u32 v33, v8;
	v21 =	vld.idx.msk [tilespmem:v40+s25+$0x0], $0xffff;
	v24 =	vadd.s32 v24, v25  }
0x461: {  	v29 =	vshll.u32 v34, $0x3;
	v27 =	vor.u32 v0, v37;
	v25 =	vld.idx.msk [tilespmem:v30+s15+$0x0], $0xffff;
	v24 =	vadd.s32 v22, v24  }
0x462: {  	s8 =	sadd.s32 $0x100, s8;
	v28 =	vor.u32 v16, v35;
	v29 =	vand.u32 $0x3800, v29;
	v22 =	vld.idx.msk [tilespmem:v42+s25+$0x0], $0xffff;
	v24 =	vadd.s32 v6, v24  }
0x463: {  	_ =	sdelay $0x1  }
0x464: {  	v15 =	vor.u32 v15, v29;
	v46 =	vor.u32 v0, v28  }
0x465: {  	v30 =	vor.u32 v1, v28;
	v15 =	vbroadcast v15, $0x0  }
0x466: {  	v31 =	vor.u32 v3, v28;
	v26 =	vld.idx.msk [tilespmem:v26+s15+$0x0], $0xffff  }
0x467: {  	v47 =	vor.u32 v2, v28;
	v19 =	vld.idx.msk [tilespmem:v19+s25+$0x0], $0xffff;
	v15 =	vor.u32 v16, v15  }
0x468: {  	v48 =	vld.idx.msk [tilespmem:v27+s25+$0x0], $0xffff;
	v32 =	vor.u32 v4, v15  }
0x469: {  	v33 =	vor.u32 v7, v15;
	v29 =	vld.idx.msk [tilespmem:v46+s25+$0x0], $0xffff  }
0x46a: {  	v49 =	vor.u32 v13, v15;
	v15 =	vor.u32 v12, v15;
	v30 =	vld.idx.msk [tilespmem:v30+s25+$0x0], $0xffff  }
0x46b: {  	v31 =	vld.idx.msk [tilespmem:v31+s25+$0x0], $0xffff  }
0x46c: {  	v34 =	vor.u32 v4, v18;
	v28 =	vld.idx.msk [tilespmem:v47+s25+$0x0], $0xffff  }
0x46d: {  	v52 =	vor.u32 v12, v18;
	v17 =	vadd.f32 v25, v17;
	v50 =	vld.idx.msk [tilespmem:v32+s25+$0x0], $0xffff  }
0x46e: {  	s6 =	sadd.s32 $0x40, s6;
	v54 =	vor.u32 v13, v18;
	v20 =	vshll.u32 v20, v8;
	v21 =	vshll.u32 v21, v11;
	v51 =	vld.idx.msk [tilespmem:v33+s25+$0x0], $0xffff  }
0x46f: {  	s11 =	sadd.s32 $0xFFFFFFF0, s6;
	v22 =	vshll.u32 v22, v9;
	v17 =	vadd.f32 v26, v17;
	v16 =	vshll.u32 v48, v10;
	v15 =	vld.idx.msk [tilespmem:v15+s25+$0x0], $0xffff  }
0x470: {  	s7 =	sadd.s32 $0xFFFFFFD0, s6;
	v19 =	vshll.u32 v19, v11;
	v16 =	vadd.s32 s11, v16;
	v27 =	vld.idx.msk [tilespmem:v49+s25+$0x0], $0xffff;
	v29 =	vshll.u32 v29, v10  }
0x471: {  	v56 =	vld.idx.msk [tilespmem:v34+s25+$0x0], $0xffff;
	v30 =	vshll.u32 v30, v11;
	v55 =	vshll.u32 v31, v8;
	v29 =	vadd.s32 s7, v29  }
0x472: {  	s10 =	sadd.s32 $0xFFFFFFE0, s6;
	v28 =	vshll.u32 v28, v9;
	v53 =	vadd.s32 v30, v29;
	v25 =	vshll.u32 v50, v10  }
0x473: {  	v57 =	vld.idx.msk [tilespmem:v52+s25+$0x0], $0xffff;
	v26 =	vadd.s32 v28, v53;
	v58 =	vshll.u32 v51, v11;
	v25 =	vadd.s32 s10, v25  }
0x474: {  	v18 =	vld.idx.msk [tilespmem:v54+s25+$0x0], $0xffff;
	v26 =	vadd.s32 v55, v26;
	v15 =	vshll.u32 v15, v9;
	v25 =	vadd.s32 v58, v25  }
0x475: {  	v27 =	vshll.u32 v27, v8;
	v26 =	vadd.s32 v6, v26;
	v15 =	vadd.s32 v15, v25  }
0x476: {  	v23 =	vld.idx.msk [tilespmem:v23+s15+$0x0], $0xffff;
	v16 =	vadd.s32 v19, v16;
	v59 =	vshll.u32 v56, v10;
	v15 =	vadd.s32 v27, v15  }
0x477: {  	v16 =	vadd.s32 v22, v16;
	v19 =	vadd.s32 s6, v59;
	v15 =	vadd.s32 v6, v15  }
0x478: {  	v60 =	vld.idx.msk [tilespmem:v24+s15+$0x0], $0xffff;
	v16 =	vadd.s32 v20, v16;
	v61 =	vshll.u32 v57, v9;
	v19 =	vadd.s32 v21, v19  }
0x479: {  	v16 =	vadd.s32 v6, v16;
	v18 =	vshll.u32 v18, v8;
	v19 =	vadd.s32 v61, v19  }
0x47a: {  	v18 =	vadd.s32 v18, v19;
	v62 =	vld.idx.msk [tilespmem:v26+s15+$0x0], $0xffff  }
0x47b: {  	v17 =	vadd.f32 v23, v17;
	v18 =	vadd.s32 v6, v18  }
0x47c: {  	v15 =	vld.idx.msk [tilespmem:v15+s15+$0x0], $0xffff  }
0x47d: {  	v17 =	vadd.f32 v60, v17  }
0x47e: {  	v16 =	vld.idx.msk [tilespmem:v16+s15+$0x0], $0xffff  }
0x47f: {  	v17 =	vadd.f32 v62, v17  }
0x480: {  	v18 =	vld.idx.msk [tilespmem:v18+s15+$0x0], $0xffff  }
0x481: {  	v15 =	vadd.f32 v15, v17;
	_ =	sdelay $0x1  }
0x482: {  	v15 =	vadd.f32 v16, v15;
	_ =	sdelay $0x1  }
0x483: {  	v15 =	vadd.f32 v18, v15;
	_ =	sdelay $0x1  }
0x484: {  	(xrf2) =	vadd.scan.msk.f32 $0xffff, v15;
	_ =	sdelay $0x7  }
0x485: {  	v15 =	vld.idx.msk [tilespmem:v14+s1+$0x0], $0xffff  }
0x486: {  	s5 =	sadd.s32 $0x1, s5  }
0x487: {  	p0 =	sne.s32 s5, $0x10;
	v63, _, _ =	vpop (xrf2)  }
.Ltmp19:
0x488: {  	v16 =	vbroadcast v63, $0xF;
	(pc) =	sbr.rel @p0 .LBB2_38-.Ltmp19, $3  }
0x489: {  	_ = 	snop  }
0x48a: {  	v15 =	vadd.f32 v15, v16;
	_ =	sdelay $0x1  }
0x48b: {  	[tilespmem:v14+s1+$0x0] =	vst.idx.msk $0x1, v15  }
0x48c: {  	s5 =	simm.s32 $0x0  }
0x48d: {  	[hbm4b:s22+s5] =	stream.linear.scatter [tilespmem:s1], [sflag:$0x4], $0x10, $0x38;
	[tilespmem:$0x14080] =	vst v63  }
0x48e: {  	_ =	swait.ge [sflag:s3], $0x10  }
0x48f: {  	[sflag:s3] =	ssyncset.done $0x0  }
0x490: {  	[sflag:s3] =	ssyncadd.s32 $0xFFFFFFF0  }
0x491: {  	_ =	swait.ge [sflag:s0], $0x8000  }
0x492: {  	[sflag:s0] =	ssyncset.done $0x0  }
0x493: {  	[sflag:s0] =	ssyncadd.s32 $0xFFFF8000  }
0x494: {  	[tilespmem:s25], [sflag:$0x2] =	stream.strided.gather [hbm4b:s12+s31], $0x8000, s30, s31, $0x38;
	[tilespmem:$0x14080] =	vst v63  }
0x495: {  	[tilespmem:$0x14000] =	vst v5  }
.LBB2_42:
0x496: {  	v14 =	vmov s5;
	s6 =	simm.s32 $0xC0;
	s7 =	simm.s32 $0x80  }
0x497: {  	v15 =	vshll.u32 v14, $0xB;
	v16 =	vmov s6;
	v17 =	vmov s7  }
0x498: {  	v15 =	vand.u32 $0x4000, v15;
	v16 =	vshll.u32 v16, $0x3;
	v17 =	vshll.u32 v17, $0x3  }
0x499: {  	s8 =	simm.s32 $0x40;
	v18 =	vshll.u32 v14, $0x7;
	v16 =	vand.u32 $0x3C00, v16;
	v17 =	vor.u32 v15, v17  }
0x49a: {  	v22 =	vmov s8;
	v19 =	vor.u32 v15, v16;
	v17 =	vbroadcast v17, $0x0  }
0x49b: {  	v22 =	vshll.u32 v22, $0x3;
	v16 =	vand.u32 $0x380, v18;
	v18 =	vbroadcast v19, $0x0  }
0x49c: {  	s7 =	simm.s32 $0x0;
	v22 =	vand.u32 $0x3800, v22;
	v17 =	vor.u32 v16, v17  }
0x49d: {  	v19 =	vmov s7;
	v20 =	vor.u32 v16, v18;
	v18 =	vor.u32 v3, v17  }
0x49e: {  	v22 =	vor.u32 v15, v22;
	v19 =	vshll.u32 v19, $0x3;
	v23 =	vor.u32 v2, v17  }
0x49f: {  	v22 =	vbroadcast v22, $0x0;
	v19 =	vor.u32 v15, v19;
	v24 =	vor.u32 v1, v17  }
0x4a0: {  	v25 =	vor.u32 v0, v17;
	v19 =	vbroadcast v19, $0x0  }
0x4a1: {  	v22 =	vor.u32 v16, v22;
	v21 =	vor.u32 v7, v20  }
0x4a2: {  	v32 =	vor.u32 v13, v22;
	v19 =	vor.u32 v16, v19;
	v26 =	vld.idx.msk [tilespmem:v18+s31+$0x0], $0xffff  }
0x4a3: {  	v18 =	vor.u32 v3, v19;
	v23 =	vld.idx.msk [tilespmem:v23+s31+$0x0], $0xffff  }
0x4a4: {  	s9 =	simm.s32 $0x1C0;
	s10 =	simm.s32 $0x180;
	v28 =	vor.u32 v2, v19;
	v24 =	vld.idx.msk [tilespmem:v24+s31+$0x0], $0xffff  }
0x4a5: {  	v27 =	vmov s9;
	v29 =	vmov s10;
	v34 =	vor.u32 v4, v22;
	v25 =	vld.idx.msk [tilespmem:v25+s31+$0x0], $0xffff  }
0x4a6: {  	s11 =	simm.s32 $0x100;
	v29 =	vshll.u32 v29, $0x3;
	v30 =	vor.u32 v1, v19;
	v19 =	vor.u32 v0, v19;
	v21 =	vld.idx.msk [tilespmem:v21+s31+$0x0], $0xffff  }
0x4a7: {  	v31 =	vmov s11;
	v27 =	vshll.u32 v27, $0x3;
	v29 =	vor.u32 v15, v29;
	v32 =	vld.idx.msk [tilespmem:v32+s31+$0x0], $0xffff  }
0x4a8: {  	s8 =	simm.s32 $0x140;
	v31 =	vshll.u32 v31, $0x3;
	v27 =	vand.u32 $0x3C00, v27;
	v29 =	vbroadcast v29, $0x0;
	v33 =	vld.idx.msk [tilespmem:v18+s31+$0x0], $0xffff  }
0x4a9: {  	v35 =	vmov s8;
	v18 =	vor.u32 v15, v27;
	v27 =	vld.idx.msk [tilespmem:v28+s31+$0x0], $0xffff;
	v28 =	vor.u32 v7, v22  }
0x4aa: {  	v31 =	vor.u32 v15, v31;
	v29 =	vor.u32 v16, v29;
	v34 =	vld.idx.msk [tilespmem:v34+s31+$0x0], $0xffff;
	v22 =	vor.u32 v12, v22  }
0x4ab: {  	v31 =	vbroadcast v31, $0x0;
	v17 =	vimm.f32 $0.0e+00;
	v39 =	vor.u32 v3, v29;
	v36 =	vld.idx.msk [tilespmem:v19+s31+$0x0], $0xffff  }
0x4ac: {  	v41 =	vor.u32 v2, v29;
	v37 =	vor.u32 v4, v20;
	v38 =	vor.u32 v13, v20;
	v30 =	vld.idx.msk [tilespmem:v30+s31+$0x0], $0xffff  }
0x4ad: {  	v20 =	vor.u32 v12, v20;
	v19 =	vor.u32 v1, v29;
	v42 =	vshll.u32 v26, v8  }
0x4ae: {  	v23 =	vshll.u32 v23, v9;
	v24 =	vshll.u32 v24, v11;
	v18 =	vbroadcast v18, $0x0;
	v28 =	vld.idx.msk [tilespmem:v28+s31+$0x0], $0xffff  }
0x4af: {  	v25 =	vshll.u32 v25, v10;
	v21 =	vshll.u32 v21, v11;
	v32 =	vshll.u32 v32, v8;
	v22 =	vld.idx.msk [tilespmem:v22+s31+$0x0], $0xffff  }
0x4b0: {  	s9 =	simm.s32 $0x0;
	v62 =	vshll.u32 v34, v10;
	v18 =	vor.u32 v16, v18;
	v60 =	vshll.u32 v36, v10  }
0x4b1: {  	v61 =	vld.idx.msk [tilespmem:v37+s31+$0x0], $0xffff;
	v30 =	vshll.u32 v30, v11;
	v26 =	vshll.u32 v33, v8;
	v33 =	vadd.s32 s9, v60  }
0x4b2: {  	s10 =	simm.s32 $0x10;
	v40 =	vor.u32 v7, v18;
	v27 =	vshll.u32 v27, v9;
	v30 =	vadd.s32 v30, v33  }
0x4b3: {  	v63 =	vld.idx.msk [tilespmem:v20+s31+$0x0], $0xffff;
	v20 =	vadd.s32 v27, v30;
	v27 =	vshll.u32 v28, v11;
	v28 =	vadd.s32 s10, v62  }
0x4b4: {  	s11 =	simm.s32 $0x20;
	v30 =	vld.idx.msk [tilespmem:v38+s31+$0x0], $0xffff;
	v20 =	vadd.s32 v26, v20;
	v22 =	vshll.u32 v22, v9;
	v26 =	vadd.s32 v27, v28  }
0x4b5: {  	v28 =	vadd.s32 v6, v20;
	v20 =	vadd.s32 v22, v26;
	v22 =	vadd.s32 s11, v25  }
0x4b6: {  	s6 =	simm.s32 $0x30;
	v20 =	vadd.s32 v32, v20;
	v22 =	vadd.s32 v24, v22;
	v24 =	vshll.u32 v61, v10  }
0x4b7: {  	v26 =	vadd.s32 v6, v20;
	v22 =	vadd.s32 v23, v22;
	v23 =	vadd.s32 s6, v24  }
0x4b8: {  	v20 =	vld.idx.msk [tilespmem:v39+s31+$0x0], $0xffff;
	v24 =	vshll.u32 v63, v9;
	v22 =	vadd.s32 v42, v22;
	v25 =	vadd.s32 v21, v23  }
0x4b9: {  	v21 =	vld.idx.msk [tilespmem:v40+s31+$0x0], $0xffff;
	v23 =	vadd.s32 v6, v22;
	v22 =	vshll.u32 v30, v8;
	v24 =	vadd.s32 v24, v25  }
0x4ba: {  	v27 =	vor.u32 v0, v29;
	v30 =	vshll.u32 v35, $0x3;
	v25 =	vld.idx.msk [tilespmem:v28+s15+$0x0], $0xffff;
	v24 =	vadd.s32 v22, v24  }
0x4bb: {  	s8 =	simm.s32 $0x2C0;
	s7 =	simm.s32 $0x4;
	v28 =	vor.u32 v16, v31;
	v29 =	vand.u32 $0x3800, v30;
	v22 =	vld.idx.msk [tilespmem:v41+s31+$0x0], $0xffff;
	v24 =	vadd.s32 v6, v24  }
.LBB2_43:
0x4bc: {  	v30 =	vmov s8;
	v31 =	vor.u32 v3, v28;
	v29 =	vor.u32 v15, v29;
	v26 =	vld.idx.msk [tilespmem:v26+s15+$0x0], $0xffff  }
0x4bd: {  	s9 =	sadd.s32 $0xFFFFFF80, s8;
	s10 =	sadd.s32 $0xFFFFFFC0, s8;
	v32 =	vor.u32 v2, v28;
	v30 =	vshll.u32 v30, $0x3;
	v29 =	vbroadcast v29, $0x0;
	v33 =	vld.idx.msk [tilespmem:v19+s31+$0x0], $0xffff  }
0x4be: {  	s11 =	sadd.s32 $0xFFFFFF40, s8;
	v35 =	vor.u32 v1, v28;
	v34 =	vmov s9;
	v19 =	vmov s10;
	v23 =	vld.idx.msk [tilespmem:v23+s15+$0x0], $0xffff  }
0x4bf: {  	v28 =	vor.u32 v0, v28;
	v36 =	vmov s11;
	v29 =	vor.u32 v16, v29;
	v27 =	vld.idx.msk [tilespmem:v27+s31+$0x0], $0xffff  }
0x4c0: {  	v30 =	vand.u32 $0x3C00, v30;
	v17 =	vadd.f32 v25, v17;
	v37 =	vor.u32 v13, v29;
	v24 =	vld.idx.msk [tilespmem:v24+s15+$0x0], $0xffff  }
0x4c1: {  	v19 =	vshll.u32 v19, $0x3;
	v25 =	vshll.u32 v36, $0x3;
	v36 =	vor.u32 v4, v29;
	v31 =	vld.idx.msk [tilespmem:v31+s31+$0x0], $0xffff  }
0x4c2: {  	v30 =	vor.u32 v15, v30;
	v38 =	vor.u32 v7, v29;
	v17 =	vadd.f32 v26, v17;
	v32 =	vld.idx.msk [tilespmem:v32+s31+$0x0], $0xffff  }
0x4c3: {  	v19 =	vor.u32 v15, v19;
	v29 =	vor.u32 v12, v29;
	v26 =	vbroadcast v30, $0x0;
	v30 =	vld.idx.msk [tilespmem:v35+s31+$0x0], $0xffff  }
0x4c4: {  	v25 =	vor.u32 v15, v25;
	v19 =	vbroadcast v19, $0x0;
	v17 =	vadd.f32 v23, v17;
	v28 =	vld.idx.msk [tilespmem:v28+s31+$0x0], $0xffff  }
0x4c5: {  	v35 =	vbroadcast v25, $0x0;
	v23 =	vor.u32 v16, v26;
	v26 =	vor.u32 v4, v18;
	v25 =	vld.idx.msk [tilespmem:v37+s31+$0x0], $0xffff  }
0x4c6: {  	v39 =	vor.u32 v13, v18;
	v37 =	vor.u32 v16, v19;
	v17 =	vadd.f32 v24, v17;
	v36 =	vld.idx.msk [tilespmem:v36+s31+$0x0], $0xffff  }
0x4c7: {  	v41 =	vor.u32 v12, v18;
	v40 =	vor.u32 v7, v23;
	v24 =	vor.u32 v3, v37;
	v38 =	vld.idx.msk [tilespmem:v38+s31+$0x0], $0xffff  }
0x4c8: {  	v43 =	vshll.u32 v20, v8;
	v19 =	vor.u32 v1, v37;
	v42 =	vor.u32 v2, v37;
	v29 =	vld.idx.msk [tilespmem:v29+s31+$0x0], $0xffff  }
0x4c9: {  	s6 =	sadd.s32 $0x40, s6;
	v21 =	vshll.u32 v21, v11;
	v20 =	vshll.u32 v22, v9;
	v22 =	vshll.u32 v33, v11;
	v18 =	vmovc v23  }
0x4ca: {  	s9 =	sadd.s32 $0xFFFFFFD0, s6;
	v27 =	vshll.u32 v27, v10;
	v23 =	vshll.u32 v31, v8;
	v28 =	vshll.u32 v28, v10;
	v26 =	vld.idx.msk [tilespmem:v26+s31+$0x0], $0xffff  }
0x4cb: {  	v31 =	vshll.u32 v32, v9;
	v30 =	vshll.u32 v30, v11;
	v28 =	vadd.s32 s9, v28  }
0x4cc: {  	v25 =	vshll.u32 v25, v8;
	s9 =	sadd.s32 $0xFFFFFFE0, s6;
	v28 =	vadd.s32 v30, v28;
	v30 =	vshll.u32 v36, v10;
	v32 =	vld.idx.msk [tilespmem:v41+s31+$0x0], $0xffff  }
0x4cd: {  	v28 =	vadd.s32 v31, v28;
	v31 =	vshll.u32 v38, v11;
	v30 =	vadd.s32 s9, v30;
	v33 =	vld.idx.msk [tilespmem:v39+s31+$0x0], $0xffff  }
0x4ce: {  	s9 =	sadd.s32 $0xFFFFFFF0, s6;
	v23 =	vadd.s32 v23, v28;
	v28 =	vshll.u32 v29, v9;
	v29 =	vadd.s32 v31, v30  }
0x4cf: {  	s7 =	sadd.s32 $0x4, s7;
	v27 =	vadd.s32 s9, v27;
	v30 =	vadd.s32 v6, v23;
	v23 =	vadd.s32 v28, v29  }
0x4d0: {  	p0 =	slt.u32 s7, $0x1C;
	v22 =	vadd.s32 v22, v27;
	v23 =	vadd.s32 v25, v23;
	v25 =	vshll.u32 v26, v10  }
.Ltmp20:
0x4d1: {  	v22 =	vadd.s32 v20, v22;
	v26 =	vadd.s32 v6, v23;
	v23 =	vadd.s32 s6, v25;
	(pc) =	sbr.rel @p0 .LBB2_43-.Ltmp20, $4  }
0x4d2: {  	v22 =	vadd.s32 v43, v22;
	v25 =	vadd.s32 v21, v23;
	v20 =	vld.idx.msk [tilespmem:v24+s31+$0x0], $0xffff;
	v24 =	vshll.u32 v32, v9  }
0x4d3: {  	v23 =	vadd.s32 v6, v22;
	v22 =	vshll.u32 v33, v8;
	v21 =	vld.idx.msk [tilespmem:v40+s31+$0x0], $0xffff;
	v24 =	vadd.s32 v24, v25  }
0x4d4: {  	v29 =	vshll.u32 v34, $0x3;
	v27 =	vor.u32 v0, v37;
	v25 =	vld.idx.msk [tilespmem:v30+s15+$0x0], $0xffff;
	v24 =	vadd.s32 v22, v24  }
0x4d5: {  	s8 =	sadd.s32 $0x100, s8;
	v28 =	vor.u32 v16, v35;
	v29 =	vand.u32 $0x3800, v29;
	v22 =	vld.idx.msk [tilespmem:v42+s31+$0x0], $0xffff;
	v24 =	vadd.s32 v6, v24  }
0x4d6: {  	_ =	sdelay $0x1  }
0x4d7: {  	v15 =	vor.u32 v15, v29;
	v46 =	vor.u32 v0, v28  }
0x4d8: {  	v30 =	vor.u32 v1, v28;
	v15 =	vbroadcast v15, $0x0  }
0x4d9: {  	v31 =	vor.u32 v3, v28;
	v26 =	vld.idx.msk [tilespmem:v26+s15+$0x0], $0xffff  }
0x4da: {  	v47 =	vor.u32 v2, v28;
	v19 =	vld.idx.msk [tilespmem:v19+s31+$0x0], $0xffff;
	v15 =	vor.u32 v16, v15  }
0x4db: {  	v48 =	vld.idx.msk [tilespmem:v27+s31+$0x0], $0xffff;
	v32 =	vor.u32 v4, v15  }
0x4dc: {  	v33 =	vor.u32 v7, v15;
	v29 =	vld.idx.msk [tilespmem:v46+s31+$0x0], $0xffff  }
0x4dd: {  	v49 =	vor.u32 v13, v15;
	v15 =	vor.u32 v12, v15;
	v30 =	vld.idx.msk [tilespmem:v30+s31+$0x0], $0xffff  }
0x4de: {  	v31 =	vld.idx.msk [tilespmem:v31+s31+$0x0], $0xffff  }
0x4df: {  	v34 =	vor.u32 v4, v18;
	v28 =	vld.idx.msk [tilespmem:v47+s31+$0x0], $0xffff  }
0x4e0: {  	v52 =	vor.u32 v12, v18;
	v17 =	vadd.f32 v25, v17;
	v50 =	vld.idx.msk [tilespmem:v32+s31+$0x0], $0xffff  }
0x4e1: {  	s6 =	sadd.s32 $0x40, s6;
	v54 =	vor.u32 v13, v18;
	v20 =	vshll.u32 v20, v8;
	v21 =	vshll.u32 v21, v11;
	v51 =	vld.idx.msk [tilespmem:v33+s31+$0x0], $0xffff  }
0x4e2: {  	s11 =	sadd.s32 $0xFFFFFFF0, s6;
	v22 =	vshll.u32 v22, v9;
	v17 =	vadd.f32 v26, v17;
	v16 =	vshll.u32 v48, v10;
	v15 =	vld.idx.msk [tilespmem:v15+s31+$0x0], $0xffff  }
0x4e3: {  	s7 =	sadd.s32 $0xFFFFFFD0, s6;
	v19 =	vshll.u32 v19, v11;
	v16 =	vadd.s32 s11, v16;
	v27 =	vld.idx.msk [tilespmem:v49+s31+$0x0], $0xffff;
	v29 =	vshll.u32 v29, v10  }
0x4e4: {  	v56 =	vld.idx.msk [tilespmem:v34+s31+$0x0], $0xffff;
	v30 =	vshll.u32 v30, v11;
	v55 =	vshll.u32 v31, v8;
	v29 =	vadd.s32 s7, v29  }
0x4e5: {  	s10 =	sadd.s32 $0xFFFFFFE0, s6;
	v28 =	vshll.u32 v28, v9;
	v53 =	vadd.s32 v30, v29;
	v25 =	vshll.u32 v50, v10  }
0x4e6: {  	v57 =	vld.idx.msk [tilespmem:v52+s31+$0x0], $0xffff;
	v26 =	vadd.s32 v28, v53;
	v58 =	vshll.u32 v51, v11;
	v25 =	vadd.s32 s10, v25  }
0x4e7: {  	v18 =	vld.idx.msk [tilespmem:v54+s31+$0x0], $0xffff;
	v26 =	vadd.s32 v55, v26;
	v15 =	vshll.u32 v15, v9;
	v25 =	vadd.s32 v58, v25  }
0x4e8: {  	v27 =	vshll.u32 v27, v8;
	v26 =	vadd.s32 v6, v26;
	v15 =	vadd.s32 v15, v25  }
0x4e9: {  	v23 =	vld.idx.msk [tilespmem:v23+s15+$0x0], $0xffff;
	v16 =	vadd.s32 v19, v16;
	v59 =	vshll.u32 v56, v10;
	v15 =	vadd.s32 v27, v15  }
0x4ea: {  	v16 =	vadd.s32 v22, v16;
	v19 =	vadd.s32 s6, v59;
	v15 =	vadd.s32 v6, v15  }
0x4eb: {  	v60 =	vld.idx.msk [tilespmem:v24+s15+$0x0], $0xffff;
	v16 =	vadd.s32 v20, v16;
	v61 =	vshll.u32 v57, v9;
	v19 =	vadd.s32 v21, v19  }
0x4ec: {  	v16 =	vadd.s32 v6, v16;
	v18 =	vshll.u32 v18, v8;
	v19 =	vadd.s32 v61, v19  }
0x4ed: {  	v18 =	vadd.s32 v18, v19;
	v62 =	vld.idx.msk [tilespmem:v26+s15+$0x0], $0xffff  }
0x4ee: {  	v17 =	vadd.f32 v23, v17;
	v18 =	vadd.s32 v6, v18  }
0x4ef: {  	v15 =	vld.idx.msk [tilespmem:v15+s15+$0x0], $0xffff  }
0x4f0: {  	v17 =	vadd.f32 v60, v17  }
0x4f1: {  	v16 =	vld.idx.msk [tilespmem:v16+s15+$0x0], $0xffff  }
0x4f2: {  	v17 =	vadd.f32 v62, v17  }
0x4f3: {  	v18 =	vld.idx.msk [tilespmem:v18+s15+$0x0], $0xffff  }
0x4f4: {  	v15 =	vadd.f32 v15, v17;
	_ =	sdelay $0x1  }
0x4f5: {  	v15 =	vadd.f32 v16, v15;
	_ =	sdelay $0x1  }
0x4f6: {  	v15 =	vadd.f32 v18, v15;
	_ =	sdelay $0x1  }
0x4f7: {  	(xrf2) =	vadd.scan.msk.f32 $0xffff, v15;
	_ =	sdelay $0x7  }
0x4f8: {  	v15 =	vld.idx.msk [tilespmem:v14+s1+$0x0], $0xffff  }
0x4f9: {  	s5 =	sadd.s32 $0x1, s5  }
0x4fa: {  	p0 =	sne.s32 s5, $0x10;
	v63, _, _ =	vpop (xrf2)  }
.Ltmp21:
0x4fb: {  	v16 =	vbroadcast v63, $0xF;
	(pc) =	sbr.rel @p0 .LBB2_42-.Ltmp21, $3  }
0x4fc: {  	_ = 	snop  }
0x4fd: {  	v15 =	vadd.f32 v15, v16;
	_ =	sdelay $0x1  }
0x4fe: {  	[tilespmem:v14+s1+$0x0] =	vst.idx.msk $0x1, v15  }
0x4ff: {  	_ =	swait.ge [sflag:s2], $0x8000  }
0x500: {  	[sflag:s2] =	ssyncset.done $0x0  }
0x501: {  	s5 =	simm.s32 $0x0;
	[sflag:s2] =	ssyncadd.s32 $0xFFFF8000  }
0x502: {  	[tilespmem:s31], [sflag:$0x1] =	stream.strided.gather [hbm4b:s13+s31], $0x8000, s30, s31, $0x38;
	[tilespmem:$0x14080] =	vst v63  }
.LBB2_46:
0x503: {  	v14 =	vmov s5;
	s6 =	simm.s32 $0xC0;
	s7 =	simm.s32 $0x80  }
0x504: {  	v15 =	vshll.u32 v14, $0xB;
	v16 =	vmov s6;
	v17 =	vmov s7  }
0x505: {  	v15 =	vand.u32 $0x4000, v15;
	v16 =	vshll.u32 v16, $0x3;
	v17 =	vshll.u32 v17, $0x3  }
0x506: {  	s8 =	simm.s32 $0x40;
	v18 =	vshll.u32 v14, $0x7;
	v16 =	vand.u32 $0x3C00, v16;
	v17 =	vor.u32 v15, v17  }
0x507: {  	v22 =	vmov s8;
	v19 =	vor.u32 v15, v16;
	v17 =	vbroadcast v17, $0x0  }
0x508: {  	v22 =	vshll.u32 v22, $0x3;
	v16 =	vand.u32 $0x380, v18;
	v18 =	vbroadcast v19, $0x0  }
0x509: {  	s7 =	simm.s32 $0x0;
	v22 =	vand.u32 $0x3800, v22;
	v17 =	vor.u32 v16, v17  }
0x50a: {  	v19 =	vmov s7;
	v20 =	vor.u32 v16, v18;
	v18 =	vor.u32 v3, v17  }
0x50b: {  	v22 =	vor.u32 v15, v22;
	v19 =	vshll.u32 v19, $0x3;
	v23 =	vor.u32 v2, v17  }
0x50c: {  	v22 =	vbroadcast v22, $0x0;
	v19 =	vor.u32 v15, v19;
	v24 =	vor.u32 v1, v17  }
0x50d: {  	v25 =	vor.u32 v0, v17;
	v19 =	vbroadcast v19, $0x0  }
0x50e: {  	v22 =	vor.u32 v16, v22;
	v21 =	vor.u32 v7, v20  }
0x50f: {  	v32 =	vor.u32 v13, v22;
	v19 =	vor.u32 v16, v19;
	v26 =	vld.idx.msk [tilespmem:v18+s25+$0x0], $0xffff  }
0x510: {  	v18 =	vor.u32 v3, v19;
	v23 =	vld.idx.msk [tilespmem:v23+s25+$0x0], $0xffff  }
0x511: {  	s9 =	simm.s32 $0x1C0;
	s10 =	simm.s32 $0x180;
	v28 =	vor.u32 v2, v19;
	v24 =	vld.idx.msk [tilespmem:v24+s25+$0x0], $0xffff  }
0x512: {  	v27 =	vmov s9;
	v29 =	vmov s10;
	v34 =	vor.u32 v4, v22;
	v25 =	vld.idx.msk [tilespmem:v25+s25+$0x0], $0xffff  }
0x513: {  	s11 =	simm.s32 $0x100;
	v29 =	vshll.u32 v29, $0x3;
	v30 =	vor.u32 v1, v19;
	v19 =	vor.u32 v0, v19;
	v21 =	vld.idx.msk [tilespmem:v21+s25+$0x0], $0xffff  }
0x514: {  	v31 =	vmov s11;
	v27 =	vshll.u32 v27, $0x3;
	v29 =	vor.u32 v15, v29;
	v32 =	vld.idx.msk [tilespmem:v32+s25+$0x0], $0xffff  }
0x515: {  	s8 =	simm.s32 $0x140;
	v31 =	vshll.u32 v31, $0x3;
	v27 =	vand.u32 $0x3C00, v27;
	v29 =	vbroadcast v29, $0x0;
	v33 =	vld.idx.msk [tilespmem:v18+s25+$0x0], $0xffff  }
0x516: {  	v35 =	vmov s8;
	v18 =	vor.u32 v15, v27;
	v27 =	vld.idx.msk [tilespmem:v28+s25+$0x0], $0xffff;
	v28 =	vor.u32 v7, v22  }
0x517: {  	v31 =	vor.u32 v15, v31;
	v29 =	vor.u32 v16, v29;
	v34 =	vld.idx.msk [tilespmem:v34+s25+$0x0], $0xffff;
	v22 =	vor.u32 v12, v22  }
0x518: {  	v31 =	vbroadcast v31, $0x0;
	v17 =	vimm.f32 $0.0e+00;
	v39 =	vor.u32 v3, v29;
	v36 =	vld.idx.msk [tilespmem:v19+s25+$0x0], $0xffff  }
0x519: {  	v41 =	vor.u32 v2, v29;
	v37 =	vor.u32 v4, v20;
	v38 =	vor.u32 v13, v20;
	v30 =	vld.idx.msk [tilespmem:v30+s25+$0x0], $0xffff  }
0x51a: {  	v20 =	vor.u32 v12, v20;
	v19 =	vor.u32 v1, v29;
	v42 =	vshll.u32 v26, v8  }
0x51b: {  	v23 =	vshll.u32 v23, v9;
	v24 =	vshll.u32 v24, v11;
	v18 =	vbroadcast v18, $0x0;
	v28 =	vld.idx.msk [tilespmem:v28+s25+$0x0], $0xffff  }
0x51c: {  	v25 =	vshll.u32 v25, v10;
	v21 =	vshll.u32 v21, v11;
	v32 =	vshll.u32 v32, v8;
	v22 =	vld.idx.msk [tilespmem:v22+s25+$0x0], $0xffff  }
0x51d: {  	s9 =	simm.s32 $0x200;
	v62 =	vshll.u32 v34, v10;
	v18 =	vor.u32 v16, v18;
	v60 =	vshll.u32 v36, v10  }
0x51e: {  	v61 =	vld.idx.msk [tilespmem:v37+s25+$0x0], $0xffff;
	v30 =	vshll.u32 v30, v11;
	v26 =	vshll.u32 v33, v8;
	v33 =	vadd.s32 s9, v60  }
0x51f: {  	s10 =	simm.s32 $0x210;
	v40 =	vor.u32 v7, v18;
	v27 =	vshll.u32 v27, v9;
	v30 =	vadd.s32 v30, v33  }
0x520: {  	v63 =	vld.idx.msk [tilespmem:v20+s25+$0x0], $0xffff;
	v20 =	vadd.s32 v27, v30;
	v27 =	vshll.u32 v28, v11;
	v28 =	vadd.s32 s10, v62  }
0x521: {  	s11 =	simm.s32 $0x220;
	v30 =	vld.idx.msk [tilespmem:v38+s25+$0x0], $0xffff;
	v20 =	vadd.s32 v26, v20;
	v22 =	vshll.u32 v22, v9;
	v26 =	vadd.s32 v27, v28  }
0x522: {  	v28 =	vadd.s32 v6, v20;
	v20 =	vadd.s32 v22, v26;
	v22 =	vadd.s32 s11, v25  }
0x523: {  	s6 =	simm.s32 $0x230;
	v20 =	vadd.s32 v32, v20;
	v22 =	vadd.s32 v24, v22;
	v24 =	vshll.u32 v61, v10  }
0x524: {  	v26 =	vadd.s32 v6, v20;
	v22 =	vadd.s32 v23, v22;
	v23 =	vadd.s32 s6, v24  }
0x525: {  	v20 =	vld.idx.msk [tilespmem:v39+s25+$0x0], $0xffff;
	v24 =	vshll.u32 v63, v9;
	v22 =	vadd.s32 v42, v22;
	v25 =	vadd.s32 v21, v23  }
0x526: {  	v21 =	vld.idx.msk [tilespmem:v40+s25+$0x0], $0xffff;
	v23 =	vadd.s32 v6, v22;
	v22 =	vshll.u32 v30, v8;
	v24 =	vadd.s32 v24, v25  }
0x527: {  	v27 =	vor.u32 v0, v29;
	v30 =	vshll.u32 v35, $0x3;
	v25 =	vld.idx.msk [tilespmem:v28+s15+$0x0], $0xffff;
	v24 =	vadd.s32 v22, v24  }
0x528: {  	s8 =	simm.s32 $0x2C0;
	s7 =	simm.s32 $0x4;
	v28 =	vor.u32 v16, v31;
	v29 =	vand.u32 $0x3800, v30;
	v22 =	vld.idx.msk [tilespmem:v41+s25+$0x0], $0xffff;
	v24 =	vadd.s32 v6, v24  }
.LBB2_47:
0x529: {  	v30 =	vmov s8;
	v31 =	vor.u32 v3, v28;
	v29 =	vor.u32 v15, v29;
	v26 =	vld.idx.msk [tilespmem:v26+s15+$0x0], $0xffff  }
0x52a: {  	s9 =	sadd.s32 $0xFFFFFF80, s8;
	s10 =	sadd.s32 $0xFFFFFFC0, s8;
	v32 =	vor.u32 v2, v28;
	v30 =	vshll.u32 v30, $0x3;
	v29 =	vbroadcast v29, $0x0;
	v33 =	vld.idx.msk [tilespmem:v19+s25+$0x0], $0xffff  }
0x52b: {  	s11 =	sadd.s32 $0xFFFFFF40, s8;
	v35 =	vor.u32 v1, v28;
	v34 =	vmov s9;
	v19 =	vmov s10;
	v23 =	vld.idx.msk [tilespmem:v23+s15+$0x0], $0xffff  }
0x52c: {  	v28 =	vor.u32 v0, v28;
	v36 =	vmov s11;
	v29 =	vor.u32 v16, v29;
	v27 =	vld.idx.msk [tilespmem:v27+s25+$0x0], $0xffff  }
0x52d: {  	v30 =	vand.u32 $0x3C00, v30;
	v17 =	vadd.f32 v25, v17;
	v37 =	vor.u32 v13, v29;
	v24 =	vld.idx.msk [tilespmem:v24+s15+$0x0], $0xffff  }
0x52e: {  	v19 =	vshll.u32 v19, $0x3;
	v25 =	vshll.u32 v36, $0x3;
	v36 =	vor.u32 v4, v29;
	v31 =	vld.idx.msk [tilespmem:v31+s25+$0x0], $0xffff  }
0x52f: {  	v30 =	vor.u32 v15, v30;
	v38 =	vor.u32 v7, v29;
	v17 =	vadd.f32 v26, v17;
	v32 =	vld.idx.msk [tilespmem:v32+s25+$0x0], $0xffff  }
0x530: {  	v19 =	vor.u32 v15, v19;
	v29 =	vor.u32 v12, v29;
	v26 =	vbroadcast v30, $0x0;
	v30 =	vld.idx.msk [tilespmem:v35+s25+$0x0], $0xffff  }
0x531: {  	v25 =	vor.u32 v15, v25;
	v19 =	vbroadcast v19, $0x0;
	v17 =	vadd.f32 v23, v17;
	v28 =	vld.idx.msk [tilespmem:v28+s25+$0x0], $0xffff  }
0x532: {  	v35 =	vbroadcast v25, $0x0;
	v23 =	vor.u32 v16, v26;
	v26 =	vor.u32 v4, v18;
	v25 =	vld.idx.msk [tilespmem:v37+s25+$0x0], $0xffff  }
0x533: {  	v39 =	vor.u32 v13, v18;
	v37 =	vor.u32 v16, v19;
	v17 =	vadd.f32 v24, v17;
	v36 =	vld.idx.msk [tilespmem:v36+s25+$0x0], $0xffff  }
0x534: {  	v41 =	vor.u32 v12, v18;
	v40 =	vor.u32 v7, v23;
	v24 =	vor.u32 v3, v37;
	v38 =	vld.idx.msk [tilespmem:v38+s25+$0x0], $0xffff  }
0x535: {  	v43 =	vshll.u32 v20, v8;
	v19 =	vor.u32 v1, v37;
	v42 =	vor.u32 v2, v37;
	v29 =	vld.idx.msk [tilespmem:v29+s25+$0x0], $0xffff  }
0x536: {  	s6 =	sadd.s32 $0x40, s6;
	v21 =	vshll.u32 v21, v11;
	v20 =	vshll.u32 v22, v9;
	v22 =	vshll.u32 v33, v11;
	v18 =	vmovc v23  }
0x537: {  	s9 =	sadd.s32 $0xFFFFFFD0, s6;
	v27 =	vshll.u32 v27, v10;
	v23 =	vshll.u32 v31, v8;
	v28 =	vshll.u32 v28, v10;
	v26 =	vld.idx.msk [tilespmem:v26+s25+$0x0], $0xffff  }
0x538: {  	v31 =	vshll.u32 v32, v9;
	v30 =	vshll.u32 v30, v11;
	v28 =	vadd.s32 s9, v28  }
0x539: {  	v25 =	vshll.u32 v25, v8;
	s9 =	sadd.s32 $0xFFFFFFE0, s6;
	v28 =	vadd.s32 v30, v28;
	v30 =	vshll.u32 v36, v10;
	v32 =	vld.idx.msk [tilespmem:v41+s25+$0x0], $0xffff  }
0x53a: {  	v28 =	vadd.s32 v31, v28;
	v31 =	vshll.u32 v38, v11;
	v30 =	vadd.s32 s9, v30;
	v33 =	vld.idx.msk [tilespmem:v39+s25+$0x0], $0xffff  }
0x53b: {  	s9 =	sadd.s32 $0xFFFFFFF0, s6;
	v23 =	vadd.s32 v23, v28;
	v28 =	vshll.u32 v29, v9;
	v29 =	vadd.s32 v31, v30  }
0x53c: {  	s7 =	sadd.s32 $0x4, s7;
	v27 =	vadd.s32 s9, v27;
	v30 =	vadd.s32 v6, v23;
	v23 =	vadd.s32 v28, v29  }
0x53d: {  	p0 =	slt.u32 s7, $0x1C;
	v22 =	vadd.s32 v22, v27;
	v23 =	vadd.s32 v25, v23;
	v25 =	vshll.u32 v26, v10  }
.Ltmp22:
0x53e: {  	v22 =	vadd.s32 v20, v22;
	v26 =	vadd.s32 v6, v23;
	v23 =	vadd.s32 s6, v25;
	(pc) =	sbr.rel @p0 .LBB2_47-.Ltmp22, $4  }
0x53f: {  	v22 =	vadd.s32 v43, v22;
	v25 =	vadd.s32 v21, v23;
	v20 =	vld.idx.msk [tilespmem:v24+s25+$0x0], $0xffff;
	v24 =	vshll.u32 v32, v9  }
0x540: {  	v23 =	vadd.s32 v6, v22;
	v22 =	vshll.u32 v33, v8;
	v21 =	vld.idx.msk [tilespmem:v40+s25+$0x0], $0xffff;
	v24 =	vadd.s32 v24, v25  }
0x541: {  	v29 =	vshll.u32 v34, $0x3;
	v27 =	vor.u32 v0, v37;
	v25 =	vld.idx.msk [tilespmem:v30+s15+$0x0], $0xffff;
	v24 =	vadd.s32 v22, v24  }
0x542: {  	s8 =	sadd.s32 $0x100, s8;
	v28 =	vor.u32 v16, v35;
	v29 =	vand.u32 $0x3800, v29;
	v22 =	vld.idx.msk [tilespmem:v42+s25+$0x0], $0xffff;
	v24 =	vadd.s32 v6, v24  }
0x543: {  	_ =	sdelay $0x1  }
0x544: {  	v15 =	vor.u32 v15, v29;
	v46 =	vor.u32 v0, v28  }
0x545: {  	v30 =	vor.u32 v1, v28;
	v15 =	vbroadcast v15, $0x0  }
0x546: {  	v31 =	vor.u32 v3, v28;
	v26 =	vld.idx.msk [tilespmem:v26+s15+$0x0], $0xffff  }
0x547: {  	v47 =	vor.u32 v2, v28;
	v19 =	vld.idx.msk [tilespmem:v19+s25+$0x0], $0xffff;
	v15 =	vor.u32 v16, v15  }
0x548: {  	v48 =	vld.idx.msk [tilespmem:v27+s25+$0x0], $0xffff;
	v32 =	vor.u32 v4, v15  }
0x549: {  	v33 =	vor.u32 v7, v15;
	v29 =	vld.idx.msk [tilespmem:v46+s25+$0x0], $0xffff  }
0x54a: {  	v49 =	vor.u32 v13, v15;
	v15 =	vor.u32 v12, v15;
	v30 =	vld.idx.msk [tilespmem:v30+s25+$0x0], $0xffff  }
0x54b: {  	v31 =	vld.idx.msk [tilespmem:v31+s25+$0x0], $0xffff  }
0x54c: {  	v34 =	vor.u32 v4, v18;
	v28 =	vld.idx.msk [tilespmem:v47+s25+$0x0], $0xffff  }
0x54d: {  	v52 =	vor.u32 v12, v18;
	v17 =	vadd.f32 v25, v17;
	v50 =	vld.idx.msk [tilespmem:v32+s25+$0x0], $0xffff  }
0x54e: {  	s6 =	sadd.s32 $0x40, s6;
	v54 =	vor.u32 v13, v18;
	v20 =	vshll.u32 v20, v8;
	v21 =	vshll.u32 v21, v11;
	v51 =	vld.idx.msk [tilespmem:v33+s25+$0x0], $0xffff  }
0x54f: {  	s11 =	sadd.s32 $0xFFFFFFF0, s6;
	v22 =	vshll.u32 v22, v9;
	v17 =	vadd.f32 v26, v17;
	v16 =	vshll.u32 v48, v10;
	v15 =	vld.idx.msk [tilespmem:v15+s25+$0x0], $0xffff  }
0x550: {  	s7 =	sadd.s32 $0xFFFFFFD0, s6;
	v19 =	vshll.u32 v19, v11;
	v16 =	vadd.s32 s11, v16;
	v27 =	vld.idx.msk [tilespmem:v49+s25+$0x0], $0xffff;
	v29 =	vshll.u32 v29, v10  }
0x551: {  	v56 =	vld.idx.msk [tilespmem:v34+s25+$0x0], $0xffff;
	v30 =	vshll.u32 v30, v11;
	v55 =	vshll.u32 v31, v8;
	v29 =	vadd.s32 s7, v29  }
0x552: {  	s10 =	sadd.s32 $0xFFFFFFE0, s6;
	v28 =	vshll.u32 v28, v9;
	v53 =	vadd.s32 v30, v29;
	v25 =	vshll.u32 v50, v10  }
0x553: {  	v57 =	vld.idx.msk [tilespmem:v52+s25+$0x0], $0xffff;
	v26 =	vadd.s32 v28, v53;
	v58 =	vshll.u32 v51, v11;
	v25 =	vadd.s32 s10, v25  }
0x554: {  	v18 =	vld.idx.msk [tilespmem:v54+s25+$0x0], $0xffff;
	v26 =	vadd.s32 v55, v26;
	v15 =	vshll.u32 v15, v9;
	v25 =	vadd.s32 v58, v25  }
0x555: {  	v27 =	vshll.u32 v27, v8;
	v26 =	vadd.s32 v6, v26;
	v15 =	vadd.s32 v15, v25  }
0x556: {  	v23 =	vld.idx.msk [tilespmem:v23+s15+$0x0], $0xffff;
	v16 =	vadd.s32 v19, v16;
	v59 =	vshll.u32 v56, v10;
	v15 =	vadd.s32 v27, v15  }
0x557: {  	v16 =	vadd.s32 v22, v16;
	v19 =	vadd.s32 s6, v59;
	v15 =	vadd.s32 v6, v15  }
0x558: {  	v60 =	vld.idx.msk [tilespmem:v24+s15+$0x0], $0xffff;
	v16 =	vadd.s32 v20, v16;
	v61 =	vshll.u32 v57, v9;
	v19 =	vadd.s32 v21, v19  }
0x559: {  	v16 =	vadd.s32 v6, v16;
	v18 =	vshll.u32 v18, v8;
	v19 =	vadd.s32 v61, v19  }
0x55a: {  	v18 =	vadd.s32 v18, v19;
	v62 =	vld.idx.msk [tilespmem:v26+s15+$0x0], $0xffff  }
0x55b: {  	v17 =	vadd.f32 v23, v17;
	v18 =	vadd.s32 v6, v18  }
0x55c: {  	v15 =	vld.idx.msk [tilespmem:v15+s15+$0x0], $0xffff  }
0x55d: {  	v17 =	vadd.f32 v60, v17  }
0x55e: {  	v16 =	vld.idx.msk [tilespmem:v16+s15+$0x0], $0xffff  }
0x55f: {  	v17 =	vadd.f32 v62, v17  }
0x560: {  	v18 =	vld.idx.msk [tilespmem:v18+s15+$0x0], $0xffff  }
0x561: {  	v15 =	vadd.f32 v15, v17;
	_ =	sdelay $0x1  }
0x562: {  	v15 =	vadd.f32 v16, v15;
	_ =	sdelay $0x1  }
0x563: {  	v15 =	vadd.f32 v18, v15;
	_ =	sdelay $0x1  }
0x564: {  	(xrf2) =	vadd.scan.msk.f32 $0xffff, v15;
	_ =	sdelay $0x7  }
0x565: {  	v15 =	vld.idx.msk [tilespmem:v14+s1+$0x0], $0xffff  }
0x566: {  	s5 =	sadd.s32 $0x1, s5  }
0x567: {  	p0 =	sne.s32 s5, $0x10;
	v63, _, _ =	vpop (xrf2)  }
.Ltmp23:
0x568: {  	v16 =	vbroadcast v63, $0xF;
	(pc) =	sbr.rel @p0 .LBB2_46-.Ltmp23, $3  }
0x569: {  	_ = 	snop  }
0x56a: {  	v15 =	vadd.f32 v15, v16;
	_ =	sdelay $0x1  }
0x56b: {  	[tilespmem:v14+s1+$0x0] =	vst.idx.msk $0x1, v15  }
0x56c: {  	s5 =	simm.s32 $0x0  }
0x56d: {  	[hbm4b:s23+s5] =	stream.linear.scatter [tilespmem:s1], [sflag:$0x4], $0x10, $0x38;
	[tilespmem:$0x14080] =	vst v63  }
0x56e: {  	_ =	swait.ge [sflag:s3], $0x10  }
0x56f: {  	[sflag:s3] =	ssyncset.done $0x0  }
0x570: {  	[sflag:s3] =	ssyncadd.s32 $0xFFFFFFF0  }
0x571: {  	_ =	swait.ge [sflag:s0], $0x8000  }
0x572: {  	[sflag:s0] =	ssyncset.done $0x0  }
0x573: {  	[sflag:s0] =	ssyncadd.s32 $0xFFFF8000  }
0x574: {  	[tilespmem:s25], [sflag:$0x2] =	stream.strided.gather [hbm4b:s14+s31], $0x8000, s30, s31, $0x38;
	[tilespmem:$0x14080] =	vst v63  }
0x575: {  	[tilespmem:$0x14000] =	vst v5  }
.LBB2_50:
0x576: {  	v14 =	vmov s5;
	s6 =	simm.s32 $0xC0;
	s7 =	simm.s32 $0x80  }
0x577: {  	v15 =	vshll.u32 v14, $0xB;
	v16 =	vmov s6;
	v17 =	vmov s7  }
0x578: {  	v15 =	vand.u32 $0x4000, v15;
	v16 =	vshll.u32 v16, $0x3;
	v17 =	vshll.u32 v17, $0x3  }
0x579: {  	s8 =	simm.s32 $0x40;
	v18 =	vshll.u32 v14, $0x7;
	v16 =	vand.u32 $0x3C00, v16;
	v17 =	vor.u32 v15, v17  }
0x57a: {  	v22 =	vmov s8;
	v19 =	vor.u32 v15, v16;
	v17 =	vbroadcast v17, $0x0  }
0x57b: {  	v22 =	vshll.u32 v22, $0x3;
	v16 =	vand.u32 $0x380, v18;
	v18 =	vbroadcast v19, $0x0  }
0x57c: {  	s7 =	simm.s32 $0x0;
	v22 =	vand.u32 $0x3800, v22;
	v17 =	vor.u32 v16, v17  }
0x57d: {  	v19 =	vmov s7;
	v20 =	vor.u32 v16, v18;
	v18 =	vor.u32 v3, v17  }
0x57e: {  	v22 =	vor.u32 v15, v22;
	v19 =	vshll.u32 v19, $0x3;
	v23 =	vor.u32 v2, v17  }
0x57f: {  	v22 =	vbroadcast v22, $0x0;
	v19 =	vor.u32 v15, v19;
	v24 =	vor.u32 v1, v17  }
0x580: {  	v25 =	vor.u32 v0, v17;
	v19 =	vbroadcast v19, $0x0  }
0x581: {  	v22 =	vor.u32 v16, v22;
	v21 =	vor.u32 v7, v20  }
0x582: {  	v32 =	vor.u32 v13, v22;
	v19 =	vor.u32 v16, v19;
	v26 =	vld.idx.msk [tilespmem:v18+s31+$0x0], $0xffff  }
0x583: {  	v18 =	vor.u32 v3, v19;
	v23 =	vld.idx.msk [tilespmem:v23+s31+$0x0], $0xffff  }
0x584: {  	s9 =	simm.s32 $0x1C0;
	s10 =	simm.s32 $0x180;
	v28 =	vor.u32 v2, v19;
	v24 =	vld.idx.msk [tilespmem:v24+s31+$0x0], $0xffff  }
0x585: {  	v27 =	vmov s9;
	v29 =	vmov s10;
	v34 =	vor.u32 v4, v22;
	v25 =	vld.idx.msk [tilespmem:v25+s31+$0x0], $0xffff  }
0x586: {  	s11 =	simm.s32 $0x100;
	v29 =	vshll.u32 v29, $0x3;
	v30 =	vor.u32 v1, v19;
	v19 =	vor.u32 v0, v19;
	v21 =	vld.idx.msk [tilespmem:v21+s31+$0x0], $0xffff  }
0x587: {  	v31 =	vmov s11;
	v27 =	vshll.u32 v27, $0x3;
	v29 =	vor.u32 v15, v29;
	v32 =	vld.idx.msk [tilespmem:v32+s31+$0x0], $0xffff  }
0x588: {  	s8 =	simm.s32 $0x140;
	v31 =	vshll.u32 v31, $0x3;
	v27 =	vand.u32 $0x3C00, v27;
	v29 =	vbroadcast v29, $0x0;
	v33 =	vld.idx.msk [tilespmem:v18+s31+$0x0], $0xffff  }
0x589: {  	v35 =	vmov s8;
	v18 =	vor.u32 v15, v27;
	v27 =	vld.idx.msk [tilespmem:v28+s31+$0x0], $0xffff;
	v28 =	vor.u32 v7, v22  }
0x58a: {  	v31 =	vor.u32 v15, v31;
	v29 =	vor.u32 v16, v29;
	v34 =	vld.idx.msk [tilespmem:v34+s31+$0x0], $0xffff;
	v22 =	vor.u32 v12, v22  }
0x58b: {  	v31 =	vbroadcast v31, $0x0;
	v17 =	vimm.f32 $0.0e+00;
	v39 =	vor.u32 v3, v29;
	v36 =	vld.idx.msk [tilespmem:v19+s31+$0x0], $0xffff  }
0x58c: {  	v41 =	vor.u32 v2, v29;
	v37 =	vor.u32 v4, v20;
	v38 =	vor.u32 v13, v20;
	v30 =	vld.idx.msk [tilespmem:v30+s31+$0x0], $0xffff  }
0x58d: {  	v20 =	vor.u32 v12, v20;
	v19 =	vor.u32 v1, v29;
	v42 =	vshll.u32 v26, v8  }
0x58e: {  	v23 =	vshll.u32 v23, v9;
	v24 =	vshll.u32 v24, v11;
	v18 =	vbroadcast v18, $0x0;
	v28 =	vld.idx.msk [tilespmem:v28+s31+$0x0], $0xffff  }
0x58f: {  	v25 =	vshll.u32 v25, v10;
	v21 =	vshll.u32 v21, v11;
	v32 =	vshll.u32 v32, v8;
	v22 =	vld.idx.msk [tilespmem:v22+s31+$0x0], $0xffff  }
0x590: {  	s9 =	simm.s32 $0x0;
	v62 =	vshll.u32 v34, v10;
	v18 =	vor.u32 v16, v18;
	v60 =	vshll.u32 v36, v10  }
0x591: {  	v61 =	vld.idx.msk [tilespmem:v37+s31+$0x0], $0xffff;
	v30 =	vshll.u32 v30, v11;
	v26 =	vshll.u32 v33, v8;
	v33 =	vadd.s32 s9, v60  }
0x592: {  	s10 =	simm.s32 $0x10;
	v40 =	vor.u32 v7, v18;
	v27 =	vshll.u32 v27, v9;
	v30 =	vadd.s32 v30, v33  }
0x593: {  	v63 =	vld.idx.msk [tilespmem:v20+s31+$0x0], $0xffff;
	v20 =	vadd.s32 v27, v30;
	v27 =	vshll.u32 v28, v11;
	v28 =	vadd.s32 s10, v62  }
0x594: {  	s11 =	simm.s32 $0x20;
	v30 =	vld.idx.msk [tilespmem:v38+s31+$0x0], $0xffff;
	v20 =	vadd.s32 v26, v20;
	v22 =	vshll.u32 v22, v9;
	v26 =	vadd.s32 v27, v28  }
0x595: {  	v28 =	vadd.s32 v6, v20;
	v20 =	vadd.s32 v22, v26;
	v22 =	vadd.s32 s11, v25  }
0x596: {  	s6 =	simm.s32 $0x30;
	v20 =	vadd.s32 v32, v20;
	v22 =	vadd.s32 v24, v22;
	v24 =	vshll.u32 v61, v10  }
0x597: {  	v26 =	vadd.s32 v6, v20;
	v22 =	vadd.s32 v23, v22;
	v23 =	vadd.s32 s6, v24  }
0x598: {  	v20 =	vld.idx.msk [tilespmem:v39+s31+$0x0], $0xffff;
	v24 =	vshll.u32 v63, v9;
	v22 =	vadd.s32 v42, v22;
	v25 =	vadd.s32 v21, v23  }
0x599: {  	v21 =	vld.idx.msk [tilespmem:v40+s31+$0x0], $0xffff;
	v23 =	vadd.s32 v6, v22;
	v22 =	vshll.u32 v30, v8;
	v24 =	vadd.s32 v24, v25  }
0x59a: {  	v27 =	vor.u32 v0, v29;
	v30 =	vshll.u32 v35, $0x3;
	v25 =	vld.idx.msk [tilespmem:v28+s15+$0x0], $0xffff;
	v24 =	vadd.s32 v22, v24  }
0x59b: {  	s8 =	simm.s32 $0x2C0;
	s7 =	simm.s32 $0x4;
	v28 =	vor.u32 v16, v31;
	v29 =	vand.u32 $0x3800, v30;
	v22 =	vld.idx.msk [tilespmem:v41+s31+$0x0], $0xffff;
	v24 =	vadd.s32 v6, v24  }
.LBB2_51:
0x59c: {  	v30 =	vmov s8;
	v31 =	vor.u32 v3, v28;
	v29 =	vor.u32 v15, v29;
	v26 =	vld.idx.msk [tilespmem:v26+s15+$0x0], $0xffff  }
0x59d: {  	s9 =	sadd.s32 $0xFFFFFF80, s8;
	s10 =	sadd.s32 $0xFFFFFFC0, s8;
	v32 =	vor.u32 v2, v28;
	v30 =	vshll.u32 v30, $0x3;
	v29 =	vbroadcast v29, $0x0;
	v33 =	vld.idx.msk [tilespmem:v19+s31+$0x0], $0xffff  }
0x59e: {  	s11 =	sadd.s32 $0xFFFFFF40, s8;
	v35 =	vor.u32 v1, v28;
	v34 =	vmov s9;
	v19 =	vmov s10;
	v23 =	vld.idx.msk [tilespmem:v23+s15+$0x0], $0xffff  }
0x59f: {  	v28 =	vor.u32 v0, v28;
	v36 =	vmov s11;
	v29 =	vor.u32 v16, v29;
	v27 =	vld.idx.msk [tilespmem:v27+s31+$0x0], $0xffff  }
0x5a0: {  	v30 =	vand.u32 $0x3C00, v30;
	v17 =	vadd.f32 v25, v17;
	v37 =	vor.u32 v13, v29;
	v24 =	vld.idx.msk [tilespmem:v24+s15+$0x0], $0xffff  }
0x5a1: {  	v19 =	vshll.u32 v19, $0x3;
	v25 =	vshll.u32 v36, $0x3;
	v36 =	vor.u32 v4, v29;
	v31 =	vld.idx.msk [tilespmem:v31+s31+$0x0], $0xffff  }
0x5a2: {  	v30 =	vor.u32 v15, v30;
	v38 =	vor.u32 v7, v29;
	v17 =	vadd.f32 v26, v17;
	v32 =	vld.idx.msk [tilespmem:v32+s31+$0x0], $0xffff  }
0x5a3: {  	v19 =	vor.u32 v15, v19;
	v29 =	vor.u32 v12, v29;
	v26 =	vbroadcast v30, $0x0;
	v30 =	vld.idx.msk [tilespmem:v35+s31+$0x0], $0xffff  }
0x5a4: {  	v25 =	vor.u32 v15, v25;
	v19 =	vbroadcast v19, $0x0;
	v17 =	vadd.f32 v23, v17;
	v28 =	vld.idx.msk [tilespmem:v28+s31+$0x0], $0xffff  }
0x5a5: {  	v35 =	vbroadcast v25, $0x0;
	v23 =	vor.u32 v16, v26;
	v26 =	vor.u32 v4, v18;
	v25 =	vld.idx.msk [tilespmem:v37+s31+$0x0], $0xffff  }
0x5a6: {  	v39 =	vor.u32 v13, v18;
	v37 =	vor.u32 v16, v19;
	v17 =	vadd.f32 v24, v17;
	v36 =	vld.idx.msk [tilespmem:v36+s31+$0x0], $0xffff  }
0x5a7: {  	v41 =	vor.u32 v12, v18;
	v40 =	vor.u32 v7, v23;
	v24 =	vor.u32 v3, v37;
	v38 =	vld.idx.msk [tilespmem:v38+s31+$0x0], $0xffff  }
0x5a8: {  	v43 =	vshll.u32 v20, v8;
	v19 =	vor.u32 v1, v37;
	v42 =	vor.u32 v2, v37;
	v29 =	vld.idx.msk [tilespmem:v29+s31+$0x0], $0xffff  }
0x5a9: {  	s6 =	sadd.s32 $0x40, s6;
	v21 =	vshll.u32 v21, v11;
	v20 =	vshll.u32 v22, v9;
	v22 =	vshll.u32 v33, v11;
	v18 =	vmovc v23  }
0x5aa: {  	s9 =	sadd.s32 $0xFFFFFFD0, s6;
	v27 =	vshll.u32 v27, v10;
	v23 =	vshll.u32 v31, v8;
	v28 =	vshll.u32 v28, v10;
	v26 =	vld.idx.msk [tilespmem:v26+s31+$0x0], $0xffff  }
0x5ab: {  	v31 =	vshll.u32 v32, v9;
	v30 =	vshll.u32 v30, v11;
	v28 =	vadd.s32 s9, v28  }
0x5ac: {  	v25 =	vshll.u32 v25, v8;
	s9 =	sadd.s32 $0xFFFFFFE0, s6;
	v28 =	vadd.s32 v30, v28;
	v30 =	vshll.u32 v36, v10;
	v32 =	vld.idx.msk [tilespmem:v41+s31+$0x0], $0xffff  }
0x5ad: {  	v28 =	vadd.s32 v31, v28;
	v31 =	vshll.u32 v38, v11;
	v30 =	vadd.s32 s9, v30;
	v33 =	vld.idx.msk [tilespmem:v39+s31+$0x0], $0xffff  }
0x5ae: {  	s9 =	sadd.s32 $0xFFFFFFF0, s6;
	v23 =	vadd.s32 v23, v28;
	v28 =	vshll.u32 v29, v9;
	v29 =	vadd.s32 v31, v30  }
0x5af: {  	s7 =	sadd.s32 $0x4, s7;
	v27 =	vadd.s32 s9, v27;
	v30 =	vadd.s32 v6, v23;
	v23 =	vadd.s32 v28, v29  }
0x5b0: {  	p0 =	slt.u32 s7, $0x1C;
	v22 =	vadd.s32 v22, v27;
	v23 =	vadd.s32 v25, v23;
	v25 =	vshll.u32 v26, v10  }
.Ltmp24:
0x5b1: {  	v22 =	vadd.s32 v20, v22;
	v26 =	vadd.s32 v6, v23;
	v23 =	vadd.s32 s6, v25;
	(pc) =	sbr.rel @p0 .LBB2_51-.Ltmp24, $4  }
0x5b2: {  	v22 =	vadd.s32 v43, v22;
	v25 =	vadd.s32 v21, v23;
	v20 =	vld.idx.msk [tilespmem:v24+s31+$0x0], $0xffff;
	v24 =	vshll.u32 v32, v9  }
0x5b3: {  	v23 =	vadd.s32 v6, v22;
	v22 =	vshll.u32 v33, v8;
	v21 =	vld.idx.msk [tilespmem:v40+s31+$0x0], $0xffff;
	v24 =	vadd.s32 v24, v25  }
0x5b4: {  	v29 =	vshll.u32 v34, $0x3;
	v27 =	vor.u32 v0, v37;
	v25 =	vld.idx.msk [tilespmem:v30+s15+$0x0], $0xffff;
	v24 =	vadd.s32 v22, v24  }
0x5b5: {  	s8 =	sadd.s32 $0x100, s8;
	v28 =	vor.u32 v16, v35;
	v29 =	vand.u32 $0x3800, v29;
	v22 =	vld.idx.msk [tilespmem:v42+s31+$0x0], $0xffff;
	v24 =	vadd.s32 v6, v24  }
0x5b6: {  	_ =	sdelay $0x1  }
0x5b7: {  	v15 =	vor.u32 v15, v29;
	v46 =	vor.u32 v0, v28  }
0x5b8: {  	v30 =	vor.u32 v1, v28;
	v15 =	vbroadcast v15, $0x0  }
0x5b9: {  	v31 =	vor.u32 v3, v28;
	v26 =	vld.idx.msk [tilespmem:v26+s15+$0x0], $0xffff  }
0x5ba: {  	v47 =	vor.u32 v2, v28;
	v19 =	vld.idx.msk [tilespmem:v19+s31+$0x0], $0xffff;
	v15 =	vor.u32 v16, v15  }
0x5bb: {  	v48 =	vld.idx.msk [tilespmem:v27+s31+$0x0], $0xffff;
	v32 =	vor.u32 v4, v15  }
0x5bc: {  	v33 =	vor.u32 v7, v15;
	v29 =	vld.idx.msk [tilespmem:v46+s31+$0x0], $0xffff  }
0x5bd: {  	v49 =	vor.u32 v13, v15;
	v15 =	vor.u32 v12, v15;
	v30 =	vld.idx.msk [tilespmem:v30+s31+$0x0], $0xffff  }
0x5be: {  	v31 =	vld.idx.msk [tilespmem:v31+s31+$0x0], $0xffff  }
0x5bf: {  	v34 =	vor.u32 v4, v18;
	v28 =	vld.idx.msk [tilespmem:v47+s31+$0x0], $0xffff  }
0x5c0: {  	v52 =	vor.u32 v12, v18;
	v17 =	vadd.f32 v25, v17;
	v50 =	vld.idx.msk [tilespmem:v32+s31+$0x0], $0xffff  }
0x5c1: {  	s6 =	sadd.s32 $0x40, s6;
	v54 =	vor.u32 v13, v18;
	v20 =	vshll.u32 v20, v8;
	v21 =	vshll.u32 v21, v11;
	v51 =	vld.idx.msk [tilespmem:v33+s31+$0x0], $0xffff  }
0x5c2: {  	s11 =	sadd.s32 $0xFFFFFFF0, s6;
	v22 =	vshll.u32 v22, v9;
	v17 =	vadd.f32 v26, v17;
	v16 =	vshll.u32 v48, v10;
	v15 =	vld.idx.msk [tilespmem:v15+s31+$0x0], $0xffff  }
0x5c3: {  	s7 =	sadd.s32 $0xFFFFFFD0, s6;
	v19 =	vshll.u32 v19, v11;
	v16 =	vadd.s32 s11, v16;
	v27 =	vld.idx.msk [tilespmem:v49+s31+$0x0], $0xffff;
	v29 =	vshll.u32 v29, v10  }
0x5c4: {  	v56 =	vld.idx.msk [tilespmem:v34+s31+$0x0], $0xffff;
	v30 =	vshll.u32 v30, v11;
	v55 =	vshll.u32 v31, v8;
	v29 =	vadd.s32 s7, v29  }
0x5c5: {  	s10 =	sadd.s32 $0xFFFFFFE0, s6;
	v28 =	vshll.u32 v28, v9;
	v53 =	vadd.s32 v30, v29;
	v25 =	vshll.u32 v50, v10  }
0x5c6: {  	v57 =	vld.idx.msk [tilespmem:v52+s31+$0x0], $0xffff;
	v26 =	vadd.s32 v28, v53;
	v58 =	vshll.u32 v51, v11;
	v25 =	vadd.s32 s10, v25  }
0x5c7: {  	v18 =	vld.idx.msk [tilespmem:v54+s31+$0x0], $0xffff;
	v26 =	vadd.s32 v55, v26;
	v15 =	vshll.u32 v15, v9;
	v25 =	vadd.s32 v58, v25  }
0x5c8: {  	v27 =	vshll.u32 v27, v8;
	v26 =	vadd.s32 v6, v26;
	v15 =	vadd.s32 v15, v25  }
0x5c9: {  	v23 =	vld.idx.msk [tilespmem:v23+s15+$0x0], $0xffff;
	v16 =	vadd.s32 v19, v16;
	v59 =	vshll.u32 v56, v10;
	v15 =	vadd.s32 v27, v15  }
0x5ca: {  	v16 =	vadd.s32 v22, v16;
	v19 =	vadd.s32 s6, v59;
	v15 =	vadd.s32 v6, v15  }
0x5cb: {  	v60 =	vld.idx.msk [tilespmem:v24+s15+$0x0], $0xffff;
	v16 =	vadd.s32 v20, v16;
	v61 =	vshll.u32 v57, v9;
	v19 =	vadd.s32 v21, v19  }
0x5cc: {  	v16 =	vadd.s32 v6, v16;
	v18 =	vshll.u32 v18, v8;
	v19 =	vadd.s32 v61, v19  }
0x5cd: {  	v18 =	vadd.s32 v18, v19;
	v62 =	vld.idx.msk [tilespmem:v26+s15+$0x0], $0xffff  }
0x5ce: {  	v17 =	vadd.f32 v23, v17;
	v18 =	vadd.s32 v6, v18  }
0x5cf: {  	v15 =	vld.idx.msk [tilespmem:v15+s15+$0x0], $0xffff  }
0x5d0: {  	v17 =	vadd.f32 v60, v17  }
0x5d1: {  	v16 =	vld.idx.msk [tilespmem:v16+s15+$0x0], $0xffff  }
0x5d2: {  	v17 =	vadd.f32 v62, v17  }
0x5d3: {  	v18 =	vld.idx.msk [tilespmem:v18+s15+$0x0], $0xffff  }
0x5d4: {  	v15 =	vadd.f32 v15, v17;
	_ =	sdelay $0x1  }
0x5d5: {  	v15 =	vadd.f32 v16, v15;
	_ =	sdelay $0x1  }
0x5d6: {  	v15 =	vadd.f32 v18, v15;
	_ =	sdelay $0x1  }
0x5d7: {  	(xrf2) =	vadd.scan.msk.f32 $0xffff, v15;
	_ =	sdelay $0x7  }
0x5d8: {  	v15 =	vld.idx.msk [tilespmem:v14+s1+$0x0], $0xffff  }
0x5d9: {  	s5 =	sadd.s32 $0x1, s5  }
0x5da: {  	p0 =	sne.s32 s5, $0x10;
	v63, _, _ =	vpop (xrf2)  }
.Ltmp25:
0x5db: {  	v16 =	vbroadcast v63, $0xF;
	(pc) =	sbr.rel @p0 .LBB2_50-.Ltmp25, $3  }
0x5dc: {  	_ = 	snop  }
0x5dd: {  	v15 =	vadd.f32 v15, v16;
	_ =	sdelay $0x1  }
0x5de: {  	[tilespmem:v14+s1+$0x0] =	vst.idx.msk $0x1, v15  }
0x5df: {  	_ =	swait.ge [sflag:s2], $0x8000  }
0x5e0: {  	[sflag:s2] =	ssyncset.done $0x0  }
0x5e1: {  	s5 =	simm.s32 $0x0;
	[sflag:s2] =	ssyncadd.s32 $0xFFFF8000  }
0x5e2: {  	[tilespmem:s31], [sflag:$0x1] =	stream.strided.gather [hbm4b:s16+s31], $0x8000, s30, s31, $0x38;
	[tilespmem:$0x14080] =	vst v63  }
.LBB2_54:
0x5e3: {  	v14 =	vmov s5;
	s6 =	simm.s32 $0xC0;
	s7 =	simm.s32 $0x80  }
0x5e4: {  	v15 =	vshll.u32 v14, $0xB;
	v16 =	vmov s6;
	v17 =	vmov s7  }
0x5e5: {  	v15 =	vand.u32 $0x4000, v15;
	v16 =	vshll.u32 v16, $0x3;
	v17 =	vshll.u32 v17, $0x3  }
0x5e6: {  	s8 =	simm.s32 $0x40;
	v18 =	vshll.u32 v14, $0x7;
	v16 =	vand.u32 $0x3C00, v16;
	v17 =	vor.u32 v15, v17  }
0x5e7: {  	v22 =	vmov s8;
	v19 =	vor.u32 v15, v16;
	v17 =	vbroadcast v17, $0x0  }
0x5e8: {  	v22 =	vshll.u32 v22, $0x3;
	v16 =	vand.u32 $0x380, v18;
	v18 =	vbroadcast v19, $0x0  }
0x5e9: {  	s7 =	simm.s32 $0x0;
	v22 =	vand.u32 $0x3800, v22;
	v17 =	vor.u32 v16, v17  }
0x5ea: {  	v19 =	vmov s7;
	v20 =	vor.u32 v16, v18;
	v18 =	vor.u32 v3, v17  }
0x5eb: {  	v22 =	vor.u32 v15, v22;
	v19 =	vshll.u32 v19, $0x3;
	v23 =	vor.u32 v2, v17  }
0x5ec: {  	v22 =	vbroadcast v22, $0x0;
	v19 =	vor.u32 v15, v19;
	v24 =	vor.u32 v1, v17  }
0x5ed: {  	v25 =	vor.u32 v0, v17;
	v19 =	vbroadcast v19, $0x0  }
0x5ee: {  	v22 =	vor.u32 v16, v22;
	v21 =	vor.u32 v7, v20  }
0x5ef: {  	v32 =	vor.u32 v13, v22;
	v19 =	vor.u32 v16, v19;
	v26 =	vld.idx.msk [tilespmem:v18+s25+$0x0], $0xffff  }
0x5f0: {  	v18 =	vor.u32 v3, v19;
	v23 =	vld.idx.msk [tilespmem:v23+s25+$0x0], $0xffff  }
0x5f1: {  	s9 =	simm.s32 $0x1C0;
	s10 =	simm.s32 $0x180;
	v28 =	vor.u32 v2, v19;
	v24 =	vld.idx.msk [tilespmem:v24+s25+$0x0], $0xffff  }
0x5f2: {  	v27 =	vmov s9;
	v29 =	vmov s10;
	v34 =	vor.u32 v4, v22;
	v25 =	vld.idx.msk [tilespmem:v25+s25+$0x0], $0xffff  }
0x5f3: {  	s11 =	simm.s32 $0x100;
	v29 =	vshll.u32 v29, $0x3;
	v30 =	vor.u32 v1, v19;
	v19 =	vor.u32 v0, v19;
	v21 =	vld.idx.msk [tilespmem:v21+s25+$0x0], $0xffff  }
0x5f4: {  	v31 =	vmov s11;
	v27 =	vshll.u32 v27, $0x3;
	v29 =	vor.u32 v15, v29;
	v32 =	vld.idx.msk [tilespmem:v32+s25+$0x0], $0xffff  }
0x5f5: {  	s8 =	simm.s32 $0x140;
	v31 =	vshll.u32 v31, $0x3;
	v27 =	vand.u32 $0x3C00, v27;
	v29 =	vbroadcast v29, $0x0;
	v33 =	vld.idx.msk [tilespmem:v18+s25+$0x0], $0xffff  }
0x5f6: {  	v35 =	vmov s8;
	v18 =	vor.u32 v15, v27;
	v27 =	vld.idx.msk [tilespmem:v28+s25+$0x0], $0xffff;
	v28 =	vor.u32 v7, v22  }
0x5f7: {  	v31 =	vor.u32 v15, v31;
	v29 =	vor.u32 v16, v29;
	v34 =	vld.idx.msk [tilespmem:v34+s25+$0x0], $0xffff;
	v22 =	vor.u32 v12, v22  }
0x5f8: {  	v31 =	vbroadcast v31, $0x0;
	v17 =	vimm.f32 $0.0e+00;
	v39 =	vor.u32 v3, v29;
	v36 =	vld.idx.msk [tilespmem:v19+s25+$0x0], $0xffff  }
0x5f9: {  	v41 =	vor.u32 v2, v29;
	v37 =	vor.u32 v4, v20;
	v38 =	vor.u32 v13, v20;
	v30 =	vld.idx.msk [tilespmem:v30+s25+$0x0], $0xffff  }
0x5fa: {  	v20 =	vor.u32 v12, v20;
	v19 =	vor.u32 v1, v29;
	v42 =	vshll.u32 v26, v8  }
0x5fb: {  	v23 =	vshll.u32 v23, v9;
	v24 =	vshll.u32 v24, v11;
	v18 =	vbroadcast v18, $0x0;
	v28 =	vld.idx.msk [tilespmem:v28+s25+$0x0], $0xffff  }
0x5fc: {  	v25 =	vshll.u32 v25, v10;
	v21 =	vshll.u32 v21, v11;
	v32 =	vshll.u32 v32, v8;
	v22 =	vld.idx.msk [tilespmem:v22+s25+$0x0], $0xffff  }
0x5fd: {  	s9 =	simm.s32 $0x200;
	v62 =	vshll.u32 v34, v10;
	v18 =	vor.u32 v16, v18;
	v60 =	vshll.u32 v36, v10  }
0x5fe: {  	v61 =	vld.idx.msk [tilespmem:v37+s25+$0x0], $0xffff;
	v30 =	vshll.u32 v30, v11;
	v26 =	vshll.u32 v33, v8;
	v33 =	vadd.s32 s9, v60  }
0x5ff: {  	s10 =	simm.s32 $0x210;
	v40 =	vor.u32 v7, v18;
	v27 =	vshll.u32 v27, v9;
	v30 =	vadd.s32 v30, v33  }
0x600: {  	v63 =	vld.idx.msk [tilespmem:v20+s25+$0x0], $0xffff;
	v20 =	vadd.s32 v27, v30;
	v27 =	vshll.u32 v28, v11;
	v28 =	vadd.s32 s10, v62  }
0x601: {  	s11 =	simm.s32 $0x220;
	v30 =	vld.idx.msk [tilespmem:v38+s25+$0x0], $0xffff;
	v20 =	vadd.s32 v26, v20;
	v22 =	vshll.u32 v22, v9;
	v26 =	vadd.s32 v27, v28  }
0x602: {  	v28 =	vadd.s32 v6, v20;
	v20 =	vadd.s32 v22, v26;
	v22 =	vadd.s32 s11, v25  }
0x603: {  	s6 =	simm.s32 $0x230;
	v20 =	vadd.s32 v32, v20;
	v22 =	vadd.s32 v24, v22;
	v24 =	vshll.u32 v61, v10  }
0x604: {  	v26 =	vadd.s32 v6, v20;
	v22 =	vadd.s32 v23, v22;
	v23 =	vadd.s32 s6, v24  }
0x605: {  	v20 =	vld.idx.msk [tilespmem:v39+s25+$0x0], $0xffff;
	v24 =	vshll.u32 v63, v9;
	v22 =	vadd.s32 v42, v22;
	v25 =	vadd.s32 v21, v23  }
0x606: {  	v21 =	vld.idx.msk [tilespmem:v40+s25+$0x0], $0xffff;
	v23 =	vadd.s32 v6, v22;
	v22 =	vshll.u32 v30, v8;
	v24 =	vadd.s32 v24, v25  }
0x607: {  	v27 =	vor.u32 v0, v29;
	v30 =	vshll.u32 v35, $0x3;
	v25 =	vld.idx.msk [tilespmem:v28+s15+$0x0], $0xffff;
	v24 =	vadd.s32 v22, v24  }
0x608: {  	s8 =	simm.s32 $0x2C0;
	s7 =	simm.s32 $0x4;
	v28 =	vor.u32 v16, v31;
	v29 =	vand.u32 $0x3800, v30;
	v22 =	vld.idx.msk [tilespmem:v41+s25+$0x0], $0xffff;
	v24 =	vadd.s32 v6, v24  }
.LBB2_55:
0x609: {  	v30 =	vmov s8;
	v31 =	vor.u32 v3, v28;
	v29 =	vor.u32 v15, v29;
	v26 =	vld.idx.msk [tilespmem:v26+s15+$0x0], $0xffff  }
0x60a: {  	s9 =	sadd.s32 $0xFFFFFF80, s8;
	s10 =	sadd.s32 $0xFFFFFFC0, s8;
	v32 =	vor.u32 v2, v28;
	v30 =	vshll.u32 v30, $0x3;
	v29 =	vbroadcast v29, $0x0;
	v33 =	vld.idx.msk [tilespmem:v19+s25+$0x0], $0xffff  }
0x60b: {  	s11 =	sadd.s32 $0xFFFFFF40, s8;
	v35 =	vor.u32 v1, v28;
	v34 =	vmov s9;
	v19 =	vmov s10;
	v23 =	vld.idx.msk [tilespmem:v23+s15+$0x0], $0xffff  }
0x60c: {  	v28 =	vor.u32 v0, v28;
	v36 =	vmov s11;
	v29 =	vor.u32 v16, v29;
	v27 =	vld.idx.msk [tilespmem:v27+s25+$0x0], $0xffff  }
0x60d: {  	v30 =	vand.u32 $0x3C00, v30;
	v17 =	vadd.f32 v25, v17;
	v37 =	vor.u32 v13, v29;
	v24 =	vld.idx.msk [tilespmem:v24+s15+$0x0], $0xffff  }
0x60e: {  	v19 =	vshll.u32 v19, $0x3;
	v25 =	vshll.u32 v36, $0x3;
	v36 =	vor.u32 v4, v29;
	v31 =	vld.idx.msk [tilespmem:v31+s25+$0x0], $0xffff  }
0x60f: {  	v30 =	vor.u32 v15, v30;
	v38 =	vor.u32 v7, v29;
	v17 =	vadd.f32 v26, v17;
	v32 =	vld.idx.msk [tilespmem:v32+s25+$0x0], $0xffff  }
0x610: {  	v19 =	vor.u32 v15, v19;
	v29 =	vor.u32 v12, v29;
	v26 =	vbroadcast v30, $0x0;
	v30 =	vld.idx.msk [tilespmem:v35+s25+$0x0], $0xffff  }
0x611: {  	v25 =	vor.u32 v15, v25;
	v19 =	vbroadcast v19, $0x0;
	v17 =	vadd.f32 v23, v17;
	v28 =	vld.idx.msk [tilespmem:v28+s25+$0x0], $0xffff  }
0x612: {  	v35 =	vbroadcast v25, $0x0;
	v23 =	vor.u32 v16, v26;
	v26 =	vor.u32 v4, v18;
	v25 =	vld.idx.msk [tilespmem:v37+s25+$0x0], $0xffff  }
0x613: {  	v39 =	vor.u32 v13, v18;
	v37 =	vor.u32 v16, v19;
	v17 =	vadd.f32 v24, v17;
	v36 =	vld.idx.msk [tilespmem:v36+s25+$0x0], $0xffff  }
0x614: {  	v41 =	vor.u32 v12, v18;
	v40 =	vor.u32 v7, v23;
	v24 =	vor.u32 v3, v37;
	v38 =	vld.idx.msk [tilespmem:v38+s25+$0x0], $0xffff  }
0x615: {  	v43 =	vshll.u32 v20, v8;
	v19 =	vor.u32 v1, v37;
	v42 =	vor.u32 v2, v37;
	v29 =	vld.idx.msk [tilespmem:v29+s25+$0x0], $0xffff  }
0x616: {  	s6 =	sadd.s32 $0x40, s6;
	v21 =	vshll.u32 v21, v11;
	v20 =	vshll.u32 v22, v9;
	v22 =	vshll.u32 v33, v11;
	v18 =	vmovc v23  }
0x617: {  	s9 =	sadd.s32 $0xFFFFFFD0, s6;
	v27 =	vshll.u32 v27, v10;
	v23 =	vshll.u32 v31, v8;
	v28 =	vshll.u32 v28, v10;
	v26 =	vld.idx.msk [tilespmem:v26+s25+$0x0], $0xffff  }
0x618: {  	v31 =	vshll.u32 v32, v9;
	v30 =	vshll.u32 v30, v11;
	v28 =	vadd.s32 s9, v28  }
0x619: {  	v25 =	vshll.u32 v25, v8;
	s9 =	sadd.s32 $0xFFFFFFE0, s6;
	v28 =	vadd.s32 v30, v28;
	v30 =	vshll.u32 v36, v10;
	v32 =	vld.idx.msk [tilespmem:v41+s25+$0x0], $0xffff  }
0x61a: {  	v28 =	vadd.s32 v31, v28;
	v31 =	vshll.u32 v38, v11;
	v30 =	vadd.s32 s9, v30;
	v33 =	vld.idx.msk [tilespmem:v39+s25+$0x0], $0xffff  }
0x61b: {  	s9 =	sadd.s32 $0xFFFFFFF0, s6;
	v23 =	vadd.s32 v23, v28;
	v28 =	vshll.u32 v29, v9;
	v29 =	vadd.s32 v31, v30  }
0x61c: {  	s7 =	sadd.s32 $0x4, s7;
	v27 =	vadd.s32 s9, v27;
	v30 =	vadd.s32 v6, v23;
	v23 =	vadd.s32 v28, v29  }
0x61d: {  	p0 =	slt.u32 s7, $0x1C;
	v22 =	vadd.s32 v22, v27;
	v23 =	vadd.s32 v25, v23;
	v25 =	vshll.u32 v26, v10  }
.Ltmp26:
0x61e: {  	v22 =	vadd.s32 v20, v22;
	v26 =	vadd.s32 v6, v23;
	v23 =	vadd.s32 s6, v25;
	(pc) =	sbr.rel @p0 .LBB2_55-.Ltmp26, $4  }
0x61f: {  	v22 =	vadd.s32 v43, v22;
	v25 =	vadd.s32 v21, v23;
	v20 =	vld.idx.msk [tilespmem:v24+s25+$0x0], $0xffff;
	v24 =	vshll.u32 v32, v9  }
0x620: {  	v23 =	vadd.s32 v6, v22;
	v22 =	vshll.u32 v33, v8;
	v21 =	vld.idx.msk [tilespmem:v40+s25+$0x0], $0xffff;
	v24 =	vadd.s32 v24, v25  }
0x621: {  	v29 =	vshll.u32 v34, $0x3;
	v27 =	vor.u32 v0, v37;
	v25 =	vld.idx.msk [tilespmem:v30+s15+$0x0], $0xffff;
	v24 =	vadd.s32 v22, v24  }
0x622: {  	s8 =	sadd.s32 $0x100, s8;
	v28 =	vor.u32 v16, v35;
	v29 =	vand.u32 $0x3800, v29;
	v22 =	vld.idx.msk [tilespmem:v42+s25+$0x0], $0xffff;
	v24 =	vadd.s32 v6, v24  }
0x623: {  	_ =	sdelay $0x1  }
0x624: {  	v15 =	vor.u32 v15, v29;
	v46 =	vor.u32 v0, v28  }
0x625: {  	v30 =	vor.u32 v1, v28;
	v15 =	vbroadcast v15, $0x0  }
0x626: {  	v31 =	vor.u32 v3, v28;
	v26 =	vld.idx.msk [tilespmem:v26+s15+$0x0], $0xffff  }
0x627: {  	v47 =	vor.u32 v2, v28;
	v19 =	vld.idx.msk [tilespmem:v19+s25+$0x0], $0xffff;
	v15 =	vor.u32 v16, v15  }
0x628: {  	v48 =	vld.idx.msk [tilespmem:v27+s25+$0x0], $0xffff;
	v32 =	vor.u32 v4, v15  }
0x629: {  	v33 =	vor.u32 v7, v15;
	v29 =	vld.idx.msk [tilespmem:v46+s25+$0x0], $0xffff  }
0x62a: {  	v49 =	vor.u32 v13, v15;
	v15 =	vor.u32 v12, v15;
	v30 =	vld.idx.msk [tilespmem:v30+s25+$0x0], $0xffff  }
0x62b: {  	v31 =	vld.idx.msk [tilespmem:v31+s25+$0x0], $0xffff  }
0x62c: {  	v34 =	vor.u32 v4, v18;
	v28 =	vld.idx.msk [tilespmem:v47+s25+$0x0], $0xffff  }
0x62d: {  	v52 =	vor.u32 v12, v18;
	v17 =	vadd.f32 v25, v17;
	v50 =	vld.idx.msk [tilespmem:v32+s25+$0x0], $0xffff  }
0x62e: {  	s6 =	sadd.s32 $0x40, s6;
	v54 =	vor.u32 v13, v18;
	v20 =	vshll.u32 v20, v8;
	v21 =	vshll.u32 v21, v11;
	v51 =	vld.idx.msk [tilespmem:v33+s25+$0x0], $0xffff  }
0x62f: {  	s11 =	sadd.s32 $0xFFFFFFF0, s6;
	v22 =	vshll.u32 v22, v9;
	v17 =	vadd.f32 v26, v17;
	v16 =	vshll.u32 v48, v10;
	v15 =	vld.idx.msk [tilespmem:v15+s25+$0x0], $0xffff  }
0x630: {  	s7 =	sadd.s32 $0xFFFFFFD0, s6;
	v19 =	vshll.u32 v19, v11;
	v16 =	vadd.s32 s11, v16;
	v27 =	vld.idx.msk [tilespmem:v49+s25+$0x0], $0xffff;
	v29 =	vshll.u32 v29, v10  }
0x631: {  	v56 =	vld.idx.msk [tilespmem:v34+s25+$0x0], $0xffff;
	v30 =	vshll.u32 v30, v11;
	v55 =	vshll.u32 v31, v8;
	v29 =	vadd.s32 s7, v29  }
0x632: {  	s10 =	sadd.s32 $0xFFFFFFE0, s6;
	v28 =	vshll.u32 v28, v9;
	v53 =	vadd.s32 v30, v29;
	v25 =	vshll.u32 v50, v10  }
0x633: {  	v57 =	vld.idx.msk [tilespmem:v52+s25+$0x0], $0xffff;
	v26 =	vadd.s32 v28, v53;
	v58 =	vshll.u32 v51, v11;
	v25 =	vadd.s32 s10, v25  }
0x634: {  	v18 =	vld.idx.msk [tilespmem:v54+s25+$0x0], $0xffff;
	v26 =	vadd.s32 v55, v26;
	v15 =	vshll.u32 v15, v9;
	v25 =	vadd.s32 v58, v25  }
0x635: {  	v27 =	vshll.u32 v27, v8;
	v26 =	vadd.s32 v6, v26;
	v15 =	vadd.s32 v15, v25  }
0x636: {  	v23 =	vld.idx.msk [tilespmem:v23+s15+$0x0], $0xffff;
	v16 =	vadd.s32 v19, v16;
	v59 =	vshll.u32 v56, v10;
	v15 =	vadd.s32 v27, v15  }
0x637: {  	v16 =	vadd.s32 v22, v16;
	v19 =	vadd.s32 s6, v59;
	v15 =	vadd.s32 v6, v15  }
0x638: {  	v60 =	vld.idx.msk [tilespmem:v24+s15+$0x0], $0xffff;
	v16 =	vadd.s32 v20, v16;
	v61 =	vshll.u32 v57, v9;
	v19 =	vadd.s32 v21, v19  }
0x639: {  	v16 =	vadd.s32 v6, v16;
	v18 =	vshll.u32 v18, v8;
	v19 =	vadd.s32 v61, v19  }
0x63a: {  	v18 =	vadd.s32 v18, v19;
	v62 =	vld.idx.msk [tilespmem:v26+s15+$0x0], $0xffff  }
0x63b: {  	v17 =	vadd.f32 v23, v17;
	v18 =	vadd.s32 v6, v18  }
0x63c: {  	v15 =	vld.idx.msk [tilespmem:v15+s15+$0x0], $0xffff  }
0x63d: {  	v17 =	vadd.f32 v60, v17  }
0x63e: {  	v16 =	vld.idx.msk [tilespmem:v16+s15+$0x0], $0xffff  }
0x63f: {  	v17 =	vadd.f32 v62, v17  }
0x640: {  	v18 =	vld.idx.msk [tilespmem:v18+s15+$0x0], $0xffff  }
0x641: {  	v15 =	vadd.f32 v15, v17;
	_ =	sdelay $0x1  }
0x642: {  	v15 =	vadd.f32 v16, v15;
	_ =	sdelay $0x1  }
0x643: {  	v15 =	vadd.f32 v18, v15;
	_ =	sdelay $0x1  }
0x644: {  	(xrf2) =	vadd.scan.msk.f32 $0xffff, v15;
	_ =	sdelay $0x7  }
0x645: {  	v15 =	vld.idx.msk [tilespmem:v14+s1+$0x0], $0xffff  }
0x646: {  	s5 =	sadd.s32 $0x1, s5  }
0x647: {  	p0 =	sne.s32 s5, $0x10;
	v63, _, _ =	vpop (xrf2)  }
.Ltmp27:
0x648: {  	v16 =	vbroadcast v63, $0xF;
	(pc) =	sbr.rel @p0 .LBB2_54-.Ltmp27, $3  }
0x649: {  	_ = 	snop  }
0x64a: {  	v15 =	vadd.f32 v15, v16;
	_ =	sdelay $0x1  }
0x64b: {  	[tilespmem:v14+s1+$0x0] =	vst.idx.msk $0x1, v15  }
0x64c: {  	s5 =	simm.s32 $0x0  }
0x64d: {  	[hbm4b:s26+s5] =	stream.linear.scatter [tilespmem:s1], [sflag:$0x4], $0x10, $0x38;
	[tilespmem:$0x14080] =	vst v63  }
0x64e: {  	_ =	swait.ge [sflag:s3], $0x10  }
0x64f: {  	[sflag:s3] =	ssyncset.done $0x0  }
0x650: {  	[sflag:s3] =	ssyncadd.s32 $0xFFFFFFF0  }
0x651: {  	_ =	swait.ge [sflag:s0], $0x8000  }
0x652: {  	[sflag:s0] =	ssyncset.done $0x0  }
0x653: {  	[sflag:s0] =	ssyncadd.s32 $0xFFFF8000  }
0x654: {  	[tilespmem:s25], [sflag:$0x2] =	stream.strided.gather [hbm4b:s17+s31], $0x8000, s30, s31, $0x38;
	[tilespmem:$0x14080] =	vst v63  }
0x655: {  	[tilespmem:$0x14000] =	vst v5  }
.LBB2_58:
0x656: {  	v14 =	vmov s5;
	s6 =	simm.s32 $0xC0;
	s7 =	simm.s32 $0x80  }
0x657: {  	v15 =	vshll.u32 v14, $0xB;
	v16 =	vmov s6;
	v17 =	vmov s7  }
0x658: {  	v15 =	vand.u32 $0x4000, v15;
	v16 =	vshll.u32 v16, $0x3;
	v17 =	vshll.u32 v17, $0x3  }
0x659: {  	s8 =	simm.s32 $0x40;
	v18 =	vshll.u32 v14, $0x7;
	v16 =	vand.u32 $0x3C00, v16;
	v17 =	vor.u32 v15, v17  }
0x65a: {  	v22 =	vmov s8;
	v19 =	vor.u32 v15, v16;
	v17 =	vbroadcast v17, $0x0  }
0x65b: {  	v22 =	vshll.u32 v22, $0x3;
	v16 =	vand.u32 $0x380, v18;
	v18 =	vbroadcast v19, $0x0  }
0x65c: {  	s7 =	simm.s32 $0x0;
	v22 =	vand.u32 $0x3800, v22;
	v17 =	vor.u32 v16, v17  }
0x65d: {  	v19 =	vmov s7;
	v20 =	vor.u32 v16, v18;
	v18 =	vor.u32 v3, v17  }
0x65e: {  	v22 =	vor.u32 v15, v22;
	v19 =	vshll.u32 v19, $0x3;
	v23 =	vor.u32 v2, v17  }
0x65f: {  	v22 =	vbroadcast v22, $0x0;
	v19 =	vor.u32 v15, v19;
	v24 =	vor.u32 v1, v17  }
0x660: {  	v25 =	vor.u32 v0, v17;
	v19 =	vbroadcast v19, $0x0  }
0x661: {  	v22 =	vor.u32 v16, v22;
	v21 =	vor.u32 v7, v20  }
0x662: {  	v32 =	vor.u32 v13, v22;
	v19 =	vor.u32 v16, v19;
	v26 =	vld.idx.msk [tilespmem:v18+s31+$0x0], $0xffff  }
0x663: {  	v18 =	vor.u32 v3, v19;
	v23 =	vld.idx.msk [tilespmem:v23+s31+$0x0], $0xffff  }
0x664: {  	s9 =	simm.s32 $0x1C0;
	s10 =	simm.s32 $0x180;
	v28 =	vor.u32 v2, v19;
	v24 =	vld.idx.msk [tilespmem:v24+s31+$0x0], $0xffff  }
0x665: {  	v27 =	vmov s9;
	v29 =	vmov s10;
	v34 =	vor.u32 v4, v22;
	v25 =	vld.idx.msk [tilespmem:v25+s31+$0x0], $0xffff  }
0x666: {  	s11 =	simm.s32 $0x100;
	v29 =	vshll.u32 v29, $0x3;
	v30 =	vor.u32 v1, v19;
	v19 =	vor.u32 v0, v19;
	v21 =	vld.idx.msk [tilespmem:v21+s31+$0x0], $0xffff  }
0x667: {  	v31 =	vmov s11;
	v27 =	vshll.u32 v27, $0x3;
	v29 =	vor.u32 v15, v29;
	v32 =	vld.idx.msk [tilespmem:v32+s31+$0x0], $0xffff  }
0x668: {  	s8 =	simm.s32 $0x140;
	v31 =	vshll.u32 v31, $0x3;
	v27 =	vand.u32 $0x3C00, v27;
	v29 =	vbroadcast v29, $0x0;
	v33 =	vld.idx.msk [tilespmem:v18+s31+$0x0], $0xffff  }
0x669: {  	v35 =	vmov s8;
	v18 =	vor.u32 v15, v27;
	v27 =	vld.idx.msk [tilespmem:v28+s31+$0x0], $0xffff;
	v28 =	vor.u32 v7, v22  }
0x66a: {  	v31 =	vor.u32 v15, v31;
	v29 =	vor.u32 v16, v29;
	v34 =	vld.idx.msk [tilespmem:v34+s31+$0x0], $0xffff;
	v22 =	vor.u32 v12, v22  }
0x66b: {  	v31 =	vbroadcast v31, $0x0;
	v17 =	vimm.f32 $0.0e+00;
	v39 =	vor.u32 v3, v29;
	v36 =	vld.idx.msk [tilespmem:v19+s31+$0x0], $0xffff  }
0x66c: {  	v41 =	vor.u32 v2, v29;
	v37 =	vor.u32 v4, v20;
	v38 =	vor.u32 v13, v20;
	v30 =	vld.idx.msk [tilespmem:v30+s31+$0x0], $0xffff  }
0x66d: {  	v20 =	vor.u32 v12, v20;
	v19 =	vor.u32 v1, v29;
	v42 =	vshll.u32 v26, v8  }
0x66e: {  	v23 =	vshll.u32 v23, v9;
	v24 =	vshll.u32 v24, v11;
	v18 =	vbroadcast v18, $0x0;
	v28 =	vld.idx.msk [tilespmem:v28+s31+$0x0], $0xffff  }
0x66f: {  	v25 =	vshll.u32 v25, v10;
	v21 =	vshll.u32 v21, v11;
	v32 =	vshll.u32 v32, v8;
	v22 =	vld.idx.msk [tilespmem:v22+s31+$0x0], $0xffff  }
0x670: {  	s9 =	simm.s32 $0x0;
	v62 =	vshll.u32 v34, v10;
	v18 =	vor.u32 v16, v18;
	v60 =	vshll.u32 v36, v10  }
0x671: {  	v61 =	vld.idx.msk [tilespmem:v37+s31+$0x0], $0xffff;
	v30 =	vshll.u32 v30, v11;
	v26 =	vshll.u32 v33, v8;
	v33 =	vadd.s32 s9, v60  }
0x672: {  	s10 =	simm.s32 $0x10;
	v40 =	vor.u32 v7, v18;
	v27 =	vshll.u32 v27, v9;
	v30 =	vadd.s32 v30, v33  }
0x673: {  	v63 =	vld.idx.msk [tilespmem:v20+s31+$0x0], $0xffff;
	v20 =	vadd.s32 v27, v30;
	v27 =	vshll.u32 v28, v11;
	v28 =	vadd.s32 s10, v62  }
0x674: {  	s11 =	simm.s32 $0x20;
	v30 =	vld.idx.msk [tilespmem:v38+s31+$0x0], $0xffff;
	v20 =	vadd.s32 v26, v20;
	v22 =	vshll.u32 v22, v9;
	v26 =	vadd.s32 v27, v28  }
0x675: {  	v28 =	vadd.s32 v6, v20;
	v20 =	vadd.s32 v22, v26;
	v22 =	vadd.s32 s11, v25  }
0x676: {  	s6 =	simm.s32 $0x30;
	v20 =	vadd.s32 v32, v20;
	v22 =	vadd.s32 v24, v22;
	v24 =	vshll.u32 v61, v10  }
0x677: {  	v26 =	vadd.s32 v6, v20;
	v22 =	vadd.s32 v23, v22;
	v23 =	vadd.s32 s6, v24  }
0x678: {  	v20 =	vld.idx.msk [tilespmem:v39+s31+$0x0], $0xffff;
	v24 =	vshll.u32 v63, v9;
	v22 =	vadd.s32 v42, v22;
	v25 =	vadd.s32 v21, v23  }
0x679: {  	v21 =	vld.idx.msk [tilespmem:v40+s31+$0x0], $0xffff;
	v23 =	vadd.s32 v6, v22;
	v22 =	vshll.u32 v30, v8;
	v24 =	vadd.s32 v24, v25  }
0x67a: {  	v27 =	vor.u32 v0, v29;
	v30 =	vshll.u32 v35, $0x3;
	v25 =	vld.idx.msk [tilespmem:v28+s15+$0x0], $0xffff;
	v24 =	vadd.s32 v22, v24  }
0x67b: {  	s8 =	simm.s32 $0x2C0;
	s7 =	simm.s32 $0x4;
	v28 =	vor.u32 v16, v31;
	v29 =	vand.u32 $0x3800, v30;
	v22 =	vld.idx.msk [tilespmem:v41+s31+$0x0], $0xffff;
	v24 =	vadd.s32 v6, v24  }
.LBB2_59:
0x67c: {  	v30 =	vmov s8;
	v31 =	vor.u32 v3, v28;
	v29 =	vor.u32 v15, v29;
	v26 =	vld.idx.msk [tilespmem:v26+s15+$0x0], $0xffff  }
0x67d: {  	s9 =	sadd.s32 $0xFFFFFF80, s8;
	s10 =	sadd.s32 $0xFFFFFFC0, s8;
	v32 =	vor.u32 v2, v28;
	v30 =	vshll.u32 v30, $0x3;
	v29 =	vbroadcast v29, $0x0;
	v33 =	vld.idx.msk [tilespmem:v19+s31+$0x0], $0xffff  }
0x67e: {  	s11 =	sadd.s32 $0xFFFFFF40, s8;
	v35 =	vor.u32 v1, v28;
	v34 =	vmov s9;
	v19 =	vmov s10;
	v23 =	vld.idx.msk [tilespmem:v23+s15+$0x0], $0xffff  }
0x67f: {  	v28 =	vor.u32 v0, v28;
	v36 =	vmov s11;
	v29 =	vor.u32 v16, v29;
	v27 =	vld.idx.msk [tilespmem:v27+s31+$0x0], $0xffff  }
0x680: {  	v30 =	vand.u32 $0x3C00, v30;
	v17 =	vadd.f32 v25, v17;
	v37 =	vor.u32 v13, v29;
	v24 =	vld.idx.msk [tilespmem:v24+s15+$0x0], $0xffff  }
0x681: {  	v19 =	vshll.u32 v19, $0x3;
	v25 =	vshll.u32 v36, $0x3;
	v36 =	vor.u32 v4, v29;
	v31 =	vld.idx.msk [tilespmem:v31+s31+$0x0], $0xffff  }
0x682: {  	v30 =	vor.u32 v15, v30;
	v38 =	vor.u32 v7, v29;
	v17 =	vadd.f32 v26, v17;
	v32 =	vld.idx.msk [tilespmem:v32+s31+$0x0], $0xffff  }
0x683: {  	v19 =	vor.u32 v15, v19;
	v29 =	vor.u32 v12, v29;
	v26 =	vbroadcast v30, $0x0;
	v30 =	vld.idx.msk [tilespmem:v35+s31+$0x0], $0xffff  }
0x684: {  	v25 =	vor.u32 v15, v25;
	v19 =	vbroadcast v19, $0x0;
	v17 =	vadd.f32 v23, v17;
	v28 =	vld.idx.msk [tilespmem:v28+s31+$0x0], $0xffff  }
0x685: {  	v35 =	vbroadcast v25, $0x0;
	v23 =	vor.u32 v16, v26;
	v26 =	vor.u32 v4, v18;
	v25 =	vld.idx.msk [tilespmem:v37+s31+$0x0], $0xffff  }
0x686: {  	v39 =	vor.u32 v13, v18;
	v37 =	vor.u32 v16, v19;
	v17 =	vadd.f32 v24, v17;
	v36 =	vld.idx.msk [tilespmem:v36+s31+$0x0], $0xffff  }
0x687: {  	v41 =	vor.u32 v12, v18;
	v40 =	vor.u32 v7, v23;
	v24 =	vor.u32 v3, v37;
	v38 =	vld.idx.msk [tilespmem:v38+s31+$0x0], $0xffff  }
0x688: {  	v43 =	vshll.u32 v20, v8;
	v19 =	vor.u32 v1, v37;
	v42 =	vor.u32 v2, v37;
	v29 =	vld.idx.msk [tilespmem:v29+s31+$0x0], $0xffff  }
0x689: {  	s6 =	sadd.s32 $0x40, s6;
	v21 =	vshll.u32 v21, v11;
	v20 =	vshll.u32 v22, v9;
	v22 =	vshll.u32 v33, v11;
	v18 =	vmovc v23  }
0x68a: {  	s9 =	sadd.s32 $0xFFFFFFD0, s6;
	v27 =	vshll.u32 v27, v10;
	v23 =	vshll.u32 v31, v8;
	v28 =	vshll.u32 v28, v10;
	v26 =	vld.idx.msk [tilespmem:v26+s31+$0x0], $0xffff  }
0x68b: {  	v31 =	vshll.u32 v32, v9;
	v30 =	vshll.u32 v30, v11;
	v28 =	vadd.s32 s9, v28  }
0x68c: {  	v25 =	vshll.u32 v25, v8;
	s9 =	sadd.s32 $0xFFFFFFE0, s6;
	v28 =	vadd.s32 v30, v28;
	v30 =	vshll.u32 v36, v10;
	v32 =	vld.idx.msk [tilespmem:v41+s31+$0x0], $0xffff  }
0x68d: {  	v28 =	vadd.s32 v31, v28;
	v31 =	vshll.u32 v38, v11;
	v30 =	vadd.s32 s9, v30;
	v33 =	vld.idx.msk [tilespmem:v39+s31+$0x0], $0xffff  }
0x68e: {  	s9 =	sadd.s32 $0xFFFFFFF0, s6;
	v23 =	vadd.s32 v23, v28;
	v28 =	vshll.u32 v29, v9;
	v29 =	vadd.s32 v31, v30  }
0x68f: {  	s7 =	sadd.s32 $0x4, s7;
	v27 =	vadd.s32 s9, v27;
	v30 =	vadd.s32 v6, v23;
	v23 =	vadd.s32 v28, v29  }
0x690: {  	p0 =	slt.u32 s7, $0x1C;
	v22 =	vadd.s32 v22, v27;
	v23 =	vadd.s32 v25, v23;
	v25 =	vshll.u32 v26, v10  }
.Ltmp28:
0x691: {  	v22 =	vadd.s32 v20, v22;
	v26 =	vadd.s32 v6, v23;
	v23 =	vadd.s32 s6, v25;
	(pc) =	sbr.rel @p0 .LBB2_59-.Ltmp28, $4  }
0x692: {  	v22 =	vadd.s32 v43, v22;
	v25 =	vadd.s32 v21, v23;
	v20 =	vld.idx.msk [tilespmem:v24+s31+$0x0], $0xffff;
	v24 =	vshll.u32 v32, v9  }
0x693: {  	v23 =	vadd.s32 v6, v22;
	v22 =	vshll.u32 v33, v8;
	v21 =	vld.idx.msk [tilespmem:v40+s31+$0x0], $0xffff;
	v24 =	vadd.s32 v24, v25  }
0x694: {  	v29 =	vshll.u32 v34, $0x3;
	v27 =	vor.u32 v0, v37;
	v25 =	vld.idx.msk [tilespmem:v30+s15+$0x0], $0xffff;
	v24 =	vadd.s32 v22, v24  }
0x695: {  	s8 =	sadd.s32 $0x100, s8;
	v28 =	vor.u32 v16, v35;
	v29 =	vand.u32 $0x3800, v29;
	v22 =	vld.idx.msk [tilespmem:v42+s31+$0x0], $0xffff;
	v24 =	vadd.s32 v6, v24  }
0x696: {  	_ =	sdelay $0x1  }
0x697: {  	v15 =	vor.u32 v15, v29;
	v46 =	vor.u32 v0, v28  }
0x698: {  	v30 =	vor.u32 v1, v28;
	v15 =	vbroadcast v15, $0x0  }
0x699: {  	v31 =	vor.u32 v3, v28;
	v26 =	vld.idx.msk [tilespmem:v26+s15+$0x0], $0xffff  }
0x69a: {  	v47 =	vor.u32 v2, v28;
	v19 =	vld.idx.msk [tilespmem:v19+s31+$0x0], $0xffff;
	v15 =	vor.u32 v16, v15  }
0x69b: {  	v48 =	vld.idx.msk [tilespmem:v27+s31+$0x0], $0xffff;
	v32 =	vor.u32 v4, v15  }
0x69c: {  	v33 =	vor.u32 v7, v15;
	v29 =	vld.idx.msk [tilespmem:v46+s31+$0x0], $0xffff  }
0x69d: {  	v49 =	vor.u32 v13, v15;
	v15 =	vor.u32 v12, v15;
	v30 =	vld.idx.msk [tilespmem:v30+s31+$0x0], $0xffff  }
0x69e: {  	v31 =	vld.idx.msk [tilespmem:v31+s31+$0x0], $0xffff  }
0x69f: {  	v34 =	vor.u32 v4, v18;
	v28 =	vld.idx.msk [tilespmem:v47+s31+$0x0], $0xffff  }
0x6a0: {  	v52 =	vor.u32 v12, v18;
	v17 =	vadd.f32 v25, v17;
	v50 =	vld.idx.msk [tilespmem:v32+s31+$0x0], $0xffff  }
0x6a1: {  	s6 =	sadd.s32 $0x40, s6;
	v54 =	vor.u32 v13, v18;
	v20 =	vshll.u32 v20, v8;
	v21 =	vshll.u32 v21, v11;
	v51 =	vld.idx.msk [tilespmem:v33+s31+$0x0], $0xffff  }
0x6a2: {  	s11 =	sadd.s32 $0xFFFFFFF0, s6;
	v22 =	vshll.u32 v22, v9;
	v17 =	vadd.f32 v26, v17;
	v16 =	vshll.u32 v48, v10;
	v15 =	vld.idx.msk [tilespmem:v15+s31+$0x0], $0xffff  }
0x6a3: {  	s7 =	sadd.s32 $0xFFFFFFD0, s6;
	v19 =	vshll.u32 v19, v11;
	v16 =	vadd.s32 s11, v16;
	v27 =	vld.idx.msk [tilespmem:v49+s31+$0x0], $0xffff;
	v29 =	vshll.u32 v29, v10  }
0x6a4: {  	v56 =	vld.idx.msk [tilespmem:v34+s31+$0x0], $0xffff;
	v30 =	vshll.u32 v30, v11;
	v55 =	vshll.u32 v31, v8;
	v29 =	vadd.s32 s7, v29  }
0x6a5: {  	s10 =	sadd.s32 $0xFFFFFFE0, s6;
	v28 =	vshll.u32 v28, v9;
	v53 =	vadd.s32 v30, v29;
	v25 =	vshll.u32 v50, v10  }
0x6a6: {  	v57 =	vld.idx.msk [tilespmem:v52+s31+$0x0], $0xffff;
	v26 =	vadd.s32 v28, v53;
	v58 =	vshll.u32 v51, v11;
	v25 =	vadd.s32 s10, v25  }
0x6a7: {  	v18 =	vld.idx.msk [tilespmem:v54+s31+$0x0], $0xffff;
	v26 =	vadd.s32 v55, v26;
	v15 =	vshll.u32 v15, v9;
	v25 =	vadd.s32 v58, v25  }
0x6a8: {  	v27 =	vshll.u32 v27, v8;
	v26 =	vadd.s32 v6, v26;
	v15 =	vadd.s32 v15, v25  }
0x6a9: {  	v23 =	vld.idx.msk [tilespmem:v23+s15+$0x0], $0xffff;
	v16 =	vadd.s32 v19, v16;
	v59 =	vshll.u32 v56, v10;
	v15 =	vadd.s32 v27, v15  }
0x6aa: {  	v16 =	vadd.s32 v22, v16;
	v19 =	vadd.s32 s6, v59;
	v15 =	vadd.s32 v6, v15  }
0x6ab: {  	v60 =	vld.idx.msk [tilespmem:v24+s15+$0x0], $0xffff;
	v16 =	vadd.s32 v20, v16;
	v61 =	vshll.u32 v57, v9;
	v19 =	vadd.s32 v21, v19  }
0x6ac: {  	v16 =	vadd.s32 v6, v16;
	v18 =	vshll.u32 v18, v8;
	v19 =	vadd.s32 v61, v19  }
0x6ad: {  	v18 =	vadd.s32 v18, v19;
	v62 =	vld.idx.msk [tilespmem:v26+s15+$0x0], $0xffff  }
0x6ae: {  	v17 =	vadd.f32 v23, v17;
	v18 =	vadd.s32 v6, v18  }
0x6af: {  	v15 =	vld.idx.msk [tilespmem:v15+s15+$0x0], $0xffff  }
0x6b0: {  	v17 =	vadd.f32 v60, v17  }
0x6b1: {  	v16 =	vld.idx.msk [tilespmem:v16+s15+$0x0], $0xffff  }
0x6b2: {  	v17 =	vadd.f32 v62, v17  }
0x6b3: {  	v18 =	vld.idx.msk [tilespmem:v18+s15+$0x0], $0xffff  }
0x6b4: {  	v15 =	vadd.f32 v15, v17;
	_ =	sdelay $0x1  }
0x6b5: {  	v15 =	vadd.f32 v16, v15;
	_ =	sdelay $0x1  }
0x6b6: {  	v15 =	vadd.f32 v18, v15;
	_ =	sdelay $0x1  }
0x6b7: {  	(xrf2) =	vadd.scan.msk.f32 $0xffff, v15;
	_ =	sdelay $0x7  }
0x6b8: {  	v15 =	vld.idx.msk [tilespmem:v14+s1+$0x0], $0xffff  }
0x6b9: {  	s5 =	sadd.s32 $0x1, s5  }
0x6ba: {  	p0 =	sne.s32 s5, $0x10;
	v63, _, _ =	vpop (xrf2)  }
.Ltmp29:
0x6bb: {  	v16 =	vbroadcast v63, $0xF;
	(pc) =	sbr.rel @p0 .LBB2_58-.Ltmp29, $3  }
0x6bc: {  	_ = 	snop  }
0x6bd: {  	v15 =	vadd.f32 v15, v16;
	_ =	sdelay $0x1  }
0x6be: {  	[tilespmem:v14+s1+$0x0] =	vst.idx.msk $0x1, v15  }
0x6bf: {  	_ =	swait.ge [sflag:s2], $0x8000  }
0x6c0: {  	[sflag:s2] =	ssyncset.done $0x0  }
0x6c1: {  	s5 =	simm.s32 $0x0;
	[sflag:s2] =	ssyncadd.s32 $0xFFFF8000  }
.LBB2_62:
0x6c2: {  	v14 =	vmov s5;
	s6 =	simm.s32 $0xC0;
	s7 =	simm.s32 $0x80  }
0x6c3: {  	v15 =	vshll.u32 v14, $0xB;
	v16 =	vmov s6;
	v17 =	vmov s7  }
0x6c4: {  	v15 =	vand.u32 $0x4000, v15;
	v16 =	vshll.u32 v16, $0x3;
	v17 =	vshll.u32 v17, $0x3  }
0x6c5: {  	s8 =	simm.s32 $0x40;
	v18 =	vshll.u32 v14, $0x7;
	v16 =	vand.u32 $0x3C00, v16;
	v17 =	vor.u32 v15, v17  }
0x6c6: {  	v22 =	vmov s8;
	v19 =	vor.u32 v15, v16;
	v17 =	vbroadcast v17, $0x0  }
0x6c7: {  	v22 =	vshll.u32 v22, $0x3;
	v16 =	vand.u32 $0x380, v18;
	v18 =	vbroadcast v19, $0x0  }
0x6c8: {  	s7 =	simm.s32 $0x0;
	v22 =	vand.u32 $0x3800, v22;
	v17 =	vor.u32 v16, v17  }
0x6c9: {  	v19 =	vmov s7;
	v20 =	vor.u32 v16, v18;
	v18 =	vor.u32 v3, v17  }
0x6ca: {  	v22 =	vor.u32 v15, v22;
	v19 =	vshll.u32 v19, $0x3;
	v23 =	vor.u32 v2, v17  }
0x6cb: {  	v22 =	vbroadcast v22, $0x0;
	v19 =	vor.u32 v15, v19;
	v24 =	vor.u32 v1, v17  }
0x6cc: {  	v25 =	vor.u32 v0, v17;
	v19 =	vbroadcast v19, $0x0  }
0x6cd: {  	v22 =	vor.u32 v16, v22;
	v21 =	vor.u32 v7, v20  }
0x6ce: {  	v32 =	vor.u32 v13, v22;
	v19 =	vor.u32 v16, v19;
	v26 =	vld.idx.msk [tilespmem:v18+s25+$0x0], $0xffff  }
0x6cf: {  	v18 =	vor.u32 v3, v19;
	v23 =	vld.idx.msk [tilespmem:v23+s25+$0x0], $0xffff  }
0x6d0: {  	s9 =	simm.s32 $0x1C0;
	s10 =	simm.s32 $0x180;
	v28 =	vor.u32 v2, v19;
	v24 =	vld.idx.msk [tilespmem:v24+s25+$0x0], $0xffff  }
0x6d1: {  	v27 =	vmov s9;
	v29 =	vmov s10;
	v34 =	vor.u32 v4, v22;
	v25 =	vld.idx.msk [tilespmem:v25+s25+$0x0], $0xffff  }
0x6d2: {  	s11 =	simm.s32 $0x100;
	v29 =	vshll.u32 v29, $0x3;
	v30 =	vor.u32 v1, v19;
	v19 =	vor.u32 v0, v19;
	v21 =	vld.idx.msk [tilespmem:v21+s25+$0x0], $0xffff  }
0x6d3: {  	v31 =	vmov s11;
	v27 =	vshll.u32 v27, $0x3;
	v29 =	vor.u32 v15, v29;
	v32 =	vld.idx.msk [tilespmem:v32+s25+$0x0], $0xffff  }
0x6d4: {  	s8 =	simm.s32 $0x140;
	v31 =	vshll.u32 v31, $0x3;
	v27 =	vand.u32 $0x3C00, v27;
	v29 =	vbroadcast v29, $0x0;
	v33 =	vld.idx.msk [tilespmem:v18+s25+$0x0], $0xffff  }
0x6d5: {  	v35 =	vmov s8;
	v18 =	vor.u32 v15, v27;
	v27 =	vld.idx.msk [tilespmem:v28+s25+$0x0], $0xffff;
	v28 =	vor.u32 v7, v22  }
0x6d6: {  	v31 =	vor.u32 v15, v31;
	v29 =	vor.u32 v16, v29;
	v34 =	vld.idx.msk [tilespmem:v34+s25+$0x0], $0xffff;
	v22 =	vor.u32 v12, v22  }
0x6d7: {  	v31 =	vbroadcast v31, $0x0;
	v17 =	vimm.f32 $0.0e+00;
	v39 =	vor.u32 v3, v29;
	v36 =	vld.idx.msk [tilespmem:v19+s25+$0x0], $0xffff  }
0x6d8: {  	v41 =	vor.u32 v2, v29;
	v37 =	vor.u32 v4, v20;
	v38 =	vor.u32 v13, v20;
	v30 =	vld.idx.msk [tilespmem:v30+s25+$0x0], $0xffff  }
0x6d9: {  	v20 =	vor.u32 v12, v20;
	v19 =	vor.u32 v1, v29;
	v42 =	vshll.u32 v26, v8  }
0x6da: {  	v23 =	vshll.u32 v23, v9;
	v24 =	vshll.u32 v24, v11;
	v18 =	vbroadcast v18, $0x0;
	v28 =	vld.idx.msk [tilespmem:v28+s25+$0x0], $0xffff  }
0x6db: {  	v25 =	vshll.u32 v25, v10;
	v21 =	vshll.u32 v21, v11;
	v32 =	vshll.u32 v32, v8;
	v22 =	vld.idx.msk [tilespmem:v22+s25+$0x0], $0xffff  }
0x6dc: {  	s9 =	simm.s32 $0x200;
	v62 =	vshll.u32 v34, v10;
	v18 =	vor.u32 v16, v18;
	v60 =	vshll.u32 v36, v10  }
0x6dd: {  	v61 =	vld.idx.msk [tilespmem:v37+s25+$0x0], $0xffff;
	v30 =	vshll.u32 v30, v11;
	v26 =	vshll.u32 v33, v8;
	v33 =	vadd.s32 s9, v60  }
0x6de: {  	s10 =	simm.s32 $0x210;
	v40 =	vor.u32 v7, v18;
	v27 =	vshll.u32 v27, v9;
	v30 =	vadd.s32 v30, v33  }
0x6df: {  	v63 =	vld.idx.msk [tilespmem:v20+s25+$0x0], $0xffff;
	v20 =	vadd.s32 v27, v30;
	v27 =	vshll.u32 v28, v11;
	v28 =	vadd.s32 s10, v62  }
0x6e0: {  	s11 =	simm.s32 $0x220;
	v30 =	vld.idx.msk [tilespmem:v38+s25+$0x0], $0xffff;
	v20 =	vadd.s32 v26, v20;
	v22 =	vshll.u32 v22, v9;
	v26 =	vadd.s32 v27, v28  }
0x6e1: {  	v28 =	vadd.s32 v6, v20;
	v20 =	vadd.s32 v22, v26;
	v22 =	vadd.s32 s11, v25  }
0x6e2: {  	s6 =	simm.s32 $0x230;
	v20 =	vadd.s32 v32, v20;
	v22 =	vadd.s32 v24, v22;
	v24 =	vshll.u32 v61, v10  }
0x6e3: {  	v26 =	vadd.s32 v6, v20;
	v22 =	vadd.s32 v23, v22;
	v23 =	vadd.s32 s6, v24  }
0x6e4: {  	v20 =	vld.idx.msk [tilespmem:v39+s25+$0x0], $0xffff;
	v24 =	vshll.u32 v63, v9;
	v22 =	vadd.s32 v42, v22;
	v25 =	vadd.s32 v21, v23  }
0x6e5: {  	v21 =	vld.idx.msk [tilespmem:v40+s25+$0x0], $0xffff;
	v23 =	vadd.s32 v6, v22;
	v22 =	vshll.u32 v30, v8;
	v24 =	vadd.s32 v24, v25  }
0x6e6: {  	v27 =	vor.u32 v0, v29;
	v30 =	vshll.u32 v35, $0x3;
	v25 =	vld.idx.msk [tilespmem:v28+s15+$0x0], $0xffff;
	v24 =	vadd.s32 v22, v24  }
0x6e7: {  	s8 =	simm.s32 $0x2C0;
	s7 =	simm.s32 $0x4;
	v28 =	vor.u32 v16, v31;
	v29 =	vand.u32 $0x3800, v30;
	v22 =	vld.idx.msk [tilespmem:v41+s25+$0x0], $0xffff;
	v24 =	vadd.s32 v6, v24  }
.LBB2_63:
0x6e8: {  	v30 =	vmov s8;
	v31 =	vor.u32 v3, v28;
	v29 =	vor.u32 v15, v29;
	v26 =	vld.idx.msk [tilespmem:v26+s15+$0x0], $0xffff  }
0x6e9: {  	s9 =	sadd.s32 $0xFFFFFF80, s8;
	s10 =	sadd.s32 $0xFFFFFFC0, s8;
	v32 =	vor.u32 v2, v28;
	v30 =	vshll.u32 v30, $0x3;
	v29 =	vbroadcast v29, $0x0;
	v33 =	vld.idx.msk [tilespmem:v19+s25+$0x0], $0xffff  }
0x6ea: {  	s11 =	sadd.s32 $0xFFFFFF40, s8;
	v35 =	vor.u32 v1, v28;
	v34 =	vmov s9;
	v19 =	vmov s10;
	v23 =	vld.idx.msk [tilespmem:v23+s15+$0x0], $0xffff  }
0x6eb: {  	v28 =	vor.u32 v0, v28;
	v36 =	vmov s11;
	v29 =	vor.u32 v16, v29;
	v27 =	vld.idx.msk [tilespmem:v27+s25+$0x0], $0xffff  }
0x6ec: {  	v30 =	vand.u32 $0x3C00, v30;
	v17 =	vadd.f32 v25, v17;
	v37 =	vor.u32 v13, v29;
	v24 =	vld.idx.msk [tilespmem:v24+s15+$0x0], $0xffff  }
0x6ed: {  	v19 =	vshll.u32 v19, $0x3;
	v25 =	vshll.u32 v36, $0x3;
	v36 =	vor.u32 v4, v29;
	v31 =	vld.idx.msk [tilespmem:v31+s25+$0x0], $0xffff  }
0x6ee: {  	v30 =	vor.u32 v15, v30;
	v38 =	vor.u32 v7, v29;
	v17 =	vadd.f32 v26, v17;
	v32 =	vld.idx.msk [tilespmem:v32+s25+$0x0], $0xffff  }
0x6ef: {  	v19 =	vor.u32 v15, v19;
	v29 =	vor.u32 v12, v29;
	v26 =	vbroadcast v30, $0x0;
	v30 =	vld.idx.msk [tilespmem:v35+s25+$0x0], $0xffff  }
0x6f0: {  	v25 =	vor.u32 v15, v25;
	v19 =	vbroadcast v19, $0x0;
	v17 =	vadd.f32 v23, v17;
	v28 =	vld.idx.msk [tilespmem:v28+s25+$0x0], $0xffff  }
0x6f1: {  	v35 =	vbroadcast v25, $0x0;
	v23 =	vor.u32 v16, v26;
	v26 =	vor.u32 v4, v18;
	v25 =	vld.idx.msk [tilespmem:v37+s25+$0x0], $0xffff  }
0x6f2: {  	v39 =	vor.u32 v13, v18;
	v37 =	vor.u32 v16, v19;
	v17 =	vadd.f32 v24, v17;
	v36 =	vld.idx.msk [tilespmem:v36+s25+$0x0], $0xffff  }
0x6f3: {  	v41 =	vor.u32 v12, v18;
	v40 =	vor.u32 v7, v23;
	v24 =	vor.u32 v3, v37;
	v38 =	vld.idx.msk [tilespmem:v38+s25+$0x0], $0xffff  }
0x6f4: {  	v43 =	vshll.u32 v20, v8;
	v19 =	vor.u32 v1, v37;
	v42 =	vor.u32 v2, v37;
	v29 =	vld.idx.msk [tilespmem:v29+s25+$0x0], $0xffff  }
0x6f5: {  	s6 =	sadd.s32 $0x40, s6;
	v21 =	vshll.u32 v21, v11;
	v20 =	vshll.u32 v22, v9;
	v22 =	vshll.u32 v33, v11;
	v18 =	vmovc v23  }
0x6f6: {  	s9 =	sadd.s32 $0xFFFFFFD0, s6;
	v27 =	vshll.u32 v27, v10;
	v23 =	vshll.u32 v31, v8;
	v28 =	vshll.u32 v28, v10;
	v26 =	vld.idx.msk [tilespmem:v26+s25+$0x0], $0xffff  }
0x6f7: {  	v31 =	vshll.u32 v32, v9;
	v30 =	vshll.u32 v30, v11;
	v28 =	vadd.s32 s9, v28  }
0x6f8: {  	v25 =	vshll.u32 v25, v8;
	s9 =	sadd.s32 $0xFFFFFFE0, s6;
	v28 =	vadd.s32 v30, v28;
	v30 =	vshll.u32 v36, v10;
	v32 =	vld.idx.msk [tilespmem:v41+s25+$0x0], $0xffff  }
0x6f9: {  	v28 =	vadd.s32 v31, v28;
	v31 =	vshll.u32 v38, v11;
	v30 =	vadd.s32 s9, v30;
	v33 =	vld.idx.msk [tilespmem:v39+s25+$0x0], $0xffff  }
0x6fa: {  	s9 =	sadd.s32 $0xFFFFFFF0, s6;
	v23 =	vadd.s32 v23, v28;
	v28 =	vshll.u32 v29, v9;
	v29 =	vadd.s32 v31, v30  }
0x6fb: {  	s7 =	sadd.s32 $0x4, s7;
	v27 =	vadd.s32 s9, v27;
	v30 =	vadd.s32 v6, v23;
	v23 =	vadd.s32 v28, v29  }
0x6fc: {  	p0 =	slt.u32 s7, $0x1C;
	v22 =	vadd.s32 v22, v27;
	v23 =	vadd.s32 v25, v23;
	v25 =	vshll.u32 v26, v10  }
.Ltmp30:
0x6fd: {  	v22 =	vadd.s32 v20, v22;
	v26 =	vadd.s32 v6, v23;
	v23 =	vadd.s32 s6, v25;
	(pc) =	sbr.rel @p0 .LBB2_63-.Ltmp30, $4  }
0x6fe: {  	v22 =	vadd.s32 v43, v22;
	v25 =	vadd.s32 v21, v23;
	v20 =	vld.idx.msk [tilespmem:v24+s25+$0x0], $0xffff;
	v24 =	vshll.u32 v32, v9  }
0x6ff: {  	v23 =	vadd.s32 v6, v22;
	v22 =	vshll.u32 v33, v8;
	v21 =	vld.idx.msk [tilespmem:v40+s25+$0x0], $0xffff;
	v24 =	vadd.s32 v24, v25  }
0x700: {  	v29 =	vshll.u32 v34, $0x3;
	v27 =	vor.u32 v0, v37;
	v25 =	vld.idx.msk [tilespmem:v30+s15+$0x0], $0xffff;
	v24 =	vadd.s32 v22, v24  }
0x701: {  	s8 =	sadd.s32 $0x100, s8;
	v28 =	vor.u32 v16, v35;
	v29 =	vand.u32 $0x3800, v29;
	v22 =	vld.idx.msk [tilespmem:v42+s25+$0x0], $0xffff;
	v24 =	vadd.s32 v6, v24  }
0x702: {  	_ =	sdelay $0x1  }
0x703: {  	v15 =	vor.u32 v15, v29;
	v46 =	vor.u32 v0, v28  }
0x704: {  	v30 =	vor.u32 v1, v28;
	v15 =	vbroadcast v15, $0x0  }
0x705: {  	v31 =	vor.u32 v3, v28;
	v26 =	vld.idx.msk [tilespmem:v26+s15+$0x0], $0xffff  }
0x706: {  	v47 =	vor.u32 v2, v28;
	v19 =	vld.idx.msk [tilespmem:v19+s25+$0x0], $0xffff;
	v15 =	vor.u32 v16, v15  }
0x707: {  	v48 =	vld.idx.msk [tilespmem:v27+s25+$0x0], $0xffff;
	v32 =	vor.u32 v4, v15  }
0x708: {  	v33 =	vor.u32 v7, v15;
	v29 =	vld.idx.msk [tilespmem:v46+s25+$0x0], $0xffff  }
0x709: {  	v49 =	vor.u32 v13, v15;
	v15 =	vor.u32 v12, v15;
	v30 =	vld.idx.msk [tilespmem:v30+s25+$0x0], $0xffff  }
0x70a: {  	v31 =	vld.idx.msk [tilespmem:v31+s25+$0x0], $0xffff  }
0x70b: {  	v34 =	vor.u32 v4, v18;
	v28 =	vld.idx.msk [tilespmem:v47+s25+$0x0], $0xffff  }
0x70c: {  	v52 =	vor.u32 v12, v18;
	v17 =	vadd.f32 v25, v17;
	v50 =	vld.idx.msk [tilespmem:v32+s25+$0x0], $0xffff  }
0x70d: {  	s6 =	sadd.s32 $0x40, s6;
	v54 =	vor.u32 v13, v18;
	v20 =	vshll.u32 v20, v8;
	v21 =	vshll.u32 v21, v11;
	v51 =	vld.idx.msk [tilespmem:v33+s25+$0x0], $0xffff  }
0x70e: {  	s11 =	sadd.s32 $0xFFFFFFF0, s6;
	v22 =	vshll.u32 v22, v9;
	v17 =	vadd.f32 v26, v17;
	v16 =	vshll.u32 v48, v10;
	v15 =	vld.idx.msk [tilespmem:v15+s25+$0x0], $0xffff  }
0x70f: {  	s7 =	sadd.s32 $0xFFFFFFD0, s6;
	v19 =	vshll.u32 v19, v11;
	v16 =	vadd.s32 s11, v16;
	v27 =	vld.idx.msk [tilespmem:v49+s25+$0x0], $0xffff;
	v29 =	vshll.u32 v29, v10  }
0x710: {  	v56 =	vld.idx.msk [tilespmem:v34+s25+$0x0], $0xffff;
	v30 =	vshll.u32 v30, v11;
	v55 =	vshll.u32 v31, v8;
	v29 =	vadd.s32 s7, v29  }
0x711: {  	s10 =	sadd.s32 $0xFFFFFFE0, s6;
	v28 =	vshll.u32 v28, v9;
	v53 =	vadd.s32 v30, v29;
	v25 =	vshll.u32 v50, v10  }
0x712: {  	v57 =	vld.idx.msk [tilespmem:v52+s25+$0x0], $0xffff;
	v26 =	vadd.s32 v28, v53;
	v58 =	vshll.u32 v51, v11;
	v25 =	vadd.s32 s10, v25  }
0x713: {  	v18 =	vld.idx.msk [tilespmem:v54+s25+$0x0], $0xffff;
	v26 =	vadd.s32 v55, v26;
	v15 =	vshll.u32 v15, v9;
	v25 =	vadd.s32 v58, v25  }
0x714: {  	v27 =	vshll.u32 v27, v8;
	v26 =	vadd.s32 v6, v26;
	v15 =	vadd.s32 v15, v25  }
0x715: {  	v23 =	vld.idx.msk [tilespmem:v23+s15+$0x0], $0xffff;
	v16 =	vadd.s32 v19, v16;
	v59 =	vshll.u32 v56, v10;
	v15 =	vadd.s32 v27, v15  }
0x716: {  	v16 =	vadd.s32 v22, v16;
	v19 =	vadd.s32 s6, v59;
	v15 =	vadd.s32 v6, v15  }
0x717: {  	v60 =	vld.idx.msk [tilespmem:v24+s15+$0x0], $0xffff;
	v16 =	vadd.s32 v20, v16;
	v61 =	vshll.u32 v57, v9;
	v19 =	vadd.s32 v21, v19  }
0x718: {  	v16 =	vadd.s32 v6, v16;
	v18 =	vshll.u32 v18, v8;
	v19 =	vadd.s32 v61, v19  }
0x719: {  	v18 =	vadd.s32 v18, v19;
	v62 =	vld.idx.msk [tilespmem:v26+s15+$0x0], $0xffff  }
0x71a: {  	v17 =	vadd.f32 v23, v17;
	v18 =	vadd.s32 v6, v18  }
0x71b: {  	v15 =	vld.idx.msk [tilespmem:v15+s15+$0x0], $0xffff  }
0x71c: {  	v17 =	vadd.f32 v60, v17  }
0x71d: {  	v16 =	vld.idx.msk [tilespmem:v16+s15+$0x0], $0xffff  }
0x71e: {  	v17 =	vadd.f32 v62, v17  }
0x71f: {  	v18 =	vld.idx.msk [tilespmem:v18+s15+$0x0], $0xffff  }
0x720: {  	v15 =	vadd.f32 v15, v17;
	_ =	sdelay $0x1  }
0x721: {  	v15 =	vadd.f32 v16, v15;
	_ =	sdelay $0x1  }
0x722: {  	v15 =	vadd.f32 v18, v15;
	_ =	sdelay $0x1  }
0x723: {  	(xrf2) =	vadd.scan.msk.f32 $0xffff, v15;
	_ =	sdelay $0x7  }
0x724: {  	v15 =	vld.idx.msk [tilespmem:v14+s1+$0x0], $0xffff  }
0x725: {  	s5 =	sadd.s32 $0x1, s5  }
0x726: {  	p0 =	sne.s32 s5, $0x10;
	v63, _, _ =	vpop (xrf2)  }
.Ltmp31:
0x727: {  	v16 =	vbroadcast v63, $0xF;
	(pc) =	sbr.rel @p0 .LBB2_62-.Ltmp31, $3  }
0x728: {  	_ = 	snop  }
0x729: {  	v15 =	vadd.f32 v15, v16;
	_ =	sdelay $0x1  }
0x72a: {  	[tilespmem:v14+s1+$0x0] =	vst.idx.msk $0x1, v15  }
0x72b: {  	s4 =	sadd.s32 $0x1, s4  }
0x72c: {  	p0 =	sne.s32 s4, s29  }
.Ltmp32:
0x72d: {  	_ = 	snop;
	(pc) =	sbr.rel @p0 .LBB2_1-.Ltmp32, $4  }
0x72e: {  	[hbm4b:s28+s15] =	stream.linear.scatter [tilespmem:s1], [sflag:$0x4], $0x10, $0x38;
	[tilespmem:$0x14080] =	vst v63  }
0x72f: {  	_ =	swait.ge [sflag:s3], $0x10  }
0x730: {  	[sflag:s3] =	ssyncset.done $0x0  }
0x731: {  	[sflag:s3] =	ssyncadd.s32 $0xFFFFFFF0  }
0x732: {  	_ =	sfence.sel $0x180000  }
0x733: {  	[bflag:$0x0] =	sbarrier.arrive $0xFFFF  }
0x734: {  	_ =	strace $0x90000047  }
0x735: {  	s0 =	stileid.u32;
	[bflag:$0x2] =	sbarrier.arrive $0xFFFF  }
0x736: {  	p0 =	sne.s32 s0, $0x0;
	s0 =	rddreg [dreg:$0x3]  }
0x737: {  	s0 =	sadd.s32 @!p0 $0x100000, s0  }
0x738: {  	[sflag:s0] =	ssyncadd.tile.s32 @!p0 $0x1;
	_ =	shalt  }
.Lfunc_end2:
_tile_overlayer_lowered:
.L_overlay_start_2:
0x739: {  	(tag) =	ssettag $0x2  }
0x73a: {  	s0 =	rddreg [dreg:$0x0];
	s2 =	stileid.u32  }
0x73b: {  	s1 =	rddreg [dreg:$0x1];
	p0 =	sne.s32 s2, $0x0  }
0x73c: {  	s3 =	rddreg [dreg:$0x2];
	[bflag:$0x3] =	sbarrier.arrive $0xFFFF;
	s2 =	simm.s32 @!p0 $0x1C04  }
0x73d: {  	[timem:s3], [sflag:s2] =	dma.local @!p0 [hbm:s0], s1  }
0x73e: {  	s0 =	simm.s32 @!p0 $0x4  }
0x73f: {  	_ =	swait.ge @!p0 [sflag:s0], s1  }
0x740: {  	s1 =	ssub.s32 @!p0 $0x0, s1;
	[sflag:s0] =	ssyncset.done @!p0 $0x0  }
0x741: {  	[sflag:s0] =	ssyncadd.s32 @!p0 s1  }
0x742: {  	[bflag:$0x3] =	sbarrier.arrive $0xFFFF  }
0x743: {  	_ =	shalt  }

</sc_bundles>
